<compile_context>
chip_gen: v7x
topology: tpu7x:2x2x1
jax: 0.10.2.dev20260603
libtpu: 0.0.44.dev20260713+nightly
codegen_flags: <defaults>
</compile_context>

<pallas_src>
import functools

import numpy as np
import jax
import jax.numpy as jnp
from jax import lax
from jax.experimental import pallas as pl
from jax.experimental.pallas import tpu as pltpu
from jax.experimental.pallas import tpu_sc as plsc

_VOCAB = 100000
_D = 768
_S = 4096
_B = 4

_NC = 2
_NS = 16
_NW = _NC * _NS
_SPW = _S // _NW
_CS = 32
_NCH = _SPW // _CS
_DL = _D // 16


def _pos_encoding() -> np.ndarray:
    pos = np.arange(_S, dtype=np.float32)[:, None]
    i = np.arange(0, _D, 2, dtype=np.float32)
    div = np.exp(i * np.float32(-np.log(10000.0) / _D))
    ang = pos * div[None, :]
    pe = np.zeros((_S, _D), dtype=np.float32)
    pe[:, 0::2] = np.sin(ang)
    pe[:, 1::2] = np.cos(ang)
    return pe


_POS_NP = _pos_encoding()

_mesh = plsc.VectorSubcoreMesh(core_axis_name="c", subcore_axis_name="s")


@functools.partial(
    pl.kernel,
    mesh=_mesh,
    out_type=jax.ShapeDtypeStruct((_B, _S, _D), jnp.float32),
    scratch_types=[
        pltpu.VMEM((_B, _SPW), jnp.int32),
        pltpu.VMEM((_CS, _D), jnp.float32),
        pltpu.VMEM((_CS, _D), jnp.float32),
        pltpu.VMEM((_CS, _D), jnp.float32),
        pltpu.VMEM((_CS, _D), jnp.float32),
        pltpu.VMEM((_CS, _D), jnp.float32),
        pltpu.SemaphoreType.DMA,
        pltpu.SemaphoreType.DMA,
        pltpu.SemaphoreType.DMA,
        pltpu.SemaphoreType.DMA,
        pltpu.SemaphoreType.DMA,
        pltpu.SemaphoreType.DMA,
        pltpu.SemaphoreType.DMA,
        pltpu.SemaphoreType.DMA,
        pltpu.SemaphoreType.DMA,
        pltpu.SemaphoreType.DMA,
        pltpu.SemaphoreType.DMA,
        pltpu.SemaphoreType.DMA,
        pltpu.SemaphoreType.DMA,
        pltpu.SemaphoreType.DMA,
        pltpu.SemaphoreType.DMA,
        pltpu.SemaphoreType.DMA,
    ],
)
def _emb_kernel(x_hbm, table_hbm, pos_hbm, out_hbm,
                idx_all, pos_v, rows0, rows1, rows2, rows3,
                ga0, ga1, ga2, ga3, gb0, gb1, gb2, gb3,
                sa0, sa1, sa2, sa3, sb0, sb1, sb2, sb3):
    wid = lax.axis_index("s") * _NC + lax.axis_index("c")
    base = wid * _SPW
    pltpu.sync_copy(x_hbm.at[:, pl.ds(base, _SPW)], idx_all)
    rows = (rows0, rows1, rows2, rows3)
    gsem = ((ga0, ga1, ga2, ga3), (gb0, gb1, gb2, gb3))
    ssem = ((sa0, sa1, sa2, sa3), (sb0, sb1, sb2, sb3))
    NB = 4
    _H = _CS // 2
    NT = _NCH * _B

    def gather_start(t, h):
        ch, b = divmod(t, _B)
        return pltpu.async_copy(
            table_hbm.at[idx_all.at[b, pl.ds(ch * _CS + h * _H, _H)]],
            rows[t % NB].at[pl.ds(h * _H, _H)], gsem[h][t % NB])

    def store_start(t, h):
        ch, b = divmod(t, _B)
        return pltpu.async_copy(
            rows[t % NB].at[pl.ds(h * _H, _H)],
            out_hbm.at[b, pl.ds(base + ch * _CS + h * _H, _H)],
            ssem[h][t % NB])

    g_desc = [[None, None] for _ in range(NT + 2)]
    s_desc = [[None, None] for _ in range(NT)]
    for tt in (0, 1):
        g_desc[tt][0] = gather_start(tt, 0)
        g_desc[tt][1] = gather_start(tt, 1)
    for t in range(NT):
        ch, b = divmod(t, _B)
        if b == 0:
            pltpu.sync_copy(pos_hbm.at[pl.ds(base + ch * _CS, _CS)], pos_v)
        if t >= 2:
            s_desc[t - 2][0].wait()
            s_desc[t - 2][1].wait()
        if t + 2 < NT:
            g_desc[t + 2][0] = gather_start(t + 2, 0)
            g_desc[t + 2][1] = gather_start(t + 2, 1)
        buf = rows[t % NB]
        for h in (0, 1):
            g_desc[t][h].wait()
            hbase = h * _H

            @plsc.parallel_loop(0, _H, 1)
            def _add(r):
                @plsc.parallel_loop(0, _DL * 16, 16, unroll=8)
                def _addk(k):
                    sl = pl.ds(k, 16)
                    buf[hbase + r, sl] = buf[hbase + r, sl] + pos_v[hbase + r, sl]

            s_desc[t][h] = store_start(t, h)
    for t in (NT - 2, NT - 1):
        s_desc[t][0].wait()
        s_desc[t][1].wait()


def kernel(x, table):
    return _emb_kernel(x.astype(jnp.int32), table, jnp.asarray(_POS_NP))

# --- scband reference (transcript-rebuilt; emitter-appended) ---
"""Pipeline reference for scband-transformer-embedding-16509854286325 (READ-ONLY COPY).

The authoritative reference and input builder live on the scoring server;
editing this copy changes nothing except your own understanding.
"""

import jax, jax.numpy as jnp
import numpy as np

VOCAB = 100000
D_MODEL = 768
MAX_LEN = 4096


def _positional_encoding(seq_len, d_model):
    pos = jnp.arange(seq_len, dtype=jnp.float32)[:, None]
    i = jnp.arange(0, d_model, 2, dtype=jnp.float32)
    div = jnp.exp(i * (-jnp.log(10000.0) / d_model))
    ang = pos * div[None, :]
    pe = jnp.zeros((seq_len, d_model), dtype=jnp.float32)
    pe = pe.at[:, 0::2].set(jnp.sin(ang))
    pe = pe.at[:, 1::2].set(jnp.cos(ang))
    return pe


def setup_inputs(seed: int = 0) -> dict:
    key = jax.random.key(seed)
    k1, k2 = jax.random.split(key)
    x = jax.random.randint(k1, (4, 4096), 0, VOCAB, dtype=jnp.int64 if jax.config.jax_enable_x64 else jnp.int32)
    table = jax.random.normal(k2, (VOCAB, D_MODEL), dtype=jnp.float32) * 0.02
    return {"x": x, "table": table}


def reference(x, table):
    # token embedding: gather rows from table
    tok_emb = jnp.take(table, x, axis=0)              # [B, S, d_model]
    # sinusoidal positional encoding (fixed buffer, not learned)
    seq_len = x.shape[1]
    pos_emb = _positional_encoding(seq_len, D_MODEL)  # [S, d_model]
    # dropout is identity in eval mode
    return tok_emb + pos_emb[None, :, :]

if __name__ == "__main__":
    import jax
    _d = setup_inputs()
    print(jax.jit(kernel)(*tuple(_d.values())))

</pallas_src>

<mosaic_0001>
#map = affine_map<(d0, d1) -> (0, 0)>
#map1 = affine_map<(d0, d1) -> (0, 0, 0)>
module attributes {stable_mosaic.version = 14 : i64} {
  func.func @_emb_kernel(%arg0: i32, %arg1: i32, %arg2: memref<4x4096xi32, #tpu.memory_space<hbm>>, %arg3: memref<100000x768xf32, #tpu.memory_space<hbm>>, %arg4: memref<4096x768xf32, #tpu.memory_space<hbm>>, %arg5: memref<4x4096x768xf32, #tpu.memory_space<hbm>>, %arg6: memref<4x128xi32, #tpu.memory_space<vmem>>, %arg7: memref<32x768xf32, #tpu.memory_space<vmem>>, %arg8: memref<32x768xf32, #tpu.memory_space<vmem>>, %arg9: memref<32x768xf32, #tpu.memory_space<vmem>>, %arg10: memref<32x768xf32, #tpu.memory_space<vmem>>, %arg11: memref<32x768xf32, #tpu.memory_space<vmem>>, %arg12: memref<!tpu.dma_semaphore, #tpu.memory_space<semaphore_mem>>, %arg13: memref<!tpu.dma_semaphore, #tpu.memory_space<semaphore_mem>>, %arg14: memref<!tpu.dma_semaphore, #tpu.memory_space<semaphore_mem>>, %arg15: memref<!tpu.dma_semaphore, #tpu.memory_space<semaphore_mem>>, %arg16: memref<!tpu.dma_semaphore, #tpu.memory_space<semaphore_mem>>, %arg17: memref<!tpu.dma_semaphore, #tpu.memory_space<semaphore_mem>>, %arg18: memref<!tpu.dma_semaphore, #tpu.memory_space<semaphore_mem>>, %arg19: memref<!tpu.dma_semaphore, #tpu.memory_space<semaphore_mem>>, %arg20: memref<!tpu.dma_semaphore, #tpu.memory_space<semaphore_mem>>, %arg21: memref<!tpu.dma_semaphore, #tpu.memory_space<semaphore_mem>>, %arg22: memref<!tpu.dma_semaphore, #tpu.memory_space<semaphore_mem>>, %arg23: memref<!tpu.dma_semaphore, #tpu.memory_space<semaphore_mem>>, %arg24: memref<!tpu.dma_semaphore, #tpu.memory_space<semaphore_mem>>, %arg25: memref<!tpu.dma_semaphore, #tpu.memory_space<semaphore_mem>>, %arg26: memref<!tpu.dma_semaphore, #tpu.memory_space<semaphore_mem>>, %arg27: memref<!tpu.dma_semaphore, #tpu.memory_space<semaphore_mem>>) attributes {dimension_semantics = [#tpu.dimension_semantics<core_parallel>, #tpu.dimension_semantics<subcore_parallel>], iteration_bounds = array<i64: 2, 16>, scalar_prefetch = 0 : i64, scratch_operands = 22 : i64, tpu.core_type = #tpu.core_type<sc_vector_subcore>, window_params = [{transform_indices = #map}, {transform_indices = #map}, {transform_indices = #map}, {transform_indices = #map1}]} {
    %mul3A = arith.constant 2 : i32
    %mul3A_0 = arith.muli %arg1, %mul3A : i32
    %add3A = arith.addi %mul3A_0, %arg0 : i32
    %mul3A_1 = arith.constant 128 : i32
    %mul3A_2 = arith.muli %add3A, %mul3A_1 : i32
    "tpu.region"() ({
      %run_scoped3A = tpu.sem_alloc : memref<!tpu.dma_semaphore, #tpu.memory_space<semaphore_mem>>
      %dma_start3A_1704 = arith.constant 0 : i32
      %dma_start3A_1705 = tpu.memref_slice %arg2[%dma_start3A_1704, %mul3A_2] : memref<4x4096xi32, #tpu.memory_space<hbm>> -> memref<4x128xi32, #tpu.memory_space<hbm>>
      %dma_start3A_1706 = arith.constant 0 : i32
      %dma_start3A_1707 = tpu.memref_slice %arg2[%dma_start3A_1706, %mul3A_2] : memref<4x4096xi32, #tpu.memory_space<hbm>> -> memref<4x128xi32, #tpu.memory_space<hbm>>
      tpu.enqueue_dma source(%dma_start3A_1707 : memref<4x128xi32, #tpu.memory_space<hbm>>) target(%arg6 : memref<4x128xi32, #tpu.memory_space<vmem>>) target_semaphore(%run_scoped3A : memref<!tpu.dma_semaphore, #tpu.memory_space<semaphore_mem>>)
      %dma_wait3A_1708 = arith.constant 0 : i32
      %dma_wait3A_1709 = tpu.memref_slice %arg2[%dma_wait3A_1708, %mul3A_2] : memref<4x4096xi32, #tpu.memory_space<hbm>> -> memref<4x128xi32, #tpu.memory_space<hbm>>
      %dma_wait3A_1710 = arith.constant 0 : i32
      %dma_wait3A_1711 = tpu.memref_slice %arg2[%dma_wait3A_1710, %mul3A_2] : memref<4x4096xi32, #tpu.memory_space<hbm>> -> memref<4x128xi32, #tpu.memory_space<hbm>>
      tpu.wait_dma2 semaphore(%run_scoped3A : memref<!tpu.dma_semaphore, #tpu.memory_space<semaphore_mem>>) src(%dma_wait3A_1711 : memref<4x128xi32, #tpu.memory_space<hbm>>) dst(%arg6 : memref<4x128xi32, #tpu.memory_space<vmem>>)
      tpu.yield
    }) : () -> ()
    %dma_start3A = arith.constant 0 : i32
    %dma_start3A_3 = arith.constant 0 : i32
    %dma_start3A_4 = arith.constant 0 : i32
    %dma_start3A_5 = tpu.memref_slice %arg8[%dma_start3A_3, %dma_start3A_4] : memref<32x768xf32, #tpu.memory_space<vmem>> -> memref<16x768xf32, #tpu.memory_space<vmem>>
    %dma_start3A_6 = arith.constant 0 : i32
    %dma_start3A_7 = tpu.memref_slice %arg6[%dma_start3A, %dma_start3A_6] : memref<4x128xi32, #tpu.memory_space<vmem>> -> memref<1x16xi32, #tpu.memory_space<vmem>>
    %dma_start3A_8 = tpu.memref_squeeze %dma_start3A_7 : memref<1x16xi32, #tpu.memory_space<vmem>> -> memref<16xi32, #tpu.memory_space<vmem>>
    %dma_start3A_9 = arith.constant 0 : i32
    %dma_start3A_10 = arith.constant 0 : i32
    %dma_start3A_11 = tpu.memref_slice %arg3[%dma_start3A_9, %dma_start3A_10] : memref<100000x768xf32, #tpu.memory_space<hbm>> -> memref<100000x768xf32, #tpu.memory_space<hbm>>
    tpu.enqueue_indirect_dma source(%dma_start3A_11 : memref<100000x768xf32, #tpu.memory_space<hbm>>) target(%dma_start3A_5 : memref<16x768xf32, #tpu.memory_space<vmem>>) offsets(%dma_start3A_8 : memref<16xi32, #tpu.memory_space<vmem>>) semaphore(%arg12 : memref<!tpu.dma_semaphore, #tpu.memory_space<semaphore_mem>>)
    %dma_start3A_12 = arith.constant 0 : i32
    %dma_start3A_13 = arith.constant 16 : i32
    %dma_start3A_14 = arith.constant 0 : i32
    %dma_start3A_15 = tpu.memref_slice %arg8[%dma_start3A_13, %dma_start3A_14] : memref<32x768xf32, #tpu.memory_space<vmem>> -> memref<16x768xf32, #tpu.memory_space<vmem>>
    %dma_start3A_16 = arith.constant 16 : i32
    %dma_start3A_17 = tpu.memref_slice %arg6[%dma_start3A_12, %dma_start3A_16] : memref<4x128xi32, #tpu.memory_space<vmem>> -> memref<1x16xi32, #tpu.memory_space<vmem>>
    %dma_start3A_18 = tpu.memref_squeeze %dma_start3A_17 : memref<1x16xi32, #tpu.memory_space<vmem>> -> memref<16xi32, #tpu.memory_space<vmem>>
    %dma_start3A_19 = arith.constant 0 : i32
    %dma_start3A_20 = arith.constant 0 : i32
    %dma_start3A_21 = tpu.memref_slice %arg3[%dma_start3A_19, %dma_start3A_20] : memref<100000x768xf32, #tpu.memory_space<hbm>> -> memref<100000x768xf32, #tpu.memory_space<hbm>>
    tpu.enqueue_indirect_dma source(%dma_start3A_21 : memref<100000x768xf32, #tpu.memory_space<hbm>>) target(%dma_start3A_15 : memref<16x768xf32, #tpu.memory_space<vmem>>) offsets(%dma_start3A_18 : memref<16xi32, #tpu.memory_space<vmem>>) semaphore(%arg16 : memref<!tpu.dma_semaphore, #tpu.memory_space<semaphore_mem>>)
    %dma_start3A_22 = arith.constant 1 : i32
    %dma_start3A_23 = arith.constant 0 : i32
    %dma_start3A_24 = arith.constant 0 : i32
    %dma_start3A_25 = tpu.memref_slice %arg9[%dma_start3A_23, %dma_start3A_24] : memref<32x768xf32, #tpu.memory_space<vmem>> -> memref<16x768xf32, #tpu.memory_space<vmem>>
    %dma_start3A_26 = arith.constant 0 : i32
    %dma_start3A_27 = tpu.memref_slice %arg6[%dma_start3A_22, %dma_start3A_26] : memref<4x128xi32, #tpu.memory_space<vmem>> -> memref<1x16xi32, #tpu.memory_space<vmem>>
    %dma_start3A_28 = tpu.memref_squeeze %dma_start3A_27 : memref<1x16xi32, #tpu.memory_space<vmem>> -> memref<16xi32, #tpu.memory_space<vmem>>
    %dma_start3A_29 = arith.constant 0 : i32
    %dma_start3A_30 = arith.constant 0 : i32
    %dma_start3A_31 = tpu.memref_slice %arg3[%dma_start3A_29, %dma_start3A_30] : memref<100000x768xf32, #tpu.memory_space<hbm>> -> memref<100000x768xf32, #tpu.memory_space<hbm>>
    tpu.enqueue_indirect_dma source(%dma_start3A_31 : memref<100000x768xf32, #tpu.memory_space<hbm>>) target(%dma_start3A_25 : memref<16x768xf32, #tpu.memory_space<vmem>>) offsets(%dma_start3A_28 : memref<16xi32, #tpu.memory_space<vmem>>) semaphore(%arg13 : memref<!tpu.dma_semaphore, #tpu.memory_space<semaphore_mem>>)
    %dma_start3A_32 = arith.constant 1 : i32
    %dma_start3A_33 = arith.constant 16 : i32
    %dma_start3A_34 = arith.constant 0 : i32
    %dma_start3A_35 = tpu.memref_slice %arg9[%dma_start3A_33, %dma_start3A_34] : memref<32x768xf32, #tpu.memory_space<vmem>> -> memref<16x768xf32, #tpu.memory_space<vmem>>
    %dma_start3A_36 = arith.constant 16 : i32
    %dma_start3A_37 = tpu.memref_slice %arg6[%dma_start3A_32, %dma_start3A_36] : memref<4x128xi32, #tpu.memory_space<vmem>> -> memref<1x16xi32, #tpu.memory_space<vmem>>
    %dma_start3A_38 = tpu.memref_squeeze %dma_start3A_37 : memref<1x16xi32, #tpu.memory_space<vmem>> -> memref<16xi32, #tpu.memory_space<vmem>>
    %dma_start3A_39 = arith.constant 0 : i32
    %dma_start3A_40 = arith.constant 0 : i32
    %dma_start3A_41 = tpu.memref_slice %arg3[%dma_start3A_39, %dma_start3A_40] : memref<100000x768xf32, #tpu.memory_space<hbm>> -> memref<100000x768xf32, #tpu.memory_space<hbm>>
    tpu.enqueue_indirect_dma source(%dma_start3A_41 : memref<100000x768xf32, #tpu.memory_space<hbm>>) target(%dma_start3A_35 : memref<16x768xf32, #tpu.memory_space<vmem>>) offsets(%dma_start3A_38 : memref<16xi32, #tpu.memory_space<vmem>>) semaphore(%arg17 : memref<!tpu.dma_semaphore, #tpu.memory_space<semaphore_mem>>)
    %add3A_42 = arith.constant 0 : i32
    %add3A_43 = arith.addi %mul3A_2, %add3A_42 : i32
    "tpu.region"() ({
      %run_scoped3A = tpu.sem_alloc : memref<!tpu.dma_semaphore, #tpu.memory_space<semaphore_mem>>
      %dma_start3A_1704 = arith.constant 0 : i32
      %dma_start3A_1705 = tpu.memref_slice %arg4[%add3A_43, %dma_start3A_1704] : memref<4096x768xf32, #tpu.memory_space<hbm>> -> memref<32x768xf32, #tpu.memory_space<hbm>>
      %dma_start3A_1706 = arith.constant 0 : i32
      %dma_start3A_1707 = tpu.memref_slice %arg4[%add3A_43, %dma_start3A_1706] : memref<4096x768xf32, #tpu.memory_space<hbm>> -> memref<32x768xf32, #tpu.memory_space<hbm>>
      tpu.enqueue_dma source(%dma_start3A_1707 : memref<32x768xf32, #tpu.memory_space<hbm>>) target(%arg7 : memref<32x768xf32, #tpu.memory_space<vmem>>) target_semaphore(%run_scoped3A : memref<!tpu.dma_semaphore, #tpu.memory_space<semaphore_mem>>)
      %dma_wait3A_1708 = arith.constant 0 : i32
      %dma_wait3A_1709 = tpu.memref_slice %arg4[%add3A_43, %dma_wait3A_1708] : memref<4096x768xf32, #tpu.memory_space<hbm>> -> memref<32x768xf32, #tpu.memory_space<hbm>>
      %dma_wait3A_1710 = arith.constant 0 : i32
      %dma_wait3A_1711 = tpu.memref_slice %arg4[%add3A_43, %dma_wait3A_1710] : memref<4096x768xf32, #tpu.memory_space<hbm>> -> memref<32x768xf32, #tpu.memory_space<hbm>>
      tpu.wait_dma2 semaphore(%run_scoped3A : memref<!tpu.dma_semaphore, #tpu.memory_space<semaphore_mem>>) src(%dma_wait3A_1711 : memref<32x768xf32, #tpu.memory_space<hbm>>) dst(%arg7 : memref<32x768xf32, #tpu.memory_space<vmem>>)
      tpu.yield
    }) : () -> ()
    %dma_start3A_44 = arith.constant 2 : i32
    %dma_start3A_45 = arith.constant 0 : i32
    %dma_start3A_46 = arith.constant 0 : i32
    %dma_start3A_47 = tpu.memref_slice %arg10[%dma_start3A_45, %dma_start3A_46] : memref<32x768xf32, #tpu.memory_space<vmem>> -> memref<16x768xf32, #tpu.memory_space<vmem>>
    %dma_start3A_48 = arith.constant 0 : i32
    %dma_start3A_49 = tpu.memref_slice %arg6[%dma_start3A_44, %dma_start3A_48] : memref<4x128xi32, #tpu.memory_space<vmem>> -> memref<1x16xi32, #tpu.memory_space<vmem>>
    %dma_start3A_50 = tpu.memref_squeeze %dma_start3A_49 : memref<1x16xi32, #tpu.memory_space<vmem>> -> memref<16xi32, #tpu.memory_space<vmem>>
    %dma_start3A_51 = arith.constant 0 : i32
    %dma_start3A_52 = arith.constant 0 : i32
    %dma_start3A_53 = tpu.memref_slice %arg3[%dma_start3A_51, %dma_start3A_52] : memref<100000x768xf32, #tpu.memory_space<hbm>> -> memref<100000x768xf32, #tpu.memory_space<hbm>>
    tpu.enqueue_indirect_dma source(%dma_start3A_53 : memref<100000x768xf32, #tpu.memory_space<hbm>>) target(%dma_start3A_47 : memref<16x768xf32, #tpu.memory_space<vmem>>) offsets(%dma_start3A_50 : memref<16xi32, #tpu.memory_space<vmem>>) semaphore(%arg14 : memref<!tpu.dma_semaphore, #tpu.memory_space<semaphore_mem>>)
    %dma_start3A_54 = arith.constant 2 : i32
    %dma_start3A_55 = arith.constant 16 : i32
    %dma_start3A_56 = arith.constant 0 : i32
    %dma_start3A_57 = tpu.memref_slice %arg10[%dma_start3A_55, %dma_start3A_56] : memref<32x768xf32, #tpu.memory_space<vmem>> -> memref<16x768xf32, #tpu.memory_space<vmem>>
    %dma_start3A_58 = arith.constant 16 : i32
    %dma_start3A_59 = tpu.memref_slice %arg6[%dma_start3A_54, %dma_start3A_58] : memref<4x128xi32, #tpu.memory_space<vmem>> -> memref<1x16xi32, #tpu.memory_space<vmem>>
    %dma_start3A_60 = tpu.memref_squeeze %dma_start3A_59 : memref<1x16xi32, #tpu.memory_space<vmem>> -> memref<16xi32, #tpu.memory_space<vmem>>
    %dma_start3A_61 = arith.constant 0 : i32
    %dma_start3A_62 = arith.constant 0 : i32
    %dma_start3A_63 = tpu.memref_slice %arg3[%dma_start3A_61, %dma_start3A_62] : memref<100000x768xf32, #tpu.memory_space<hbm>> -> memref<100000x768xf32, #tpu.memory_space<hbm>>
    tpu.enqueue_indirect_dma source(%dma_start3A_63 : memref<100000x768xf32, #tpu.memory_space<hbm>>) target(%dma_start3A_57 : memref<16x768xf32, #tpu.memory_space<vmem>>) offsets(%dma_start3A_60 : memref<16xi32, #tpu.memory_space<vmem>>) semaphore(%arg18 : memref<!tpu.dma_semaphore, #tpu.memory_space<semaphore_mem>>)
    %dma_wait3A = arith.constant 0 : i32
    %dma_wait3A_64 = arith.constant 0 : i32
    %dma_wait3A_65 = arith.constant 0 : i32
    %dma_wait3A_66 = tpu.memref_slice %arg8[%dma_wait3A_64, %dma_wait3A_65] : memref<32x768xf32, #tpu.memory_space<vmem>> -> memref<16x768xf32, #tpu.memory_space<vmem>>
    %dma_wait3A_67 = arith.constant 0 : i32
    %dma_wait3A_68 = tpu.memref_slice %arg6[%dma_wait3A, %dma_wait3A_67] : memref<4x128xi32, #tpu.memory_space<vmem>> -> memref<1x16xi32, #tpu.memory_space<vmem>>
    %dma_wait3A_69 = tpu.memref_squeeze %dma_wait3A_68 : memref<1x16xi32, #tpu.memory_space<vmem>> -> memref<16xi32, #tpu.memory_space<vmem>>
    %dma_wait3A_70 = arith.constant 0 : i32
    %dma_wait3A_71 = arith.constant 0 : i32
    %dma_wait3A_72 = tpu.memref_slice %arg3[%dma_wait3A_70, %dma_wait3A_71] : memref<100000x768xf32, #tpu.memory_space<hbm>> -> memref<100000x768xf32, #tpu.memory_space<hbm>>
    tpu.wait_indirect_dma semaphore(%arg12 : memref<!tpu.dma_semaphore, #tpu.memory_space<semaphore_mem>>) src(%dma_wait3A_72 : memref<100000x768xf32, #tpu.memory_space<hbm>>) dst(%dma_wait3A_66 : memref<16x768xf32, #tpu.memory_space<vmem>>)
    %parallel_loop3A = arith.constant 0 : i32
    %parallel_loop3A_73 = arith.constant 16 : i32
    %parallel_loop3A_74 = arith.constant 1 : i32
    scf.for %parallel_loop3A_1704 = %parallel_loop3A to %parallel_loop3A_73 step %parallel_loop3A_74  : i32 {
      %parallel_loop3A_1705 = arith.constant 0 : i32
      %parallel_loop3A_1706 = arith.constant 768 : i32
      %parallel_loop3A_1707 = arith.constant 16 : i32
      scf.for %parallel_loop3A_1708 = %parallel_loop3A_1705 to %parallel_loop3A_1706 step %parallel_loop3A_1707  : i32 {
        %parallel_loop3A_1709 = arith.constant 0 : i32
        %parallel_loop3A_1710 = arith.addi %parallel_loop3A_1709, %parallel_loop3A_1704 : i32
        %parallel_loop3A_1711 = arith.index_cast %parallel_loop3A_1710 : i32 to index
        %parallel_loop3A_1712 = arith.index_cast %parallel_loop3A_1708 : i32 to index
        %parallel_loop3A_1713 = tpu.vector_load %arg8[%parallel_loop3A_1711, %parallel_loop3A_1712] {strides = array<i32>} : memref<32x768xf32, #tpu.memory_space<vmem>>, vector<1x16xf32>,
        %parallel_loop3A_1714 = vector.shape_cast %parallel_loop3A_1713 : vector<1x16xf32> to vector<16xf32>
        %parallel_loop3A_1715 = arith.constant 0 : i32
        %parallel_loop3A_1716 = arith.addi %parallel_loop3A_1715, %parallel_loop3A_1704 : i32
        %parallel_loop3A_1717 = arith.index_cast %parallel_loop3A_1716 : i32 to index
        %parallel_loop3A_1718 = arith.index_cast %parallel_loop3A_1708 : i32 to index
        %parallel_loop3A_1719 = tpu.vector_load %arg7[%parallel_loop3A_1717, %parallel_loop3A_1718] {strides = array<i32>} : memref<32x768xf32, #tpu.memory_space<vmem>>, vector<1x16xf32>,
        %parallel_loop3A_1720 = vector.shape_cast %parallel_loop3A_1719 : vector<1x16xf32> to vector<16xf32>
        %parallel_loop3A_1721 = arith.addf %parallel_loop3A_1714, %parallel_loop3A_1720 : vector<16xf32>
        %parallel_loop3A_1722 = arith.constant 0 : i32
        %parallel_loop3A_1723 = arith.addi %parallel_loop3A_1722, %parallel_loop3A_1704 : i32
        %parallel_loop3A_1724 = arith.index_cast %parallel_loop3A_1723 : i32 to index
        %parallel_loop3A_1725 = arith.index_cast %parallel_loop3A_1708 : i32 to index
        %parallel_loop3A_1726 = tpu.vector_load %arg8[%parallel_loop3A_1724, %parallel_loop3A_1725] {strides = array<i32>} : memref<32x768xf32, #tpu.memory_space<vmem>>, vector<1x16xf32>,
        %parallel_loop3A_1727 = vector.shape_cast %parallel_loop3A_1726 : vector<1x16xf32> to vector<16xf32>
        %parallel_loop3A_1728 = vector.shape_cast %parallel_loop3A_1721 : vector<16xf32> to vector<1x16xf32>
        tpu.vector_store %arg8[%parallel_loop3A_1724, %parallel_loop3A_1725], %parallel_loop3A_1728 {strides = array<i32>} : memref<32x768xf32, #tpu.memory_space<vmem>>, vector<1x16xf32>,
      } {sc.loop_unroll_factor = 8 : i64, sc.parallel_access}
    } {sc.loop_unroll_factor = 1 : i64, sc.parallel_access}
    %add3A_75 = arith.constant 0 : i32
    %add3A_76 = arith.addi %mul3A_2, %add3A_75 : i32
    %add3A_77 = arith.constant 0 : i32
    %add3A_78 = arith.addi %add3A_76, %add3A_77 : i32
    %dma_start3A_79 = arith.constant 0 : i32
    %dma_start3A_80 = arith.constant 0 : i32
    %dma_start3A_81 = arith.constant 0 : i32
    %dma_start3A_82 = tpu.memref_slice %arg8[%dma_start3A_80, %dma_start3A_81] : memref<32x768xf32, #tpu.memory_space<vmem>> -> memref<16x768xf32, #tpu.memory_space<vmem>>
    %dma_start3A_83 = arith.constant 0 : i32
    %dma_start3A_84 = tpu.memref_slice %arg5[%dma_start3A_79, %add3A_78, %dma_start3A_83] : memref<4x4096x768xf32, #tpu.memory_space<hbm>> -> memref<1x16x768xf32, #tpu.memory_space<hbm>>
    %dma_start3A_85 = tpu.memref_squeeze %dma_start3A_84 : memref<1x16x768xf32, #tpu.memory_space<hbm>> -> memref<16x768xf32, #tpu.memory_space<hbm>>
    %dma_start3A_86 = arith.constant 0 : i32
    %dma_start3A_87 = tpu.memref_slice %arg5[%dma_start3A_79, %add3A_78, %dma_start3A_86] : memref<4x4096x768xf32, #tpu.memory_space<hbm>> -> memref<1x16x768xf32, #tpu.memory_space<hbm>>
    %dma_start3A_88 = tpu.memref_squeeze %dma_start3A_87 : memref<1x16x768xf32, #tpu.memory_space<hbm>> -> memref<16x768xf32, #tpu.memory_space<hbm>>
    %dma_start3A_89 = arith.constant 0 : i32
    %dma_start3A_90 = arith.constant 0 : i32
    %dma_start3A_91 = tpu.memref_slice %arg8[%dma_start3A_89, %dma_start3A_90] : memref<32x768xf32, #tpu.memory_space<vmem>> -> memref<16x768xf32, #tpu.memory_space<vmem>>
    tpu.enqueue_dma source(%dma_start3A_91 : memref<16x768xf32, #tpu.memory_space<vmem>>) target(%dma_start3A_88 : memref<16x768xf32, #tpu.memory_space<hbm>>) target_semaphore(%arg20 : memref<!tpu.dma_semaphore, #tpu.memory_space<semaphore_mem>>)
    %dma_wait3A_92 = arith.constant 0 : i32
    %dma_wait3A_93 = arith.constant 16 : i32
    %dma_wait3A_94 = arith.constant 0 : i32
    %dma_wait3A_95 = tpu.memref_slice %arg8[%dma_wait3A_93, %dma_wait3A_94] : memref<32x768xf32, #tpu.memory_space<vmem>> -> memref<16x768xf32, #tpu.memory_space<vmem>>
    %dma_wait3A_96 = arith.constant 16 : i32
    %dma_wait3A_97 = tpu.memref_slice %arg6[%dma_wait3A_92, %dma_wait3A_96] : memref<4x128xi32, #tpu.memory_space<vmem>> -> memref<1x16xi32, #tpu.memory_space<vmem>>
    %dma_wait3A_98 = tpu.memref_squeeze %dma_wait3A_97 : memref<1x16xi32, #tpu.memory_space<vmem>> -> memref<16xi32, #tpu.memory_space<vmem>>
    %dma_wait3A_99 = arith.constant 0 : i32
    %dma_wait3A_100 = arith.constant 0 : i32
    %dma_wait3A_101 = tpu.memref_slice %arg3[%dma_wait3A_99, %dma_wait3A_100] : memref<100000x768xf32, #tpu.memory_space<hbm>> -> memref<100000x768xf32, #tpu.memory_space<hbm>>
    tpu.wait_indirect_dma semaphore(%arg16 : memref<!tpu.dma_semaphore, #tpu.memory_space<semaphore_mem>>) src(%dma_wait3A_101 : memref<100000x768xf32, #tpu.memory_space<hbm>>) dst(%dma_wait3A_95 : memref<16x768xf32, #tpu.memory_space<vmem>>)
    %parallel_loop3A_102 = arith.constant 0 : i32
    %parallel_loop3A_103 = arith.constant 16 : i32
    %parallel_loop3A_104 = arith.constant 1 : i32
    scf.for %parallel_loop3A_1704 = %parallel_loop3A_102 to %parallel_loop3A_103 step %parallel_loop3A_104  : i32 {
      %parallel_loop3A_1705 = arith.constant 0 : i32
      %parallel_loop3A_1706 = arith.constant 768 : i32
      %parallel_loop3A_1707 = arith.constant 16 : i32
      scf.for %parallel_loop3A_1708 = %parallel_loop3A_1705 to %parallel_loop3A_1706 step %parallel_loop3A_1707  : i32 {
        %parallel_loop3A_1709 = arith.constant 16 : i32
        %parallel_loop3A_1710 = arith.addi %parallel_loop3A_1709, %parallel_loop3A_1704 : i32
        %parallel_loop3A_1711 = arith.index_cast %parallel_loop3A_1710 : i32 to index
        %parallel_loop3A_1712 = arith.index_cast %parallel_loop3A_1708 : i32 to index
        %parallel_loop3A_1713 = tpu.vector_load %arg8[%parallel_loop3A_1711, %parallel_loop3A_1712] {strides = array<i32>} : memref<32x768xf32, #tpu.memory_space<vmem>>, vector<1x16xf32>,
        %parallel_loop3A_1714 = vector.shape_cast %parallel_loop3A_1713 : vector<1x16xf32> to vector<16xf32>
        %parallel_loop3A_1715 = arith.constant 16 : i32
        %parallel_loop3A_1716 = arith.addi %parallel_loop3A_1715, %parallel_loop3A_1704 : i32
        %parallel_loop3A_1717 = arith.index_cast %parallel_loop3A_1716 : i32 to index
        %parallel_loop3A_1718 = arith.index_cast %parallel_loop3A_1708 : i32 to index
        %parallel_loop3A_1719 = tpu.vector_load %arg7[%parallel_loop3A_1717, %parallel_loop3A_1718] {strides = array<i32>} : memref<32x768xf32, #tpu.memory_space<vmem>>, vector<1x16xf32>,
        %parallel_loop3A_1720 = vector.shape_cast %parallel_loop3A_1719 : vector<1x16xf32> to vector<16xf32>
        %parallel_loop3A_1721 = arith.addf %parallel_loop3A_1714, %parallel_loop3A_1720 : vector<16xf32>
        %parallel_loop3A_1722 = arith.constant 16 : i32
        %parallel_loop3A_1723 = arith.addi %parallel_loop3A_1722, %parallel_loop3A_1704 : i32
        %parallel_loop3A_1724 = arith.index_cast %parallel_loop3A_1723 : i32 to index
        %parallel_loop3A_1725 = arith.index_cast %parallel_loop3A_1708 : i32 to index
        %parallel_loop3A_1726 = tpu.vector_load %arg8[%parallel_loop3A_1724, %parallel_loop3A_1725] {strides = array<i32>} : memref<32x768xf32, #tpu.memory_space<vmem>>, vector<1x16xf32>,
        %parallel_loop3A_1727 = vector.shape_cast %parallel_loop3A_1726 : vector<1x16xf32> to vector<16xf32>
        %parallel_loop3A_1728 = vector.shape_cast %parallel_loop3A_1721 : vector<16xf32> to vector<1x16xf32>
        tpu.vector_store %arg8[%parallel_loop3A_1724, %parallel_loop3A_1725], %parallel_loop3A_1728 {strides = array<i32>} : memref<32x768xf32, #tpu.memory_space<vmem>>, vector<1x16xf32>,
      } {sc.loop_unroll_factor = 8 : i64, sc.parallel_access}
    } {sc.loop_unroll_factor = 1 : i64, sc.parallel_access}
    %add3A_105 = arith.constant 0 : i32
    %add3A_106 = arith.addi %mul3A_2, %add3A_105 : i32
    %add3A_107 = arith.constant 16 : i32
    %add3A_108 = arith.addi %add3A_106, %add3A_107 : i32
    %dma_start3A_109 = arith.constant 0 : i32
    %dma_start3A_110 = arith.constant 16 : i32
    %dma_start3A_111 = arith.constant 0 : i32
    %dma_start3A_112 = tpu.memref_slice %arg8[%dma_start3A_110, %dma_start3A_111] : memref<32x768xf32, #tpu.memory_space<vmem>> -> memref<16x768xf32, #tpu.memory_space<vmem>>
    %dma_start3A_113 = arith.constant 0 : i32
    %dma_start3A_114 = tpu.memref_slice %arg5[%dma_start3A_109, %add3A_108, %dma_start3A_113] : memref<4x4096x768xf32, #tpu.memory_space<hbm>> -> memref<1x16x768xf32, #tpu.memory_space<hbm>>
    %dma_start3A_115 = tpu.memref_squeeze %dma_start3A_114 : memref<1x16x768xf32, #tpu.memory_space<hbm>> -> memref<16x768xf32, #tpu.memory_space<hbm>>
    %dma_start3A_116 = arith.constant 0 : i32
    %dma_start3A_117 = tpu.memref_slice %arg5[%dma_start3A_109, %add3A_108, %dma_start3A_116] : memref<4x4096x768xf32, #tpu.memory_space<hbm>> -> memref<1x16x768xf32, #tpu.memory_space<hbm>>
    %dma_start3A_118 = tpu.memref_squeeze %dma_start3A_117 : memref<1x16x768xf32, #tpu.memory_space<hbm>> -> memref<16x768xf32, #tpu.memory_space<hbm>>
    %dma_start3A_119 = arith.constant 16 : i32
    %dma_start3A_120 = arith.constant 0 : i32
    %dma_start3A_121 = tpu.memref_slice %arg8[%dma_start3A_119, %dma_start3A_120] : memref<32x768xf32, #tpu.memory_space<vmem>> -> memref<16x768xf32, #tpu.memory_space<vmem>>
    tpu.enqueue_dma source(%dma_start3A_121 : memref<16x768xf32, #tpu.memory_space<vmem>>) target(%dma_start3A_118 : memref<16x768xf32, #tpu.memory_space<hbm>>) target_semaphore(%arg24 : memref<!tpu.dma_semaphore, #tpu.memory_space<semaphore_mem>>)
    %dma_start3A_122 = arith.constant 3 : i32
    %dma_start3A_123 = arith.constant 0 : i32
    %dma_start3A_124 = arith.constant 0 : i32
    %dma_start3A_125 = tpu.memref_slice %arg11[%dma_start3A_123, %dma_start3A_124] : memref<32x768xf32, #tpu.memory_space<vmem>> -> memref<16x768xf32, #tpu.memory_space<vmem>>
    %dma_start3A_126 = arith.constant 0 : i32
    %dma_start3A_127 = tpu.memref_slice %arg6[%dma_start3A_122, %dma_start3A_126] : memref<4x128xi32, #tpu.memory_space<vmem>> -> memref<1x16xi32, #tpu.memory_space<vmem>>
    %dma_start3A_128 = tpu.memref_squeeze %dma_start3A_127 : memref<1x16xi32, #tpu.memory_space<vmem>> -> memref<16xi32, #tpu.memory_space<vmem>>
    %dma_start3A_129 = arith.constant 0 : i32
    %dma_start3A_130 = arith.constant 0 : i32
    %dma_start3A_131 = tpu.memref_slice %arg3[%dma_start3A_129, %dma_start3A_130] : memref<100000x768xf32, #tpu.memory_space<hbm>> -> memref<100000x768xf32, #tpu.memory_space<hbm>>
    tpu.enqueue_indirect_dma source(%dma_start3A_131 : memref<100000x768xf32, #tpu.memory_space<hbm>>) target(%dma_start3A_125 : memref<16x768xf32, #tpu.memory_space<vmem>>) offsets(%dma_start3A_128 : memref<16xi32, #tpu.memory_space<vmem>>) semaphore(%arg15 : memref<!tpu.dma_semaphore, #tpu.memory_space<semaphore_mem>>)
    %dma_start3A_132 = arith.constant 3 : i32
    %dma_start3A_133 = arith.constant 16 : i32
    %dma_start3A_134 = arith.constant 0 : i32
    %dma_start3A_135 = tpu.memref_slice %arg11[%dma_start3A_133, %dma_start3A_134] : memref<32x768xf32, #tpu.memory_space<vmem>> -> memref<16x768xf32, #tpu.memory_space<vmem>>
    %dma_start3A_136 = arith.constant 16 : i32
    %dma_start3A_137 = tpu.memref_slice %arg6[%dma_start3A_132, %dma_start3A_136] : memref<4x128xi32, #tpu.memory_space<vmem>> -> memref<1x16xi32, #tpu.memory_space<vmem>>
    %dma_start3A_138 = tpu.memref_squeeze %dma_start3A_137 : memref<1x16xi32, #tpu.memory_space<vmem>> -> memref<16xi32, #tpu.memory_space<vmem>>
    %dma_start3A_139 = arith.constant 0 : i32
    %dma_start3A_140 = arith.constant 0 : i32
    %dma_start3A_141 = tpu.memref_slice %arg3[%dma_start3A_139, %dma_start3A_140] : memref<100000x768xf32, #tpu.memory_space<hbm>> -> memref<100000x768xf32, #tpu.memory_space<hbm>>
    tpu.enqueue_indirect_dma source(%dma_start3A_141 : memref<100000x768xf32, #tpu.memory_space<hbm>>) target(%dma_start3A_135 : memref<16x768xf32, #tpu.memory_space<vmem>>) offsets(%dma_start3A_138 : memref<16xi32, #tpu.memory_space<vmem>>) semaphore(%arg19 : memref<!tpu.dma_semaphore, #tpu.memory_space<semaphore_mem>>)
    %dma_wait3A_142 = arith.constant 1 : i32
    %dma_wait3A_143 = arith.constant 0 : i32
    %dma_wait3A_144 = arith.constant 0 : i32
    %dma_wait3A_145 = tpu.memref_slice %arg9[%dma_wait3A_143, %dma_wait3A_144] : memref<32x768xf32, #tpu.memory_space<vmem>> -> memref<16x768xf32, #tpu.memory_space<vmem>>
    %dma_wait3A_146 = arith.constant 0 : i32
    %dma_wait3A_147 = tpu.memref_slice %arg6[%dma_wait3A_142, %dma_wait3A_146] : memref<4x128xi32, #tpu.memory_space<vmem>> -> memref<1x16xi32, #tpu.memory_space<vmem>>
    %dma_wait3A_148 = tpu.memref_squeeze %dma_wait3A_147 : memref<1x16xi32, #tpu.memory_space<vmem>> -> memref<16xi32, #tpu.memory_space<vmem>>
    %dma_wait3A_149 = arith.constant 0 : i32
    %dma_wait3A_150 = arith.constant 0 : i32
    %dma_wait3A_151 = tpu.memref_slice %arg3[%dma_wait3A_149, %dma_wait3A_150] : memref<100000x768xf32, #tpu.memory_space<hbm>> -> memref<100000x768xf32, #tpu.memory_space<hbm>>
    tpu.wait_indirect_dma semaphore(%arg13 : memref<!tpu.dma_semaphore, #tpu.memory_space<semaphore_mem>>) src(%dma_wait3A_151 : memref<100000x768xf32, #tpu.memory_space<hbm>>) dst(%dma_wait3A_145 : memref<16x768xf32, #tpu.memory_space<vmem>>)
    %parallel_loop3A_152 = arith.constant 0 : i32
    %parallel_loop3A_153 = arith.constant 16 : i32
    %parallel_loop3A_154 = arith.constant 1 : i32
    scf.for %parallel_loop3A_1704 = %parallel_loop3A_152 to %parallel_loop3A_153 step %parallel_loop3A_154  : i32 {
      %parallel_loop3A_1705 = arith.constant 0 : i32
      %parallel_loop3A_1706 = arith.constant 768 : i32
      %parallel_loop3A_1707 = arith.constant 16 : i32
      scf.for %parallel_loop3A_1708 = %parallel_loop3A_1705 to %parallel_loop3A_1706 step %parallel_loop3A_1707  : i32 {
        %parallel_loop3A_1709 = arith.constant 0 : i32
        %parallel_loop3A_1710 = arith.addi %parallel_loop3A_1709, %parallel_loop3A_1704 : i32
        %parallel_loop3A_1711 = arith.index_cast %parallel_loop3A_1710 : i32 to index
        %parallel_loop3A_1712 = arith.index_cast %parallel_loop3A_1708 : i32 to index
        %parallel_loop3A_1713 = tpu.vector_load %arg9[%parallel_loop3A_1711, %parallel_loop3A_1712] {strides = array<i32>} : memref<32x768xf32, #tpu.memory_space<vmem>>, vector<1x16xf32>,
        %parallel_loop3A_1714 = vector.shape_cast %parallel_loop3A_1713 : vector<1x16xf32> to vector<16xf32>
        %parallel_loop3A_1715 = arith.constant 0 : i32
        %parallel_loop3A_1716 = arith.addi %parallel_loop3A_1715, %parallel_loop3A_1704 : i32
        %parallel_loop3A_1717 = arith.index_cast %parallel_loop3A_1716 : i32 to index
        %parallel_loop3A_1718 = arith.index_cast %parallel_loop3A_1708 : i32 to index
        %parallel_loop3A_1719 = tpu.vector_load %arg7[%parallel_loop3A_1717, %parallel_loop3A_1718] {strides = array<i32>} : memref<32x768xf32, #tpu.memory_space<vmem>>, vector<1x16xf32>,
        %parallel_loop3A_1720 = vector.shape_cast %parallel_loop3A_1719 : vector<1x16xf32> to vector<16xf32>
        %parallel_loop3A_1721 = arith.addf %parallel_loop3A_1714, %parallel_loop3A_1720 : vector<16xf32>
        %parallel_loop3A_1722 = arith.constant 0 : i32
        %parallel_loop3A_1723 = arith.addi %parallel_loop3A_1722, %parallel_loop3A_1704 : i32
        %parallel_loop3A_1724 = arith.index_cast %parallel_loop3A_1723 : i32 to index
        %parallel_loop3A_1725 = arith.index_cast %parallel_loop3A_1708 : i32 to index
        %parallel_loop3A_1726 = tpu.vector_load %arg9[%parallel_loop3A_1724, %parallel_loop3A_1725] {strides = array<i32>} : memref<32x768xf32, #tpu.memory_space<vmem>>, vector<1x16xf32>,
        %parallel_loop3A_1727 = vector.shape_cast %parallel_loop3A_1726 : vector<1x16xf32> to vector<16xf32>
        %parallel_loop3A_1728 = vector.shape_cast %parallel_loop3A_1721 : vector<16xf32> to vector<1x16xf32>
        tpu.vector_store %arg9[%parallel_loop3A_1724, %parallel_loop3A_1725], %parallel_loop3A_1728 {strides = array<i32>} : memref<32x768xf32, #tpu.memory_space<vmem>>, vector<1x16xf32>,
      } {sc.loop_unroll_factor = 8 : i64, sc.parallel_access}
    } {sc.loop_unroll_factor = 1 : i64, sc.parallel_access}
    %add3A_155 = arith.constant 0 : i32
    %add3A_156 = arith.addi %mul3A_2, %add3A_155 : i32
    %add3A_157 = arith.constant 0 : i32
    %add3A_158 = arith.addi %add3A_156, %add3A_157 : i32
    %dma_start3A_159 = arith.constant 1 : i32
    %dma_start3A_160 = arith.constant 0 : i32
    %dma_start3A_161 = arith.constant 0 : i32
    %dma_start3A_162 = tpu.memref_slice %arg9[%dma_start3A_160, %dma_start3A_161] : memref<32x768xf32, #tpu.memory_space<vmem>> -> memref<16x768xf32, #tpu.memory_space<vmem>>
    %dma_start3A_163 = arith.constant 0 : i32
    %dma_start3A_164 = tpu.memref_slice %arg5[%dma_start3A_159, %add3A_158, %dma_start3A_163] : memref<4x4096x768xf32, #tpu.memory_space<hbm>> -> memref<1x16x768xf32, #tpu.memory_space<hbm>>
    %dma_start3A_165 = tpu.memref_squeeze %dma_start3A_164 : memref<1x16x768xf32, #tpu.memory_space<hbm>> -> memref<16x768xf32, #tpu.memory_space<hbm>>
    %dma_start3A_166 = arith.constant 0 : i32
    %dma_start3A_167 = tpu.memref_slice %arg5[%dma_start3A_159, %add3A_158, %dma_start3A_166] : memref<4x4096x768xf32, #tpu.memory_space<hbm>> -> memref<1x16x768xf32, #tpu.memory_space<hbm>>
    %dma_start3A_168 = tpu.memref_squeeze %dma_start3A_167 : memref<1x16x768xf32, #tpu.memory_space<hbm>> -> memref<16x768xf32, #tpu.memory_space<hbm>>
    %dma_start3A_169 = arith.constant 0 : i32
    %dma_start3A_170 = arith.constant 0 : i32
    %dma_start3A_171 = tpu.memref_slice %arg9[%dma_start3A_169, %dma_start3A_170] : memref<32x768xf32, #tpu.memory_space<vmem>> -> memref<16x768xf32, #tpu.memory_space<vmem>>
    tpu.enqueue_dma source(%dma_start3A_171 : memref<16x768xf32, #tpu.memory_space<vmem>>) target(%dma_start3A_168 : memref<16x768xf32, #tpu.memory_space<hbm>>) target_semaphore(%arg21 : memref<!tpu.dma_semaphore, #tpu.memory_space<semaphore_mem>>)
    %dma_wait3A_172 = arith.constant 1 : i32
    %dma_wait3A_173 = arith.constant 16 : i32
    %dma_wait3A_174 = arith.constant 0 : i32
    %dma_wait3A_175 = tpu.memref_slice %arg9[%dma_wait3A_173, %dma_wait3A_174] : memref<32x768xf32, #tpu.memory_space<vmem>> -> memref<16x768xf32, #tpu.memory_space<vmem>>
    %dma_wait3A_176 = arith.constant 16 : i32
    %dma_wait3A_177 = tpu.memref_slice %arg6[%dma_wait3A_172, %dma_wait3A_176] : memref<4x128xi32, #tpu.memory_space<vmem>> -> memref<1x16xi32, #tpu.memory_space<vmem>>
    %dma_wait3A_178 = tpu.memref_squeeze %dma_wait3A_177 : memref<1x16xi32, #tpu.memory_space<vmem>> -> memref<16xi32, #tpu.memory_space<vmem>>
    %dma_wait3A_179 = arith.constant 0 : i32
    %dma_wait3A_180 = arith.constant 0 : i32
    %dma_wait3A_181 = tpu.memref_slice %arg3[%dma_wait3A_179, %dma_wait3A_180] : memref<100000x768xf32, #tpu.memory_space<hbm>> -> memref<100000x768xf32, #tpu.memory_space<hbm>>
    tpu.wait_indirect_dma semaphore(%arg17 : memref<!tpu.dma_semaphore, #tpu.memory_space<semaphore_mem>>) src(%dma_wait3A_181 : memref<100000x768xf32, #tpu.memory_space<hbm>>) dst(%dma_wait3A_175 : memref<16x768xf32, #tpu.memory_space<vmem>>)
    %parallel_loop3A_182 = arith.constant 0 : i32
    %parallel_loop3A_183 = arith.constant 16 : i32
    %parallel_loop3A_184 = arith.constant 1 : i32
    scf.for %parallel_loop3A_1704 = %parallel_loop3A_182 to %parallel_loop3A_183 step %parallel_loop3A_184  : i32 {
      %parallel_loop3A_1705 = arith.constant 0 : i32
      %parallel_loop3A_1706 = arith.constant 768 : i32
      %parallel_loop3A_1707 = arith.constant 16 : i32
      scf.for %parallel_loop3A_1708 = %parallel_loop3A_1705 to %parallel_loop3A_1706 step %parallel_loop3A_1707  : i32 {
        %parallel_loop3A_1709 = arith.constant 16 : i32
        %parallel_loop3A_1710 = arith.addi %parallel_loop3A_1709, %parallel_loop3A_1704 : i32
        %parallel_loop3A_1711 = arith.index_cast %parallel_loop3A_1710 : i32 to index
        %parallel_loop3A_1712 = arith.index_cast %parallel_loop3A_1708 : i32 to index
        %parallel_loop3A_1713 = tpu.vector_load %arg9[%parallel_loop3A_1711, %parallel_loop3A_1712] {strides = array<i32>} : memref<32x768xf32, #tpu.memory_space<vmem>>, vector<1x16xf32>,
        %parallel_loop3A_1714 = vector.shape_cast %parallel_loop3A_1713 : vector<1x16xf32> to vector<16xf32>
        %parallel_loop3A_1715 = arith.constant 16 : i32
        %parallel_loop3A_1716 = arith.addi %parallel_loop3A_1715, %parallel_loop3A_1704 : i32
        %parallel_loop3A_1717 = arith.index_cast %parallel_loop3A_1716 : i32 to index
        %parallel_loop3A_1718 = arith.index_cast %parallel_loop3A_1708 : i32 to index
        %parallel_loop3A_1719 = tpu.vector_load %arg7[%parallel_loop3A_1717, %parallel_loop3A_1718] {strides = array<i32>} : memref<32x768xf32, #tpu.memory_space<vmem>>, vector<1x16xf32>,
        %parallel_loop3A_1720 = vector.shape_cast %parallel_loop3A_1719 : vector<1x16xf32> to vector<16xf32>
        %parallel_loop3A_1721 = arith.addf %parallel_loop3A_1714, %parallel_loop3A_1720 : vector<16xf32>
        %parallel_loop3A_1722 = arith.constant 16 : i32
        %parallel_loop3A_1723 = arith.addi %parallel_loop3A_1722, %parallel_loop3A_1704 : i32
        %parallel_loop3A_1724 = arith.index_cast %parallel_loop3A_1723 : i32 to index
        %parallel_loop3A_1725 = arith.index_cast %parallel_loop3A_1708 : i32 to index
        %parallel_loop3A_1726 = tpu.vector_load %arg9[%parallel_loop3A_1724, %parallel_loop3A_1725] {strides = array<i32>} : memref<32x768xf32, #tpu.memory_space<vmem>>, vector<1x16xf32>,
        %parallel_loop3A_1727 = vector.shape_cast %parallel_loop3A_1726 : vector<1x16xf32> to vector<16xf32>
        %parallel_loop3A_1728 = vector.shape_cast %parallel_loop3A_1721 : vector<16xf32> to vector<1x16xf32>
        tpu.vector_store %arg9[%parallel_loop3A_1724, %parallel_loop3A_1725], %parallel_loop3A_1728 {strides = array<i32>} : memref<32x768xf32, #tpu.memory_space<vmem>>, vector<1x16xf32>,
      } {sc.loop_unroll_factor = 8 : i64, sc.parallel_access}
    } {sc.loop_unroll_factor = 1 : i64, sc.parallel_access}
    %add3A_185 = arith.constant 0 : i32
    %add3A_186 = arith.addi %mul3A_2, %add3A_185 : i32
    %add3A_187 = arith.constant 16 : i32
    %add3A_188 = arith.addi %add3A_186, %add3A_187 : i32
    %dma_start3A_189 = arith.constant 1 : i32
    %dma_start3A_190 = arith.constant 16 : i32
    %dma_start3A_191 = arith.constant 0 : i32
    %dma_start3A_192 = tpu.memref_slice %arg9[%dma_start3A_190, %dma_start3A_191] : memref<32x768xf32, #tpu.memory_space<vmem>> -> memref<16x768xf32, #tpu.memory_space<vmem>>
    %dma_start3A_193 = arith.constant 0 : i32
    %dma_start3A_194 = tpu.memref_slice %arg5[%dma_start3A_189, %add3A_188, %dma_start3A_193] : memref<4x4096x768xf32, #tpu.memory_space<hbm>> -> memref<1x16x768xf32, #tpu.memory_space<hbm>>
    %dma_start3A_195 = tpu.memref_squeeze %dma_start3A_194 : memref<1x16x768xf32, #tpu.memory_space<hbm>> -> memref<16x768xf32, #tpu.memory_space<hbm>>
    %dma_start3A_196 = arith.constant 0 : i32
    %dma_start3A_197 = tpu.memref_slice %arg5[%dma_start3A_189, %add3A_188, %dma_start3A_196] : memref<4x4096x768xf32, #tpu.memory_space<hbm>> -> memref<1x16x768xf32, #tpu.memory_space<hbm>>
    %dma_start3A_198 = tpu.memref_squeeze %dma_start3A_197 : memref<1x16x768xf32, #tpu.memory_space<hbm>> -> memref<16x768xf32, #tpu.memory_space<hbm>>
    %dma_start3A_199 = arith.constant 16 : i32
    %dma_start3A_200 = arith.constant 0 : i32
    %dma_start3A_201 = tpu.memref_slice %arg9[%dma_start3A_199, %dma_start3A_200] : memref<32x768xf32, #tpu.memory_space<vmem>> -> memref<16x768xf32, #tpu.memory_space<vmem>>
    tpu.enqueue_dma source(%dma_start3A_201 : memref<16x768xf32, #tpu.memory_space<vmem>>) target(%dma_start3A_198 : memref<16x768xf32, #tpu.memory_space<hbm>>) target_semaphore(%arg25 : memref<!tpu.dma_semaphore, #tpu.memory_space<semaphore_mem>>)
    %dma_wait3A_202 = arith.constant 0 : i32
    %dma_wait3A_203 = arith.constant 0 : i32
    %dma_wait3A_204 = arith.constant 0 : i32
    %dma_wait3A_205 = tpu.memref_slice %arg8[%dma_wait3A_203, %dma_wait3A_204] : memref<32x768xf32, #tpu.memory_space<vmem>> -> memref<16x768xf32, #tpu.memory_space<vmem>>
    %dma_wait3A_206 = arith.constant 0 : i32
    %dma_wait3A_207 = tpu.memref_slice %arg5[%dma_wait3A_202, %add3A_78, %dma_wait3A_206] : memref<4x4096x768xf32, #tpu.memory_space<hbm>> -> memref<1x16x768xf32, #tpu.memory_space<hbm>>
    %dma_wait3A_208 = tpu.memref_squeeze %dma_wait3A_207 : memref<1x16x768xf32, #tpu.memory_space<hbm>> -> memref<16x768xf32, #tpu.memory_space<hbm>>
    %dma_wait3A_209 = arith.constant 0 : i32
    %dma_wait3A_210 = tpu.memref_slice %arg5[%dma_wait3A_202, %add3A_78, %dma_wait3A_209] : memref<4x4096x768xf32, #tpu.memory_space<hbm>> -> memref<1x16x768xf32, #tpu.memory_space<hbm>>
    %dma_wait3A_211 = tpu.memref_squeeze %dma_wait3A_210 : memref<1x16x768xf32, #tpu.memory_space<hbm>> -> memref<16x768xf32, #tpu.memory_space<hbm>>
    %dma_wait3A_212 = arith.constant 0 : i32
    %dma_wait3A_213 = arith.constant 0 : i32
    %dma_wait3A_214 = tpu.memref_slice %arg8[%dma_wait3A_212, %dma_wait3A_213] : memref<32x768xf32, #tpu.memory_space<vmem>> -> memref<16x768xf32, #tpu.memory_space<vmem>>
    tpu.wait_dma2 semaphore(%arg20 : memref<!tpu.dma_semaphore, #tpu.memory_space<semaphore_mem>>) src(%dma_wait3A_214 : memref<16x768xf32, #tpu.memory_space<vmem>>) dst(%dma_wait3A_211 : memref<16x768xf32, #tpu.memory_space<hbm>>)
    %dma_wait3A_215 = arith.constant 0 : i32
    %dma_wait3A_216 = arith.constant 16 : i32
    %dma_wait3A_217 = arith.constant 0 : i32
    %dma_wait3A_218 = tpu.memref_slice %arg8[%dma_wait3A_216, %dma_wait3A_217] : memref<32x768xf32, #tpu.memory_space<vmem>> -> memref<16x768xf32, #tpu.memory_space<vmem>>
    %dma_wait3A_219 = arith.constant 0 : i32
    %dma_wait3A_220 = tpu.memref_slice %arg5[%dma_wait3A_215, %add3A_108, %dma_wait3A_219] : memref<4x4096x768xf32, #tpu.memory_space<hbm>> -> memref<1x16x768xf32, #tpu.memory_space<hbm>>
    %dma_wait3A_221 = tpu.memref_squeeze %dma_wait3A_220 : memref<1x16x768xf32, #tpu.memory_space<hbm>> -> memref<16x768xf32, #tpu.memory_space<hbm>>
    %dma_wait3A_222 = arith.constant 0 : i32
    %dma_wait3A_223 = tpu.memref_slice %arg5[%dma_wait3A_215, %add3A_108, %dma_wait3A_222] : memref<4x4096x768xf32, #tpu.memory_space<hbm>> -> memref<1x16x768xf32, #tpu.memory_space<hbm>>
    %dma_wait3A_224 = tpu.memref_squeeze %dma_wait3A_223 : memref<1x16x768xf32, #tpu.memory_space<hbm>> -> memref<16x768xf32, #tpu.memory_space<hbm>>
    %dma_wait3A_225 = arith.constant 16 : i32
    %dma_wait3A_226 = arith.constant 0 : i32
    %dma_wait3A_227 = tpu.memref_slice %arg8[%dma_wait3A_225, %dma_wait3A_226] : memref<32x768xf32, #tpu.memory_space<vmem>> -> memref<16x768xf32, #tpu.memory_space<vmem>>
    tpu.wait_dma2 semaphore(%arg24 : memref<!tpu.dma_semaphore, #tpu.memory_space<semaphore_mem>>) src(%dma_wait3A_227 : memref<16x768xf32, #tpu.memory_space<vmem>>) dst(%dma_wait3A_224 : memref<16x768xf32, #tpu.memory_space<hbm>>)
    %dma_start3A_228 = arith.constant 0 : i32
    %dma_start3A_229 = arith.constant 0 : i32
    %dma_start3A_230 = arith.constant 0 : i32
    %dma_start3A_231 = tpu.memref_slice %arg8[%dma_start3A_229, %dma_start3A_230] : memref<32x768xf32, #tpu.memory_space<vmem>> -> memref<16x768xf32, #tpu.memory_space<vmem>>
    %dma_start3A_232 = arith.constant 32 : i32
    %dma_start3A_233 = tpu.memref_slice %arg6[%dma_start3A_228, %dma_start3A_232] : memref<4x128xi32, #tpu.memory_space<vmem>> -> memref<1x16xi32, #tpu.memory_space<vmem>>
    %dma_start3A_234 = tpu.memref_squeeze %dma_start3A_233 : memref<1x16xi32, #tpu.memory_space<vmem>> -> memref<16xi32, #tpu.memory_space<vmem>>
    %dma_start3A_235 = arith.constant 0 : i32
    %dma_start3A_236 = arith.constant 0 : i32
    %dma_start3A_237 = tpu.memref_slice %arg3[%dma_start3A_235, %dma_start3A_236] : memref<100000x768xf32, #tpu.memory_space<hbm>> -> memref<100000x768xf32, #tpu.memory_space<hbm>>
    tpu.enqueue_indirect_dma source(%dma_start3A_237 : memref<100000x768xf32, #tpu.memory_space<hbm>>) target(%dma_start3A_231 : memref<16x768xf32, #tpu.memory_space<vmem>>) offsets(%dma_start3A_234 : memref<16xi32, #tpu.memory_space<vmem>>) semaphore(%arg12 : memref<!tpu.dma_semaphore, #tpu.memory_space<semaphore_mem>>)
    %dma_start3A_238 = arith.constant 0 : i32
    %dma_start3A_239 = arith.constant 16 : i32
    %dma_start3A_240 = arith.constant 0 : i32
    %dma_start3A_241 = tpu.memref_slice %arg8[%dma_start3A_239, %dma_start3A_240] : memref<32x768xf32, #tpu.memory_space<vmem>> -> memref<16x768xf32, #tpu.memory_space<vmem>>
    %dma_start3A_242 = arith.constant 48 : i32
    %dma_start3A_243 = tpu.memref_slice %arg6[%dma_start3A_238, %dma_start3A_242] : memref<4x128xi32, #tpu.memory_space<vmem>> -> memref<1x16xi32, #tpu.memory_space<vmem>>
    %dma_start3A_244 = tpu.memref_squeeze %dma_start3A_243 : memref<1x16xi32, #tpu.memory_space<vmem>> -> memref<16xi32, #tpu.memory_space<vmem>>
    %dma_start3A_245 = arith.constant 0 : i32
    %dma_start3A_246 = arith.constant 0 : i32
    %dma_start3A_247 = tpu.memref_slice %arg3[%dma_start3A_245, %dma_start3A_246] : memref<100000x768xf32, #tpu.memory_space<hbm>> -> memref<100000x768xf32, #tpu.memory_space<hbm>>
    tpu.enqueue_indirect_dma source(%dma_start3A_247 : memref<100000x768xf32, #tpu.memory_space<hbm>>) target(%dma_start3A_241 : memref<16x768xf32, #tpu.memory_space<vmem>>) offsets(%dma_start3A_244 : memref<16xi32, #tpu.memory_space<vmem>>) semaphore(%arg16 : memref<!tpu.dma_semaphore, #tpu.memory_space<semaphore_mem>>)
    %dma_wait3A_248 = arith.constant 2 : i32
    %dma_wait3A_249 = arith.constant 0 : i32
    %dma_wait3A_250 = arith.constant 0 : i32
    %dma_wait3A_251 = tpu.memref_slice %arg10[%dma_wait3A_249, %dma_wait3A_250] : memref<32x768xf32, #tpu.memory_space<vmem>> -> memref<16x768xf32, #tpu.memory_space<vmem>>
    %dma_wait3A_252 = arith.constant 0 : i32
    %dma_wait3A_253 = tpu.memref_slice %arg6[%dma_wait3A_248, %dma_wait3A_252] : memref<4x128xi32, #tpu.memory_space<vmem>> -> memref<1x16xi32, #tpu.memory_space<vmem>>
    %dma_wait3A_254 = tpu.memref_squeeze %dma_wait3A_253 : memref<1x16xi32, #tpu.memory_space<vmem>> -> memref<16xi32, #tpu.memory_space<vmem>>
    %dma_wait3A_255 = arith.constant 0 : i32
    %dma_wait3A_256 = arith.constant 0 : i32
    %dma_wait3A_257 = tpu.memref_slice %arg3[%dma_wait3A_255, %dma_wait3A_256] : memref<100000x768xf32, #tpu.memory_space<hbm>> -> memref<100000x768xf32, #tpu.memory_space<hbm>>
    tpu.wait_indirect_dma semaphore(%arg14 : memref<!tpu.dma_semaphore, #tpu.memory_space<semaphore_mem>>) src(%dma_wait3A_257 : memref<100000x768xf32, #tpu.memory_space<hbm>>) dst(%dma_wait3A_251 : memref<16x768xf32, #tpu.memory_space<vmem>>)
    %parallel_loop3A_258 = arith.constant 0 : i32
    %parallel_loop3A_259 = arith.constant 16 : i32
    %parallel_loop3A_260 = arith.constant 1 : i32
    scf.for %parallel_loop3A_1704 = %parallel_loop3A_258 to %parallel_loop3A_259 step %parallel_loop3A_260  : i32 {
      %parallel_loop3A_1705 = arith.constant 0 : i32
      %parallel_loop3A_1706 = arith.constant 768 : i32
      %parallel_loop3A_1707 = arith.constant 16 : i32
      scf.for %parallel_loop3A_1708 = %parallel_loop3A_1705 to %parallel_loop3A_1706 step %parallel_loop3A_1707  : i32 {
        %parallel_loop3A_1709 = arith.constant 0 : i32
        %parallel_loop3A_1710 = arith.addi %parallel_loop3A_1709, %parallel_loop3A_1704 : i32
        %parallel_loop3A_1711 = arith.index_cast %parallel_loop3A_1710 : i32 to index
        %parallel_loop3A_1712 = arith.index_cast %parallel_loop3A_1708 : i32 to index
        %parallel_loop3A_1713 = tpu.vector_load %arg10[%parallel_loop3A_1711, %parallel_loop3A_1712] {strides = array<i32>} : memref<32x768xf32, #tpu.memory_space<vmem>>, vector<1x16xf32>,
        %parallel_loop3A_1714 = vector.shape_cast %parallel_loop3A_1713 : vector<1x16xf32> to vector<16xf32>
        %parallel_loop3A_1715 = arith.constant 0 : i32
        %parallel_loop3A_1716 = arith.addi %parallel_loop3A_1715, %parallel_loop3A_1704 : i32
        %parallel_loop3A_1717 = arith.index_cast %parallel_loop3A_1716 : i32 to index
        %parallel_loop3A_1718 = arith.index_cast %parallel_loop3A_1708 : i32 to index
        %parallel_loop3A_1719 = tpu.vector_load %arg7[%parallel_loop3A_1717, %parallel_loop3A_1718] {strides = array<i32>} : memref<32x768xf32, #tpu.memory_space<vmem>>, vector<1x16xf32>,
        %parallel_loop3A_1720 = vector.shape_cast %parallel_loop3A_1719 : vector<1x16xf32> to vector<16xf32>
        %parallel_loop3A_1721 = arith.addf %parallel_loop3A_1714, %parallel_loop3A_1720 : vector<16xf32>
        %parallel_loop3A_1722 = arith.constant 0 : i32
        %parallel_loop3A_1723 = arith.addi %parallel_loop3A_1722, %parallel_loop3A_1704 : i32
        %parallel_loop3A_1724 = arith.index_cast %parallel_loop3A_1723 : i32 to index
        %parallel_loop3A_1725 = arith.index_cast %parallel_loop3A_1708 : i32 to index
        %parallel_loop3A_1726 = tpu.vector_load %arg10[%parallel_loop3A_1724, %parallel_loop3A_1725] {strides = array<i32>} : memref<32x768xf32, #tpu.memory_space<vmem>>, vector<1x16xf32>,
        %parallel_loop3A_1727 = vector.shape_cast %parallel_loop3A_1726 : vector<1x16xf32> to vector<16xf32>
        %parallel_loop3A_1728 = vector.shape_cast %parallel_loop3A_1721 : vector<16xf32> to vector<1x16xf32>
        tpu.vector_store %arg10[%parallel_loop3A_1724, %parallel_loop3A_1725], %parallel_loop3A_1728 {strides = array<i32>} : memref<32x768xf32, #tpu.memory_space<vmem>>, vector<1x16xf32>,
      } {sc.loop_unroll_factor = 8 : i64, sc.parallel_access}
    } {sc.loop_unroll_factor = 1 : i64, sc.parallel_access}
    %add3A_261 = arith.constant 0 : i32
    %add3A_262 = arith.addi %mul3A_2, %add3A_261 : i32
    %add3A_263 = arith.constant 0 : i32
    %add3A_264 = arith.addi %add3A_262, %add3A_263 : i32
    %dma_start3A_265 = arith.constant 2 : i32
    %dma_start3A_266 = arith.constant 0 : i32
    %dma_start3A_267 = arith.constant 0 : i32
    %dma_start3A_268 = tpu.memref_slice %arg10[%dma_start3A_266, %dma_start3A_267] : memref<32x768xf32, #tpu.memory_space<vmem>> -> memref<16x768xf32, #tpu.memory_space<vmem>>
    %dma_start3A_269 = arith.constant 0 : i32
    %dma_start3A_270 = tpu.memref_slice %arg5[%dma_start3A_265, %add3A_264, %dma_start3A_269] : memref<4x4096x768xf32, #tpu.memory_space<hbm>> -> memref<1x16x768xf32, #tpu.memory_space<hbm>>
    %dma_start3A_271 = tpu.memref_squeeze %dma_start3A_270 : memref<1x16x768xf32, #tpu.memory_space<hbm>> -> memref<16x768xf32, #tpu.memory_space<hbm>>
    %dma_start3A_272 = arith.constant 0 : i32
    %dma_start3A_273 = tpu.memref_slice %arg5[%dma_start3A_265, %add3A_264, %dma_start3A_272] : memref<4x4096x768xf32, #tpu.memory_space<hbm>> -> memref<1x16x768xf32, #tpu.memory_space<hbm>>
    %dma_start3A_274 = tpu.memref_squeeze %dma_start3A_273 : memref<1x16x768xf32, #tpu.memory_space<hbm>> -> memref<16x768xf32, #tpu.memory_space<hbm>>
    %dma_start3A_275 = arith.constant 0 : i32
    %dma_start3A_276 = arith.constant 0 : i32
    %dma_start3A_277 = tpu.memref_slice %arg10[%dma_start3A_275, %dma_start3A_276] : memref<32x768xf32, #tpu.memory_space<vmem>> -> memref<16x768xf32, #tpu.memory_space<vmem>>
    tpu.enqueue_dma source(%dma_start3A_277 : memref<16x768xf32, #tpu.memory_space<vmem>>) target(%dma_start3A_274 : memref<16x768xf32, #tpu.memory_space<hbm>>) target_semaphore(%arg22 : memref<!tpu.dma_semaphore, #tpu.memory_space<semaphore_mem>>)
    %dma_wait3A_278 = arith.constant 2 : i32
    %dma_wait3A_279 = arith.constant 16 : i32
    %dma_wait3A_280 = arith.constant 0 : i32
    %dma_wait3A_281 = tpu.memref_slice %arg10[%dma_wait3A_279, %dma_wait3A_280] : memref<32x768xf32, #tpu.memory_space<vmem>> -> memref<16x768xf32, #tpu.memory_space<vmem>>
    %dma_wait3A_282 = arith.constant 16 : i32
    %dma_wait3A_283 = tpu.memref_slice %arg6[%dma_wait3A_278, %dma_wait3A_282] : memref<4x128xi32, #tpu.memory_space<vmem>> -> memref<1x16xi32, #tpu.memory_space<vmem>>
    %dma_wait3A_284 = tpu.memref_squeeze %dma_wait3A_283 : memref<1x16xi32, #tpu.memory_space<vmem>> -> memref<16xi32, #tpu.memory_space<vmem>>
    %dma_wait3A_285 = arith.constant 0 : i32
    %dma_wait3A_286 = arith.constant 0 : i32
    %dma_wait3A_287 = tpu.memref_slice %arg3[%dma_wait3A_285, %dma_wait3A_286] : memref<100000x768xf32, #tpu.memory_space<hbm>> -> memref<100000x768xf32, #tpu.memory_space<hbm>>
    tpu.wait_indirect_dma semaphore(%arg18 : memref<!tpu.dma_semaphore, #tpu.memory_space<semaphore_mem>>) src(%dma_wait3A_287 : memref<100000x768xf32, #tpu.memory_space<hbm>>) dst(%dma_wait3A_281 : memref<16x768xf32, #tpu.memory_space<vmem>>)
    %parallel_loop3A_288 = arith.constant 0 : i32
    %parallel_loop3A_289 = arith.constant 16 : i32
    %parallel_loop3A_290 = arith.constant 1 : i32
    scf.for %parallel_loop3A_1704 = %parallel_loop3A_288 to %parallel_loop3A_289 step %parallel_loop3A_290  : i32 {
      %parallel_loop3A_1705 = arith.constant 0 : i32
      %parallel_loop3A_1706 = arith.constant 768 : i32
      %parallel_loop3A_1707 = arith.constant 16 : i32
      scf.for %parallel_loop3A_1708 = %parallel_loop3A_1705 to %parallel_loop3A_1706 step %parallel_loop3A_1707  : i32 {
        %parallel_loop3A_1709 = arith.constant 16 : i32
        %parallel_loop3A_1710 = arith.addi %parallel_loop3A_1709, %parallel_loop3A_1704 : i32
        %parallel_loop3A_1711 = arith.index_cast %parallel_loop3A_1710 : i32 to index
        %parallel_loop3A_1712 = arith.index_cast %parallel_loop3A_1708 : i32 to index
        %parallel_loop3A_1713 = tpu.vector_load %arg10[%parallel_loop3A_1711, %parallel_loop3A_1712] {strides = array<i32>} : memref<32x768xf32, #tpu.memory_space<vmem>>, vector<1x16xf32>,
        %parallel_loop3A_1714 = vector.shape_cast %parallel_loop3A_1713 : vector<1x16xf32> to vector<16xf32>
        %parallel_loop3A_1715 = arith.constant 16 : i32
        %parallel_loop3A_1716 = arith.addi %parallel_loop3A_1715, %parallel_loop3A_1704 : i32
        %parallel_loop3A_1717 = arith.index_cast %parallel_loop3A_1716 : i32 to index
        %parallel_loop3A_1718 = arith.index_cast %parallel_loop3A_1708 : i32 to index
        %parallel_loop3A_1719 = tpu.vector_load %arg7[%parallel_loop3A_1717, %parallel_loop3A_1718] {strides = array<i32>} : memref<32x768xf32, #tpu.memory_space<vmem>>, vector<1x16xf32>,
        %parallel_loop3A_1720 = vector.shape_cast %parallel_loop3A_1719 : vector<1x16xf32> to vector<16xf32>
        %parallel_loop3A_1721 = arith.addf %parallel_loop3A_1714, %parallel_loop3A_1720 : vector<16xf32>
        %parallel_loop3A_1722 = arith.constant 16 : i32
        %parallel_loop3A_1723 = arith.addi %parallel_loop3A_1722, %parallel_loop3A_1704 : i32
        %parallel_loop3A_1724 = arith.index_cast %parallel_loop3A_1723 : i32 to index
        %parallel_loop3A_1725 = arith.index_cast %parallel_loop3A_1708 : i32 to index
        %parallel_loop3A_1726 = tpu.vector_load %arg10[%parallel_loop3A_1724, %parallel_loop3A_1725] {strides = array<i32>} : memref<32x768xf32, #tpu.memory_space<vmem>>, vector<1x16xf32>,
        %parallel_loop3A_1727 = vector.shape_cast %parallel_loop3A_1726 : vector<1x16xf32> to vector<16xf32>
        %parallel_loop3A_1728 = vector.shape_cast %parallel_loop3A_1721 : vector<16xf32> to vector<1x16xf32>
        tpu.vector_store %arg10[%parallel_loop3A_1724, %parallel_loop3A_1725], %parallel_loop3A_1728 {strides = array<i32>} : memref<32x768xf32, #tpu.memory_space<vmem>>, vector<1x16xf32>,
      } {sc.loop_unroll_factor = 8 : i64, sc.parallel_access}
    } {sc.loop_unroll_factor = 1 : i64, sc.parallel_access}
    %add3A_291 = arith.constant 0 : i32
    %add3A_292 = arith.addi %mul3A_2, %add3A_291 : i32
    %add3A_293 = arith.constant 16 : i32
    %add3A_294 = arith.addi %add3A_292, %add3A_293 : i32
    %dma_start3A_295 = arith.constant 2 : i32
    %dma_start3A_296 = arith.constant 16 : i32
    %dma_start3A_297 = arith.constant 0 : i32
    %dma_start3A_298 = tpu.memref_slice %arg10[%dma_start3A_296, %dma_start3A_297] : memref<32x768xf32, #tpu.memory_space<vmem>> -> memref<16x768xf32, #tpu.memory_space<vmem>>
    %dma_start3A_299 = arith.constant 0 : i32
    %dma_start3A_300 = tpu.memref_slice %arg5[%dma_start3A_295, %add3A_294, %dma_start3A_299] : memref<4x4096x768xf32, #tpu.memory_space<hbm>> -> memref<1x16x768xf32, #tpu.memory_space<hbm>>
    %dma_start3A_301 = tpu.memref_squeeze %dma_start3A_300 : memref<1x16x768xf32, #tpu.memory_space<hbm>> -> memref<16x768xf32, #tpu.memory_space<hbm>>
    %dma_start3A_302 = arith.constant 0 : i32
    %dma_start3A_303 = tpu.memref_slice %arg5[%dma_start3A_295, %add3A_294, %dma_start3A_302] : memref<4x4096x768xf32, #tpu.memory_space<hbm>> -> memref<1x16x768xf32, #tpu.memory_space<hbm>>
    %dma_start3A_304 = tpu.memref_squeeze %dma_start3A_303 : memref<1x16x768xf32, #tpu.memory_space<hbm>> -> memref<16x768xf32, #tpu.memory_space<hbm>>
    %dma_start3A_305 = arith.constant 16 : i32
    %dma_start3A_306 = arith.constant 0 : i32
    %dma_start3A_307 = tpu.memref_slice %arg10[%dma_start3A_305, %dma_start3A_306] : memref<32x768xf32, #tpu.memory_space<vmem>> -> memref<16x768xf32, #tpu.memory_space<vmem>>
    tpu.enqueue_dma source(%dma_start3A_307 : memref<16x768xf32, #tpu.memory_space<vmem>>) target(%dma_start3A_304 : memref<16x768xf32, #tpu.memory_space<hbm>>) target_semaphore(%arg26 : memref<!tpu.dma_semaphore, #tpu.memory_space<semaphore_mem>>)
    %dma_wait3A_308 = arith.constant 1 : i32
    %dma_wait3A_309 = arith.constant 0 : i32
    %dma_wait3A_310 = arith.constant 0 : i32
    %dma_wait3A_311 = tpu.memref_slice %arg9[%dma_wait3A_309, %dma_wait3A_310] : memref<32x768xf32, #tpu.memory_space<vmem>> -> memref<16x768xf32, #tpu.memory_space<vmem>>
    %dma_wait3A_312 = arith.constant 0 : i32
    %dma_wait3A_313 = tpu.memref_slice %arg5[%dma_wait3A_308, %add3A_158, %dma_wait3A_312] : memref<4x4096x768xf32, #tpu.memory_space<hbm>> -> memref<1x16x768xf32, #tpu.memory_space<hbm>>
    %dma_wait3A_314 = tpu.memref_squeeze %dma_wait3A_313 : memref<1x16x768xf32, #tpu.memory_space<hbm>> -> memref<16x768xf32, #tpu.memory_space<hbm>>
    %dma_wait3A_315 = arith.constant 0 : i32
    %dma_wait3A_316 = tpu.memref_slice %arg5[%dma_wait3A_308, %add3A_158, %dma_wait3A_315] : memref<4x4096x768xf32, #tpu.memory_space<hbm>> -> memref<1x16x768xf32, #tpu.memory_space<hbm>>
    %dma_wait3A_317 = tpu.memref_squeeze %dma_wait3A_316 : memref<1x16x768xf32, #tpu.memory_space<hbm>> -> memref<16x768xf32, #tpu.memory_space<hbm>>
    %dma_wait3A_318 = arith.constant 0 : i32
    %dma_wait3A_319 = arith.constant 0 : i32
    %dma_wait3A_320 = tpu.memref_slice %arg9[%dma_wait3A_318, %dma_wait3A_319] : memref<32x768xf32, #tpu.memory_space<vmem>> -> memref<16x768xf32, #tpu.memory_space<vmem>>
    tpu.wait_dma2 semaphore(%arg21 : memref<!tpu.dma_semaphore, #tpu.memory_space<semaphore_mem>>) src(%dma_wait3A_320 : memref<16x768xf32, #tpu.memory_space<vmem>>) dst(%dma_wait3A_317 : memref<16x768xf32, #tpu.memory_space<hbm>>)
    %dma_wait3A_321 = arith.constant 1 : i32
    %dma_wait3A_322 = arith.constant 16 : i32
    %dma_wait3A_323 = arith.constant 0 : i32
    %dma_wait3A_324 = tpu.memref_slice %arg9[%dma_wait3A_322, %dma_wait3A_323] : memref<32x768xf32, #tpu.memory_space<vmem>> -> memref<16x768xf32, #tpu.memory_space<vmem>>
    %dma_wait3A_325 = arith.constant 0 : i32
    %dma_wait3A_326 = tpu.memref_slice %arg5[%dma_wait3A_321, %add3A_188, %dma_wait3A_325] : memref<4x4096x768xf32, #tpu.memory_space<hbm>> -> memref<1x16x768xf32, #tpu.memory_space<hbm>>
    %dma_wait3A_327 = tpu.memref_squeeze %dma_wait3A_326 : memref<1x16x768xf32, #tpu.memory_space<hbm>> -> memref<16x768xf32, #tpu.memory_space<hbm>>
    %dma_wait3A_328 = arith.constant 0 : i32
    %dma_wait3A_329 = tpu.memref_slice %arg5[%dma_wait3A_321, %add3A_188, %dma_wait3A_328] : memref<4x4096x768xf32, #tpu.memory_space<hbm>> -> memref<1x16x768xf32, #tpu.memory_space<hbm>>
    %dma_wait3A_330 = tpu.memref_squeeze %dma_wait3A_329 : memref<1x16x768xf32, #tpu.memory_space<hbm>> -> memref<16x768xf32, #tpu.memory_space<hbm>>
    %dma_wait3A_331 = arith.constant 16 : i32
    %dma_wait3A_332 = arith.constant 0 : i32
    %dma_wait3A_333 = tpu.memref_slice %arg9[%dma_wait3A_331, %dma_wait3A_332] : memref<32x768xf32, #tpu.memory_space<vmem>> -> memref<16x768xf32, #tpu.memory_space<vmem>>
    tpu.wait_dma2 semaphore(%arg25 : memref<!tpu.dma_semaphore, #tpu.memory_space<semaphore_mem>>) src(%dma_wait3A_333 : memref<16x768xf32, #tpu.memory_space<vmem>>) dst(%dma_wait3A_330 : memref<16x768xf32, #tpu.memory_space<hbm>>)
    %dma_start3A_334 = arith.constant 1 : i32
    %dma_start3A_335 = arith.constant 0 : i32
    %dma_start3A_336 = arith.constant 0 : i32
    %dma_start3A_337 = tpu.memref_slice %arg9[%dma_start3A_335, %dma_start3A_336] : memref<32x768xf32, #tpu.memory_space<vmem>> -> memref<16x768xf32, #tpu.memory_space<vmem>>
    %dma_start3A_338 = arith.constant 32 : i32
    %dma_start3A_339 = tpu.memref_slice %arg6[%dma_start3A_334, %dma_start3A_338] : memref<4x128xi32, #tpu.memory_space<vmem>> -> memref<1x16xi32, #tpu.memory_space<vmem>>
    %dma_start3A_340 = tpu.memref_squeeze %dma_start3A_339 : memref<1x16xi32, #tpu.memory_space<vmem>> -> memref<16xi32, #tpu.memory_space<vmem>>
    %dma_start3A_341 = arith.constant 0 : i32
    %dma_start3A_342 = arith.constant 0 : i32
    %dma_start3A_343 = tpu.memref_slice %arg3[%dma_start3A_341, %dma_start3A_342] : memref<100000x768xf32, #tpu.memory_space<hbm>> -> memref<100000x768xf32, #tpu.memory_space<hbm>>
    tpu.enqueue_indirect_dma source(%dma_start3A_343 : memref<100000x768xf32, #tpu.memory_space<hbm>>) target(%dma_start3A_337 : memref<16x768xf32, #tpu.memory_space<vmem>>) offsets(%dma_start3A_340 : memref<16xi32, #tpu.memory_space<vmem>>) semaphore(%arg13 : memref<!tpu.dma_semaphore, #tpu.memory_space<semaphore_mem>>)
    %dma_start3A_344 = arith.constant 1 : i32
    %dma_start3A_345 = arith.constant 16 : i32
    %dma_start3A_346 = arith.constant 0 : i32
    %dma_start3A_347 = tpu.memref_slice %arg9[%dma_start3A_345, %dma_start3A_346] : memref<32x768xf32, #tpu.memory_space<vmem>> -> memref<16x768xf32, #tpu.memory_space<vmem>>
    %dma_start3A_348 = arith.constant 48 : i32
    %dma_start3A_349 = tpu.memref_slice %arg6[%dma_start3A_344, %dma_start3A_348] : memref<4x128xi32, #tpu.memory_space<vmem>> -> memref<1x16xi32, #tpu.memory_space<vmem>>
    %dma_start3A_350 = tpu.memref_squeeze %dma_start3A_349 : memref<1x16xi32, #tpu.memory_space<vmem>> -> memref<16xi32, #tpu.memory_space<vmem>>
    %dma_start3A_351 = arith.constant 0 : i32
    %dma_start3A_352 = arith.constant 0 : i32
    %dma_start3A_353 = tpu.memref_slice %arg3[%dma_start3A_351, %dma_start3A_352] : memref<100000x768xf32, #tpu.memory_space<hbm>> -> memref<100000x768xf32, #tpu.memory_space<hbm>>
    tpu.enqueue_indirect_dma source(%dma_start3A_353 : memref<100000x768xf32, #tpu.memory_space<hbm>>) target(%dma_start3A_347 : memref<16x768xf32, #tpu.memory_space<vmem>>) offsets(%dma_start3A_350 : memref<16xi32, #tpu.memory_space<vmem>>) semaphore(%arg17 : memref<!tpu.dma_semaphore, #tpu.memory_space<semaphore_mem>>)
    %dma_wait3A_354 = arith.constant 3 : i32
    %dma_wait3A_355 = arith.constant 0 : i32
    %dma_wait3A_356 = arith.constant 0 : i32
    %dma_wait3A_357 = tpu.memref_slice %arg11[%dma_wait3A_355, %dma_wait3A_356] : memref<32x768xf32, #tpu.memory_space<vmem>> -> memref<16x768xf32, #tpu.memory_space<vmem>>
    %dma_wait3A_358 = arith.constant 0 : i32
    %dma_wait3A_359 = tpu.memref_slice %arg6[%dma_wait3A_354, %dma_wait3A_358] : memref<4x128xi32, #tpu.memory_space<vmem>> -> memref<1x16xi32, #tpu.memory_space<vmem>>
    %dma_wait3A_360 = tpu.memref_squeeze %dma_wait3A_359 : memref<1x16xi32, #tpu.memory_space<vmem>> -> memref<16xi32, #tpu.memory_space<vmem>>
    %dma_wait3A_361 = arith.constant 0 : i32
    %dma_wait3A_362 = arith.constant 0 : i32
    %dma_wait3A_363 = tpu.memref_slice %arg3[%dma_wait3A_361, %dma_wait3A_362] : memref<100000x768xf32, #tpu.memory_space<hbm>> -> memref<100000x768xf32, #tpu.memory_space<hbm>>
    tpu.wait_indirect_dma semaphore(%arg15 : memref<!tpu.dma_semaphore, #tpu.memory_space<semaphore_mem>>) src(%dma_wait3A_363 : memref<100000x768xf32, #tpu.memory_space<hbm>>) dst(%dma_wait3A_357 : memref<16x768xf32, #tpu.memory_space<vmem>>)
    %parallel_loop3A_364 = arith.constant 0 : i32
    %parallel_loop3A_365 = arith.constant 16 : i32
    %parallel_loop3A_366 = arith.constant 1 : i32
    scf.for %parallel_loop3A_1704 = %parallel_loop3A_364 to %parallel_loop3A_365 step %parallel_loop3A_366  : i32 {
      %parallel_loop3A_1705 = arith.constant 0 : i32
      %parallel_loop3A_1706 = arith.constant 768 : i32
      %parallel_loop3A_1707 = arith.constant 16 : i32
      scf.for %parallel_loop3A_1708 = %parallel_loop3A_1705 to %parallel_loop3A_1706 step %parallel_loop3A_1707  : i32 {
        %parallel_loop3A_1709 = arith.constant 0 : i32
        %parallel_loop3A_1710 = arith.addi %parallel_loop3A_1709, %parallel_loop3A_1704 : i32
        %parallel_loop3A_1711 = arith.index_cast %parallel_loop3A_1710 : i32 to index
        %parallel_loop3A_1712 = arith.index_cast %parallel_loop3A_1708 : i32 to index
        %parallel_loop3A_1713 = tpu.vector_load %arg11[%parallel_loop3A_1711, %parallel_loop3A_1712] {strides = array<i32>} : memref<32x768xf32, #tpu.memory_space<vmem>>, vector<1x16xf32>,
        %parallel_loop3A_1714 = vector.shape_cast %parallel_loop3A_1713 : vector<1x16xf32> to vector<16xf32>
        %parallel_loop3A_1715 = arith.constant 0 : i32
        %parallel_loop3A_1716 = arith.addi %parallel_loop3A_1715, %parallel_loop3A_1704 : i32
        %parallel_loop3A_1717 = arith.index_cast %parallel_loop3A_1716 : i32 to index
        %parallel_loop3A_1718 = arith.index_cast %parallel_loop3A_1708 : i32 to index
        %parallel_loop3A_1719 = tpu.vector_load %arg7[%parallel_loop3A_1717, %parallel_loop3A_1718] {strides = array<i32>} : memref<32x768xf32, #tpu.memory_space<vmem>>, vector<1x16xf32>,
        %parallel_loop3A_1720 = vector.shape_cast %parallel_loop3A_1719 : vector<1x16xf32> to vector<16xf32>
        %parallel_loop3A_1721 = arith.addf %parallel_loop3A_1714, %parallel_loop3A_1720 : vector<16xf32>
        %parallel_loop3A_1722 = arith.constant 0 : i32
        %parallel_loop3A_1723 = arith.addi %parallel_loop3A_1722, %parallel_loop3A_1704 : i32
        %parallel_loop3A_1724 = arith.index_cast %parallel_loop3A_1723 : i32 to index
        %parallel_loop3A_1725 = arith.index_cast %parallel_loop3A_1708 : i32 to index
        %parallel_loop3A_1726 = tpu.vector_load %arg11[%parallel_loop3A_1724, %parallel_loop3A_1725] {strides = array<i32>} : memref<32x768xf32, #tpu.memory_space<vmem>>, vector<1x16xf32>,
        %parallel_loop3A_1727 = vector.shape_cast %parallel_loop3A_1726 : vector<1x16xf32> to vector<16xf32>
        %parallel_loop3A_1728 = vector.shape_cast %parallel_loop3A_1721 : vector<16xf32> to vector<1x16xf32>
        tpu.vector_store %arg11[%parallel_loop3A_1724, %parallel_loop3A_1725], %parallel_loop3A_1728 {strides = array<i32>} : memref<32x768xf32, #tpu.memory_space<vmem>>, vector<1x16xf32>,
      } {sc.loop_unroll_factor = 8 : i64, sc.parallel_access}
    } {sc.loop_unroll_factor = 1 : i64, sc.parallel_access}
    %add3A_367 = arith.constant 0 : i32
    %add3A_368 = arith.addi %mul3A_2, %add3A_367 : i32
    %add3A_369 = arith.constant 0 : i32
    %add3A_370 = arith.addi %add3A_368, %add3A_369 : i32
    %dma_start3A_371 = arith.constant 3 : i32
    %dma_start3A_372 = arith.constant 0 : i32
    %dma_start3A_373 = arith.constant 0 : i32
    %dma_start3A_374 = tpu.memref_slice %arg11[%dma_start3A_372, %dma_start3A_373] : memref<32x768xf32, #tpu.memory_space<vmem>> -> memref<16x768xf32, #tpu.memory_space<vmem>>
    %dma_start3A_375 = arith.constant 0 : i32
    %dma_start3A_376 = tpu.memref_slice %arg5[%dma_start3A_371, %add3A_370, %dma_start3A_375] : memref<4x4096x768xf32, #tpu.memory_space<hbm>> -> memref<1x16x768xf32, #tpu.memory_space<hbm>>
    %dma_start3A_377 = tpu.memref_squeeze %dma_start3A_376 : memref<1x16x768xf32, #tpu.memory_space<hbm>> -> memref<16x768xf32, #tpu.memory_space<hbm>>
    %dma_start3A_378 = arith.constant 0 : i32
    %dma_start3A_379 = tpu.memref_slice %arg5[%dma_start3A_371, %add3A_370, %dma_start3A_378] : memref<4x4096x768xf32, #tpu.memory_space<hbm>> -> memref<1x16x768xf32, #tpu.memory_space<hbm>>
    %dma_start3A_380 = tpu.memref_squeeze %dma_start3A_379 : memref<1x16x768xf32, #tpu.memory_space<hbm>> -> memref<16x768xf32, #tpu.memory_space<hbm>>
    %dma_start3A_381 = arith.constant 0 : i32
    %dma_start3A_382 = arith.constant 0 : i32
    %dma_start3A_383 = tpu.memref_slice %arg11[%dma_start3A_381, %dma_start3A_382] : memref<32x768xf32, #tpu.memory_space<vmem>> -> memref<16x768xf32, #tpu.memory_space<vmem>>
    tpu.enqueue_dma source(%dma_start3A_383 : memref<16x768xf32, #tpu.memory_space<vmem>>) target(%dma_start3A_380 : memref<16x768xf32, #tpu.memory_space<hbm>>) target_semaphore(%arg23 : memref<!tpu.dma_semaphore, #tpu.memory_space<semaphore_mem>>)
    %dma_wait3A_384 = arith.constant 3 : i32
    %dma_wait3A_385 = arith.constant 16 : i32
    %dma_wait3A_386 = arith.constant 0 : i32
    %dma_wait3A_387 = tpu.memref_slice %arg11[%dma_wait3A_385, %dma_wait3A_386] : memref<32x768xf32, #tpu.memory_space<vmem>> -> memref<16x768xf32, #tpu.memory_space<vmem>>
    %dma_wait3A_388 = arith.constant 16 : i32
    %dma_wait3A_389 = tpu.memref_slice %arg6[%dma_wait3A_384, %dma_wait3A_388] : memref<4x128xi32, #tpu.memory_space<vmem>> -> memref<1x16xi32, #tpu.memory_space<vmem>>
    %dma_wait3A_390 = tpu.memref_squeeze %dma_wait3A_389 : memref<1x16xi32, #tpu.memory_space<vmem>> -> memref<16xi32, #tpu.memory_space<vmem>>
    %dma_wait3A_391 = arith.constant 0 : i32
    %dma_wait3A_392 = arith.constant 0 : i32
    %dma_wait3A_393 = tpu.memref_slice %arg3[%dma_wait3A_391, %dma_wait3A_392] : memref<100000x768xf32, #tpu.memory_space<hbm>> -> memref<100000x768xf32, #tpu.memory_space<hbm>>
    tpu.wait_indirect_dma semaphore(%arg19 : memref<!tpu.dma_semaphore, #tpu.memory_space<semaphore_mem>>) src(%dma_wait3A_393 : memref<100000x768xf32, #tpu.memory_space<hbm>>) dst(%dma_wait3A_387 : memref<16x768xf32, #tpu.memory_space<vmem>>)
    %parallel_loop3A_394 = arith.constant 0 : i32
    %parallel_loop3A_395 = arith.constant 16 : i32
    %parallel_loop3A_396 = arith.constant 1 : i32
    scf.for %parallel_loop3A_1704 = %parallel_loop3A_394 to %parallel_loop3A_395 step %parallel_loop3A_396  : i32 {
      %parallel_loop3A_1705 = arith.constant 0 : i32
      %parallel_loop3A_1706 = arith.constant 768 : i32
      %parallel_loop3A_1707 = arith.constant 16 : i32
      scf.for %parallel_loop3A_1708 = %parallel_loop3A_1705 to %parallel_loop3A_1706 step %parallel_loop3A_1707  : i32 {
        %parallel_loop3A_1709 = arith.constant 16 : i32
        %parallel_loop3A_1710 = arith.addi %parallel_loop3A_1709, %parallel_loop3A_1704 : i32
        %parallel_loop3A_1711 = arith.index_cast %parallel_loop3A_1710 : i32 to index
        %parallel_loop3A_1712 = arith.index_cast %parallel_loop3A_1708 : i32 to index
        %parallel_loop3A_1713 = tpu.vector_load %arg11[%parallel_loop3A_1711, %parallel_loop3A_1712] {strides = array<i32>} : memref<32x768xf32, #tpu.memory_space<vmem>>, vector<1x16xf32>,
        %parallel_loop3A_1714 = vector.shape_cast %parallel_loop3A_1713 : vector<1x16xf32> to vector<16xf32>
        %parallel_loop3A_1715 = arith.constant 16 : i32
        %parallel_loop3A_1716 = arith.addi %parallel_loop3A_1715, %parallel_loop3A_1704 : i32
        %parallel_loop3A_1717 = arith.index_cast %parallel_loop3A_1716 : i32 to index
        %parallel_loop3A_1718 = arith.index_cast %parallel_loop3A_1708 : i32 to index
        %parallel_loop3A_1719 = tpu.vector_load %arg7[%parallel_loop3A_1717, %parallel_loop3A_1718] {strides = array<i32>} : memref<32x768xf32, #tpu.memory_space<vmem>>, vector<1x16xf32>,
        %parallel_loop3A_1720 = vector.shape_cast %parallel_loop3A_1719 : vector<1x16xf32> to vector<16xf32>
        %parallel_loop3A_1721 = arith.addf %parallel_loop3A_1714, %parallel_loop3A_1720 : vector<16xf32>
        %parallel_loop3A_1722 = arith.constant 16 : i32
        %parallel_loop3A_1723 = arith.addi %parallel_loop3A_1722, %parallel_loop3A_1704 : i32
        %parallel_loop3A_1724 = arith.index_cast %parallel_loop3A_1723 : i32 to index
        %parallel_loop3A_1725 = arith.index_cast %parallel_loop3A_1708 : i32 to index
        %parallel_loop3A_1726 = tpu.vector_load %arg11[%parallel_loop3A_1724, %parallel_loop3A_1725] {strides = array<i32>} : memref<32x768xf32, #tpu.memory_space<vmem>>, vector<1x16xf32>,
        %parallel_loop3A_1727 = vector.shape_cast %parallel_loop3A_1726 : vector<1x16xf32> to vector<16xf32>
        %parallel_loop3A_1728 = vector.shape_cast %parallel_loop3A_1721 : vector<16xf32> to vector<1x16xf32>
        tpu.vector_store %arg11[%parallel_loop3A_1724, %parallel_loop3A_1725], %parallel_loop3A_1728 {strides = array<i32>} : memref<32x768xf32, #tpu.memory_space<vmem>>, vector<1x16xf32>,
      } {sc.loop_unroll_factor = 8 : i64, sc.parallel_access}
    } {sc.loop_unroll_factor = 1 : i64, sc.parallel_access}
    %add3A_397 = arith.constant 0 : i32
    %add3A_398 = arith.addi %mul3A_2, %add3A_397 : i32
    %add3A_399 = arith.constant 16 : i32
    %add3A_400 = arith.addi %add3A_398, %add3A_399 : i32
    %dma_start3A_401 = arith.constant 3 : i32
    %dma_start3A_402 = arith.constant 16 : i32
    %dma_start3A_403 = arith.constant 0 : i32
    %dma_start3A_404 = tpu.memref_slice %arg11[%dma_start3A_402, %dma_start3A_403] : memref<32x768xf32, #tpu.memory_space<vmem>> -> memref<16x768xf32, #tpu.memory_space<vmem>>
    %dma_start3A_405 = arith.constant 0 : i32
    %dma_start3A_406 = tpu.memref_slice %arg5[%dma_start3A_401, %add3A_400, %dma_start3A_405] : memref<4x4096x768xf32, #tpu.memory_space<hbm>> -> memref<1x16x768xf32, #tpu.memory_space<hbm>>
    %dma_start3A_407 = tpu.memref_squeeze %dma_start3A_406 : memref<1x16x768xf32, #tpu.memory_space<hbm>> -> memref<16x768xf32, #tpu.memory_space<hbm>>
    %dma_start3A_408 = arith.constant 0 : i32
    %dma_start3A_409 = tpu.memref_slice %arg5[%dma_start3A_401, %add3A_400, %dma_start3A_408] : memref<4x4096x768xf32, #tpu.memory_space<hbm>> -> memref<1x16x768xf32, #tpu.memory_space<hbm>>
    %dma_start3A_410 = tpu.memref_squeeze %dma_start3A_409 : memref<1x16x768xf32, #tpu.memory_space<hbm>> -> memref<16x768xf32, #tpu.memory_space<hbm>>
    %dma_start3A_411 = arith.constant 16 : i32
    %dma_start3A_412 = arith.constant 0 : i32
    %dma_start3A_413 = tpu.memref_slice %arg11[%dma_start3A_411, %dma_start3A_412] : memref<32x768xf32, #tpu.memory_space<vmem>> -> memref<16x768xf32, #tpu.memory_space<vmem>>
    tpu.enqueue_dma source(%dma_start3A_413 : memref<16x768xf32, #tpu.memory_space<vmem>>) target(%dma_start3A_410 : memref<16x768xf32, #tpu.memory_space<hbm>>) target_semaphore(%arg27 : memref<!tpu.dma_semaphore, #tpu.memory_space<semaphore_mem>>)
    %add3A_414 = arith.constant 32 : i32
    %add3A_415 = arith.addi %mul3A_2, %add3A_414 : i32
    "tpu.region"() ({
      %run_scoped3A = tpu.sem_alloc : memref<!tpu.dma_semaphore, #tpu.memory_space<semaphore_mem>>
      %dma_start3A_1704 = arith.constant 0 : i32
      %dma_start3A_1705 = tpu.memref_slice %arg4[%add3A_415, %dma_start3A_1704] : memref<4096x768xf32, #tpu.memory_space<hbm>> -> memref<32x768xf32, #tpu.memory_space<hbm>>
      %dma_start3A_1706 = arith.constant 0 : i32
      %dma_start3A_1707 = tpu.memref_slice %arg4[%add3A_415, %dma_start3A_1706] : memref<4096x768xf32, #tpu.memory_space<hbm>> -> memref<32x768xf32, #tpu.memory_space<hbm>>
      tpu.enqueue_dma source(%dma_start3A_1707 : memref<32x768xf32, #tpu.memory_space<hbm>>) target(%arg7 : memref<32x768xf32, #tpu.memory_space<vmem>>) target_semaphore(%run_scoped3A : memref<!tpu.dma_semaphore, #tpu.memory_space<semaphore_mem>>)
      %dma_wait3A_1708 = arith.constant 0 : i32
      %dma_wait3A_1709 = tpu.memref_slice %arg4[%add3A_415, %dma_wait3A_1708] : memref<4096x768xf32, #tpu.memory_space<hbm>> -> memref<32x768xf32, #tpu.memory_space<hbm>>
      %dma_wait3A_1710 = arith.constant 0 : i32
      %dma_wait3A_1711 = tpu.memref_slice %arg4[%add3A_415, %dma_wait3A_1710] : memref<4096x768xf32, #tpu.memory_space<hbm>> -> memref<32x768xf32, #tpu.memory_space<hbm>>
      tpu.wait_dma2 semaphore(%run_scoped3A : memref<!tpu.dma_semaphore, #tpu.memory_space<semaphore_mem>>) src(%dma_wait3A_1711 : memref<32x768xf32, #tpu.memory_space<hbm>>) dst(%arg7 : memref<32x768xf32, #tpu.memory_space<vmem>>)
      tpu.yield
    }) : () -> ()
    %dma_wait3A_416 = arith.constant 2 : i32
    %dma_wait3A_417 = arith.constant 0 : i32
    %dma_wait3A_418 = arith.constant 0 : i32
    %dma_wait3A_419 = tpu.memref_slice %arg10[%dma_wait3A_417, %dma_wait3A_418] : memref<32x768xf32, #tpu.memory_space<vmem>> -> memref<16x768xf32, #tpu.memory_space<vmem>>
    %dma_wait3A_420 = arith.constant 0 : i32
    %dma_wait3A_421 = tpu.memref_slice %arg5[%dma_wait3A_416, %add3A_264, %dma_wait3A_420] : memref<4x4096x768xf32, #tpu.memory_space<hbm>> -> memref<1x16x768xf32, #tpu.memory_space<hbm>>
    %dma_wait3A_422 = tpu.memref_squeeze %dma_wait3A_421 : memref<1x16x768xf32, #tpu.memory_space<hbm>> -> memref<16x768xf32, #tpu.memory_space<hbm>>
    %dma_wait3A_423 = arith.constant 0 : i32
    %dma_wait3A_424 = tpu.memref_slice %arg5[%dma_wait3A_416, %add3A_264, %dma_wait3A_423] : memref<4x4096x768xf32, #tpu.memory_space<hbm>> -> memref<1x16x768xf32, #tpu.memory_space<hbm>>
    %dma_wait3A_425 = tpu.memref_squeeze %dma_wait3A_424 : memref<1x16x768xf32, #tpu.memory_space<hbm>> -> memref<16x768xf32, #tpu.memory_space<hbm>>
    %dma_wait3A_426 = arith.constant 0 : i32
    %dma_wait3A_427 = arith.constant 0 : i32
    %dma_wait3A_428 = tpu.memref_slice %arg10[%dma_wait3A_426, %dma_wait3A_427] : memref<32x768xf32, #tpu.memory_space<vmem>> -> memref<16x768xf32, #tpu.memory_space<vmem>>
    tpu.wait_dma2 semaphore(%arg22 : memref<!tpu.dma_semaphore, #tpu.memory_space<semaphore_mem>>) src(%dma_wait3A_428 : memref<16x768xf32, #tpu.memory_space<vmem>>) dst(%dma_wait3A_425 : memref<16x768xf32, #tpu.memory_space<hbm>>)
    %dma_wait3A_429 = arith.constant 2 : i32
    %dma_wait3A_430 = arith.constant 16 : i32
    %dma_wait3A_431 = arith.constant 0 : i32
    %dma_wait3A_432 = tpu.memref_slice %arg10[%dma_wait3A_430, %dma_wait3A_431] : memref<32x768xf32, #tpu.memory_space<vmem>> -> memref<16x768xf32, #tpu.memory_space<vmem>>
    %dma_wait3A_433 = arith.constant 0 : i32
    %dma_wait3A_434 = tpu.memref_slice %arg5[%dma_wait3A_429, %add3A_294, %dma_wait3A_433] : memref<4x4096x768xf32, #tpu.memory_space<hbm>> -> memref<1x16x768xf32, #tpu.memory_space<hbm>>
    %dma_wait3A_435 = tpu.memref_squeeze %dma_wait3A_434 : memref<1x16x768xf32, #tpu.memory_space<hbm>> -> memref<16x768xf32, #tpu.memory_space<hbm>>
    %dma_wait3A_436 = arith.constant 0 : i32
    %dma_wait3A_437 = tpu.memref_slice %arg5[%dma_wait3A_429, %add3A_294, %dma_wait3A_436] : memref<4x4096x768xf32, #tpu.memory_space<hbm>> -> memref<1x16x768xf32, #tpu.memory_space<hbm>>
    %dma_wait3A_438 = tpu.memref_squeeze %dma_wait3A_437 : memref<1x16x768xf32, #tpu.memory_space<hbm>> -> memref<16x768xf32, #tpu.memory_space<hbm>>
    %dma_wait3A_439 = arith.constant 16 : i32
    %dma_wait3A_440 = arith.constant 0 : i32
    %dma_wait3A_441 = tpu.memref_slice %arg10[%dma_wait3A_439, %dma_wait3A_440] : memref<32x768xf32, #tpu.memory_space<vmem>> -> memref<16x768xf32, #tpu.memory_space<vmem>>
    tpu.wait_dma2 semaphore(%arg26 : memref<!tpu.dma_semaphore, #tpu.memory_space<semaphore_mem>>) src(%dma_wait3A_441 : memref<16x768xf32, #tpu.memory_space<vmem>>) dst(%dma_wait3A_438 : memref<16x768xf32, #tpu.memory_space<hbm>>)
    %dma_start3A_442 = arith.constant 2 : i32
    %dma_start3A_443 = arith.constant 0 : i32
    %dma_start3A_444 = arith.constant 0 : i32
    %dma_start3A_445 = tpu.memref_slice %arg10[%dma_start3A_443, %dma_start3A_444] : memref<32x768xf32, #tpu.memory_space<vmem>> -> memref<16x768xf32, #tpu.memory_space<vmem>>
    %dma_start3A_446 = arith.constant 32 : i32
    %dma_start3A_447 = tpu.memref_slice %arg6[%dma_start3A_442, %dma_start3A_446] : memref<4x128xi32, #tpu.memory_space<vmem>> -> memref<1x16xi32, #tpu.memory_space<vmem>>
    %dma_start3A_448 = tpu.memref_squeeze %dma_start3A_447 : memref<1x16xi32, #tpu.memory_space<vmem>> -> memref<16xi32, #tpu.memory_space<vmem>>
    %dma_start3A_449 = arith.constant 0 : i32
    %dma_start3A_450 = arith.constant 0 : i32
    %dma_start3A_451 = tpu.memref_slice %arg3[%dma_start3A_449, %dma_start3A_450] : memref<100000x768xf32, #tpu.memory_space<hbm>> -> memref<100000x768xf32, #tpu.memory_space<hbm>>
    tpu.enqueue_indirect_dma source(%dma_start3A_451 : memref<100000x768xf32, #tpu.memory_space<hbm>>) target(%dma_start3A_445 : memref<16x768xf32, #tpu.memory_space<vmem>>) offsets(%dma_start3A_448 : memref<16xi32, #tpu.memory_space<vmem>>) semaphore(%arg14 : memref<!tpu.dma_semaphore, #tpu.memory_space<semaphore_mem>>)
    %dma_start3A_452 = arith.constant 2 : i32
    %dma_start3A_453 = arith.constant 16 : i32
    %dma_start3A_454 = arith.constant 0 : i32
    %dma_start3A_455 = tpu.memref_slice %arg10[%dma_start3A_453, %dma_start3A_454] : memref<32x768xf32, #tpu.memory_space<vmem>> -> memref<16x768xf32, #tpu.memory_space<vmem>>
    %dma_start3A_456 = arith.constant 48 : i32
    %dma_start3A_457 = tpu.memref_slice %arg6[%dma_start3A_452, %dma_start3A_456] : memref<4x128xi32, #tpu.memory_space<vmem>> -> memref<1x16xi32, #tpu.memory_space<vmem>>
    %dma_start3A_458 = tpu.memref_squeeze %dma_start3A_457 : memref<1x16xi32, #tpu.memory_space<vmem>> -> memref<16xi32, #tpu.memory_space<vmem>>
    %dma_start3A_459 = arith.constant 0 : i32
    %dma_start3A_460 = arith.constant 0 : i32
    %dma_start3A_461 = tpu.memref_slice %arg3[%dma_start3A_459, %dma_start3A_460] : memref<100000x768xf32, #tpu.memory_space<hbm>> -> memref<100000x768xf32, #tpu.memory_space<hbm>>
    tpu.enqueue_indirect_dma source(%dma_start3A_461 : memref<100000x768xf32, #tpu.memory_space<hbm>>) target(%dma_start3A_455 : memref<16x768xf32, #tpu.memory_space<vmem>>) offsets(%dma_start3A_458 : memref<16xi32, #tpu.memory_space<vmem>>) semaphore(%arg18 : memref<!tpu.dma_semaphore, #tpu.memory_space<semaphore_mem>>)
    %dma_wait3A_462 = arith.constant 0 : i32
    %dma_wait3A_463 = arith.constant 0 : i32
    %dma_wait3A_464 = arith.constant 0 : i32
    %dma_wait3A_465 = tpu.memref_slice %arg8[%dma_wait3A_463, %dma_wait3A_464] : memref<32x768xf32, #tpu.memory_space<vmem>> -> memref<16x768xf32, #tpu.memory_space<vmem>>
    %dma_wait3A_466 = arith.constant 32 : i32
    %dma_wait3A_467 = tpu.memref_slice %arg6[%dma_wait3A_462, %dma_wait3A_466] : memref<4x128xi32, #tpu.memory_space<vmem>> -> memref<1x16xi32, #tpu.memory_space<vmem>>
    %dma_wait3A_468 = tpu.memref_squeeze %dma_wait3A_467 : memref<1x16xi32, #tpu.memory_space<vmem>> -> memref<16xi32, #tpu.memory_space<vmem>>
    %dma_wait3A_469 = arith.constant 0 : i32
    %dma_wait3A_470 = arith.constant 0 : i32
    %dma_wait3A_471 = tpu.memref_slice %arg3[%dma_wait3A_469, %dma_wait3A_470] : memref<100000x768xf32, #tpu.memory_space<hbm>> -> memref<100000x768xf32, #tpu.memory_space<hbm>>
    tpu.wait_indirect_dma semaphore(%arg12 : memref<!tpu.dma_semaphore, #tpu.memory_space<semaphore_mem>>) src(%dma_wait3A_471 : memref<100000x768xf32, #tpu.memory_space<hbm>>) dst(%dma_wait3A_465 : memref<16x768xf32, #tpu.memory_space<vmem>>)
    %parallel_loop3A_472 = arith.constant 0 : i32
    %parallel_loop3A_473 = arith.constant 16 : i32
    %parallel_loop3A_474 = arith.constant 1 : i32
    scf.for %parallel_loop3A_1704 = %parallel_loop3A_472 to %parallel_loop3A_473 step %parallel_loop3A_474  : i32 {
      %parallel_loop3A_1705 = arith.constant 0 : i32
      %parallel_loop3A_1706 = arith.constant 768 : i32
      %parallel_loop3A_1707 = arith.constant 16 : i32
      scf.for %parallel_loop3A_1708 = %parallel_loop3A_1705 to %parallel_loop3A_1706 step %parallel_loop3A_1707  : i32 {
        %parallel_loop3A_1709 = arith.constant 0 : i32
        %parallel_loop3A_1710 = arith.addi %parallel_loop3A_1709, %parallel_loop3A_1704 : i32
        %parallel_loop3A_1711 = arith.index_cast %parallel_loop3A_1710 : i32 to index
        %parallel_loop3A_1712 = arith.index_cast %parallel_loop3A_1708 : i32 to index
        %parallel_loop3A_1713 = tpu.vector_load %arg8[%parallel_loop3A_1711, %parallel_loop3A_1712] {strides = array<i32>} : memref<32x768xf32, #tpu.memory_space<vmem>>, vector<1x16xf32>,
        %parallel_loop3A_1714 = vector.shape_cast %parallel_loop3A_1713 : vector<1x16xf32> to vector<16xf32>
        %parallel_loop3A_1715 = arith.constant 0 : i32
        %parallel_loop3A_1716 = arith.addi %parallel_loop3A_1715, %parallel_loop3A_1704 : i32
        %parallel_loop3A_1717 = arith.index_cast %parallel_loop3A_1716 : i32 to index
        %parallel_loop3A_1718 = arith.index_cast %parallel_loop3A_1708 : i32 to index
        %parallel_loop3A_1719 = tpu.vector_load %arg7[%parallel_loop3A_1717, %parallel_loop3A_1718] {strides = array<i32>} : memref<32x768xf32, #tpu.memory_space<vmem>>, vector<1x16xf32>,
        %parallel_loop3A_1720 = vector.shape_cast %parallel_loop3A_1719 : vector<1x16xf32> to vector<16xf32>
        %parallel_loop3A_1721 = arith.addf %parallel_loop3A_1714, %parallel_loop3A_1720 : vector<16xf32>
        %parallel_loop3A_1722 = arith.constant 0 : i32
        %parallel_loop3A_1723 = arith.addi %parallel_loop3A_1722, %parallel_loop3A_1704 : i32
        %parallel_loop3A_1724 = arith.index_cast %parallel_loop3A_1723 : i32 to index
        %parallel_loop3A_1725 = arith.index_cast %parallel_loop3A_1708 : i32 to index
        %parallel_loop3A_1726 = tpu.vector_load %arg8[%parallel_loop3A_1724, %parallel_loop3A_1725] {strides = array<i32>} : memref<32x768xf32, #tpu.memory_space<vmem>>, vector<1x16xf32>,
        %parallel_loop3A_1727 = vector.shape_cast %parallel_loop3A_1726 : vector<1x16xf32> to vector<16xf32>
        %parallel_loop3A_1728 = vector.shape_cast %parallel_loop3A_1721 : vector<16xf32> to vector<1x16xf32>
        tpu.vector_store %arg8[%parallel_loop3A_1724, %parallel_loop3A_1725], %parallel_loop3A_1728 {strides = array<i32>} : memref<32x768xf32, #tpu.memory_space<vmem>>, vector<1x16xf32>,
      } {sc.loop_unroll_factor = 8 : i64, sc.parallel_access}
    } {sc.loop_unroll_factor = 1 : i64, sc.parallel_access}
    %add3A_475 = arith.constant 32 : i32
    %add3A_476 = arith.addi %mul3A_2, %add3A_475 : i32
    %add3A_477 = arith.constant 0 : i32
    %add3A_478 = arith.addi %add3A_476, %add3A_477 : i32
    %dma_start3A_479 = arith.constant 0 : i32
    %dma_start3A_480 = arith.constant 0 : i32
    %dma_start3A_481 = arith.constant 0 : i32
    %dma_start3A_482 = tpu.memref_slice %arg8[%dma_start3A_480, %dma_start3A_481] : memref<32x768xf32, #tpu.memory_space<vmem>> -> memref<16x768xf32, #tpu.memory_space<vmem>>
    %dma_start3A_483 = arith.constant 0 : i32
    %dma_start3A_484 = tpu.memref_slice %arg5[%dma_start3A_479, %add3A_478, %dma_start3A_483] : memref<4x4096x768xf32, #tpu.memory_space<hbm>> -> memref<1x16x768xf32, #tpu.memory_space<hbm>>
    %dma_start3A_485 = tpu.memref_squeeze %dma_start3A_484 : memref<1x16x768xf32, #tpu.memory_space<hbm>> -> memref<16x768xf32, #tpu.memory_space<hbm>>
    %dma_start3A_486 = arith.constant 0 : i32
    %dma_start3A_487 = tpu.memref_slice %arg5[%dma_start3A_479, %add3A_478, %dma_start3A_486] : memref<4x4096x768xf32, #tpu.memory_space<hbm>> -> memref<1x16x768xf32, #tpu.memory_space<hbm>>
    %dma_start3A_488 = tpu.memref_squeeze %dma_start3A_487 : memref<1x16x768xf32, #tpu.memory_space<hbm>> -> memref<16x768xf32, #tpu.memory_space<hbm>>
    %dma_start3A_489 = arith.constant 0 : i32
    %dma_start3A_490 = arith.constant 0 : i32
    %dma_start3A_491 = tpu.memref_slice %arg8[%dma_start3A_489, %dma_start3A_490] : memref<32x768xf32, #tpu.memory_space<vmem>> -> memref<16x768xf32, #tpu.memory_space<vmem>>
    tpu.enqueue_dma source(%dma_start3A_491 : memref<16x768xf32, #tpu.memory_space<vmem>>) target(%dma_start3A_488 : memref<16x768xf32, #tpu.memory_space<hbm>>) target_semaphore(%arg20 : memref<!tpu.dma_semaphore, #tpu.memory_space<semaphore_mem>>)
    %dma_wait3A_492 = arith.constant 0 : i32
    %dma_wait3A_493 = arith.constant 16 : i32
    %dma_wait3A_494 = arith.constant 0 : i32
    %dma_wait3A_495 = tpu.memref_slice %arg8[%dma_wait3A_493, %dma_wait3A_494] : memref<32x768xf32, #tpu.memory_space<vmem>> -> memref<16x768xf32, #tpu.memory_space<vmem>>
    %dma_wait3A_496 = arith.constant 48 : i32
    %dma_wait3A_497 = tpu.memref_slice %arg6[%dma_wait3A_492, %dma_wait3A_496] : memref<4x128xi32, #tpu.memory_space<vmem>> -> memref<1x16xi32, #tpu.memory_space<vmem>>
    %dma_wait3A_498 = tpu.memref_squeeze %dma_wait3A_497 : memref<1x16xi32, #tpu.memory_space<vmem>> -> memref<16xi32, #tpu.memory_space<vmem>>
    %dma_wait3A_499 = arith.constant 0 : i32
    %dma_wait3A_500 = arith.constant 0 : i32
    %dma_wait3A_501 = tpu.memref_slice %arg3[%dma_wait3A_499, %dma_wait3A_500] : memref<100000x768xf32, #tpu.memory_space<hbm>> -> memref<100000x768xf32, #tpu.memory_space<hbm>>
    tpu.wait_indirect_dma semaphore(%arg16 : memref<!tpu.dma_semaphore, #tpu.memory_space<semaphore_mem>>) src(%dma_wait3A_501 : memref<100000x768xf32, #tpu.memory_space<hbm>>) dst(%dma_wait3A_495 : memref<16x768xf32, #tpu.memory_space<vmem>>)
    %parallel_loop3A_502 = arith.constant 0 : i32
    %parallel_loop3A_503 = arith.constant 16 : i32
    %parallel_loop3A_504 = arith.constant 1 : i32
    scf.for %parallel_loop3A_1704 = %parallel_loop3A_502 to %parallel_loop3A_503 step %parallel_loop3A_504  : i32 {
      %parallel_loop3A_1705 = arith.constant 0 : i32
      %parallel_loop3A_1706 = arith.constant 768 : i32
      %parallel_loop3A_1707 = arith.constant 16 : i32
      scf.for %parallel_loop3A_1708 = %parallel_loop3A_1705 to %parallel_loop3A_1706 step %parallel_loop3A_1707  : i32 {
        %parallel_loop3A_1709 = arith.constant 16 : i32
        %parallel_loop3A_1710 = arith.addi %parallel_loop3A_1709, %parallel_loop3A_1704 : i32
        %parallel_loop3A_1711 = arith.index_cast %parallel_loop3A_1710 : i32 to index
        %parallel_loop3A_1712 = arith.index_cast %parallel_loop3A_1708 : i32 to index
        %parallel_loop3A_1713 = tpu.vector_load %arg8[%parallel_loop3A_1711, %parallel_loop3A_1712] {strides = array<i32>} : memref<32x768xf32, #tpu.memory_space<vmem>>, vector<1x16xf32>,
        %parallel_loop3A_1714 = vector.shape_cast %parallel_loop3A_1713 : vector<1x16xf32> to vector<16xf32>
        %parallel_loop3A_1715 = arith.constant 16 : i32
        %parallel_loop3A_1716 = arith.addi %parallel_loop3A_1715, %parallel_loop3A_1704 : i32
        %parallel_loop3A_1717 = arith.index_cast %parallel_loop3A_1716 : i32 to index
        %parallel_loop3A_1718 = arith.index_cast %parallel_loop3A_1708 : i32 to index
        %parallel_loop3A_1719 = tpu.vector_load %arg7[%parallel_loop3A_1717, %parallel_loop3A_1718] {strides = array<i32>} : memref<32x768xf32, #tpu.memory_space<vmem>>, vector<1x16xf32>,
        %parallel_loop3A_1720 = vector.shape_cast %parallel_loop3A_1719 : vector<1x16xf32> to vector<16xf32>
        %parallel_loop3A_1721 = arith.addf %parallel_loop3A_1714, %parallel_loop3A_1720 : vector<16xf32>
        %parallel_loop3A_1722 = arith.constant 16 : i32
        %parallel_loop3A_1723 = arith.addi %parallel_loop3A_1722, %parallel_loop3A_1704 : i32
        %parallel_loop3A_1724 = arith.index_cast %parallel_loop3A_1723 : i32 to index
        %parallel_loop3A_1725 = arith.index_cast %parallel_loop3A_1708 : i32 to index
        %parallel_loop3A_1726 = tpu.vector_load %arg8[%parallel_loop3A_1724, %parallel_loop3A_1725] {strides = array<i32>} : memref<32x768xf32, #tpu.memory_space<vmem>>, vector<1x16xf32>,
        %parallel_loop3A_1727 = vector.shape_cast %parallel_loop3A_1726 : vector<1x16xf32> to vector<16xf32>
        %parallel_loop3A_1728 = vector.shape_cast %parallel_loop3A_1721 : vector<16xf32> to vector<1x16xf32>
        tpu.vector_store %arg8[%parallel_loop3A_1724, %parallel_loop3A_1725], %parallel_loop3A_1728 {strides = array<i32>} : memref<32x768xf32, #tpu.memory_space<vmem>>, vector<1x16xf32>,
      } {sc.loop_unroll_factor = 8 : i64, sc.parallel_access}
    } {sc.loop_unroll_factor = 1 : i64, sc.parallel_access}
    %add3A_505 = arith.constant 32 : i32
    %add3A_506 = arith.addi %mul3A_2, %add3A_505 : i32
    %add3A_507 = arith.constant 16 : i32
    %add3A_508 = arith.addi %add3A_506, %add3A_507 : i32
    %dma_start3A_509 = arith.constant 0 : i32
    %dma_start3A_510 = arith.constant 16 : i32
    %dma_start3A_511 = arith.constant 0 : i32
    %dma_start3A_512 = tpu.memref_slice %arg8[%dma_start3A_510, %dma_start3A_511] : memref<32x768xf32, #tpu.memory_space<vmem>> -> memref<16x768xf32, #tpu.memory_space<vmem>>
    %dma_start3A_513 = arith.constant 0 : i32
    %dma_start3A_514 = tpu.memref_slice %arg5[%dma_start3A_509, %add3A_508, %dma_start3A_513] : memref<4x4096x768xf32, #tpu.memory_space<hbm>> -> memref<1x16x768xf32, #tpu.memory_space<hbm>>
    %dma_start3A_515 = tpu.memref_squeeze %dma_start3A_514 : memref<1x16x768xf32, #tpu.memory_space<hbm>> -> memref<16x768xf32, #tpu.memory_space<hbm>>
    %dma_start3A_516 = arith.constant 0 : i32
    %dma_start3A_517 = tpu.memref_slice %arg5[%dma_start3A_509, %add3A_508, %dma_start3A_516] : memref<4x4096x768xf32, #tpu.memory_space<hbm>> -> memref<1x16x768xf32, #tpu.memory_space<hbm>>
    %dma_start3A_518 = tpu.memref_squeeze %dma_start3A_517 : memref<1x16x768xf32, #tpu.memory_space<hbm>> -> memref<16x768xf32, #tpu.memory_space<hbm>>
    %dma_start3A_519 = arith.constant 16 : i32
    %dma_start3A_520 = arith.constant 0 : i32
    %dma_start3A_521 = tpu.memref_slice %arg8[%dma_start3A_519, %dma_start3A_520] : memref<32x768xf32, #tpu.memory_space<vmem>> -> memref<16x768xf32, #tpu.memory_space<vmem>>
    tpu.enqueue_dma source(%dma_start3A_521 : memref<16x768xf32, #tpu.memory_space<vmem>>) target(%dma_start3A_518 : memref<16x768xf32, #tpu.memory_space<hbm>>) target_semaphore(%arg24 : memref<!tpu.dma_semaphore, #tpu.memory_space<semaphore_mem>>)
    %dma_wait3A_522 = arith.constant 3 : i32
    %dma_wait3A_523 = arith.constant 0 : i32
    %dma_wait3A_524 = arith.constant 0 : i32
    %dma_wait3A_525 = tpu.memref_slice %arg11[%dma_wait3A_523, %dma_wait3A_524] : memref<32x768xf32, #tpu.memory_space<vmem>> -> memref<16x768xf32, #tpu.memory_space<vmem>>
    %dma_wait3A_526 = arith.constant 0 : i32
    %dma_wait3A_527 = tpu.memref_slice %arg5[%dma_wait3A_522, %add3A_370, %dma_wait3A_526] : memref<4x4096x768xf32, #tpu.memory_space<hbm>> -> memref<1x16x768xf32, #tpu.memory_space<hbm>>
    %dma_wait3A_528 = tpu.memref_squeeze %dma_wait3A_527 : memref<1x16x768xf32, #tpu.memory_space<hbm>> -> memref<16x768xf32, #tpu.memory_space<hbm>>
    %dma_wait3A_529 = arith.constant 0 : i32
    %dma_wait3A_530 = tpu.memref_slice %arg5[%dma_wait3A_522, %add3A_370, %dma_wait3A_529] : memref<4x4096x768xf32, #tpu.memory_space<hbm>> -> memref<1x16x768xf32, #tpu.memory_space<hbm>>
    %dma_wait3A_531 = tpu.memref_squeeze %dma_wait3A_530 : memref<1x16x768xf32, #tpu.memory_space<hbm>> -> memref<16x768xf32, #tpu.memory_space<hbm>>
    %dma_wait3A_532 = arith.constant 0 : i32
    %dma_wait3A_533 = arith.constant 0 : i32
    %dma_wait3A_534 = tpu.memref_slice %arg11[%dma_wait3A_532, %dma_wait3A_533] : memref<32x768xf32, #tpu.memory_space<vmem>> -> memref<16x768xf32, #tpu.memory_space<vmem>>
    tpu.wait_dma2 semaphore(%arg23 : memref<!tpu.dma_semaphore, #tpu.memory_space<semaphore_mem>>) src(%dma_wait3A_534 : memref<16x768xf32, #tpu.memory_space<vmem>>) dst(%dma_wait3A_531 : memref<16x768xf32, #tpu.memory_space<hbm>>)
    %dma_wait3A_535 = arith.constant 3 : i32
    %dma_wait3A_536 = arith.constant 16 : i32
    %dma_wait3A_537 = arith.constant 0 : i32
    %dma_wait3A_538 = tpu.memref_slice %arg11[%dma_wait3A_536, %dma_wait3A_537] : memref<32x768xf32, #tpu.memory_space<vmem>> -> memref<16x768xf32, #tpu.memory_space<vmem>>
    %dma_wait3A_539 = arith.constant 0 : i32
    %dma_wait3A_540 = tpu.memref_slice %arg5[%dma_wait3A_535, %add3A_400, %dma_wait3A_539] : memref<4x4096x768xf32, #tpu.memory_space<hbm>> -> memref<1x16x768xf32, #tpu.memory_space<hbm>>
    %dma_wait3A_541 = tpu.memref_squeeze %dma_wait3A_540 : memref<1x16x768xf32, #tpu.memory_space<hbm>> -> memref<16x768xf32, #tpu.memory_space<hbm>>
    %dma_wait3A_542 = arith.constant 0 : i32
    %dma_wait3A_543 = tpu.memref_slice %arg5[%dma_wait3A_535, %add3A_400, %dma_wait3A_542] : memref<4x4096x768xf32, #tpu.memory_space<hbm>> -> memref<1x16x768xf32, #tpu.memory_space<hbm>>
    %dma_wait3A_544 = tpu.memref_squeeze %dma_wait3A_543 : memref<1x16x768xf32, #tpu.memory_space<hbm>> -> memref<16x768xf32, #tpu.memory_space<hbm>>
    %dma_wait3A_545 = arith.constant 16 : i32
    %dma_wait3A_546 = arith.constant 0 : i32
    %dma_wait3A_547 = tpu.memref_slice %arg11[%dma_wait3A_545, %dma_wait3A_546] : memref<32x768xf32, #tpu.memory_space<vmem>> -> memref<16x768xf32, #tpu.memory_space<vmem>>
    tpu.wait_dma2 semaphore(%arg27 : memref<!tpu.dma_semaphore, #tpu.memory_space<semaphore_mem>>) src(%dma_wait3A_547 : memref<16x768xf32, #tpu.memory_space<vmem>>) dst(%dma_wait3A_544 : memref<16x768xf32, #tpu.memory_space<hbm>>)
    %dma_start3A_548 = arith.constant 3 : i32
    %dma_start3A_549 = arith.constant 0 : i32
    %dma_start3A_550 = arith.constant 0 : i32
    %dma_start3A_551 = tpu.memref_slice %arg11[%dma_start3A_549, %dma_start3A_550] : memref<32x768xf32, #tpu.memory_space<vmem>> -> memref<16x768xf32, #tpu.memory_space<vmem>>
    %dma_start3A_552 = arith.constant 32 : i32
    %dma_start3A_553 = tpu.memref_slice %arg6[%dma_start3A_548, %dma_start3A_552] : memref<4x128xi32, #tpu.memory_space<vmem>> -> memref<1x16xi32, #tpu.memory_space<vmem>>
    %dma_start3A_554 = tpu.memref_squeeze %dma_start3A_553 : memref<1x16xi32, #tpu.memory_space<vmem>> -> memref<16xi32, #tpu.memory_space<vmem>>
    %dma_start3A_555 = arith.constant 0 : i32
    %dma_start3A_556 = arith.constant 0 : i32
    %dma_start3A_557 = tpu.memref_slice %arg3[%dma_start3A_555, %dma_start3A_556] : memref<100000x768xf32, #tpu.memory_space<hbm>> -> memref<100000x768xf32, #tpu.memory_space<hbm>>
    tpu.enqueue_indirect_dma source(%dma_start3A_557 : memref<100000x768xf32, #tpu.memory_space<hbm>>) target(%dma_start3A_551 : memref<16x768xf32, #tpu.memory_space<vmem>>) offsets(%dma_start3A_554 : memref<16xi32, #tpu.memory_space<vmem>>) semaphore(%arg15 : memref<!tpu.dma_semaphore, #tpu.memory_space<semaphore_mem>>)
    %dma_start3A_558 = arith.constant 3 : i32
    %dma_start3A_559 = arith.constant 16 : i32
    %dma_start3A_560 = arith.constant 0 : i32
    %dma_start3A_561 = tpu.memref_slice %arg11[%dma_start3A_559, %dma_start3A_560] : memref<32x768xf32, #tpu.memory_space<vmem>> -> memref<16x768xf32, #tpu.memory_space<vmem>>
    %dma_start3A_562 = arith.constant 48 : i32
    %dma_start3A_563 = tpu.memref_slice %arg6[%dma_start3A_558, %dma_start3A_562] : memref<4x128xi32, #tpu.memory_space<vmem>> -> memref<1x16xi32, #tpu.memory_space<vmem>>
    %dma_start3A_564 = tpu.memref_squeeze %dma_start3A_563 : memref<1x16xi32, #tpu.memory_space<vmem>> -> memref<16xi32, #tpu.memory_space<vmem>>
    %dma_start3A_565 = arith.constant 0 : i32
    %dma_start3A_566 = arith.constant 0 : i32
    %dma_start3A_567 = tpu.memref_slice %arg3[%dma_start3A_565, %dma_start3A_566] : memref<100000x768xf32, #tpu.memory_space<hbm>> -> memref<100000x768xf32, #tpu.memory_space<hbm>>
    tpu.enqueue_indirect_dma source(%dma_start3A_567 : memref<100000x768xf32, #tpu.memory_space<hbm>>) target(%dma_start3A_561 : memref<16x768xf32, #tpu.memory_space<vmem>>) offsets(%dma_start3A_564 : memref<16xi32, #tpu.memory_space<vmem>>) semaphore(%arg19 : memref<!tpu.dma_semaphore, #tpu.memory_space<semaphore_mem>>)
    %dma_wait3A_568 = arith.constant 1 : i32
    %dma_wait3A_569 = arith.constant 0 : i32
    %dma_wait3A_570 = arith.constant 0 : i32
    %dma_wait3A_571 = tpu.memref_slice %arg9[%dma_wait3A_569, %dma_wait3A_570] : memref<32x768xf32, #tpu.memory_space<vmem>> -> memref<16x768xf32, #tpu.memory_space<vmem>>
    %dma_wait3A_572 = arith.constant 32 : i32
    %dma_wait3A_573 = tpu.memref_slice %arg6[%dma_wait3A_568, %dma_wait3A_572] : memref<4x128xi32, #tpu.memory_space<vmem>> -> memref<1x16xi32, #tpu.memory_space<vmem>>
    %dma_wait3A_574 = tpu.memref_squeeze %dma_wait3A_573 : memref<1x16xi32, #tpu.memory_space<vmem>> -> memref<16xi32, #tpu.memory_space<vmem>>
    %dma_wait3A_575 = arith.constant 0 : i32
    %dma_wait3A_576 = arith.constant 0 : i32
    %dma_wait3A_577 = tpu.memref_slice %arg3[%dma_wait3A_575, %dma_wait3A_576] : memref<100000x768xf32, #tpu.memory_space<hbm>> -> memref<100000x768xf32, #tpu.memory_space<hbm>>
    tpu.wait_indirect_dma semaphore(%arg13 : memref<!tpu.dma_semaphore, #tpu.memory_space<semaphore_mem>>) src(%dma_wait3A_577 : memref<100000x768xf32, #tpu.memory_space<hbm>>) dst(%dma_wait3A_571 : memref<16x768xf32, #tpu.memory_space<vmem>>)
    %parallel_loop3A_578 = arith.constant 0 : i32
    %parallel_loop3A_579 = arith.constant 16 : i32
    %parallel_loop3A_580 = arith.constant 1 : i32
    scf.for %parallel_loop3A_1704 = %parallel_loop3A_578 to %parallel_loop3A_579 step %parallel_loop3A_580  : i32 {
      %parallel_loop3A_1705 = arith.constant 0 : i32
      %parallel_loop3A_1706 = arith.constant 768 : i32
      %parallel_loop3A_1707 = arith.constant 16 : i32
      scf.for %parallel_loop3A_1708 = %parallel_loop3A_1705 to %parallel_loop3A_1706 step %parallel_loop3A_1707  : i32 {
        %parallel_loop3A_1709 = arith.constant 0 : i32
        %parallel_loop3A_1710 = arith.addi %parallel_loop3A_1709, %parallel_loop3A_1704 : i32
        %parallel_loop3A_1711 = arith.index_cast %parallel_loop3A_1710 : i32 to index
        %parallel_loop3A_1712 = arith.index_cast %parallel_loop3A_1708 : i32 to index
        %parallel_loop3A_1713 = tpu.vector_load %arg9[%parallel_loop3A_1711, %parallel_loop3A_1712] {strides = array<i32>} : memref<32x768xf32, #tpu.memory_space<vmem>>, vector<1x16xf32>,
        %parallel_loop3A_1714 = vector.shape_cast %parallel_loop3A_1713 : vector<1x16xf32> to vector<16xf32>
        %parallel_loop3A_1715 = arith.constant 0 : i32
        %parallel_loop3A_1716 = arith.addi %parallel_loop3A_1715, %parallel_loop3A_1704 : i32
        %parallel_loop3A_1717 = arith.index_cast %parallel_loop3A_1716 : i32 to index
        %parallel_loop3A_1718 = arith.index_cast %parallel_loop3A_1708 : i32 to index
        %parallel_loop3A_1719 = tpu.vector_load %arg7[%parallel_loop3A_1717, %parallel_loop3A_1718] {strides = array<i32>} : memref<32x768xf32, #tpu.memory_space<vmem>>, vector<1x16xf32>,
        %parallel_loop3A_1720 = vector.shape_cast %parallel_loop3A_1719 : vector<1x16xf32> to vector<16xf32>
        %parallel_loop3A_1721 = arith.addf %parallel_loop3A_1714, %parallel_loop3A_1720 : vector<16xf32>
        %parallel_loop3A_1722 = arith.constant 0 : i32
        %parallel_loop3A_1723 = arith.addi %parallel_loop3A_1722, %parallel_loop3A_1704 : i32
        %parallel_loop3A_1724 = arith.index_cast %parallel_loop3A_1723 : i32 to index
        %parallel_loop3A_1725 = arith.index_cast %parallel_loop3A_1708 : i32 to index
        %parallel_loop3A_1726 = tpu.vector_load %arg9[%parallel_loop3A_1724, %parallel_loop3A_1725] {strides = array<i32>} : memref<32x768xf32, #tpu.memory_space<vmem>>, vector<1x16xf32>,
        %parallel_loop3A_1727 = vector.shape_cast %parallel_loop3A_1726 : vector<1x16xf32> to vector<16xf32>
        %parallel_loop3A_1728 = vector.shape_cast %parallel_loop3A_1721 : vector<16xf32> to vector<1x16xf32>
        tpu.vector_store %arg9[%parallel_loop3A_1724, %parallel_loop3A_1725], %parallel_loop3A_1728 {strides = array<i32>} : memref<32x768xf32, #tpu.memory_space<vmem>>, vector<1x16xf32>,
      } {sc.loop_unroll_factor = 8 : i64, sc.parallel_access}
    } {sc.loop_unroll_factor = 1 : i64, sc.parallel_access}
    %add3A_581 = arith.constant 32 : i32
    %add3A_582 = arith.addi %mul3A_2, %add3A_581 : i32
    %add3A_583 = arith.constant 0 : i32
    %add3A_584 = arith.addi %add3A_582, %add3A_583 : i32
    %dma_start3A_585 = arith.constant 1 : i32
    %dma_start3A_586 = arith.constant 0 : i32
    %dma_start3A_587 = arith.constant 0 : i32
    %dma_start3A_588 = tpu.memref_slice %arg9[%dma_start3A_586, %dma_start3A_587] : memref<32x768xf32, #tpu.memory_space<vmem>> -> memref<16x768xf32, #tpu.memory_space<vmem>>
    %dma_start3A_589 = arith.constant 0 : i32
    %dma_start3A_590 = tpu.memref_slice %arg5[%dma_start3A_585, %add3A_584, %dma_start3A_589] : memref<4x4096x768xf32, #tpu.memory_space<hbm>> -> memref<1x16x768xf32, #tpu.memory_space<hbm>>
    %dma_start3A_591 = tpu.memref_squeeze %dma_start3A_590 : memref<1x16x768xf32, #tpu.memory_space<hbm>> -> memref<16x768xf32, #tpu.memory_space<hbm>>
    %dma_start3A_592 = arith.constant 0 : i32
    %dma_start3A_593 = tpu.memref_slice %arg5[%dma_start3A_585, %add3A_584, %dma_start3A_592] : memref<4x4096x768xf32, #tpu.memory_space<hbm>> -> memref<1x16x768xf32, #tpu.memory_space<hbm>>
    %dma_start3A_594 = tpu.memref_squeeze %dma_start3A_593 : memref<1x16x768xf32, #tpu.memory_space<hbm>> -> memref<16x768xf32, #tpu.memory_space<hbm>>
    %dma_start3A_595 = arith.constant 0 : i32
    %dma_start3A_596 = arith.constant 0 : i32
    %dma_start3A_597 = tpu.memref_slice %arg9[%dma_start3A_595, %dma_start3A_596] : memref<32x768xf32, #tpu.memory_space<vmem>> -> memref<16x768xf32, #tpu.memory_space<vmem>>
    tpu.enqueue_dma source(%dma_start3A_597 : memref<16x768xf32, #tpu.memory_space<vmem>>) target(%dma_start3A_594 : memref<16x768xf32, #tpu.memory_space<hbm>>) target_semaphore(%arg21 : memref<!tpu.dma_semaphore, #tpu.memory_space<semaphore_mem>>)
    %dma_wait3A_598 = arith.constant 1 : i32
    %dma_wait3A_599 = arith.constant 16 : i32
    %dma_wait3A_600 = arith.constant 0 : i32
    %dma_wait3A_601 = tpu.memref_slice %arg9[%dma_wait3A_599, %dma_wait3A_600] : memref<32x768xf32, #tpu.memory_space<vmem>> -> memref<16x768xf32, #tpu.memory_space<vmem>>
    %dma_wait3A_602 = arith.constant 48 : i32
    %dma_wait3A_603 = tpu.memref_slice %arg6[%dma_wait3A_598, %dma_wait3A_602] : memref<4x128xi32, #tpu.memory_space<vmem>> -> memref<1x16xi32, #tpu.memory_space<vmem>>
    %dma_wait3A_604 = tpu.memref_squeeze %dma_wait3A_603 : memref<1x16xi32, #tpu.memory_space<vmem>> -> memref<16xi32, #tpu.memory_space<vmem>>
    %dma_wait3A_605 = arith.constant 0 : i32
    %dma_wait3A_606 = arith.constant 0 : i32
    %dma_wait3A_607 = tpu.memref_slice %arg3[%dma_wait3A_605, %dma_wait3A_606] : memref<100000x768xf32, #tpu.memory_space<hbm>> -> memref<100000x768xf32, #tpu.memory_space<hbm>>
    tpu.wait_indirect_dma semaphore(%arg17 : memref<!tpu.dma_semaphore, #tpu.memory_space<semaphore_mem>>) src(%dma_wait3A_607 : memref<100000x768xf32, #tpu.memory_space<hbm>>) dst(%dma_wait3A_601 : memref<16x768xf32, #tpu.memory_space<vmem>>)
    %parallel_loop3A_608 = arith.constant 0 : i32
    %parallel_loop3A_609 = arith.constant 16 : i32
    %parallel_loop3A_610 = arith.constant 1 : i32
    scf.for %parallel_loop3A_1704 = %parallel_loop3A_608 to %parallel_loop3A_609 step %parallel_loop3A_610  : i32 {
      %parallel_loop3A_1705 = arith.constant 0 : i32
      %parallel_loop3A_1706 = arith.constant 768 : i32
      %parallel_loop3A_1707 = arith.constant 16 : i32
      scf.for %parallel_loop3A_1708 = %parallel_loop3A_1705 to %parallel_loop3A_1706 step %parallel_loop3A_1707  : i32 {
        %parallel_loop3A_1709 = arith.constant 16 : i32
        %parallel_loop3A_1710 = arith.addi %parallel_loop3A_1709, %parallel_loop3A_1704 : i32
        %parallel_loop3A_1711 = arith.index_cast %parallel_loop3A_1710 : i32 to index
        %parallel_loop3A_1712 = arith.index_cast %parallel_loop3A_1708 : i32 to index
        %parallel_loop3A_1713 = tpu.vector_load %arg9[%parallel_loop3A_1711, %parallel_loop3A_1712] {strides = array<i32>} : memref<32x768xf32, #tpu.memory_space<vmem>>, vector<1x16xf32>,
        %parallel_loop3A_1714 = vector.shape_cast %parallel_loop3A_1713 : vector<1x16xf32> to vector<16xf32>
        %parallel_loop3A_1715 = arith.constant 16 : i32
        %parallel_loop3A_1716 = arith.addi %parallel_loop3A_1715, %parallel_loop3A_1704 : i32
        %parallel_loop3A_1717 = arith.index_cast %parallel_loop3A_1716 : i32 to index
        %parallel_loop3A_1718 = arith.index_cast %parallel_loop3A_1708 : i32 to index
        %parallel_loop3A_1719 = tpu.vector_load %arg7[%parallel_loop3A_1717, %parallel_loop3A_1718] {strides = array<i32>} : memref<32x768xf32, #tpu.memory_space<vmem>>, vector<1x16xf32>,
        %parallel_loop3A_1720 = vector.shape_cast %parallel_loop3A_1719 : vector<1x16xf32> to vector<16xf32>
        %parallel_loop3A_1721 = arith.addf %parallel_loop3A_1714, %parallel_loop3A_1720 : vector<16xf32>
        %parallel_loop3A_1722 = arith.constant 16 : i32
        %parallel_loop3A_1723 = arith.addi %parallel_loop3A_1722, %parallel_loop3A_1704 : i32
        %parallel_loop3A_1724 = arith.index_cast %parallel_loop3A_1723 : i32 to index
        %parallel_loop3A_1725 = arith.index_cast %parallel_loop3A_1708 : i32 to index
        %parallel_loop3A_1726 = tpu.vector_load %arg9[%parallel_loop3A_1724, %parallel_loop3A_1725] {strides = array<i32>} : memref<32x768xf32, #tpu.memory_space<vmem>>, vector<1x16xf32>,
        %parallel_loop3A_1727 = vector.shape_cast %parallel_loop3A_1726 : vector<1x16xf32> to vector<16xf32>
        %parallel_loop3A_1728 = vector.shape_cast %parallel_loop3A_1721 : vector<16xf32> to vector<1x16xf32>
        tpu.vector_store %arg9[%parallel_loop3A_1724, %parallel_loop3A_1725], %parallel_loop3A_1728 {strides = array<i32>} : memref<32x768xf32, #tpu.memory_space<vmem>>, vector<1x16xf32>,
      } {sc.loop_unroll_factor = 8 : i64, sc.parallel_access}
    } {sc.loop_unroll_factor = 1 : i64, sc.parallel_access}
    %add3A_611 = arith.constant 32 : i32
    %add3A_612 = arith.addi %mul3A_2, %add3A_611 : i32
    %add3A_613 = arith.constant 16 : i32
    %add3A_614 = arith.addi %add3A_612, %add3A_613 : i32
    %dma_start3A_615 = arith.constant 1 : i32
    %dma_start3A_616 = arith.constant 16 : i32
    %dma_start3A_617 = arith.constant 0 : i32
    %dma_start3A_618 = tpu.memref_slice %arg9[%dma_start3A_616, %dma_start3A_617] : memref<32x768xf32, #tpu.memory_space<vmem>> -> memref<16x768xf32, #tpu.memory_space<vmem>>
    %dma_start3A_619 = arith.constant 0 : i32
    %dma_start3A_620 = tpu.memref_slice %arg5[%dma_start3A_615, %add3A_614, %dma_start3A_619] : memref<4x4096x768xf32, #tpu.memory_space<hbm>> -> memref<1x16x768xf32, #tpu.memory_space<hbm>>
    %dma_start3A_621 = tpu.memref_squeeze %dma_start3A_620 : memref<1x16x768xf32, #tpu.memory_space<hbm>> -> memref<16x768xf32, #tpu.memory_space<hbm>>
    %dma_start3A_622 = arith.constant 0 : i32
    %dma_start3A_623 = tpu.memref_slice %arg5[%dma_start3A_615, %add3A_614, %dma_start3A_622] : memref<4x4096x768xf32, #tpu.memory_space<hbm>> -> memref<1x16x768xf32, #tpu.memory_space<hbm>>
    %dma_start3A_624 = tpu.memref_squeeze %dma_start3A_623 : memref<1x16x768xf32, #tpu.memory_space<hbm>> -> memref<16x768xf32, #tpu.memory_space<hbm>>
    %dma_start3A_625 = arith.constant 16 : i32
    %dma_start3A_626 = arith.constant 0 : i32
    %dma_start3A_627 = tpu.memref_slice %arg9[%dma_start3A_625, %dma_start3A_626] : memref<32x768xf32, #tpu.memory_space<vmem>> -> memref<16x768xf32, #tpu.memory_space<vmem>>
    tpu.enqueue_dma source(%dma_start3A_627 : memref<16x768xf32, #tpu.memory_space<vmem>>) target(%dma_start3A_624 : memref<16x768xf32, #tpu.memory_space<hbm>>) target_semaphore(%arg25 : memref<!tpu.dma_semaphore, #tpu.memory_space<semaphore_mem>>)
    %dma_wait3A_628 = arith.constant 0 : i32
    %dma_wait3A_629 = arith.constant 0 : i32
    %dma_wait3A_630 = arith.constant 0 : i32
    %dma_wait3A_631 = tpu.memref_slice %arg8[%dma_wait3A_629, %dma_wait3A_630] : memref<32x768xf32, #tpu.memory_space<vmem>> -> memref<16x768xf32, #tpu.memory_space<vmem>>
    %dma_wait3A_632 = arith.constant 0 : i32
    %dma_wait3A_633 = tpu.memref_slice %arg5[%dma_wait3A_628, %add3A_478, %dma_wait3A_632] : memref<4x4096x768xf32, #tpu.memory_space<hbm>> -> memref<1x16x768xf32, #tpu.memory_space<hbm>>
    %dma_wait3A_634 = tpu.memref_squeeze %dma_wait3A_633 : memref<1x16x768xf32, #tpu.memory_space<hbm>> -> memref<16x768xf32, #tpu.memory_space<hbm>>
    %dma_wait3A_635 = arith.constant 0 : i32
    %dma_wait3A_636 = tpu.memref_slice %arg5[%dma_wait3A_628, %add3A_478, %dma_wait3A_635] : memref<4x4096x768xf32, #tpu.memory_space<hbm>> -> memref<1x16x768xf32, #tpu.memory_space<hbm>>
    %dma_wait3A_637 = tpu.memref_squeeze %dma_wait3A_636 : memref<1x16x768xf32, #tpu.memory_space<hbm>> -> memref<16x768xf32, #tpu.memory_space<hbm>>
    %dma_wait3A_638 = arith.constant 0 : i32
    %dma_wait3A_639 = arith.constant 0 : i32
    %dma_wait3A_640 = tpu.memref_slice %arg8[%dma_wait3A_638, %dma_wait3A_639] : memref<32x768xf32, #tpu.memory_space<vmem>> -> memref<16x768xf32, #tpu.memory_space<vmem>>
    tpu.wait_dma2 semaphore(%arg20 : memref<!tpu.dma_semaphore, #tpu.memory_space<semaphore_mem>>) src(%dma_wait3A_640 : memref<16x768xf32, #tpu.memory_space<vmem>>) dst(%dma_wait3A_637 : memref<16x768xf32, #tpu.memory_space<hbm>>)
    %dma_wait3A_641 = arith.constant 0 : i32
    %dma_wait3A_642 = arith.constant 16 : i32
    %dma_wait3A_643 = arith.constant 0 : i32
    %dma_wait3A_644 = tpu.memref_slice %arg8[%dma_wait3A_642, %dma_wait3A_643] : memref<32x768xf32, #tpu.memory_space<vmem>> -> memref<16x768xf32, #tpu.memory_space<vmem>>
    %dma_wait3A_645 = arith.constant 0 : i32
    %dma_wait3A_646 = tpu.memref_slice %arg5[%dma_wait3A_641, %add3A_508, %dma_wait3A_645] : memref<4x4096x768xf32, #tpu.memory_space<hbm>> -> memref<1x16x768xf32, #tpu.memory_space<hbm>>
    %dma_wait3A_647 = tpu.memref_squeeze %dma_wait3A_646 : memref<1x16x768xf32, #tpu.memory_space<hbm>> -> memref<16x768xf32, #tpu.memory_space<hbm>>
    %dma_wait3A_648 = arith.constant 0 : i32
    %dma_wait3A_649 = tpu.memref_slice %arg5[%dma_wait3A_641, %add3A_508, %dma_wait3A_648] : memref<4x4096x768xf32, #tpu.memory_space<hbm>> -> memref<1x16x768xf32, #tpu.memory_space<hbm>>
    %dma_wait3A_650 = tpu.memref_squeeze %dma_wait3A_649 : memref<1x16x768xf32, #tpu.memory_space<hbm>> -> memref<16x768xf32, #tpu.memory_space<hbm>>
    %dma_wait3A_651 = arith.constant 16 : i32
    %dma_wait3A_652 = arith.constant 0 : i32
    %dma_wait3A_653 = tpu.memref_slice %arg8[%dma_wait3A_651, %dma_wait3A_652] : memref<32x768xf32, #tpu.memory_space<vmem>> -> memref<16x768xf32, #tpu.memory_space<vmem>>
    tpu.wait_dma2 semaphore(%arg24 : memref<!tpu.dma_semaphore, #tpu.memory_space<semaphore_mem>>) src(%dma_wait3A_653 : memref<16x768xf32, #tpu.memory_space<vmem>>) dst(%dma_wait3A_650 : memref<16x768xf32, #tpu.memory_space<hbm>>)
    %dma_start3A_654 = arith.constant 0 : i32
    %dma_start3A_655 = arith.constant 0 : i32
    %dma_start3A_656 = arith.constant 0 : i32
    %dma_start3A_657 = tpu.memref_slice %arg8[%dma_start3A_655, %dma_start3A_656] : memref<32x768xf32, #tpu.memory_space<vmem>> -> memref<16x768xf32, #tpu.memory_space<vmem>>
    %dma_start3A_658 = arith.constant 64 : i32
    %dma_start3A_659 = tpu.memref_slice %arg6[%dma_start3A_654, %dma_start3A_658] : memref<4x128xi32, #tpu.memory_space<vmem>> -> memref<1x16xi32, #tpu.memory_space<vmem>>
    %dma_start3A_660 = tpu.memref_squeeze %dma_start3A_659 : memref<1x16xi32, #tpu.memory_space<vmem>> -> memref<16xi32, #tpu.memory_space<vmem>>
    %dma_start3A_661 = arith.constant 0 : i32
    %dma_start3A_662 = arith.constant 0 : i32
    %dma_start3A_663 = tpu.memref_slice %arg3[%dma_start3A_661, %dma_start3A_662] : memref<100000x768xf32, #tpu.memory_space<hbm>> -> memref<100000x768xf32, #tpu.memory_space<hbm>>
    tpu.enqueue_indirect_dma source(%dma_start3A_663 : memref<100000x768xf32, #tpu.memory_space<hbm>>) target(%dma_start3A_657 : memref<16x768xf32, #tpu.memory_space<vmem>>) offsets(%dma_start3A_660 : memref<16xi32, #tpu.memory_space<vmem>>) semaphore(%arg12 : memref<!tpu.dma_semaphore, #tpu.memory_space<semaphore_mem>>)
    %dma_start3A_664 = arith.constant 0 : i32
    %dma_start3A_665 = arith.constant 16 : i32
    %dma_start3A_666 = arith.constant 0 : i32
    %dma_start3A_667 = tpu.memref_slice %arg8[%dma_start3A_665, %dma_start3A_666] : memref<32x768xf32, #tpu.memory_space<vmem>> -> memref<16x768xf32, #tpu.memory_space<vmem>>
    %dma_start3A_668 = arith.constant 80 : i32
    %dma_start3A_669 = tpu.memref_slice %arg6[%dma_start3A_664, %dma_start3A_668] : memref<4x128xi32, #tpu.memory_space<vmem>> -> memref<1x16xi32, #tpu.memory_space<vmem>>
    %dma_start3A_670 = tpu.memref_squeeze %dma_start3A_669 : memref<1x16xi32, #tpu.memory_space<vmem>> -> memref<16xi32, #tpu.memory_space<vmem>>
    %dma_start3A_671 = arith.constant 0 : i32
    %dma_start3A_672 = arith.constant 0 : i32
    %dma_start3A_673 = tpu.memref_slice %arg3[%dma_start3A_671, %dma_start3A_672] : memref<100000x768xf32, #tpu.memory_space<hbm>> -> memref<100000x768xf32, #tpu.memory_space<hbm>>
    tpu.enqueue_indirect_dma source(%dma_start3A_673 : memref<100000x768xf32, #tpu.memory_space<hbm>>) target(%dma_start3A_667 : memref<16x768xf32, #tpu.memory_space<vmem>>) offsets(%dma_start3A_670 : memref<16xi32, #tpu.memory_space<vmem>>) semaphore(%arg16 : memref<!tpu.dma_semaphore, #tpu.memory_space<semaphore_mem>>)
    %dma_wait3A_674 = arith.constant 2 : i32
    %dma_wait3A_675 = arith.constant 0 : i32
    %dma_wait3A_676 = arith.constant 0 : i32
    %dma_wait3A_677 = tpu.memref_slice %arg10[%dma_wait3A_675, %dma_wait3A_676] : memref<32x768xf32, #tpu.memory_space<vmem>> -> memref<16x768xf32, #tpu.memory_space<vmem>>
    %dma_wait3A_678 = arith.constant 32 : i32
    %dma_wait3A_679 = tpu.memref_slice %arg6[%dma_wait3A_674, %dma_wait3A_678] : memref<4x128xi32, #tpu.memory_space<vmem>> -> memref<1x16xi32, #tpu.memory_space<vmem>>
    %dma_wait3A_680 = tpu.memref_squeeze %dma_wait3A_679 : memref<1x16xi32, #tpu.memory_space<vmem>> -> memref<16xi32, #tpu.memory_space<vmem>>
    %dma_wait3A_681 = arith.constant 0 : i32
    %dma_wait3A_682 = arith.constant 0 : i32
    %dma_wait3A_683 = tpu.memref_slice %arg3[%dma_wait3A_681, %dma_wait3A_682] : memref<100000x768xf32, #tpu.memory_space<hbm>> -> memref<100000x768xf32, #tpu.memory_space<hbm>>
    tpu.wait_indirect_dma semaphore(%arg14 : memref<!tpu.dma_semaphore, #tpu.memory_space<semaphore_mem>>) src(%dma_wait3A_683 : memref<100000x768xf32, #tpu.memory_space<hbm>>) dst(%dma_wait3A_677 : memref<16x768xf32, #tpu.memory_space<vmem>>)
    %parallel_loop3A_684 = arith.constant 0 : i32
    %parallel_loop3A_685 = arith.constant 16 : i32
    %parallel_loop3A_686 = arith.constant 1 : i32
    scf.for %parallel_loop3A_1704 = %parallel_loop3A_684 to %parallel_loop3A_685 step %parallel_loop3A_686  : i32 {
      %parallel_loop3A_1705 = arith.constant 0 : i32
      %parallel_loop3A_1706 = arith.constant 768 : i32
      %parallel_loop3A_1707 = arith.constant 16 : i32
      scf.for %parallel_loop3A_1708 = %parallel_loop3A_1705 to %parallel_loop3A_1706 step %parallel_loop3A_1707  : i32 {
        %parallel_loop3A_1709 = arith.constant 0 : i32
        %parallel_loop3A_1710 = arith.addi %parallel_loop3A_1709, %parallel_loop3A_1704 : i32
        %parallel_loop3A_1711 = arith.index_cast %parallel_loop3A_1710 : i32 to index
        %parallel_loop3A_1712 = arith.index_cast %parallel_loop3A_1708 : i32 to index
        %parallel_loop3A_1713 = tpu.vector_load %arg10[%parallel_loop3A_1711, %parallel_loop3A_1712] {strides = array<i32>} : memref<32x768xf32, #tpu.memory_space<vmem>>, vector<1x16xf32>,
        %parallel_loop3A_1714 = vector.shape_cast %parallel_loop3A_1713 : vector<1x16xf32> to vector<16xf32>
        %parallel_loop3A_1715 = arith.constant 0 : i32
        %parallel_loop3A_1716 = arith.addi %parallel_loop3A_1715, %parallel_loop3A_1704 : i32
        %parallel_loop3A_1717 = arith.index_cast %parallel_loop3A_1716 : i32 to index
        %parallel_loop3A_1718 = arith.index_cast %parallel_loop3A_1708 : i32 to index
        %parallel_loop3A_1719 = tpu.vector_load %arg7[%parallel_loop3A_1717, %parallel_loop3A_1718] {strides = array<i32>} : memref<32x768xf32, #tpu.memory_space<vmem>>, vector<1x16xf32>,
        %parallel_loop3A_1720 = vector.shape_cast %parallel_loop3A_1719 : vector<1x16xf32> to vector<16xf32>
        %parallel_loop3A_1721 = arith.addf %parallel_loop3A_1714, %parallel_loop3A_1720 : vector<16xf32>
        %parallel_loop3A_1722 = arith.constant 0 : i32
        %parallel_loop3A_1723 = arith.addi %parallel_loop3A_1722, %parallel_loop3A_1704 : i32
        %parallel_loop3A_1724 = arith.index_cast %parallel_loop3A_1723 : i32 to index
        %parallel_loop3A_1725 = arith.index_cast %parallel_loop3A_1708 : i32 to index
        %parallel_loop3A_1726 = tpu.vector_load %arg10[%parallel_loop3A_1724, %parallel_loop3A_1725] {strides = array<i32>} : memref<32x768xf32, #tpu.memory_space<vmem>>, vector<1x16xf32>,
        %parallel_loop3A_1727 = vector.shape_cast %parallel_loop3A_1726 : vector<1x16xf32> to vector<16xf32>
        %parallel_loop3A_1728 = vector.shape_cast %parallel_loop3A_1721 : vector<16xf32> to vector<1x16xf32>
        tpu.vector_store %arg10[%parallel_loop3A_1724, %parallel_loop3A_1725], %parallel_loop3A_1728 {strides = array<i32>} : memref<32x768xf32, #tpu.memory_space<vmem>>, vector<1x16xf32>,
      } {sc.loop_unroll_factor = 8 : i64, sc.parallel_access}
    } {sc.loop_unroll_factor = 1 : i64, sc.parallel_access}
    %add3A_687 = arith.constant 32 : i32
    %add3A_688 = arith.addi %mul3A_2, %add3A_687 : i32
    %add3A_689 = arith.constant 0 : i32
    %add3A_690 = arith.addi %add3A_688, %add3A_689 : i32
    %dma_start3A_691 = arith.constant 2 : i32
    %dma_start3A_692 = arith.constant 0 : i32
    %dma_start3A_693 = arith.constant 0 : i32
    %dma_start3A_694 = tpu.memref_slice %arg10[%dma_start3A_692, %dma_start3A_693] : memref<32x768xf32, #tpu.memory_space<vmem>> -> memref<16x768xf32, #tpu.memory_space<vmem>>
    %dma_start3A_695 = arith.constant 0 : i32
    %dma_start3A_696 = tpu.memref_slice %arg5[%dma_start3A_691, %add3A_690, %dma_start3A_695] : memref<4x4096x768xf32, #tpu.memory_space<hbm>> -> memref<1x16x768xf32, #tpu.memory_space<hbm>>
    %dma_start3A_697 = tpu.memref_squeeze %dma_start3A_696 : memref<1x16x768xf32, #tpu.memory_space<hbm>> -> memref<16x768xf32, #tpu.memory_space<hbm>>
    %dma_start3A_698 = arith.constant 0 : i32
    %dma_start3A_699 = tpu.memref_slice %arg5[%dma_start3A_691, %add3A_690, %dma_start3A_698] : memref<4x4096x768xf32, #tpu.memory_space<hbm>> -> memref<1x16x768xf32, #tpu.memory_space<hbm>>
    %dma_start3A_700 = tpu.memref_squeeze %dma_start3A_699 : memref<1x16x768xf32, #tpu.memory_space<hbm>> -> memref<16x768xf32, #tpu.memory_space<hbm>>
    %dma_start3A_701 = arith.constant 0 : i32
    %dma_start3A_702 = arith.constant 0 : i32
    %dma_start3A_703 = tpu.memref_slice %arg10[%dma_start3A_701, %dma_start3A_702] : memref<32x768xf32, #tpu.memory_space<vmem>> -> memref<16x768xf32, #tpu.memory_space<vmem>>
    tpu.enqueue_dma source(%dma_start3A_703 : memref<16x768xf32, #tpu.memory_space<vmem>>) target(%dma_start3A_700 : memref<16x768xf32, #tpu.memory_space<hbm>>) target_semaphore(%arg22 : memref<!tpu.dma_semaphore, #tpu.memory_space<semaphore_mem>>)
    %dma_wait3A_704 = arith.constant 2 : i32
    %dma_wait3A_705 = arith.constant 16 : i32
    %dma_wait3A_706 = arith.constant 0 : i32
    %dma_wait3A_707 = tpu.memref_slice %arg10[%dma_wait3A_705, %dma_wait3A_706] : memref<32x768xf32, #tpu.memory_space<vmem>> -> memref<16x768xf32, #tpu.memory_space<vmem>>
    %dma_wait3A_708 = arith.constant 48 : i32
    %dma_wait3A_709 = tpu.memref_slice %arg6[%dma_wait3A_704, %dma_wait3A_708] : memref<4x128xi32, #tpu.memory_space<vmem>> -> memref<1x16xi32, #tpu.memory_space<vmem>>
    %dma_wait3A_710 = tpu.memref_squeeze %dma_wait3A_709 : memref<1x16xi32, #tpu.memory_space<vmem>> -> memref<16xi32, #tpu.memory_space<vmem>>
    %dma_wait3A_711 = arith.constant 0 : i32
    %dma_wait3A_712 = arith.constant 0 : i32
    %dma_wait3A_713 = tpu.memref_slice %arg3[%dma_wait3A_711, %dma_wait3A_712] : memref<100000x768xf32, #tpu.memory_space<hbm>> -> memref<100000x768xf32, #tpu.memory_space<hbm>>
    tpu.wait_indirect_dma semaphore(%arg18 : memref<!tpu.dma_semaphore, #tpu.memory_space<semaphore_mem>>) src(%dma_wait3A_713 : memref<100000x768xf32, #tpu.memory_space<hbm>>) dst(%dma_wait3A_707 : memref<16x768xf32, #tpu.memory_space<vmem>>)
    %parallel_loop3A_714 = arith.constant 0 : i32
    %parallel_loop3A_715 = arith.constant 16 : i32
    %parallel_loop3A_716 = arith.constant 1 : i32
    scf.for %parallel_loop3A_1704 = %parallel_loop3A_714 to %parallel_loop3A_715 step %parallel_loop3A_716  : i32 {
      %parallel_loop3A_1705 = arith.constant 0 : i32
      %parallel_loop3A_1706 = arith.constant 768 : i32
      %parallel_loop3A_1707 = arith.constant 16 : i32
      scf.for %parallel_loop3A_1708 = %parallel_loop3A_1705 to %parallel_loop3A_1706 step %parallel_loop3A_1707  : i32 {
        %parallel_loop3A_1709 = arith.constant 16 : i32
        %parallel_loop3A_1710 = arith.addi %parallel_loop3A_1709, %parallel_loop3A_1704 : i32
        %parallel_loop3A_1711 = arith.index_cast %parallel_loop3A_1710 : i32 to index
        %parallel_loop3A_1712 = arith.index_cast %parallel_loop3A_1708 : i32 to index
        %parallel_loop3A_1713 = tpu.vector_load %arg10[%parallel_loop3A_1711, %parallel_loop3A_1712] {strides = array<i32>} : memref<32x768xf32, #tpu.memory_space<vmem>>, vector<1x16xf32>,
        %parallel_loop3A_1714 = vector.shape_cast %parallel_loop3A_1713 : vector<1x16xf32> to vector<16xf32>
        %parallel_loop3A_1715 = arith.constant 16 : i32
        %parallel_loop3A_1716 = arith.addi %parallel_loop3A_1715, %parallel_loop3A_1704 : i32
        %parallel_loop3A_1717 = arith.index_cast %parallel_loop3A_1716 : i32 to index
        %parallel_loop3A_1718 = arith.index_cast %parallel_loop3A_1708 : i32 to index
        %parallel_loop3A_1719 = tpu.vector_load %arg7[%parallel_loop3A_1717, %parallel_loop3A_1718] {strides = array<i32>} : memref<32x768xf32, #tpu.memory_space<vmem>>, vector<1x16xf32>,
        %parallel_loop3A_1720 = vector.shape_cast %parallel_loop3A_1719 : vector<1x16xf32> to vector<16xf32>
        %parallel_loop3A_1721 = arith.addf %parallel_loop3A_1714, %parallel_loop3A_1720 : vector<16xf32>
        %parallel_loop3A_1722 = arith.constant 16 : i32
        %parallel_loop3A_1723 = arith.addi %parallel_loop3A_1722, %parallel_loop3A_1704 : i32
        %parallel_loop3A_1724 = arith.index_cast %parallel_loop3A_1723 : i32 to index
        %parallel_loop3A_1725 = arith.index_cast %parallel_loop3A_1708 : i32 to index
        %parallel_loop3A_1726 = tpu.vector_load %arg10[%parallel_loop3A_1724, %parallel_loop3A_1725] {strides = array<i32>} : memref<32x768xf32, #tpu.memory_space<vmem>>, vector<1x16xf32>,
        %parallel_loop3A_1727 = vector.shape_cast %parallel_loop3A_1726 : vector<1x16xf32> to vector<16xf32>
        %parallel_loop3A_1728 = vector.shape_cast %parallel_loop3A_1721 : vector<16xf32> to vector<1x16xf32>
        tpu.vector_store %arg10[%parallel_loop3A_1724, %parallel_loop3A_1725], %parallel_loop3A_1728 {strides = array<i32>} : memref<32x768xf32, #tpu.memory_space<vmem>>, vector<1x16xf32>,
      } {sc.loop_unroll_factor = 8 : i64, sc.parallel_access}
    } {sc.loop_unroll_factor = 1 : i64, sc.parallel_access}
    %add3A_717 = arith.constant 32 : i32
    %add3A_718 = arith.addi %mul3A_2, %add3A_717 : i32
    %add3A_719 = arith.constant 16 : i32
    %add3A_720 = arith.addi %add3A_718, %add3A_719 : i32
    %dma_start3A_721 = arith.constant 2 : i32
    %dma_start3A_722 = arith.constant 16 : i32
    %dma_start3A_723 = arith.constant 0 : i32
    %dma_start3A_724 = tpu.memref_slice %arg10[%dma_start3A_722, %dma_start3A_723] : memref<32x768xf32, #tpu.memory_space<vmem>> -> memref<16x768xf32, #tpu.memory_space<vmem>>
    %dma_start3A_725 = arith.constant 0 : i32
    %dma_start3A_726 = tpu.memref_slice %arg5[%dma_start3A_721, %add3A_720, %dma_start3A_725] : memref<4x4096x768xf32, #tpu.memory_space<hbm>> -> memref<1x16x768xf32, #tpu.memory_space<hbm>>
    %dma_start3A_727 = tpu.memref_squeeze %dma_start3A_726 : memref<1x16x768xf32, #tpu.memory_space<hbm>> -> memref<16x768xf32, #tpu.memory_space<hbm>>
    %dma_start3A_728 = arith.constant 0 : i32
    %dma_start3A_729 = tpu.memref_slice %arg5[%dma_start3A_721, %add3A_720, %dma_start3A_728] : memref<4x4096x768xf32, #tpu.memory_space<hbm>> -> memref<1x16x768xf32, #tpu.memory_space<hbm>>
    %dma_start3A_730 = tpu.memref_squeeze %dma_start3A_729 : memref<1x16x768xf32, #tpu.memory_space<hbm>> -> memref<16x768xf32, #tpu.memory_space<hbm>>
    %dma_start3A_731 = arith.constant 16 : i32
    %dma_start3A_732 = arith.constant 0 : i32
    %dma_start3A_733 = tpu.memref_slice %arg10[%dma_start3A_731, %dma_start3A_732] : memref<32x768xf32, #tpu.memory_space<vmem>> -> memref<16x768xf32, #tpu.memory_space<vmem>>
    tpu.enqueue_dma source(%dma_start3A_733 : memref<16x768xf32, #tpu.memory_space<vmem>>) target(%dma_start3A_730 : memref<16x768xf32, #tpu.memory_space<hbm>>) target_semaphore(%arg26 : memref<!tpu.dma_semaphore, #tpu.memory_space<semaphore_mem>>)
    %dma_wait3A_734 = arith.constant 1 : i32
    %dma_wait3A_735 = arith.constant 0 : i32
    %dma_wait3A_736 = arith.constant 0 : i32
    %dma_wait3A_737 = tpu.memref_slice %arg9[%dma_wait3A_735, %dma_wait3A_736] : memref<32x768xf32, #tpu.memory_space<vmem>> -> memref<16x768xf32, #tpu.memory_space<vmem>>
    %dma_wait3A_738 = arith.constant 0 : i32
    %dma_wait3A_739 = tpu.memref_slice %arg5[%dma_wait3A_734, %add3A_584, %dma_wait3A_738] : memref<4x4096x768xf32, #tpu.memory_space<hbm>> -> memref<1x16x768xf32, #tpu.memory_space<hbm>>
    %dma_wait3A_740 = tpu.memref_squeeze %dma_wait3A_739 : memref<1x16x768xf32, #tpu.memory_space<hbm>> -> memref<16x768xf32, #tpu.memory_space<hbm>>
    %dma_wait3A_741 = arith.constant 0 : i32
    %dma_wait3A_742 = tpu.memref_slice %arg5[%dma_wait3A_734, %add3A_584, %dma_wait3A_741] : memref<4x4096x768xf32, #tpu.memory_space<hbm>> -> memref<1x16x768xf32, #tpu.memory_space<hbm>>
    %dma_wait3A_743 = tpu.memref_squeeze %dma_wait3A_742 : memref<1x16x768xf32, #tpu.memory_space<hbm>> -> memref<16x768xf32, #tpu.memory_space<hbm>>
    %dma_wait3A_744 = arith.constant 0 : i32
    %dma_wait3A_745 = arith.constant 0 : i32
    %dma_wait3A_746 = tpu.memref_slice %arg9[%dma_wait3A_744, %dma_wait3A_745] : memref<32x768xf32, #tpu.memory_space<vmem>> -> memref<16x768xf32, #tpu.memory_space<vmem>>
    tpu.wait_dma2 semaphore(%arg21 : memref<!tpu.dma_semaphore, #tpu.memory_space<semaphore_mem>>) src(%dma_wait3A_746 : memref<16x768xf32, #tpu.memory_space<vmem>>) dst(%dma_wait3A_743 : memref<16x768xf32, #tpu.memory_space<hbm>>)
    %dma_wait3A_747 = arith.constant 1 : i32
    %dma_wait3A_748 = arith.constant 16 : i32
    %dma_wait3A_749 = arith.constant 0 : i32
    %dma_wait3A_750 = tpu.memref_slice %arg9[%dma_wait3A_748, %dma_wait3A_749] : memref<32x768xf32, #tpu.memory_space<vmem>> -> memref<16x768xf32, #tpu.memory_space<vmem>>
    %dma_wait3A_751 = arith.constant 0 : i32
    %dma_wait3A_752 = tpu.memref_slice %arg5[%dma_wait3A_747, %add3A_614, %dma_wait3A_751] : memref<4x4096x768xf32, #tpu.memory_space<hbm>> -> memref<1x16x768xf32, #tpu.memory_space<hbm>>
    %dma_wait3A_753 = tpu.memref_squeeze %dma_wait3A_752 : memref<1x16x768xf32, #tpu.memory_space<hbm>> -> memref<16x768xf32, #tpu.memory_space<hbm>>
    %dma_wait3A_754 = arith.constant 0 : i32
    %dma_wait3A_755 = tpu.memref_slice %arg5[%dma_wait3A_747, %add3A_614, %dma_wait3A_754] : memref<4x4096x768xf32, #tpu.memory_space<hbm>> -> memref<1x16x768xf32, #tpu.memory_space<hbm>>
    %dma_wait3A_756 = tpu.memref_squeeze %dma_wait3A_755 : memref<1x16x768xf32, #tpu.memory_space<hbm>> -> memref<16x768xf32, #tpu.memory_space<hbm>>
    %dma_wait3A_757 = arith.constant 16 : i32
    %dma_wait3A_758 = arith.constant 0 : i32
    %dma_wait3A_759 = tpu.memref_slice %arg9[%dma_wait3A_757, %dma_wait3A_758] : memref<32x768xf32, #tpu.memory_space<vmem>> -> memref<16x768xf32, #tpu.memory_space<vmem>>
    tpu.wait_dma2 semaphore(%arg25 : memref<!tpu.dma_semaphore, #tpu.memory_space<semaphore_mem>>) src(%dma_wait3A_759 : memref<16x768xf32, #tpu.memory_space<vmem>>) dst(%dma_wait3A_756 : memref<16x768xf32, #tpu.memory_space<hbm>>)
    %dma_start3A_760 = arith.constant 1 : i32
    %dma_start3A_761 = arith.constant 0 : i32
    %dma_start3A_762 = arith.constant 0 : i32
    %dma_start3A_763 = tpu.memref_slice %arg9[%dma_start3A_761, %dma_start3A_762] : memref<32x768xf32, #tpu.memory_space<vmem>> -> memref<16x768xf32, #tpu.memory_space<vmem>>
    %dma_start3A_764 = arith.constant 64 : i32
    %dma_start3A_765 = tpu.memref_slice %arg6[%dma_start3A_760, %dma_start3A_764] : memref<4x128xi32, #tpu.memory_space<vmem>> -> memref<1x16xi32, #tpu.memory_space<vmem>>
    %dma_start3A_766 = tpu.memref_squeeze %dma_start3A_765 : memref<1x16xi32, #tpu.memory_space<vmem>> -> memref<16xi32, #tpu.memory_space<vmem>>
    %dma_start3A_767 = arith.constant 0 : i32
    %dma_start3A_768 = arith.constant 0 : i32
    %dma_start3A_769 = tpu.memref_slice %arg3[%dma_start3A_767, %dma_start3A_768] : memref<100000x768xf32, #tpu.memory_space<hbm>> -> memref<100000x768xf32, #tpu.memory_space<hbm>>
    tpu.enqueue_indirect_dma source(%dma_start3A_769 : memref<100000x768xf32, #tpu.memory_space<hbm>>) target(%dma_start3A_763 : memref<16x768xf32, #tpu.memory_space<vmem>>) offsets(%dma_start3A_766 : memref<16xi32, #tpu.memory_space<vmem>>) semaphore(%arg13 : memref<!tpu.dma_semaphore, #tpu.memory_space<semaphore_mem>>)
    %dma_start3A_770 = arith.constant 1 : i32
    %dma_start3A_771 = arith.constant 16 : i32
    %dma_start3A_772 = arith.constant 0 : i32
    %dma_start3A_773 = tpu.memref_slice %arg9[%dma_start3A_771, %dma_start3A_772] : memref<32x768xf32, #tpu.memory_space<vmem>> -> memref<16x768xf32, #tpu.memory_space<vmem>>
    %dma_start3A_774 = arith.constant 80 : i32
    %dma_start3A_775 = tpu.memref_slice %arg6[%dma_start3A_770, %dma_start3A_774] : memref<4x128xi32, #tpu.memory_space<vmem>> -> memref<1x16xi32, #tpu.memory_space<vmem>>
    %dma_start3A_776 = tpu.memref_squeeze %dma_start3A_775 : memref<1x16xi32, #tpu.memory_space<vmem>> -> memref<16xi32, #tpu.memory_space<vmem>>
    %dma_start3A_777 = arith.constant 0 : i32
    %dma_start3A_778 = arith.constant 0 : i32
    %dma_start3A_779 = tpu.memref_slice %arg3[%dma_start3A_777, %dma_start3A_778] : memref<100000x768xf32, #tpu.memory_space<hbm>> -> memref<100000x768xf32, #tpu.memory_space<hbm>>
    tpu.enqueue_indirect_dma source(%dma_start3A_779 : memref<100000x768xf32, #tpu.memory_space<hbm>>) target(%dma_start3A_773 : memref<16x768xf32, #tpu.memory_space<vmem>>) offsets(%dma_start3A_776 : memref<16xi32, #tpu.memory_space<vmem>>) semaphore(%arg17 : memref<!tpu.dma_semaphore, #tpu.memory_space<semaphore_mem>>)
    %dma_wait3A_780 = arith.constant 3 : i32
    %dma_wait3A_781 = arith.constant 0 : i32
    %dma_wait3A_782 = arith.constant 0 : i32
    %dma_wait3A_783 = tpu.memref_slice %arg11[%dma_wait3A_781, %dma_wait3A_782] : memref<32x768xf32, #tpu.memory_space<vmem>> -> memref<16x768xf32, #tpu.memory_space<vmem>>
    %dma_wait3A_784 = arith.constant 32 : i32
    %dma_wait3A_785 = tpu.memref_slice %arg6[%dma_wait3A_780, %dma_wait3A_784] : memref<4x128xi32, #tpu.memory_space<vmem>> -> memref<1x16xi32, #tpu.memory_space<vmem>>
    %dma_wait3A_786 = tpu.memref_squeeze %dma_wait3A_785 : memref<1x16xi32, #tpu.memory_space<vmem>> -> memref<16xi32, #tpu.memory_space<vmem>>
    %dma_wait3A_787 = arith.constant 0 : i32
    %dma_wait3A_788 = arith.constant 0 : i32
    %dma_wait3A_789 = tpu.memref_slice %arg3[%dma_wait3A_787, %dma_wait3A_788] : memref<100000x768xf32, #tpu.memory_space<hbm>> -> memref<100000x768xf32, #tpu.memory_space<hbm>>
    tpu.wait_indirect_dma semaphore(%arg15 : memref<!tpu.dma_semaphore, #tpu.memory_space<semaphore_mem>>) src(%dma_wait3A_789 : memref<100000x768xf32, #tpu.memory_space<hbm>>) dst(%dma_wait3A_783 : memref<16x768xf32, #tpu.memory_space<vmem>>)
    %parallel_loop3A_790 = arith.constant 0 : i32
    %parallel_loop3A_791 = arith.constant 16 : i32
    %parallel_loop3A_792 = arith.constant 1 : i32
    scf.for %parallel_loop3A_1704 = %parallel_loop3A_790 to %parallel_loop3A_791 step %parallel_loop3A_792  : i32 {
      %parallel_loop3A_1705 = arith.constant 0 : i32
      %parallel_loop3A_1706 = arith.constant 768 : i32
      %parallel_loop3A_1707 = arith.constant 16 : i32
      scf.for %parallel_loop3A_1708 = %parallel_loop3A_1705 to %parallel_loop3A_1706 step %parallel_loop3A_1707  : i32 {
        %parallel_loop3A_1709 = arith.constant 0 : i32
        %parallel_loop3A_1710 = arith.addi %parallel_loop3A_1709, %parallel_loop3A_1704 : i32
        %parallel_loop3A_1711 = arith.index_cast %parallel_loop3A_1710 : i32 to index
        %parallel_loop3A_1712 = arith.index_cast %parallel_loop3A_1708 : i32 to index
        %parallel_loop3A_1713 = tpu.vector_load %arg11[%parallel_loop3A_1711, %parallel_loop3A_1712] {strides = array<i32>} : memref<32x768xf32, #tpu.memory_space<vmem>>, vector<1x16xf32>,
        %parallel_loop3A_1714 = vector.shape_cast %parallel_loop3A_1713 : vector<1x16xf32> to vector<16xf32>
        %parallel_loop3A_1715 = arith.constant 0 : i32
        %parallel_loop3A_1716 = arith.addi %parallel_loop3A_1715, %parallel_loop3A_1704 : i32
        %parallel_loop3A_1717 = arith.index_cast %parallel_loop3A_1716 : i32 to index
        %parallel_loop3A_1718 = arith.index_cast %parallel_loop3A_1708 : i32 to index
        %parallel_loop3A_1719 = tpu.vector_load %arg7[%parallel_loop3A_1717, %parallel_loop3A_1718] {strides = array<i32>} : memref<32x768xf32, #tpu.memory_space<vmem>>, vector<1x16xf32>,
        %parallel_loop3A_1720 = vector.shape_cast %parallel_loop3A_1719 : vector<1x16xf32> to vector<16xf32>
        %parallel_loop3A_1721 = arith.addf %parallel_loop3A_1714, %parallel_loop3A_1720 : vector<16xf32>
        %parallel_loop3A_1722 = arith.constant 0 : i32
        %parallel_loop3A_1723 = arith.addi %parallel_loop3A_1722, %parallel_loop3A_1704 : i32
        %parallel_loop3A_1724 = arith.index_cast %parallel_loop3A_1723 : i32 to index
        %parallel_loop3A_1725 = arith.index_cast %parallel_loop3A_1708 : i32 to index
        %parallel_loop3A_1726 = tpu.vector_load %arg11[%parallel_loop3A_1724, %parallel_loop3A_1725] {strides = array<i32>} : memref<32x768xf32, #tpu.memory_space<vmem>>, vector<1x16xf32>,
        %parallel_loop3A_1727 = vector.shape_cast %parallel_loop3A_1726 : vector<1x16xf32> to vector<16xf32>
        %parallel_loop3A_1728 = vector.shape_cast %parallel_loop3A_1721 : vector<16xf32> to vector<1x16xf32>
        tpu.vector_store %arg11[%parallel_loop3A_1724, %parallel_loop3A_1725], %parallel_loop3A_1728 {strides = array<i32>} : memref<32x768xf32, #tpu.memory_space<vmem>>, vector<1x16xf32>,
      } {sc.loop_unroll_factor = 8 : i64, sc.parallel_access}
    } {sc.loop_unroll_factor = 1 : i64, sc.parallel_access}
    %add3A_793 = arith.constant 32 : i32
    %add3A_794 = arith.addi %mul3A_2, %add3A_793 : i32
    %add3A_795 = arith.constant 0 : i32
    %add3A_796 = arith.addi %add3A_794, %add3A_795 : i32
    %dma_start3A_797 = arith.constant 3 : i32
    %dma_start3A_798 = arith.constant 0 : i32
    %dma_start3A_799 = arith.constant 0 : i32
    %dma_start3A_800 = tpu.memref_slice %arg11[%dma_start3A_798, %dma_start3A_799] : memref<32x768xf32, #tpu.memory_space<vmem>> -> memref<16x768xf32, #tpu.memory_space<vmem>>
    %dma_start3A_801 = arith.constant 0 : i32
    %dma_start3A_802 = tpu.memref_slice %arg5[%dma_start3A_797, %add3A_796, %dma_start3A_801] : memref<4x4096x768xf32, #tpu.memory_space<hbm>> -> memref<1x16x768xf32, #tpu.memory_space<hbm>>
    %dma_start3A_803 = tpu.memref_squeeze %dma_start3A_802 : memref<1x16x768xf32, #tpu.memory_space<hbm>> -> memref<16x768xf32, #tpu.memory_space<hbm>>
    %dma_start3A_804 = arith.constant 0 : i32
    %dma_start3A_805 = tpu.memref_slice %arg5[%dma_start3A_797, %add3A_796, %dma_start3A_804] : memref<4x4096x768xf32, #tpu.memory_space<hbm>> -> memref<1x16x768xf32, #tpu.memory_space<hbm>>
    %dma_start3A_806 = tpu.memref_squeeze %dma_start3A_805 : memref<1x16x768xf32, #tpu.memory_space<hbm>> -> memref<16x768xf32, #tpu.memory_space<hbm>>
    %dma_start3A_807 = arith.constant 0 : i32
    %dma_start3A_808 = arith.constant 0 : i32
    %dma_start3A_809 = tpu.memref_slice %arg11[%dma_start3A_807, %dma_start3A_808] : memref<32x768xf32, #tpu.memory_space<vmem>> -> memref<16x768xf32, #tpu.memory_space<vmem>>
    tpu.enqueue_dma source(%dma_start3A_809 : memref<16x768xf32, #tpu.memory_space<vmem>>) target(%dma_start3A_806 : memref<16x768xf32, #tpu.memory_space<hbm>>) target_semaphore(%arg23 : memref<!tpu.dma_semaphore, #tpu.memory_space<semaphore_mem>>)
    %dma_wait3A_810 = arith.constant 3 : i32
    %dma_wait3A_811 = arith.constant 16 : i32
    %dma_wait3A_812 = arith.constant 0 : i32
    %dma_wait3A_813 = tpu.memref_slice %arg11[%dma_wait3A_811, %dma_wait3A_812] : memref<32x768xf32, #tpu.memory_space<vmem>> -> memref<16x768xf32, #tpu.memory_space<vmem>>
    %dma_wait3A_814 = arith.constant 48 : i32
    %dma_wait3A_815 = tpu.memref_slice %arg6[%dma_wait3A_810, %dma_wait3A_814] : memref<4x128xi32, #tpu.memory_space<vmem>> -> memref<1x16xi32, #tpu.memory_space<vmem>>
    %dma_wait3A_816 = tpu.memref_squeeze %dma_wait3A_815 : memref<1x16xi32, #tpu.memory_space<vmem>> -> memref<16xi32, #tpu.memory_space<vmem>>
    %dma_wait3A_817 = arith.constant 0 : i32
    %dma_wait3A_818 = arith.constant 0 : i32
    %dma_wait3A_819 = tpu.memref_slice %arg3[%dma_wait3A_817, %dma_wait3A_818] : memref<100000x768xf32, #tpu.memory_space<hbm>> -> memref<100000x768xf32, #tpu.memory_space<hbm>>
    tpu.wait_indirect_dma semaphore(%arg19 : memref<!tpu.dma_semaphore, #tpu.memory_space<semaphore_mem>>) src(%dma_wait3A_819 : memref<100000x768xf32, #tpu.memory_space<hbm>>) dst(%dma_wait3A_813 : memref<16x768xf32, #tpu.memory_space<vmem>>)
    %parallel_loop3A_820 = arith.constant 0 : i32
    %parallel_loop3A_821 = arith.constant 16 : i32
    %parallel_loop3A_822 = arith.constant 1 : i32
    scf.for %parallel_loop3A_1704 = %parallel_loop3A_820 to %parallel_loop3A_821 step %parallel_loop3A_822  : i32 {
      %parallel_loop3A_1705 = arith.constant 0 : i32
      %parallel_loop3A_1706 = arith.constant 768 : i32
      %parallel_loop3A_1707 = arith.constant 16 : i32
      scf.for %parallel_loop3A_1708 = %parallel_loop3A_1705 to %parallel_loop3A_1706 step %parallel_loop3A_1707  : i32 {
        %parallel_loop3A_1709 = arith.constant 16 : i32
        %parallel_loop3A_1710 = arith.addi %parallel_loop3A_1709, %parallel_loop3A_1704 : i32
        %parallel_loop3A_1711 = arith.index_cast %parallel_loop3A_1710 : i32 to index
        %parallel_loop3A_1712 = arith.index_cast %parallel_loop3A_1708 : i32 to index
        %parallel_loop3A_1713 = tpu.vector_load %arg11[%parallel_loop3A_1711, %parallel_loop3A_1712] {strides = array<i32>} : memref<32x768xf32, #tpu.memory_space<vmem>>, vector<1x16xf32>,
        %parallel_loop3A_1714 = vector.shape_cast %parallel_loop3A_1713 : vector<1x16xf32> to vector<16xf32>
        %parallel_loop3A_1715 = arith.constant 16 : i32
        %parallel_loop3A_1716 = arith.addi %parallel_loop3A_1715, %parallel_loop3A_1704 : i32
        %parallel_loop3A_1717 = arith.index_cast %parallel_loop3A_1716 : i32 to index
        %parallel_loop3A_1718 = arith.index_cast %parallel_loop3A_1708 : i32 to index
        %parallel_loop3A_1719 = tpu.vector_load %arg7[%parallel_loop3A_1717, %parallel_loop3A_1718] {strides = array<i32>} : memref<32x768xf32, #tpu.memory_space<vmem>>, vector<1x16xf32>,
        %parallel_loop3A_1720 = vector.shape_cast %parallel_loop3A_1719 : vector<1x16xf32> to vector<16xf32>
        %parallel_loop3A_1721 = arith.addf %parallel_loop3A_1714, %parallel_loop3A_1720 : vector<16xf32>
        %parallel_loop3A_1722 = arith.constant 16 : i32
        %parallel_loop3A_1723 = arith.addi %parallel_loop3A_1722, %parallel_loop3A_1704 : i32
        %parallel_loop3A_1724 = arith.index_cast %parallel_loop3A_1723 : i32 to index
        %parallel_loop3A_1725 = arith.index_cast %parallel_loop3A_1708 : i32 to index
        %parallel_loop3A_1726 = tpu.vector_load %arg11[%parallel_loop3A_1724, %parallel_loop3A_1725] {strides = array<i32>} : memref<32x768xf32, #tpu.memory_space<vmem>>, vector<1x16xf32>,
        %parallel_loop3A_1727 = vector.shape_cast %parallel_loop3A_1726 : vector<1x16xf32> to vector<16xf32>
        %parallel_loop3A_1728 = vector.shape_cast %parallel_loop3A_1721 : vector<16xf32> to vector<1x16xf32>
        tpu.vector_store %arg11[%parallel_loop3A_1724, %parallel_loop3A_1725], %parallel_loop3A_1728 {strides = array<i32>} : memref<32x768xf32, #tpu.memory_space<vmem>>, vector<1x16xf32>,
      } {sc.loop_unroll_factor = 8 : i64, sc.parallel_access}
    } {sc.loop_unroll_factor = 1 : i64, sc.parallel_access}
    %add3A_823 = arith.constant 32 : i32
    %add3A_824 = arith.addi %mul3A_2, %add3A_823 : i32
    %add3A_825 = arith.constant 16 : i32
    %add3A_826 = arith.addi %add3A_824, %add3A_825 : i32
    %dma_start3A_827 = arith.constant 3 : i32
    %dma_start3A_828 = arith.constant 16 : i32
    %dma_start3A_829 = arith.constant 0 : i32
    %dma_start3A_830 = tpu.memref_slice %arg11[%dma_start3A_828, %dma_start3A_829] : memref<32x768xf32, #tpu.memory_space<vmem>> -> memref<16x768xf32, #tpu.memory_space<vmem>>
    %dma_start3A_831 = arith.constant 0 : i32
    %dma_start3A_832 = tpu.memref_slice %arg5[%dma_start3A_827, %add3A_826, %dma_start3A_831] : memref<4x4096x768xf32, #tpu.memory_space<hbm>> -> memref<1x16x768xf32, #tpu.memory_space<hbm>>
    %dma_start3A_833 = tpu.memref_squeeze %dma_start3A_832 : memref<1x16x768xf32, #tpu.memory_space<hbm>> -> memref<16x768xf32, #tpu.memory_space<hbm>>
    %dma_start3A_834 = arith.constant 0 : i32
    %dma_start3A_835 = tpu.memref_slice %arg5[%dma_start3A_827, %add3A_826, %dma_start3A_834] : memref<4x4096x768xf32, #tpu.memory_space<hbm>> -> memref<1x16x768xf32, #tpu.memory_space<hbm>>
    %dma_start3A_836 = tpu.memref_squeeze %dma_start3A_835 : memref<1x16x768xf32, #tpu.memory_space<hbm>> -> memref<16x768xf32, #tpu.memory_space<hbm>>
    %dma_start3A_837 = arith.constant 16 : i32
    %dma_start3A_838 = arith.constant 0 : i32
    %dma_start3A_839 = tpu.memref_slice %arg11[%dma_start3A_837, %dma_start3A_838] : memref<32x768xf32, #tpu.memory_space<vmem>> -> memref<16x768xf32, #tpu.memory_space<vmem>>
    tpu.enqueue_dma source(%dma_start3A_839 : memref<16x768xf32, #tpu.memory_space<vmem>>) target(%dma_start3A_836 : memref<16x768xf32, #tpu.memory_space<hbm>>) target_semaphore(%arg27 : memref<!tpu.dma_semaphore, #tpu.memory_space<semaphore_mem>>)
    %add3A_840 = arith.constant 64 : i32
    %add3A_841 = arith.addi %mul3A_2, %add3A_840 : i32
    "tpu.region"() ({
      %run_scoped3A = tpu.sem_alloc : memref<!tpu.dma_semaphore, #tpu.memory_space<semaphore_mem>>
      %dma_start3A_1704 = arith.constant 0 : i32
      %dma_start3A_1705 = tpu.memref_slice %arg4[%add3A_841, %dma_start3A_1704] : memref<4096x768xf32, #tpu.memory_space<hbm>> -> memref<32x768xf32, #tpu.memory_space<hbm>>
      %dma_start3A_1706 = arith.constant 0 : i32
      %dma_start3A_1707 = tpu.memref_slice %arg4[%add3A_841, %dma_start3A_1706] : memref<4096x768xf32, #tpu.memory_space<hbm>> -> memref<32x768xf32, #tpu.memory_space<hbm>>
      tpu.enqueue_dma source(%dma_start3A_1707 : memref<32x768xf32, #tpu.memory_space<hbm>>) target(%arg7 : memref<32x768xf32, #tpu.memory_space<vmem>>) target_semaphore(%run_scoped3A : memref<!tpu.dma_semaphore, #tpu.memory_space<semaphore_mem>>)
      %dma_wait3A_1708 = arith.constant 0 : i32
      %dma_wait3A_1709 = tpu.memref_slice %arg4[%add3A_841, %dma_wait3A_1708] : memref<4096x768xf32, #tpu.memory_space<hbm>> -> memref<32x768xf32, #tpu.memory_space<hbm>>
      %dma_wait3A_1710 = arith.constant 0 : i32
      %dma_wait3A_1711 = tpu.memref_slice %arg4[%add3A_841, %dma_wait3A_1710] : memref<4096x768xf32, #tpu.memory_space<hbm>> -> memref<32x768xf32, #tpu.memory_space<hbm>>
      tpu.wait_dma2 semaphore(%run_scoped3A : memref<!tpu.dma_semaphore, #tpu.memory_space<semaphore_mem>>) src(%dma_wait3A_1711 : memref<32x768xf32, #tpu.memory_space<hbm>>) dst(%arg7 : memref<32x768xf32, #tpu.memory_space<vmem>>)
      tpu.yield
    }) : () -> ()
    %dma_wait3A_842 = arith.constant 2 : i32
    %dma_wait3A_843 = arith.constant 0 : i32
    %dma_wait3A_844 = arith.constant 0 : i32
    %dma_wait3A_845 = tpu.memref_slice %arg10[%dma_wait3A_843, %dma_wait3A_844] : memref<32x768xf32, #tpu.memory_space<vmem>> -> memref<16x768xf32, #tpu.memory_space<vmem>>
    %dma_wait3A_846 = arith.constant 0 : i32
    %dma_wait3A_847 = tpu.memref_slice %arg5[%dma_wait3A_842, %add3A_690, %dma_wait3A_846] : memref<4x4096x768xf32, #tpu.memory_space<hbm>> -> memref<1x16x768xf32, #tpu.memory_space<hbm>>
    %dma_wait3A_848 = tpu.memref_squeeze %dma_wait3A_847 : memref<1x16x768xf32, #tpu.memory_space<hbm>> -> memref<16x768xf32, #tpu.memory_space<hbm>>
    %dma_wait3A_849 = arith.constant 0 : i32
    %dma_wait3A_850 = tpu.memref_slice %arg5[%dma_wait3A_842, %add3A_690, %dma_wait3A_849] : memref<4x4096x768xf32, #tpu.memory_space<hbm>> -> memref<1x16x768xf32, #tpu.memory_space<hbm>>
    %dma_wait3A_851 = tpu.memref_squeeze %dma_wait3A_850 : memref<1x16x768xf32, #tpu.memory_space<hbm>> -> memref<16x768xf32, #tpu.memory_space<hbm>>
    %dma_wait3A_852 = arith.constant 0 : i32
    %dma_wait3A_853 = arith.constant 0 : i32
    %dma_wait3A_854 = tpu.memref_slice %arg10[%dma_wait3A_852, %dma_wait3A_853] : memref<32x768xf32, #tpu.memory_space<vmem>> -> memref<16x768xf32, #tpu.memory_space<vmem>>
    tpu.wait_dma2 semaphore(%arg22 : memref<!tpu.dma_semaphore, #tpu.memory_space<semaphore_mem>>) src(%dma_wait3A_854 : memref<16x768xf32, #tpu.memory_space<vmem>>) dst(%dma_wait3A_851 : memref<16x768xf32, #tpu.memory_space<hbm>>)
    %dma_wait3A_855 = arith.constant 2 : i32
    %dma_wait3A_856 = arith.constant 16 : i32
    %dma_wait3A_857 = arith.constant 0 : i32
    %dma_wait3A_858 = tpu.memref_slice %arg10[%dma_wait3A_856, %dma_wait3A_857] : memref<32x768xf32, #tpu.memory_space<vmem>> -> memref<16x768xf32, #tpu.memory_space<vmem>>
    %dma_wait3A_859 = arith.constant 0 : i32
    %dma_wait3A_860 = tpu.memref_slice %arg5[%dma_wait3A_855, %add3A_720, %dma_wait3A_859] : memref<4x4096x768xf32, #tpu.memory_space<hbm>> -> memref<1x16x768xf32, #tpu.memory_space<hbm>>
    %dma_wait3A_861 = tpu.memref_squeeze %dma_wait3A_860 : memref<1x16x768xf32, #tpu.memory_space<hbm>> -> memref<16x768xf32, #tpu.memory_space<hbm>>
    %dma_wait3A_862 = arith.constant 0 : i32
    %dma_wait3A_863 = tpu.memref_slice %arg5[%dma_wait3A_855, %add3A_720, %dma_wait3A_862] : memref<4x4096x768xf32, #tpu.memory_space<hbm>> -> memref<1x16x768xf32, #tpu.memory_space<hbm>>
    %dma_wait3A_864 = tpu.memref_squeeze %dma_wait3A_863 : memref<1x16x768xf32, #tpu.memory_space<hbm>> -> memref<16x768xf32, #tpu.memory_space<hbm>>
    %dma_wait3A_865 = arith.constant 16 : i32
    %dma_wait3A_866 = arith.constant 0 : i32
    %dma_wait3A_867 = tpu.memref_slice %arg10[%dma_wait3A_865, %dma_wait3A_866] : memref<32x768xf32, #tpu.memory_space<vmem>> -> memref<16x768xf32, #tpu.memory_space<vmem>>
    tpu.wait_dma2 semaphore(%arg26 : memref<!tpu.dma_semaphore, #tpu.memory_space<semaphore_mem>>) src(%dma_wait3A_867 : memref<16x768xf32, #tpu.memory_space<vmem>>) dst(%dma_wait3A_864 : memref<16x768xf32, #tpu.memory_space<hbm>>)
    %dma_start3A_868 = arith.constant 2 : i32
    %dma_start3A_869 = arith.constant 0 : i32
    %dma_start3A_870 = arith.constant 0 : i32
    %dma_start3A_871 = tpu.memref_slice %arg10[%dma_start3A_869, %dma_start3A_870] : memref<32x768xf32, #tpu.memory_space<vmem>> -> memref<16x768xf32, #tpu.memory_space<vmem>>
    %dma_start3A_872 = arith.constant 64 : i32
    %dma_start3A_873 = tpu.memref_slice %arg6[%dma_start3A_868, %dma_start3A_872] : memref<4x128xi32, #tpu.memory_space<vmem>> -> memref<1x16xi32, #tpu.memory_space<vmem>>
    %dma_start3A_874 = tpu.memref_squeeze %dma_start3A_873 : memref<1x16xi32, #tpu.memory_space<vmem>> -> memref<16xi32, #tpu.memory_space<vmem>>
    %dma_start3A_875 = arith.constant 0 : i32
    %dma_start3A_876 = arith.constant 0 : i32
    %dma_start3A_877 = tpu.memref_slice %arg3[%dma_start3A_875, %dma_start3A_876] : memref<100000x768xf32, #tpu.memory_space<hbm>> -> memref<100000x768xf32, #tpu.memory_space<hbm>>
    tpu.enqueue_indirect_dma source(%dma_start3A_877 : memref<100000x768xf32, #tpu.memory_space<hbm>>) target(%dma_start3A_871 : memref<16x768xf32, #tpu.memory_space<vmem>>) offsets(%dma_start3A_874 : memref<16xi32, #tpu.memory_space<vmem>>) semaphore(%arg14 : memref<!tpu.dma_semaphore, #tpu.memory_space<semaphore_mem>>)
    %dma_start3A_878 = arith.constant 2 : i32
    %dma_start3A_879 = arith.constant 16 : i32
    %dma_start3A_880 = arith.constant 0 : i32
    %dma_start3A_881 = tpu.memref_slice %arg10[%dma_start3A_879, %dma_start3A_880] : memref<32x768xf32, #tpu.memory_space<vmem>> -> memref<16x768xf32, #tpu.memory_space<vmem>>
    %dma_start3A_882 = arith.constant 80 : i32
    %dma_start3A_883 = tpu.memref_slice %arg6[%dma_start3A_878, %dma_start3A_882] : memref<4x128xi32, #tpu.memory_space<vmem>> -> memref<1x16xi32, #tpu.memory_space<vmem>>
    %dma_start3A_884 = tpu.memref_squeeze %dma_start3A_883 : memref<1x16xi32, #tpu.memory_space<vmem>> -> memref<16xi32, #tpu.memory_space<vmem>>
    %dma_start3A_885 = arith.constant 0 : i32
    %dma_start3A_886 = arith.constant 0 : i32
    %dma_start3A_887 = tpu.memref_slice %arg3[%dma_start3A_885, %dma_start3A_886] : memref<100000x768xf32, #tpu.memory_space<hbm>> -> memref<100000x768xf32, #tpu.memory_space<hbm>>
    tpu.enqueue_indirect_dma source(%dma_start3A_887 : memref<100000x768xf32, #tpu.memory_space<hbm>>) target(%dma_start3A_881 : memref<16x768xf32, #tpu.memory_space<vmem>>) offsets(%dma_start3A_884 : memref<16xi32, #tpu.memory_space<vmem>>) semaphore(%arg18 : memref<!tpu.dma_semaphore, #tpu.memory_space<semaphore_mem>>)
    %dma_wait3A_888 = arith.constant 0 : i32
    %dma_wait3A_889 = arith.constant 0 : i32
    %dma_wait3A_890 = arith.constant 0 : i32
    %dma_wait3A_891 = tpu.memref_slice %arg8[%dma_wait3A_889, %dma_wait3A_890] : memref<32x768xf32, #tpu.memory_space<vmem>> -> memref<16x768xf32, #tpu.memory_space<vmem>>
    %dma_wait3A_892 = arith.constant 64 : i32
    %dma_wait3A_893 = tpu.memref_slice %arg6[%dma_wait3A_888, %dma_wait3A_892] : memref<4x128xi32, #tpu.memory_space<vmem>> -> memref<1x16xi32, #tpu.memory_space<vmem>>
    %dma_wait3A_894 = tpu.memref_squeeze %dma_wait3A_893 : memref<1x16xi32, #tpu.memory_space<vmem>> -> memref<16xi32, #tpu.memory_space<vmem>>
    %dma_wait3A_895 = arith.constant 0 : i32
    %dma_wait3A_896 = arith.constant 0 : i32
    %dma_wait3A_897 = tpu.memref_slice %arg3[%dma_wait3A_895, %dma_wait3A_896] : memref<100000x768xf32, #tpu.memory_space<hbm>> -> memref<100000x768xf32, #tpu.memory_space<hbm>>
    tpu.wait_indirect_dma semaphore(%arg12 : memref<!tpu.dma_semaphore, #tpu.memory_space<semaphore_mem>>) src(%dma_wait3A_897 : memref<100000x768xf32, #tpu.memory_space<hbm>>) dst(%dma_wait3A_891 : memref<16x768xf32, #tpu.memory_space<vmem>>)
    %parallel_loop3A_898 = arith.constant 0 : i32
    %parallel_loop3A_899 = arith.constant 16 : i32
    %parallel_loop3A_900 = arith.constant 1 : i32
    scf.for %parallel_loop3A_1704 = %parallel_loop3A_898 to %parallel_loop3A_899 step %parallel_loop3A_900  : i32 {
      %parallel_loop3A_1705 = arith.constant 0 : i32
      %parallel_loop3A_1706 = arith.constant 768 : i32
      %parallel_loop3A_1707 = arith.constant 16 : i32
      scf.for %parallel_loop3A_1708 = %parallel_loop3A_1705 to %parallel_loop3A_1706 step %parallel_loop3A_1707  : i32 {
        %parallel_loop3A_1709 = arith.constant 0 : i32
        %parallel_loop3A_1710 = arith.addi %parallel_loop3A_1709, %parallel_loop3A_1704 : i32
        %parallel_loop3A_1711 = arith.index_cast %parallel_loop3A_1710 : i32 to index
        %parallel_loop3A_1712 = arith.index_cast %parallel_loop3A_1708 : i32 to index
        %parallel_loop3A_1713 = tpu.vector_load %arg8[%parallel_loop3A_1711, %parallel_loop3A_1712] {strides = array<i32>} : memref<32x768xf32, #tpu.memory_space<vmem>>, vector<1x16xf32>,
        %parallel_loop3A_1714 = vector.shape_cast %parallel_loop3A_1713 : vector<1x16xf32> to vector<16xf32>
        %parallel_loop3A_1715 = arith.constant 0 : i32
        %parallel_loop3A_1716 = arith.addi %parallel_loop3A_1715, %parallel_loop3A_1704 : i32
        %parallel_loop3A_1717 = arith.index_cast %parallel_loop3A_1716 : i32 to index
        %parallel_loop3A_1718 = arith.index_cast %parallel_loop3A_1708 : i32 to index
        %parallel_loop3A_1719 = tpu.vector_load %arg7[%parallel_loop3A_1717, %parallel_loop3A_1718] {strides = array<i32>} : memref<32x768xf32, #tpu.memory_space<vmem>>, vector<1x16xf32>,
        %parallel_loop3A_1720 = vector.shape_cast %parallel_loop3A_1719 : vector<1x16xf32> to vector<16xf32>
        %parallel_loop3A_1721 = arith.addf %parallel_loop3A_1714, %parallel_loop3A_1720 : vector<16xf32>
        %parallel_loop3A_1722 = arith.constant 0 : i32
        %parallel_loop3A_1723 = arith.addi %parallel_loop3A_1722, %parallel_loop3A_1704 : i32
        %parallel_loop3A_1724 = arith.index_cast %parallel_loop3A_1723 : i32 to index
        %parallel_loop3A_1725 = arith.index_cast %parallel_loop3A_1708 : i32 to index
        %parallel_loop3A_1726 = tpu.vector_load %arg8[%parallel_loop3A_1724, %parallel_loop3A_1725] {strides = array<i32>} : memref<32x768xf32, #tpu.memory_space<vmem>>, vector<1x16xf32>,
        %parallel_loop3A_1727 = vector.shape_cast %parallel_loop3A_1726 : vector<1x16xf32> to vector<16xf32>
        %parallel_loop3A_1728 = vector.shape_cast %parallel_loop3A_1721 : vector<16xf32> to vector<1x16xf32>
        tpu.vector_store %arg8[%parallel_loop3A_1724, %parallel_loop3A_1725], %parallel_loop3A_1728 {strides = array<i32>} : memref<32x768xf32, #tpu.memory_space<vmem>>, vector<1x16xf32>,
      } {sc.loop_unroll_factor = 8 : i64, sc.parallel_access}
    } {sc.loop_unroll_factor = 1 : i64, sc.parallel_access}
    %add3A_901 = arith.constant 64 : i32
    %add3A_902 = arith.addi %mul3A_2, %add3A_901 : i32
    %add3A_903 = arith.constant 0 : i32
    %add3A_904 = arith.addi %add3A_902, %add3A_903 : i32
    %dma_start3A_905 = arith.constant 0 : i32
    %dma_start3A_906 = arith.constant 0 : i32
    %dma_start3A_907 = arith.constant 0 : i32
    %dma_start3A_908 = tpu.memref_slice %arg8[%dma_start3A_906, %dma_start3A_907] : memref<32x768xf32, #tpu.memory_space<vmem>> -> memref<16x768xf32, #tpu.memory_space<vmem>>
    %dma_start3A_909 = arith.constant 0 : i32
    %dma_start3A_910 = tpu.memref_slice %arg5[%dma_start3A_905, %add3A_904, %dma_start3A_909] : memref<4x4096x768xf32, #tpu.memory_space<hbm>> -> memref<1x16x768xf32, #tpu.memory_space<hbm>>
    %dma_start3A_911 = tpu.memref_squeeze %dma_start3A_910 : memref<1x16x768xf32, #tpu.memory_space<hbm>> -> memref<16x768xf32, #tpu.memory_space<hbm>>
    %dma_start3A_912 = arith.constant 0 : i32
    %dma_start3A_913 = tpu.memref_slice %arg5[%dma_start3A_905, %add3A_904, %dma_start3A_912] : memref<4x4096x768xf32, #tpu.memory_space<hbm>> -> memref<1x16x768xf32, #tpu.memory_space<hbm>>
    %dma_start3A_914 = tpu.memref_squeeze %dma_start3A_913 : memref<1x16x768xf32, #tpu.memory_space<hbm>> -> memref<16x768xf32, #tpu.memory_space<hbm>>
    %dma_start3A_915 = arith.constant 0 : i32
    %dma_start3A_916 = arith.constant 0 : i32
    %dma_start3A_917 = tpu.memref_slice %arg8[%dma_start3A_915, %dma_start3A_916] : memref<32x768xf32, #tpu.memory_space<vmem>> -> memref<16x768xf32, #tpu.memory_space<vmem>>
    tpu.enqueue_dma source(%dma_start3A_917 : memref<16x768xf32, #tpu.memory_space<vmem>>) target(%dma_start3A_914 : memref<16x768xf32, #tpu.memory_space<hbm>>) target_semaphore(%arg20 : memref<!tpu.dma_semaphore, #tpu.memory_space<semaphore_mem>>)
    %dma_wait3A_918 = arith.constant 0 : i32
    %dma_wait3A_919 = arith.constant 16 : i32
    %dma_wait3A_920 = arith.constant 0 : i32
    %dma_wait3A_921 = tpu.memref_slice %arg8[%dma_wait3A_919, %dma_wait3A_920] : memref<32x768xf32, #tpu.memory_space<vmem>> -> memref<16x768xf32, #tpu.memory_space<vmem>>
    %dma_wait3A_922 = arith.constant 80 : i32
    %dma_wait3A_923 = tpu.memref_slice %arg6[%dma_wait3A_918, %dma_wait3A_922] : memref<4x128xi32, #tpu.memory_space<vmem>> -> memref<1x16xi32, #tpu.memory_space<vmem>>
    %dma_wait3A_924 = tpu.memref_squeeze %dma_wait3A_923 : memref<1x16xi32, #tpu.memory_space<vmem>> -> memref<16xi32, #tpu.memory_space<vmem>>
    %dma_wait3A_925 = arith.constant 0 : i32
    %dma_wait3A_926 = arith.constant 0 : i32
    %dma_wait3A_927 = tpu.memref_slice %arg3[%dma_wait3A_925, %dma_wait3A_926] : memref<100000x768xf32, #tpu.memory_space<hbm>> -> memref<100000x768xf32, #tpu.memory_space<hbm>>
    tpu.wait_indirect_dma semaphore(%arg16 : memref<!tpu.dma_semaphore, #tpu.memory_space<semaphore_mem>>) src(%dma_wait3A_927 : memref<100000x768xf32, #tpu.memory_space<hbm>>) dst(%dma_wait3A_921 : memref<16x768xf32, #tpu.memory_space<vmem>>)
    %parallel_loop3A_928 = arith.constant 0 : i32
    %parallel_loop3A_929 = arith.constant 16 : i32
    %parallel_loop3A_930 = arith.constant 1 : i32
    scf.for %parallel_loop3A_1704 = %parallel_loop3A_928 to %parallel_loop3A_929 step %parallel_loop3A_930  : i32 {
      %parallel_loop3A_1705 = arith.constant 0 : i32
      %parallel_loop3A_1706 = arith.constant 768 : i32
      %parallel_loop3A_1707 = arith.constant 16 : i32
      scf.for %parallel_loop3A_1708 = %parallel_loop3A_1705 to %parallel_loop3A_1706 step %parallel_loop3A_1707  : i32 {
        %parallel_loop3A_1709 = arith.constant 16 : i32
        %parallel_loop3A_1710 = arith.addi %parallel_loop3A_1709, %parallel_loop3A_1704 : i32
        %parallel_loop3A_1711 = arith.index_cast %parallel_loop3A_1710 : i32 to index
        %parallel_loop3A_1712 = arith.index_cast %parallel_loop3A_1708 : i32 to index
        %parallel_loop3A_1713 = tpu.vector_load %arg8[%parallel_loop3A_1711, %parallel_loop3A_1712] {strides = array<i32>} : memref<32x768xf32, #tpu.memory_space<vmem>>, vector<1x16xf32>,
        %parallel_loop3A_1714 = vector.shape_cast %parallel_loop3A_1713 : vector<1x16xf32> to vector<16xf32>
        %parallel_loop3A_1715 = arith.constant 16 : i32
        %parallel_loop3A_1716 = arith.addi %parallel_loop3A_1715, %parallel_loop3A_1704 : i32
        %parallel_loop3A_1717 = arith.index_cast %parallel_loop3A_1716 : i32 to index
        %parallel_loop3A_1718 = arith.index_cast %parallel_loop3A_1708 : i32 to index
        %parallel_loop3A_1719 = tpu.vector_load %arg7[%parallel_loop3A_1717, %parallel_loop3A_1718] {strides = array<i32>} : memref<32x768xf32, #tpu.memory_space<vmem>>, vector<1x16xf32>,
        %parallel_loop3A_1720 = vector.shape_cast %parallel_loop3A_1719 : vector<1x16xf32> to vector<16xf32>
        %parallel_loop3A_1721 = arith.addf %parallel_loop3A_1714, %parallel_loop3A_1720 : vector<16xf32>
        %parallel_loop3A_1722 = arith.constant 16 : i32
        %parallel_loop3A_1723 = arith.addi %parallel_loop3A_1722, %parallel_loop3A_1704 : i32
        %parallel_loop3A_1724 = arith.index_cast %parallel_loop3A_1723 : i32 to index
        %parallel_loop3A_1725 = arith.index_cast %parallel_loop3A_1708 : i32 to index
        %parallel_loop3A_1726 = tpu.vector_load %arg8[%parallel_loop3A_1724, %parallel_loop3A_1725] {strides = array<i32>} : memref<32x768xf32, #tpu.memory_space<vmem>>, vector<1x16xf32>,
        %parallel_loop3A_1727 = vector.shape_cast %parallel_loop3A_1726 : vector<1x16xf32> to vector<16xf32>
        %parallel_loop3A_1728 = vector.shape_cast %parallel_loop3A_1721 : vector<16xf32> to vector<1x16xf32>
        tpu.vector_store %arg8[%parallel_loop3A_1724, %parallel_loop3A_1725], %parallel_loop3A_1728 {strides = array<i32>} : memref<32x768xf32, #tpu.memory_space<vmem>>, vector<1x16xf32>,
      } {sc.loop_unroll_factor = 8 : i64, sc.parallel_access}
    } {sc.loop_unroll_factor = 1 : i64, sc.parallel_access}
    %add3A_931 = arith.constant 64 : i32
    %add3A_932 = arith.addi %mul3A_2, %add3A_931 : i32
    %add3A_933 = arith.constant 16 : i32
    %add3A_934 = arith.addi %add3A_932, %add3A_933 : i32
    %dma_start3A_935 = arith.constant 0 : i32
    %dma_start3A_936 = arith.constant 16 : i32
    %dma_start3A_937 = arith.constant 0 : i32
    %dma_start3A_938 = tpu.memref_slice %arg8[%dma_start3A_936, %dma_start3A_937] : memref<32x768xf32, #tpu.memory_space<vmem>> -> memref<16x768xf32, #tpu.memory_space<vmem>>
    %dma_start3A_939 = arith.constant 0 : i32
    %dma_start3A_940 = tpu.memref_slice %arg5[%dma_start3A_935, %add3A_934, %dma_start3A_939] : memref<4x4096x768xf32, #tpu.memory_space<hbm>> -> memref<1x16x768xf32, #tpu.memory_space<hbm>>
    %dma_start3A_941 = tpu.memref_squeeze %dma_start3A_940 : memref<1x16x768xf32, #tpu.memory_space<hbm>> -> memref<16x768xf32, #tpu.memory_space<hbm>>
    %dma_start3A_942 = arith.constant 0 : i32
    %dma_start3A_943 = tpu.memref_slice %arg5[%dma_start3A_935, %add3A_934, %dma_start3A_942] : memref<4x4096x768xf32, #tpu.memory_space<hbm>> -> memref<1x16x768xf32, #tpu.memory_space<hbm>>
    %dma_start3A_944 = tpu.memref_squeeze %dma_start3A_943 : memref<1x16x768xf32, #tpu.memory_space<hbm>> -> memref<16x768xf32, #tpu.memory_space<hbm>>
    %dma_start3A_945 = arith.constant 16 : i32
    %dma_start3A_946 = arith.constant 0 : i32
    %dma_start3A_947 = tpu.memref_slice %arg8[%dma_start3A_945, %dma_start3A_946] : memref<32x768xf32, #tpu.memory_space<vmem>> -> memref<16x768xf32, #tpu.memory_space<vmem>>
    tpu.enqueue_dma source(%dma_start3A_947 : memref<16x768xf32, #tpu.memory_space<vmem>>) target(%dma_start3A_944 : memref<16x768xf32, #tpu.memory_space<hbm>>) target_semaphore(%arg24 : memref<!tpu.dma_semaphore, #tpu.memory_space<semaphore_mem>>)
    %dma_wait3A_948 = arith.constant 3 : i32
    %dma_wait3A_949 = arith.constant 0 : i32
    %dma_wait3A_950 = arith.constant 0 : i32
    %dma_wait3A_951 = tpu.memref_slice %arg11[%dma_wait3A_949, %dma_wait3A_950] : memref<32x768xf32, #tpu.memory_space<vmem>> -> memref<16x768xf32, #tpu.memory_space<vmem>>
    %dma_wait3A_952 = arith.constant 0 : i32
    %dma_wait3A_953 = tpu.memref_slice %arg5[%dma_wait3A_948, %add3A_796, %dma_wait3A_952] : memref<4x4096x768xf32, #tpu.memory_space<hbm>> -> memref<1x16x768xf32, #tpu.memory_space<hbm>>
    %dma_wait3A_954 = tpu.memref_squeeze %dma_wait3A_953 : memref<1x16x768xf32, #tpu.memory_space<hbm>> -> memref<16x768xf32, #tpu.memory_space<hbm>>
    %dma_wait3A_955 = arith.constant 0 : i32
    %dma_wait3A_956 = tpu.memref_slice %arg5[%dma_wait3A_948, %add3A_796, %dma_wait3A_955] : memref<4x4096x768xf32, #tpu.memory_space<hbm>> -> memref<1x16x768xf32, #tpu.memory_space<hbm>>
    %dma_wait3A_957 = tpu.memref_squeeze %dma_wait3A_956 : memref<1x16x768xf32, #tpu.memory_space<hbm>> -> memref<16x768xf32, #tpu.memory_space<hbm>>
    %dma_wait3A_958 = arith.constant 0 : i32
    %dma_wait3A_959 = arith.constant 0 : i32
    %dma_wait3A_960 = tpu.memref_slice %arg11[%dma_wait3A_958, %dma_wait3A_959] : memref<32x768xf32, #tpu.memory_space<vmem>> -> memref<16x768xf32, #tpu.memory_space<vmem>>
    tpu.wait_dma2 semaphore(%arg23 : memref<!tpu.dma_semaphore, #tpu.memory_space<semaphore_mem>>) src(%dma_wait3A_960 : memref<16x768xf32, #tpu.memory_space<vmem>>) dst(%dma_wait3A_957 : memref<16x768xf32, #tpu.memory_space<hbm>>)
    %dma_wait3A_961 = arith.constant 3 : i32
    %dma_wait3A_962 = arith.constant 16 : i32
    %dma_wait3A_963 = arith.constant 0 : i32
    %dma_wait3A_964 = tpu.memref_slice %arg11[%dma_wait3A_962, %dma_wait3A_963] : memref<32x768xf32, #tpu.memory_space<vmem>> -> memref<16x768xf32, #tpu.memory_space<vmem>>
    %dma_wait3A_965 = arith.constant 0 : i32
    %dma_wait3A_966 = tpu.memref_slice %arg5[%dma_wait3A_961, %add3A_826, %dma_wait3A_965] : memref<4x4096x768xf32, #tpu.memory_space<hbm>> -> memref<1x16x768xf32, #tpu.memory_space<hbm>>
    %dma_wait3A_967 = tpu.memref_squeeze %dma_wait3A_966 : memref<1x16x768xf32, #tpu.memory_space<hbm>> -> memref<16x768xf32, #tpu.memory_space<hbm>>
    %dma_wait3A_968 = arith.constant 0 : i32
    %dma_wait3A_969 = tpu.memref_slice %arg5[%dma_wait3A_961, %add3A_826, %dma_wait3A_968] : memref<4x4096x768xf32, #tpu.memory_space<hbm>> -> memref<1x16x768xf32, #tpu.memory_space<hbm>>
    %dma_wait3A_970 = tpu.memref_squeeze %dma_wait3A_969 : memref<1x16x768xf32, #tpu.memory_space<hbm>> -> memref<16x768xf32, #tpu.memory_space<hbm>>
    %dma_wait3A_971 = arith.constant 16 : i32
    %dma_wait3A_972 = arith.constant 0 : i32
    %dma_wait3A_973 = tpu.memref_slice %arg11[%dma_wait3A_971, %dma_wait3A_972] : memref<32x768xf32, #tpu.memory_space<vmem>> -> memref<16x768xf32, #tpu.memory_space<vmem>>
    tpu.wait_dma2 semaphore(%arg27 : memref<!tpu.dma_semaphore, #tpu.memory_space<semaphore_mem>>) src(%dma_wait3A_973 : memref<16x768xf32, #tpu.memory_space<vmem>>) dst(%dma_wait3A_970 : memref<16x768xf32, #tpu.memory_space<hbm>>)
    %dma_start3A_974 = arith.constant 3 : i32
    %dma_start3A_975 = arith.constant 0 : i32
    %dma_start3A_976 = arith.constant 0 : i32
    %dma_start3A_977 = tpu.memref_slice %arg11[%dma_start3A_975, %dma_start3A_976] : memref<32x768xf32, #tpu.memory_space<vmem>> -> memref<16x768xf32, #tpu.memory_space<vmem>>
    %dma_start3A_978 = arith.constant 64 : i32
    %dma_start3A_979 = tpu.memref_slice %arg6[%dma_start3A_974, %dma_start3A_978] : memref<4x128xi32, #tpu.memory_space<vmem>> -> memref<1x16xi32, #tpu.memory_space<vmem>>
    %dma_start3A_980 = tpu.memref_squeeze %dma_start3A_979 : memref<1x16xi32, #tpu.memory_space<vmem>> -> memref<16xi32, #tpu.memory_space<vmem>>
    %dma_start3A_981 = arith.constant 0 : i32
    %dma_start3A_982 = arith.constant 0 : i32
    %dma_start3A_983 = tpu.memref_slice %arg3[%dma_start3A_981, %dma_start3A_982] : memref<100000x768xf32, #tpu.memory_space<hbm>> -> memref<100000x768xf32, #tpu.memory_space<hbm>>
    tpu.enqueue_indirect_dma source(%dma_start3A_983 : memref<100000x768xf32, #tpu.memory_space<hbm>>) target(%dma_start3A_977 : memref<16x768xf32, #tpu.memory_space<vmem>>) offsets(%dma_start3A_980 : memref<16xi32, #tpu.memory_space<vmem>>) semaphore(%arg15 : memref<!tpu.dma_semaphore, #tpu.memory_space<semaphore_mem>>)
    %dma_start3A_984 = arith.constant 3 : i32
    %dma_start3A_985 = arith.constant 16 : i32
    %dma_start3A_986 = arith.constant 0 : i32
    %dma_start3A_987 = tpu.memref_slice %arg11[%dma_start3A_985, %dma_start3A_986] : memref<32x768xf32, #tpu.memory_space<vmem>> -> memref<16x768xf32, #tpu.memory_space<vmem>>
    %dma_start3A_988 = arith.constant 80 : i32
    %dma_start3A_989 = tpu.memref_slice %arg6[%dma_start3A_984, %dma_start3A_988] : memref<4x128xi32, #tpu.memory_space<vmem>> -> memref<1x16xi32, #tpu.memory_space<vmem>>
    %dma_start3A_990 = tpu.memref_squeeze %dma_start3A_989 : memref<1x16xi32, #tpu.memory_space<vmem>> -> memref<16xi32, #tpu.memory_space<vmem>>
    %dma_start3A_991 = arith.constant 0 : i32
    %dma_start3A_992 = arith.constant 0 : i32
    %dma_start3A_993 = tpu.memref_slice %arg3[%dma_start3A_991, %dma_start3A_992] : memref<100000x768xf32, #tpu.memory_space<hbm>> -> memref<100000x768xf32, #tpu.memory_space<hbm>>
    tpu.enqueue_indirect_dma source(%dma_start3A_993 : memref<100000x768xf32, #tpu.memory_space<hbm>>) target(%dma_start3A_987 : memref<16x768xf32, #tpu.memory_space<vmem>>) offsets(%dma_start3A_990 : memref<16xi32, #tpu.memory_space<vmem>>) semaphore(%arg19 : memref<!tpu.dma_semaphore, #tpu.memory_space<semaphore_mem>>)
    %dma_wait3A_994 = arith.constant 1 : i32
    %dma_wait3A_995 = arith.constant 0 : i32
    %dma_wait3A_996 = arith.constant 0 : i32
    %dma_wait3A_997 = tpu.memref_slice %arg9[%dma_wait3A_995, %dma_wait3A_996] : memref<32x768xf32, #tpu.memory_space<vmem>> -> memref<16x768xf32, #tpu.memory_space<vmem>>
    %dma_wait3A_998 = arith.constant 64 : i32
    %dma_wait3A_999 = tpu.memref_slice %arg6[%dma_wait3A_994, %dma_wait3A_998] : memref<4x128xi32, #tpu.memory_space<vmem>> -> memref<1x16xi32, #tpu.memory_space<vmem>>
    %dma_wait3A_1000 = tpu.memref_squeeze %dma_wait3A_999 : memref<1x16xi32, #tpu.memory_space<vmem>> -> memref<16xi32, #tpu.memory_space<vmem>>
    %dma_wait3A_1001 = arith.constant 0 : i32
    %dma_wait3A_1002 = arith.constant 0 : i32
    %dma_wait3A_1003 = tpu.memref_slice %arg3[%dma_wait3A_1001, %dma_wait3A_1002] : memref<100000x768xf32, #tpu.memory_space<hbm>> -> memref<100000x768xf32, #tpu.memory_space<hbm>>
    tpu.wait_indirect_dma semaphore(%arg13 : memref<!tpu.dma_semaphore, #tpu.memory_space<semaphore_mem>>) src(%dma_wait3A_1003 : memref<100000x768xf32, #tpu.memory_space<hbm>>) dst(%dma_wait3A_997 : memref<16x768xf32, #tpu.memory_space<vmem>>)
    %parallel_loop3A_1004 = arith.constant 0 : i32
    %parallel_loop3A_1005 = arith.constant 16 : i32
    %parallel_loop3A_1006 = arith.constant 1 : i32
    scf.for %parallel_loop3A_1704 = %parallel_loop3A_1004 to %parallel_loop3A_1005 step %parallel_loop3A_1006  : i32 {
      %parallel_loop3A_1705 = arith.constant 0 : i32
      %parallel_loop3A_1706 = arith.constant 768 : i32
      %parallel_loop3A_1707 = arith.constant 16 : i32
      scf.for %parallel_loop3A_1708 = %parallel_loop3A_1705 to %parallel_loop3A_1706 step %parallel_loop3A_1707  : i32 {
        %parallel_loop3A_1709 = arith.constant 0 : i32
        %parallel_loop3A_1710 = arith.addi %parallel_loop3A_1709, %parallel_loop3A_1704 : i32
        %parallel_loop3A_1711 = arith.index_cast %parallel_loop3A_1710 : i32 to index
        %parallel_loop3A_1712 = arith.index_cast %parallel_loop3A_1708 : i32 to index
        %parallel_loop3A_1713 = tpu.vector_load %arg9[%parallel_loop3A_1711, %parallel_loop3A_1712] {strides = array<i32>} : memref<32x768xf32, #tpu.memory_space<vmem>>, vector<1x16xf32>,
        %parallel_loop3A_1714 = vector.shape_cast %parallel_loop3A_1713 : vector<1x16xf32> to vector<16xf32>
        %parallel_loop3A_1715 = arith.constant 0 : i32
        %parallel_loop3A_1716 = arith.addi %parallel_loop3A_1715, %parallel_loop3A_1704 : i32
        %parallel_loop3A_1717 = arith.index_cast %parallel_loop3A_1716 : i32 to index
        %parallel_loop3A_1718 = arith.index_cast %parallel_loop3A_1708 : i32 to index
        %parallel_loop3A_1719 = tpu.vector_load %arg7[%parallel_loop3A_1717, %parallel_loop3A_1718] {strides = array<i32>} : memref<32x768xf32, #tpu.memory_space<vmem>>, vector<1x16xf32>,
        %parallel_loop3A_1720 = vector.shape_cast %parallel_loop3A_1719 : vector<1x16xf32> to vector<16xf32>
        %parallel_loop3A_1721 = arith.addf %parallel_loop3A_1714, %parallel_loop3A_1720 : vector<16xf32>
        %parallel_loop3A_1722 = arith.constant 0 : i32
        %parallel_loop3A_1723 = arith.addi %parallel_loop3A_1722, %parallel_loop3A_1704 : i32
        %parallel_loop3A_1724 = arith.index_cast %parallel_loop3A_1723 : i32 to index
        %parallel_loop3A_1725 = arith.index_cast %parallel_loop3A_1708 : i32 to index
        %parallel_loop3A_1726 = tpu.vector_load %arg9[%parallel_loop3A_1724, %parallel_loop3A_1725] {strides = array<i32>} : memref<32x768xf32, #tpu.memory_space<vmem>>, vector<1x16xf32>,
        %parallel_loop3A_1727 = vector.shape_cast %parallel_loop3A_1726 : vector<1x16xf32> to vector<16xf32>
        %parallel_loop3A_1728 = vector.shape_cast %parallel_loop3A_1721 : vector<16xf32> to vector<1x16xf32>
        tpu.vector_store %arg9[%parallel_loop3A_1724, %parallel_loop3A_1725], %parallel_loop3A_1728 {strides = array<i32>} : memref<32x768xf32, #tpu.memory_space<vmem>>, vector<1x16xf32>,
      } {sc.loop_unroll_factor = 8 : i64, sc.parallel_access}
    } {sc.loop_unroll_factor = 1 : i64, sc.parallel_access}
    %add3A_1007 = arith.constant 64 : i32
    %add3A_1008 = arith.addi %mul3A_2, %add3A_1007 : i32
    %add3A_1009 = arith.constant 0 : i32
    %add3A_1010 = arith.addi %add3A_1008, %add3A_1009 : i32
    %dma_start3A_1011 = arith.constant 1 : i32
    %dma_start3A_1012 = arith.constant 0 : i32
    %dma_start3A_1013 = arith.constant 0 : i32
    %dma_start3A_1014 = tpu.memref_slice %arg9[%dma_start3A_1012, %dma_start3A_1013] : memref<32x768xf32, #tpu.memory_space<vmem>> -> memref<16x768xf32, #tpu.memory_space<vmem>>
    %dma_start3A_1015 = arith.constant 0 : i32
    %dma_start3A_1016 = tpu.memref_slice %arg5[%dma_start3A_1011, %add3A_1010, %dma_start3A_1015] : memref<4x4096x768xf32, #tpu.memory_space<hbm>> -> memref<1x16x768xf32, #tpu.memory_space<hbm>>
    %dma_start3A_1017 = tpu.memref_squeeze %dma_start3A_1016 : memref<1x16x768xf32, #tpu.memory_space<hbm>> -> memref<16x768xf32, #tpu.memory_space<hbm>>
    %dma_start3A_1018 = arith.constant 0 : i32
    %dma_start3A_1019 = tpu.memref_slice %arg5[%dma_start3A_1011, %add3A_1010, %dma_start3A_1018] : memref<4x4096x768xf32, #tpu.memory_space<hbm>> -> memref<1x16x768xf32, #tpu.memory_space<hbm>>
    %dma_start3A_1020 = tpu.memref_squeeze %dma_start3A_1019 : memref<1x16x768xf32, #tpu.memory_space<hbm>> -> memref<16x768xf32, #tpu.memory_space<hbm>>
    %dma_start3A_1021 = arith.constant 0 : i32
    %dma_start3A_1022 = arith.constant 0 : i32
    %dma_start3A_1023 = tpu.memref_slice %arg9[%dma_start3A_1021, %dma_start3A_1022] : memref<32x768xf32, #tpu.memory_space<vmem>> -> memref<16x768xf32, #tpu.memory_space<vmem>>
    tpu.enqueue_dma source(%dma_start3A_1023 : memref<16x768xf32, #tpu.memory_space<vmem>>) target(%dma_start3A_1020 : memref<16x768xf32, #tpu.memory_space<hbm>>) target_semaphore(%arg21 : memref<!tpu.dma_semaphore, #tpu.memory_space<semaphore_mem>>)
    %dma_wait3A_1024 = arith.constant 1 : i32
    %dma_wait3A_1025 = arith.constant 16 : i32
    %dma_wait3A_1026 = arith.constant 0 : i32
    %dma_wait3A_1027 = tpu.memref_slice %arg9[%dma_wait3A_1025, %dma_wait3A_1026] : memref<32x768xf32, #tpu.memory_space<vmem>> -> memref<16x768xf32, #tpu.memory_space<vmem>>
    %dma_wait3A_1028 = arith.constant 80 : i32
    %dma_wait3A_1029 = tpu.memref_slice %arg6[%dma_wait3A_1024, %dma_wait3A_1028] : memref<4x128xi32, #tpu.memory_space<vmem>> -> memref<1x16xi32, #tpu.memory_space<vmem>>
    %dma_wait3A_1030 = tpu.memref_squeeze %dma_wait3A_1029 : memref<1x16xi32, #tpu.memory_space<vmem>> -> memref<16xi32, #tpu.memory_space<vmem>>
    %dma_wait3A_1031 = arith.constant 0 : i32
    %dma_wait3A_1032 = arith.constant 0 : i32
    %dma_wait3A_1033 = tpu.memref_slice %arg3[%dma_wait3A_1031, %dma_wait3A_1032] : memref<100000x768xf32, #tpu.memory_space<hbm>> -> memref<100000x768xf32, #tpu.memory_space<hbm>>
    tpu.wait_indirect_dma semaphore(%arg17 : memref<!tpu.dma_semaphore, #tpu.memory_space<semaphore_mem>>) src(%dma_wait3A_1033 : memref<100000x768xf32, #tpu.memory_space<hbm>>) dst(%dma_wait3A_1027 : memref<16x768xf32, #tpu.memory_space<vmem>>)
    %parallel_loop3A_1034 = arith.constant 0 : i32
    %parallel_loop3A_1035 = arith.constant 16 : i32
    %parallel_loop3A_1036 = arith.constant 1 : i32
    scf.for %parallel_loop3A_1704 = %parallel_loop3A_1034 to %parallel_loop3A_1035 step %parallel_loop3A_1036  : i32 {
      %parallel_loop3A_1705 = arith.constant 0 : i32
      %parallel_loop3A_1706 = arith.constant 768 : i32
      %parallel_loop3A_1707 = arith.constant 16 : i32
      scf.for %parallel_loop3A_1708 = %parallel_loop3A_1705 to %parallel_loop3A_1706 step %parallel_loop3A_1707  : i32 {
        %parallel_loop3A_1709 = arith.constant 16 : i32
        %parallel_loop3A_1710 = arith.addi %parallel_loop3A_1709, %parallel_loop3A_1704 : i32
        %parallel_loop3A_1711 = arith.index_cast %parallel_loop3A_1710 : i32 to index
        %parallel_loop3A_1712 = arith.index_cast %parallel_loop3A_1708 : i32 to index
        %parallel_loop3A_1713 = tpu.vector_load %arg9[%parallel_loop3A_1711, %parallel_loop3A_1712] {strides = array<i32>} : memref<32x768xf32, #tpu.memory_space<vmem>>, vector<1x16xf32>,
        %parallel_loop3A_1714 = vector.shape_cast %parallel_loop3A_1713 : vector<1x16xf32> to vector<16xf32>
        %parallel_loop3A_1715 = arith.constant 16 : i32
        %parallel_loop3A_1716 = arith.addi %parallel_loop3A_1715, %parallel_loop3A_1704 : i32
        %parallel_loop3A_1717 = arith.index_cast %parallel_loop3A_1716 : i32 to index
        %parallel_loop3A_1718 = arith.index_cast %parallel_loop3A_1708 : i32 to index
        %parallel_loop3A_1719 = tpu.vector_load %arg7[%parallel_loop3A_1717, %parallel_loop3A_1718] {strides = array<i32>} : memref<32x768xf32, #tpu.memory_space<vmem>>, vector<1x16xf32>,
        %parallel_loop3A_1720 = vector.shape_cast %parallel_loop3A_1719 : vector<1x16xf32> to vector<16xf32>
        %parallel_loop3A_1721 = arith.addf %parallel_loop3A_1714, %parallel_loop3A_1720 : vector<16xf32>
        %parallel_loop3A_1722 = arith.constant 16 : i32
        %parallel_loop3A_1723 = arith.addi %parallel_loop3A_1722, %parallel_loop3A_1704 : i32
        %parallel_loop3A_1724 = arith.index_cast %parallel_loop3A_1723 : i32 to index
        %parallel_loop3A_1725 = arith.index_cast %parallel_loop3A_1708 : i32 to index
        %parallel_loop3A_1726 = tpu.vector_load %arg9[%parallel_loop3A_1724, %parallel_loop3A_1725] {strides = array<i32>} : memref<32x768xf32, #tpu.memory_space<vmem>>, vector<1x16xf32>,
        %parallel_loop3A_1727 = vector.shape_cast %parallel_loop3A_1726 : vector<1x16xf32> to vector<16xf32>
        %parallel_loop3A_1728 = vector.shape_cast %parallel_loop3A_1721 : vector<16xf32> to vector<1x16xf32>
        tpu.vector_store %arg9[%parallel_loop3A_1724, %parallel_loop3A_1725], %parallel_loop3A_1728 {strides = array<i32>} : memref<32x768xf32, #tpu.memory_space<vmem>>, vector<1x16xf32>,
      } {sc.loop_unroll_factor = 8 : i64, sc.parallel_access}
    } {sc.loop_unroll_factor = 1 : i64, sc.parallel_access}
    %add3A_1037 = arith.constant 64 : i32
    %add3A_1038 = arith.addi %mul3A_2, %add3A_1037 : i32
    %add3A_1039 = arith.constant 16 : i32
    %add3A_1040 = arith.addi %add3A_1038, %add3A_1039 : i32
    %dma_start3A_1041 = arith.constant 1 : i32
    %dma_start3A_1042 = arith.constant 16 : i32
    %dma_start3A_1043 = arith.constant 0 : i32
    %dma_start3A_1044 = tpu.memref_slice %arg9[%dma_start3A_1042, %dma_start3A_1043] : memref<32x768xf32, #tpu.memory_space<vmem>> -> memref<16x768xf32, #tpu.memory_space<vmem>>
    %dma_start3A_1045 = arith.constant 0 : i32
    %dma_start3A_1046 = tpu.memref_slice %arg5[%dma_start3A_1041, %add3A_1040, %dma_start3A_1045] : memref<4x4096x768xf32, #tpu.memory_space<hbm>> -> memref<1x16x768xf32, #tpu.memory_space<hbm>>
    %dma_start3A_1047 = tpu.memref_squeeze %dma_start3A_1046 : memref<1x16x768xf32, #tpu.memory_space<hbm>> -> memref<16x768xf32, #tpu.memory_space<hbm>>
    %dma_start3A_1048 = arith.constant 0 : i32
    %dma_start3A_1049 = tpu.memref_slice %arg5[%dma_start3A_1041, %add3A_1040, %dma_start3A_1048] : memref<4x4096x768xf32, #tpu.memory_space<hbm>> -> memref<1x16x768xf32, #tpu.memory_space<hbm>>
    %dma_start3A_1050 = tpu.memref_squeeze %dma_start3A_1049 : memref<1x16x768xf32, #tpu.memory_space<hbm>> -> memref<16x768xf32, #tpu.memory_space<hbm>>
    %dma_start3A_1051 = arith.constant 16 : i32
    %dma_start3A_1052 = arith.constant 0 : i32
    %dma_start3A_1053 = tpu.memref_slice %arg9[%dma_start3A_1051, %dma_start3A_1052] : memref<32x768xf32, #tpu.memory_space<vmem>> -> memref<16x768xf32, #tpu.memory_space<vmem>>
    tpu.enqueue_dma source(%dma_start3A_1053 : memref<16x768xf32, #tpu.memory_space<vmem>>) target(%dma_start3A_1050 : memref<16x768xf32, #tpu.memory_space<hbm>>) target_semaphore(%arg25 : memref<!tpu.dma_semaphore, #tpu.memory_space<semaphore_mem>>)
    %dma_wait3A_1054 = arith.constant 0 : i32
    %dma_wait3A_1055 = arith.constant 0 : i32
    %dma_wait3A_1056 = arith.constant 0 : i32
    %dma_wait3A_1057 = tpu.memref_slice %arg8[%dma_wait3A_1055, %dma_wait3A_1056] : memref<32x768xf32, #tpu.memory_space<vmem>> -> memref<16x768xf32, #tpu.memory_space<vmem>>
    %dma_wait3A_1058 = arith.constant 0 : i32
    %dma_wait3A_1059 = tpu.memref_slice %arg5[%dma_wait3A_1054, %add3A_904, %dma_wait3A_1058] : memref<4x4096x768xf32, #tpu.memory_space<hbm>> -> memref<1x16x768xf32, #tpu.memory_space<hbm>>
    %dma_wait3A_1060 = tpu.memref_squeeze %dma_wait3A_1059 : memref<1x16x768xf32, #tpu.memory_space<hbm>> -> memref<16x768xf32, #tpu.memory_space<hbm>>
    %dma_wait3A_1061 = arith.constant 0 : i32
    %dma_wait3A_1062 = tpu.memref_slice %arg5[%dma_wait3A_1054, %add3A_904, %dma_wait3A_1061] : memref<4x4096x768xf32, #tpu.memory_space<hbm>> -> memref<1x16x768xf32, #tpu.memory_space<hbm>>
    %dma_wait3A_1063 = tpu.memref_squeeze %dma_wait3A_1062 : memref<1x16x768xf32, #tpu.memory_space<hbm>> -> memref<16x768xf32, #tpu.memory_space<hbm>>
    %dma_wait3A_1064 = arith.constant 0 : i32
    %dma_wait3A_1065 = arith.constant 0 : i32
    %dma_wait3A_1066 = tpu.memref_slice %arg8[%dma_wait3A_1064, %dma_wait3A_1065] : memref<32x768xf32, #tpu.memory_space<vmem>> -> memref<16x768xf32, #tpu.memory_space<vmem>>
    tpu.wait_dma2 semaphore(%arg20 : memref<!tpu.dma_semaphore, #tpu.memory_space<semaphore_mem>>) src(%dma_wait3A_1066 : memref<16x768xf32, #tpu.memory_space<vmem>>) dst(%dma_wait3A_1063 : memref<16x768xf32, #tpu.memory_space<hbm>>)
    %dma_wait3A_1067 = arith.constant 0 : i32
    %dma_wait3A_1068 = arith.constant 16 : i32
    %dma_wait3A_1069 = arith.constant 0 : i32
    %dma_wait3A_1070 = tpu.memref_slice %arg8[%dma_wait3A_1068, %dma_wait3A_1069] : memref<32x768xf32, #tpu.memory_space<vmem>> -> memref<16x768xf32, #tpu.memory_space<vmem>>
    %dma_wait3A_1071 = arith.constant 0 : i32
    %dma_wait3A_1072 = tpu.memref_slice %arg5[%dma_wait3A_1067, %add3A_934, %dma_wait3A_1071] : memref<4x4096x768xf32, #tpu.memory_space<hbm>> -> memref<1x16x768xf32, #tpu.memory_space<hbm>>
    %dma_wait3A_1073 = tpu.memref_squeeze %dma_wait3A_1072 : memref<1x16x768xf32, #tpu.memory_space<hbm>> -> memref<16x768xf32, #tpu.memory_space<hbm>>
    %dma_wait3A_1074 = arith.constant 0 : i32
    %dma_wait3A_1075 = tpu.memref_slice %arg5[%dma_wait3A_1067, %add3A_934, %dma_wait3A_1074] : memref<4x4096x768xf32, #tpu.memory_space<hbm>> -> memref<1x16x768xf32, #tpu.memory_space<hbm>>
    %dma_wait3A_1076 = tpu.memref_squeeze %dma_wait3A_1075 : memref<1x16x768xf32, #tpu.memory_space<hbm>> -> memref<16x768xf32, #tpu.memory_space<hbm>>
    %dma_wait3A_1077 = arith.constant 16 : i32
    %dma_wait3A_1078 = arith.constant 0 : i32
    %dma_wait3A_1079 = tpu.memref_slice %arg8[%dma_wait3A_1077, %dma_wait3A_1078] : memref<32x768xf32, #tpu.memory_space<vmem>> -> memref<16x768xf32, #tpu.memory_space<vmem>>
    tpu.wait_dma2 semaphore(%arg24 : memref<!tpu.dma_semaphore, #tpu.memory_space<semaphore_mem>>) src(%dma_wait3A_1079 : memref<16x768xf32, #tpu.memory_space<vmem>>) dst(%dma_wait3A_1076 : memref<16x768xf32, #tpu.memory_space<hbm>>)
    %dma_start3A_1080 = arith.constant 0 : i32
    %dma_start3A_1081 = arith.constant 0 : i32
    %dma_start3A_1082 = arith.constant 0 : i32
    %dma_start3A_1083 = tpu.memref_slice %arg8[%dma_start3A_1081, %dma_start3A_1082] : memref<32x768xf32, #tpu.memory_space<vmem>> -> memref<16x768xf32, #tpu.memory_space<vmem>>
    %dma_start3A_1084 = arith.constant 96 : i32
    %dma_start3A_1085 = tpu.memref_slice %arg6[%dma_start3A_1080, %dma_start3A_1084] : memref<4x128xi32, #tpu.memory_space<vmem>> -> memref<1x16xi32, #tpu.memory_space<vmem>>
    %dma_start3A_1086 = tpu.memref_squeeze %dma_start3A_1085 : memref<1x16xi32, #tpu.memory_space<vmem>> -> memref<16xi32, #tpu.memory_space<vmem>>
    %dma_start3A_1087 = arith.constant 0 : i32
    %dma_start3A_1088 = arith.constant 0 : i32
    %dma_start3A_1089 = tpu.memref_slice %arg3[%dma_start3A_1087, %dma_start3A_1088] : memref<100000x768xf32, #tpu.memory_space<hbm>> -> memref<100000x768xf32, #tpu.memory_space<hbm>>
    tpu.enqueue_indirect_dma source(%dma_start3A_1089 : memref<100000x768xf32, #tpu.memory_space<hbm>>) target(%dma_start3A_1083 : memref<16x768xf32, #tpu.memory_space<vmem>>) offsets(%dma_start3A_1086 : memref<16xi32, #tpu.memory_space<vmem>>) semaphore(%arg12 : memref<!tpu.dma_semaphore, #tpu.memory_space<semaphore_mem>>)
    %dma_start3A_1090 = arith.constant 0 : i32
    %dma_start3A_1091 = arith.constant 16 : i32
    %dma_start3A_1092 = arith.constant 0 : i32
    %dma_start3A_1093 = tpu.memref_slice %arg8[%dma_start3A_1091, %dma_start3A_1092] : memref<32x768xf32, #tpu.memory_space<vmem>> -> memref<16x768xf32, #tpu.memory_space<vmem>>
    %dma_start3A_1094 = arith.constant 112 : i32
    %dma_start3A_1095 = tpu.memref_slice %arg6[%dma_start3A_1090, %dma_start3A_1094] : memref<4x128xi32, #tpu.memory_space<vmem>> -> memref<1x16xi32, #tpu.memory_space<vmem>>
    %dma_start3A_1096 = tpu.memref_squeeze %dma_start3A_1095 : memref<1x16xi32, #tpu.memory_space<vmem>> -> memref<16xi32, #tpu.memory_space<vmem>>
    %dma_start3A_1097 = arith.constant 0 : i32
    %dma_start3A_1098 = arith.constant 0 : i32
    %dma_start3A_1099 = tpu.memref_slice %arg3[%dma_start3A_1097, %dma_start3A_1098] : memref<100000x768xf32, #tpu.memory_space<hbm>> -> memref<100000x768xf32, #tpu.memory_space<hbm>>
    tpu.enqueue_indirect_dma source(%dma_start3A_1099 : memref<100000x768xf32, #tpu.memory_space<hbm>>) target(%dma_start3A_1093 : memref<16x768xf32, #tpu.memory_space<vmem>>) offsets(%dma_start3A_1096 : memref<16xi32, #tpu.memory_space<vmem>>) semaphore(%arg16 : memref<!tpu.dma_semaphore, #tpu.memory_space<semaphore_mem>>)
    %dma_wait3A_1100 = arith.constant 2 : i32
    %dma_wait3A_1101 = arith.constant 0 : i32
    %dma_wait3A_1102 = arith.constant 0 : i32
    %dma_wait3A_1103 = tpu.memref_slice %arg10[%dma_wait3A_1101, %dma_wait3A_1102] : memref<32x768xf32, #tpu.memory_space<vmem>> -> memref<16x768xf32, #tpu.memory_space<vmem>>
    %dma_wait3A_1104 = arith.constant 64 : i32
    %dma_wait3A_1105 = tpu.memref_slice %arg6[%dma_wait3A_1100, %dma_wait3A_1104] : memref<4x128xi32, #tpu.memory_space<vmem>> -> memref<1x16xi32, #tpu.memory_space<vmem>>
    %dma_wait3A_1106 = tpu.memref_squeeze %dma_wait3A_1105 : memref<1x16xi32, #tpu.memory_space<vmem>> -> memref<16xi32, #tpu.memory_space<vmem>>
    %dma_wait3A_1107 = arith.constant 0 : i32
    %dma_wait3A_1108 = arith.constant 0 : i32
    %dma_wait3A_1109 = tpu.memref_slice %arg3[%dma_wait3A_1107, %dma_wait3A_1108] : memref<100000x768xf32, #tpu.memory_space<hbm>> -> memref<100000x768xf32, #tpu.memory_space<hbm>>
    tpu.wait_indirect_dma semaphore(%arg14 : memref<!tpu.dma_semaphore, #tpu.memory_space<semaphore_mem>>) src(%dma_wait3A_1109 : memref<100000x768xf32, #tpu.memory_space<hbm>>) dst(%dma_wait3A_1103 : memref<16x768xf32, #tpu.memory_space<vmem>>)
    %parallel_loop3A_1110 = arith.constant 0 : i32
    %parallel_loop3A_1111 = arith.constant 16 : i32
    %parallel_loop3A_1112 = arith.constant 1 : i32
    scf.for %parallel_loop3A_1704 = %parallel_loop3A_1110 to %parallel_loop3A_1111 step %parallel_loop3A_1112  : i32 {
      %parallel_loop3A_1705 = arith.constant 0 : i32
      %parallel_loop3A_1706 = arith.constant 768 : i32
      %parallel_loop3A_1707 = arith.constant 16 : i32
      scf.for %parallel_loop3A_1708 = %parallel_loop3A_1705 to %parallel_loop3A_1706 step %parallel_loop3A_1707  : i32 {
        %parallel_loop3A_1709 = arith.constant 0 : i32
        %parallel_loop3A_1710 = arith.addi %parallel_loop3A_1709, %parallel_loop3A_1704 : i32
        %parallel_loop3A_1711 = arith.index_cast %parallel_loop3A_1710 : i32 to index
        %parallel_loop3A_1712 = arith.index_cast %parallel_loop3A_1708 : i32 to index
        %parallel_loop3A_1713 = tpu.vector_load %arg10[%parallel_loop3A_1711, %parallel_loop3A_1712] {strides = array<i32>} : memref<32x768xf32, #tpu.memory_space<vmem>>, vector<1x16xf32>,
        %parallel_loop3A_1714 = vector.shape_cast %parallel_loop3A_1713 : vector<1x16xf32> to vector<16xf32>
        %parallel_loop3A_1715 = arith.constant 0 : i32
        %parallel_loop3A_1716 = arith.addi %parallel_loop3A_1715, %parallel_loop3A_1704 : i32
        %parallel_loop3A_1717 = arith.index_cast %parallel_loop3A_1716 : i32 to index
        %parallel_loop3A_1718 = arith.index_cast %parallel_loop3A_1708 : i32 to index
        %parallel_loop3A_1719 = tpu.vector_load %arg7[%parallel_loop3A_1717, %parallel_loop3A_1718] {strides = array<i32>} : memref<32x768xf32, #tpu.memory_space<vmem>>, vector<1x16xf32>,
        %parallel_loop3A_1720 = vector.shape_cast %parallel_loop3A_1719 : vector<1x16xf32> to vector<16xf32>
        %parallel_loop3A_1721 = arith.addf %parallel_loop3A_1714, %parallel_loop3A_1720 : vector<16xf32>
        %parallel_loop3A_1722 = arith.constant 0 : i32
        %parallel_loop3A_1723 = arith.addi %parallel_loop3A_1722, %parallel_loop3A_1704 : i32
        %parallel_loop3A_1724 = arith.index_cast %parallel_loop3A_1723 : i32 to index
        %parallel_loop3A_1725 = arith.index_cast %parallel_loop3A_1708 : i32 to index
        %parallel_loop3A_1726 = tpu.vector_load %arg10[%parallel_loop3A_1724, %parallel_loop3A_1725] {strides = array<i32>} : memref<32x768xf32, #tpu.memory_space<vmem>>, vector<1x16xf32>,
        %parallel_loop3A_1727 = vector.shape_cast %parallel_loop3A_1726 : vector<1x16xf32> to vector<16xf32>
        %parallel_loop3A_1728 = vector.shape_cast %parallel_loop3A_1721 : vector<16xf32> to vector<1x16xf32>
        tpu.vector_store %arg10[%parallel_loop3A_1724, %parallel_loop3A_1725], %parallel_loop3A_1728 {strides = array<i32>} : memref<32x768xf32, #tpu.memory_space<vmem>>, vector<1x16xf32>,
      } {sc.loop_unroll_factor = 8 : i64, sc.parallel_access}
    } {sc.loop_unroll_factor = 1 : i64, sc.parallel_access}
    %add3A_1113 = arith.constant 64 : i32
    %add3A_1114 = arith.addi %mul3A_2, %add3A_1113 : i32
    %add3A_1115 = arith.constant 0 : i32
    %add3A_1116 = arith.addi %add3A_1114, %add3A_1115 : i32
    %dma_start3A_1117 = arith.constant 2 : i32
    %dma_start3A_1118 = arith.constant 0 : i32
    %dma_start3A_1119 = arith.constant 0 : i32
    %dma_start3A_1120 = tpu.memref_slice %arg10[%dma_start3A_1118, %dma_start3A_1119] : memref<32x768xf32, #tpu.memory_space<vmem>> -> memref<16x768xf32, #tpu.memory_space<vmem>>
    %dma_start3A_1121 = arith.constant 0 : i32
    %dma_start3A_1122 = tpu.memref_slice %arg5[%dma_start3A_1117, %add3A_1116, %dma_start3A_1121] : memref<4x4096x768xf32, #tpu.memory_space<hbm>> -> memref<1x16x768xf32, #tpu.memory_space<hbm>>
    %dma_start3A_1123 = tpu.memref_squeeze %dma_start3A_1122 : memref<1x16x768xf32, #tpu.memory_space<hbm>> -> memref<16x768xf32, #tpu.memory_space<hbm>>
    %dma_start3A_1124 = arith.constant 0 : i32
    %dma_start3A_1125 = tpu.memref_slice %arg5[%dma_start3A_1117, %add3A_1116, %dma_start3A_1124] : memref<4x4096x768xf32, #tpu.memory_space<hbm>> -> memref<1x16x768xf32, #tpu.memory_space<hbm>>
    %dma_start3A_1126 = tpu.memref_squeeze %dma_start3A_1125 : memref<1x16x768xf32, #tpu.memory_space<hbm>> -> memref<16x768xf32, #tpu.memory_space<hbm>>
    %dma_start3A_1127 = arith.constant 0 : i32
    %dma_start3A_1128 = arith.constant 0 : i32
    %dma_start3A_1129 = tpu.memref_slice %arg10[%dma_start3A_1127, %dma_start3A_1128] : memref<32x768xf32, #tpu.memory_space<vmem>> -> memref<16x768xf32, #tpu.memory_space<vmem>>
    tpu.enqueue_dma source(%dma_start3A_1129 : memref<16x768xf32, #tpu.memory_space<vmem>>) target(%dma_start3A_1126 : memref<16x768xf32, #tpu.memory_space<hbm>>) target_semaphore(%arg22 : memref<!tpu.dma_semaphore, #tpu.memory_space<semaphore_mem>>)
    %dma_wait3A_1130 = arith.constant 2 : i32
    %dma_wait3A_1131 = arith.constant 16 : i32
    %dma_wait3A_1132 = arith.constant 0 : i32
    %dma_wait3A_1133 = tpu.memref_slice %arg10[%dma_wait3A_1131, %dma_wait3A_1132] : memref<32x768xf32, #tpu.memory_space<vmem>> -> memref<16x768xf32, #tpu.memory_space<vmem>>
    %dma_wait3A_1134 = arith.constant 80 : i32
    %dma_wait3A_1135 = tpu.memref_slice %arg6[%dma_wait3A_1130, %dma_wait3A_1134] : memref<4x128xi32, #tpu.memory_space<vmem>> -> memref<1x16xi32, #tpu.memory_space<vmem>>
    %dma_wait3A_1136 = tpu.memref_squeeze %dma_wait3A_1135 : memref<1x16xi32, #tpu.memory_space<vmem>> -> memref<16xi32, #tpu.memory_space<vmem>>
    %dma_wait3A_1137 = arith.constant 0 : i32
    %dma_wait3A_1138 = arith.constant 0 : i32
    %dma_wait3A_1139 = tpu.memref_slice %arg3[%dma_wait3A_1137, %dma_wait3A_1138] : memref<100000x768xf32, #tpu.memory_space<hbm>> -> memref<100000x768xf32, #tpu.memory_space<hbm>>
    tpu.wait_indirect_dma semaphore(%arg18 : memref<!tpu.dma_semaphore, #tpu.memory_space<semaphore_mem>>) src(%dma_wait3A_1139 : memref<100000x768xf32, #tpu.memory_space<hbm>>) dst(%dma_wait3A_1133 : memref<16x768xf32, #tpu.memory_space<vmem>>)
    %parallel_loop3A_1140 = arith.constant 0 : i32
    %parallel_loop3A_1141 = arith.constant 16 : i32
    %parallel_loop3A_1142 = arith.constant 1 : i32
    scf.for %parallel_loop3A_1704 = %parallel_loop3A_1140 to %parallel_loop3A_1141 step %parallel_loop3A_1142  : i32 {
      %parallel_loop3A_1705 = arith.constant 0 : i32
      %parallel_loop3A_1706 = arith.constant 768 : i32
      %parallel_loop3A_1707 = arith.constant 16 : i32
      scf.for %parallel_loop3A_1708 = %parallel_loop3A_1705 to %parallel_loop3A_1706 step %parallel_loop3A_1707  : i32 {
        %parallel_loop3A_1709 = arith.constant 16 : i32
        %parallel_loop3A_1710 = arith.addi %parallel_loop3A_1709, %parallel_loop3A_1704 : i32
        %parallel_loop3A_1711 = arith.index_cast %parallel_loop3A_1710 : i32 to index
        %parallel_loop3A_1712 = arith.index_cast %parallel_loop3A_1708 : i32 to index
        %parallel_loop3A_1713 = tpu.vector_load %arg10[%parallel_loop3A_1711, %parallel_loop3A_1712] {strides = array<i32>} : memref<32x768xf32, #tpu.memory_space<vmem>>, vector<1x16xf32>,
        %parallel_loop3A_1714 = vector.shape_cast %parallel_loop3A_1713 : vector<1x16xf32> to vector<16xf32>
        %parallel_loop3A_1715 = arith.constant 16 : i32
        %parallel_loop3A_1716 = arith.addi %parallel_loop3A_1715, %parallel_loop3A_1704 : i32
        %parallel_loop3A_1717 = arith.index_cast %parallel_loop3A_1716 : i32 to index
        %parallel_loop3A_1718 = arith.index_cast %parallel_loop3A_1708 : i32 to index
        %parallel_loop3A_1719 = tpu.vector_load %arg7[%parallel_loop3A_1717, %parallel_loop3A_1718] {strides = array<i32>} : memref<32x768xf32, #tpu.memory_space<vmem>>, vector<1x16xf32>,
        %parallel_loop3A_1720 = vector.shape_cast %parallel_loop3A_1719 : vector<1x16xf32> to vector<16xf32>
        %parallel_loop3A_1721 = arith.addf %parallel_loop3A_1714, %parallel_loop3A_1720 : vector<16xf32>
        %parallel_loop3A_1722 = arith.constant 16 : i32
        %parallel_loop3A_1723 = arith.addi %parallel_loop3A_1722, %parallel_loop3A_1704 : i32
        %parallel_loop3A_1724 = arith.index_cast %parallel_loop3A_1723 : i32 to index
        %parallel_loop3A_1725 = arith.index_cast %parallel_loop3A_1708 : i32 to index
        %parallel_loop3A_1726 = tpu.vector_load %arg10[%parallel_loop3A_1724, %parallel_loop3A_1725] {strides = array<i32>} : memref<32x768xf32, #tpu.memory_space<vmem>>, vector<1x16xf32>,
        %parallel_loop3A_1727 = vector.shape_cast %parallel_loop3A_1726 : vector<1x16xf32> to vector<16xf32>
        %parallel_loop3A_1728 = vector.shape_cast %parallel_loop3A_1721 : vector<16xf32> to vector<1x16xf32>
        tpu.vector_store %arg10[%parallel_loop3A_1724, %parallel_loop3A_1725], %parallel_loop3A_1728 {strides = array<i32>} : memref<32x768xf32, #tpu.memory_space<vmem>>, vector<1x16xf32>,
      } {sc.loop_unroll_factor = 8 : i64, sc.parallel_access}
    } {sc.loop_unroll_factor = 1 : i64, sc.parallel_access}
    %add3A_1143 = arith.constant 64 : i32
    %add3A_1144 = arith.addi %mul3A_2, %add3A_1143 : i32
    %add3A_1145 = arith.constant 16 : i32
    %add3A_1146 = arith.addi %add3A_1144, %add3A_1145 : i32
    %dma_start3A_1147 = arith.constant 2 : i32
    %dma_start3A_1148 = arith.constant 16 : i32
    %dma_start3A_1149 = arith.constant 0 : i32
    %dma_start3A_1150 = tpu.memref_slice %arg10[%dma_start3A_1148, %dma_start3A_1149] : memref<32x768xf32, #tpu.memory_space<vmem>> -> memref<16x768xf32, #tpu.memory_space<vmem>>
    %dma_start3A_1151 = arith.constant 0 : i32
    %dma_start3A_1152 = tpu.memref_slice %arg5[%dma_start3A_1147, %add3A_1146, %dma_start3A_1151] : memref<4x4096x768xf32, #tpu.memory_space<hbm>> -> memref<1x16x768xf32, #tpu.memory_space<hbm>>
    %dma_start3A_1153 = tpu.memref_squeeze %dma_start3A_1152 : memref<1x16x768xf32, #tpu.memory_space<hbm>> -> memref<16x768xf32, #tpu.memory_space<hbm>>
    %dma_start3A_1154 = arith.constant 0 : i32
    %dma_start3A_1155 = tpu.memref_slice %arg5[%dma_start3A_1147, %add3A_1146, %dma_start3A_1154] : memref<4x4096x768xf32, #tpu.memory_space<hbm>> -> memref<1x16x768xf32, #tpu.memory_space<hbm>>
    %dma_start3A_1156 = tpu.memref_squeeze %dma_start3A_1155 : memref<1x16x768xf32, #tpu.memory_space<hbm>> -> memref<16x768xf32, #tpu.memory_space<hbm>>
    %dma_start3A_1157 = arith.constant 16 : i32
    %dma_start3A_1158 = arith.constant 0 : i32
    %dma_start3A_1159 = tpu.memref_slice %arg10[%dma_start3A_1157, %dma_start3A_1158] : memref<32x768xf32, #tpu.memory_space<vmem>> -> memref<16x768xf32, #tpu.memory_space<vmem>>
    tpu.enqueue_dma source(%dma_start3A_1159 : memref<16x768xf32, #tpu.memory_space<vmem>>) target(%dma_start3A_1156 : memref<16x768xf32, #tpu.memory_space<hbm>>) target_semaphore(%arg26 : memref<!tpu.dma_semaphore, #tpu.memory_space<semaphore_mem>>)
    %dma_wait3A_1160 = arith.constant 1 : i32
    %dma_wait3A_1161 = arith.constant 0 : i32
    %dma_wait3A_1162 = arith.constant 0 : i32
    %dma_wait3A_1163 = tpu.memref_slice %arg9[%dma_wait3A_1161, %dma_wait3A_1162] : memref<32x768xf32, #tpu.memory_space<vmem>> -> memref<16x768xf32, #tpu.memory_space<vmem>>
    %dma_wait3A_1164 = arith.constant 0 : i32
    %dma_wait3A_1165 = tpu.memref_slice %arg5[%dma_wait3A_1160, %add3A_1010, %dma_wait3A_1164] : memref<4x4096x768xf32, #tpu.memory_space<hbm>> -> memref<1x16x768xf32, #tpu.memory_space<hbm>>
    %dma_wait3A_1166 = tpu.memref_squeeze %dma_wait3A_1165 : memref<1x16x768xf32, #tpu.memory_space<hbm>> -> memref<16x768xf32, #tpu.memory_space<hbm>>
    %dma_wait3A_1167 = arith.constant 0 : i32
    %dma_wait3A_1168 = tpu.memref_slice %arg5[%dma_wait3A_1160, %add3A_1010, %dma_wait3A_1167] : memref<4x4096x768xf32, #tpu.memory_space<hbm>> -> memref<1x16x768xf32, #tpu.memory_space<hbm>>
    %dma_wait3A_1169 = tpu.memref_squeeze %dma_wait3A_1168 : memref<1x16x768xf32, #tpu.memory_space<hbm>> -> memref<16x768xf32, #tpu.memory_space<hbm>>
    %dma_wait3A_1170 = arith.constant 0 : i32
    %dma_wait3A_1171 = arith.constant 0 : i32
    %dma_wait3A_1172 = tpu.memref_slice %arg9[%dma_wait3A_1170, %dma_wait3A_1171] : memref<32x768xf32, #tpu.memory_space<vmem>> -> memref<16x768xf32, #tpu.memory_space<vmem>>
    tpu.wait_dma2 semaphore(%arg21 : memref<!tpu.dma_semaphore, #tpu.memory_space<semaphore_mem>>) src(%dma_wait3A_1172 : memref<16x768xf32, #tpu.memory_space<vmem>>) dst(%dma_wait3A_1169 : memref<16x768xf32, #tpu.memory_space<hbm>>)
    %dma_wait3A_1173 = arith.constant 1 : i32
    %dma_wait3A_1174 = arith.constant 16 : i32
    %dma_wait3A_1175 = arith.constant 0 : i32
    %dma_wait3A_1176 = tpu.memref_slice %arg9[%dma_wait3A_1174, %dma_wait3A_1175] : memref<32x768xf32, #tpu.memory_space<vmem>> -> memref<16x768xf32, #tpu.memory_space<vmem>>
    %dma_wait3A_1177 = arith.constant 0 : i32
    %dma_wait3A_1178 = tpu.memref_slice %arg5[%dma_wait3A_1173, %add3A_1040, %dma_wait3A_1177] : memref<4x4096x768xf32, #tpu.memory_space<hbm>> -> memref<1x16x768xf32, #tpu.memory_space<hbm>>
    %dma_wait3A_1179 = tpu.memref_squeeze %dma_wait3A_1178 : memref<1x16x768xf32, #tpu.memory_space<hbm>> -> memref<16x768xf32, #tpu.memory_space<hbm>>
    %dma_wait3A_1180 = arith.constant 0 : i32
    %dma_wait3A_1181 = tpu.memref_slice %arg5[%dma_wait3A_1173, %add3A_1040, %dma_wait3A_1180] : memref<4x4096x768xf32, #tpu.memory_space<hbm>> -> memref<1x16x768xf32, #tpu.memory_space<hbm>>
    %dma_wait3A_1182 = tpu.memref_squeeze %dma_wait3A_1181 : memref<1x16x768xf32, #tpu.memory_space<hbm>> -> memref<16x768xf32, #tpu.memory_space<hbm>>
    %dma_wait3A_1183 = arith.constant 16 : i32
    %dma_wait3A_1184 = arith.constant 0 : i32
    %dma_wait3A_1185 = tpu.memref_slice %arg9[%dma_wait3A_1183, %dma_wait3A_1184] : memref<32x768xf32, #tpu.memory_space<vmem>> -> memref<16x768xf32, #tpu.memory_space<vmem>>
    tpu.wait_dma2 semaphore(%arg25 : memref<!tpu.dma_semaphore, #tpu.memory_space<semaphore_mem>>) src(%dma_wait3A_1185 : memref<16x768xf32, #tpu.memory_space<vmem>>) dst(%dma_wait3A_1182 : memref<16x768xf32, #tpu.memory_space<hbm>>)
    %dma_start3A_1186 = arith.constant 1 : i32
    %dma_start3A_1187 = arith.constant 0 : i32
    %dma_start3A_1188 = arith.constant 0 : i32
    %dma_start3A_1189 = tpu.memref_slice %arg9[%dma_start3A_1187, %dma_start3A_1188] : memref<32x768xf32, #tpu.memory_space<vmem>> -> memref<16x768xf32, #tpu.memory_space<vmem>>
    %dma_start3A_1190 = arith.constant 96 : i32
    %dma_start3A_1191 = tpu.memref_slice %arg6[%dma_start3A_1186, %dma_start3A_1190] : memref<4x128xi32, #tpu.memory_space<vmem>> -> memref<1x16xi32, #tpu.memory_space<vmem>>
    %dma_start3A_1192 = tpu.memref_squeeze %dma_start3A_1191 : memref<1x16xi32, #tpu.memory_space<vmem>> -> memref<16xi32, #tpu.memory_space<vmem>>
    %dma_start3A_1193 = arith.constant 0 : i32
    %dma_start3A_1194 = arith.constant 0 : i32
    %dma_start3A_1195 = tpu.memref_slice %arg3[%dma_start3A_1193, %dma_start3A_1194] : memref<100000x768xf32, #tpu.memory_space<hbm>> -> memref<100000x768xf32, #tpu.memory_space<hbm>>
    tpu.enqueue_indirect_dma source(%dma_start3A_1195 : memref<100000x768xf32, #tpu.memory_space<hbm>>) target(%dma_start3A_1189 : memref<16x768xf32, #tpu.memory_space<vmem>>) offsets(%dma_start3A_1192 : memref<16xi32, #tpu.memory_space<vmem>>) semaphore(%arg13 : memref<!tpu.dma_semaphore, #tpu.memory_space<semaphore_mem>>)
    %dma_start3A_1196 = arith.constant 1 : i32
    %dma_start3A_1197 = arith.constant 16 : i32
    %dma_start3A_1198 = arith.constant 0 : i32
    %dma_start3A_1199 = tpu.memref_slice %arg9[%dma_start3A_1197, %dma_start3A_1198] : memref<32x768xf32, #tpu.memory_space<vmem>> -> memref<16x768xf32, #tpu.memory_space<vmem>>
    %dma_start3A_1200 = arith.constant 112 : i32
    %dma_start3A_1201 = tpu.memref_slice %arg6[%dma_start3A_1196, %dma_start3A_1200] : memref<4x128xi32, #tpu.memory_space<vmem>> -> memref<1x16xi32, #tpu.memory_space<vmem>>
    %dma_start3A_1202 = tpu.memref_squeeze %dma_start3A_1201 : memref<1x16xi32, #tpu.memory_space<vmem>> -> memref<16xi32, #tpu.memory_space<vmem>>
    %dma_start3A_1203 = arith.constant 0 : i32
    %dma_start3A_1204 = arith.constant 0 : i32
    %dma_start3A_1205 = tpu.memref_slice %arg3[%dma_start3A_1203, %dma_start3A_1204] : memref<100000x768xf32, #tpu.memory_space<hbm>> -> memref<100000x768xf32, #tpu.memory_space<hbm>>
    tpu.enqueue_indirect_dma source(%dma_start3A_1205 : memref<100000x768xf32, #tpu.memory_space<hbm>>) target(%dma_start3A_1199 : memref<16x768xf32, #tpu.memory_space<vmem>>) offsets(%dma_start3A_1202 : memref<16xi32, #tpu.memory_space<vmem>>) semaphore(%arg17 : memref<!tpu.dma_semaphore, #tpu.memory_space<semaphore_mem>>)
    %dma_wait3A_1206 = arith.constant 3 : i32
    %dma_wait3A_1207 = arith.constant 0 : i32
    %dma_wait3A_1208 = arith.constant 0 : i32
    %dma_wait3A_1209 = tpu.memref_slice %arg11[%dma_wait3A_1207, %dma_wait3A_1208] : memref<32x768xf32, #tpu.memory_space<vmem>> -> memref<16x768xf32, #tpu.memory_space<vmem>>
    %dma_wait3A_1210 = arith.constant 64 : i32
    %dma_wait3A_1211 = tpu.memref_slice %arg6[%dma_wait3A_1206, %dma_wait3A_1210] : memref<4x128xi32, #tpu.memory_space<vmem>> -> memref<1x16xi32, #tpu.memory_space<vmem>>
    %dma_wait3A_1212 = tpu.memref_squeeze %dma_wait3A_1211 : memref<1x16xi32, #tpu.memory_space<vmem>> -> memref<16xi32, #tpu.memory_space<vmem>>
    %dma_wait3A_1213 = arith.constant 0 : i32
    %dma_wait3A_1214 = arith.constant 0 : i32
    %dma_wait3A_1215 = tpu.memref_slice %arg3[%dma_wait3A_1213, %dma_wait3A_1214] : memref<100000x768xf32, #tpu.memory_space<hbm>> -> memref<100000x768xf32, #tpu.memory_space<hbm>>
    tpu.wait_indirect_dma semaphore(%arg15 : memref<!tpu.dma_semaphore, #tpu.memory_space<semaphore_mem>>) src(%dma_wait3A_1215 : memref<100000x768xf32, #tpu.memory_space<hbm>>) dst(%dma_wait3A_1209 : memref<16x768xf32, #tpu.memory_space<vmem>>)
    %parallel_loop3A_1216 = arith.constant 0 : i32
    %parallel_loop3A_1217 = arith.constant 16 : i32
    %parallel_loop3A_1218 = arith.constant 1 : i32
    scf.for %parallel_loop3A_1704 = %parallel_loop3A_1216 to %parallel_loop3A_1217 step %parallel_loop3A_1218  : i32 {
      %parallel_loop3A_1705 = arith.constant 0 : i32
      %parallel_loop3A_1706 = arith.constant 768 : i32
      %parallel_loop3A_1707 = arith.constant 16 : i32
      scf.for %parallel_loop3A_1708 = %parallel_loop3A_1705 to %parallel_loop3A_1706 step %parallel_loop3A_1707  : i32 {
        %parallel_loop3A_1709 = arith.constant 0 : i32
        %parallel_loop3A_1710 = arith.addi %parallel_loop3A_1709, %parallel_loop3A_1704 : i32
        %parallel_loop3A_1711 = arith.index_cast %parallel_loop3A_1710 : i32 to index
        %parallel_loop3A_1712 = arith.index_cast %parallel_loop3A_1708 : i32 to index
        %parallel_loop3A_1713 = tpu.vector_load %arg11[%parallel_loop3A_1711, %parallel_loop3A_1712] {strides = array<i32>} : memref<32x768xf32, #tpu.memory_space<vmem>>, vector<1x16xf32>,
        %parallel_loop3A_1714 = vector.shape_cast %parallel_loop3A_1713 : vector<1x16xf32> to vector<16xf32>
        %parallel_loop3A_1715 = arith.constant 0 : i32
        %parallel_loop3A_1716 = arith.addi %parallel_loop3A_1715, %parallel_loop3A_1704 : i32
        %parallel_loop3A_1717 = arith.index_cast %parallel_loop3A_1716 : i32 to index
        %parallel_loop3A_1718 = arith.index_cast %parallel_loop3A_1708 : i32 to index
        %parallel_loop3A_1719 = tpu.vector_load %arg7[%parallel_loop3A_1717, %parallel_loop3A_1718] {strides = array<i32>} : memref<32x768xf32, #tpu.memory_space<vmem>>, vector<1x16xf32>,
        %parallel_loop3A_1720 = vector.shape_cast %parallel_loop3A_1719 : vector<1x16xf32> to vector<16xf32>
        %parallel_loop3A_1721 = arith.addf %parallel_loop3A_1714, %parallel_loop3A_1720 : vector<16xf32>
        %parallel_loop3A_1722 = arith.constant 0 : i32
        %parallel_loop3A_1723 = arith.addi %parallel_loop3A_1722, %parallel_loop3A_1704 : i32
        %parallel_loop3A_1724 = arith.index_cast %parallel_loop3A_1723 : i32 to index
        %parallel_loop3A_1725 = arith.index_cast %parallel_loop3A_1708 : i32 to index
        %parallel_loop3A_1726 = tpu.vector_load %arg11[%parallel_loop3A_1724, %parallel_loop3A_1725] {strides = array<i32>} : memref<32x768xf32, #tpu.memory_space<vmem>>, vector<1x16xf32>,
        %parallel_loop3A_1727 = vector.shape_cast %parallel_loop3A_1726 : vector<1x16xf32> to vector<16xf32>
        %parallel_loop3A_1728 = vector.shape_cast %parallel_loop3A_1721 : vector<16xf32> to vector<1x16xf32>
        tpu.vector_store %arg11[%parallel_loop3A_1724, %parallel_loop3A_1725], %parallel_loop3A_1728 {strides = array<i32>} : memref<32x768xf32, #tpu.memory_space<vmem>>, vector<1x16xf32>,
      } {sc.loop_unroll_factor = 8 : i64, sc.parallel_access}
    } {sc.loop_unroll_factor = 1 : i64, sc.parallel_access}
    %add3A_1219 = arith.constant 64 : i32
    %add3A_1220 = arith.addi %mul3A_2, %add3A_1219 : i32
    %add3A_1221 = arith.constant 0 : i32
    %add3A_1222 = arith.addi %add3A_1220, %add3A_1221 : i32
    %dma_start3A_1223 = arith.constant 3 : i32
    %dma_start3A_1224 = arith.constant 0 : i32
    %dma_start3A_1225 = arith.constant 0 : i32
    %dma_start3A_1226 = tpu.memref_slice %arg11[%dma_start3A_1224, %dma_start3A_1225] : memref<32x768xf32, #tpu.memory_space<vmem>> -> memref<16x768xf32, #tpu.memory_space<vmem>>
    %dma_start3A_1227 = arith.constant 0 : i32
    %dma_start3A_1228 = tpu.memref_slice %arg5[%dma_start3A_1223, %add3A_1222, %dma_start3A_1227] : memref<4x4096x768xf32, #tpu.memory_space<hbm>> -> memref<1x16x768xf32, #tpu.memory_space<hbm>>
    %dma_start3A_1229 = tpu.memref_squeeze %dma_start3A_1228 : memref<1x16x768xf32, #tpu.memory_space<hbm>> -> memref<16x768xf32, #tpu.memory_space<hbm>>
    %dma_start3A_1230 = arith.constant 0 : i32
    %dma_start3A_1231 = tpu.memref_slice %arg5[%dma_start3A_1223, %add3A_1222, %dma_start3A_1230] : memref<4x4096x768xf32, #tpu.memory_space<hbm>> -> memref<1x16x768xf32, #tpu.memory_space<hbm>>
    %dma_start3A_1232 = tpu.memref_squeeze %dma_start3A_1231 : memref<1x16x768xf32, #tpu.memory_space<hbm>> -> memref<16x768xf32, #tpu.memory_space<hbm>>
    %dma_start3A_1233 = arith.constant 0 : i32
    %dma_start3A_1234 = arith.constant 0 : i32
    %dma_start3A_1235 = tpu.memref_slice %arg11[%dma_start3A_1233, %dma_start3A_1234] : memref<32x768xf32, #tpu.memory_space<vmem>> -> memref<16x768xf32, #tpu.memory_space<vmem>>
    tpu.enqueue_dma source(%dma_start3A_1235 : memref<16x768xf32, #tpu.memory_space<vmem>>) target(%dma_start3A_1232 : memref<16x768xf32, #tpu.memory_space<hbm>>) target_semaphore(%arg23 : memref<!tpu.dma_semaphore, #tpu.memory_space<semaphore_mem>>)
    %dma_wait3A_1236 = arith.constant 3 : i32
    %dma_wait3A_1237 = arith.constant 16 : i32
    %dma_wait3A_1238 = arith.constant 0 : i32
    %dma_wait3A_1239 = tpu.memref_slice %arg11[%dma_wait3A_1237, %dma_wait3A_1238] : memref<32x768xf32, #tpu.memory_space<vmem>> -> memref<16x768xf32, #tpu.memory_space<vmem>>
    %dma_wait3A_1240 = arith.constant 80 : i32
    %dma_wait3A_1241 = tpu.memref_slice %arg6[%dma_wait3A_1236, %dma_wait3A_1240] : memref<4x128xi32, #tpu.memory_space<vmem>> -> memref<1x16xi32, #tpu.memory_space<vmem>>
    %dma_wait3A_1242 = tpu.memref_squeeze %dma_wait3A_1241 : memref<1x16xi32, #tpu.memory_space<vmem>> -> memref<16xi32, #tpu.memory_space<vmem>>
    %dma_wait3A_1243 = arith.constant 0 : i32
    %dma_wait3A_1244 = arith.constant 0 : i32
    %dma_wait3A_1245 = tpu.memref_slice %arg3[%dma_wait3A_1243, %dma_wait3A_1244] : memref<100000x768xf32, #tpu.memory_space<hbm>> -> memref<100000x768xf32, #tpu.memory_space<hbm>>
    tpu.wait_indirect_dma semaphore(%arg19 : memref<!tpu.dma_semaphore, #tpu.memory_space<semaphore_mem>>) src(%dma_wait3A_1245 : memref<100000x768xf32, #tpu.memory_space<hbm>>) dst(%dma_wait3A_1239 : memref<16x768xf32, #tpu.memory_space<vmem>>)
    %parallel_loop3A_1246 = arith.constant 0 : i32
    %parallel_loop3A_1247 = arith.constant 16 : i32
    %parallel_loop3A_1248 = arith.constant 1 : i32
    scf.for %parallel_loop3A_1704 = %parallel_loop3A_1246 to %parallel_loop3A_1247 step %parallel_loop3A_1248  : i32 {
      %parallel_loop3A_1705 = arith.constant 0 : i32
      %parallel_loop3A_1706 = arith.constant 768 : i32
      %parallel_loop3A_1707 = arith.constant 16 : i32
      scf.for %parallel_loop3A_1708 = %parallel_loop3A_1705 to %parallel_loop3A_1706 step %parallel_loop3A_1707  : i32 {
        %parallel_loop3A_1709 = arith.constant 16 : i32
        %parallel_loop3A_1710 = arith.addi %parallel_loop3A_1709, %parallel_loop3A_1704 : i32
        %parallel_loop3A_1711 = arith.index_cast %parallel_loop3A_1710 : i32 to index
        %parallel_loop3A_1712 = arith.index_cast %parallel_loop3A_1708 : i32 to index
        %parallel_loop3A_1713 = tpu.vector_load %arg11[%parallel_loop3A_1711, %parallel_loop3A_1712] {strides = array<i32>} : memref<32x768xf32, #tpu.memory_space<vmem>>, vector<1x16xf32>,
        %parallel_loop3A_1714 = vector.shape_cast %parallel_loop3A_1713 : vector<1x16xf32> to vector<16xf32>
        %parallel_loop3A_1715 = arith.constant 16 : i32
        %parallel_loop3A_1716 = arith.addi %parallel_loop3A_1715, %parallel_loop3A_1704 : i32
        %parallel_loop3A_1717 = arith.index_cast %parallel_loop3A_1716 : i32 to index
        %parallel_loop3A_1718 = arith.index_cast %parallel_loop3A_1708 : i32 to index
        %parallel_loop3A_1719 = tpu.vector_load %arg7[%parallel_loop3A_1717, %parallel_loop3A_1718] {strides = array<i32>} : memref<32x768xf32, #tpu.memory_space<vmem>>, vector<1x16xf32>,
        %parallel_loop3A_1720 = vector.shape_cast %parallel_loop3A_1719 : vector<1x16xf32> to vector<16xf32>
        %parallel_loop3A_1721 = arith.addf %parallel_loop3A_1714, %parallel_loop3A_1720 : vector<16xf32>
        %parallel_loop3A_1722 = arith.constant 16 : i32
        %parallel_loop3A_1723 = arith.addi %parallel_loop3A_1722, %parallel_loop3A_1704 : i32
        %parallel_loop3A_1724 = arith.index_cast %parallel_loop3A_1723 : i32 to index
        %parallel_loop3A_1725 = arith.index_cast %parallel_loop3A_1708 : i32 to index
        %parallel_loop3A_1726 = tpu.vector_load %arg11[%parallel_loop3A_1724, %parallel_loop3A_1725] {strides = array<i32>} : memref<32x768xf32, #tpu.memory_space<vmem>>, vector<1x16xf32>,
        %parallel_loop3A_1727 = vector.shape_cast %parallel_loop3A_1726 : vector<1x16xf32> to vector<16xf32>
        %parallel_loop3A_1728 = vector.shape_cast %parallel_loop3A_1721 : vector<16xf32> to vector<1x16xf32>
        tpu.vector_store %arg11[%parallel_loop3A_1724, %parallel_loop3A_1725], %parallel_loop3A_1728 {strides = array<i32>} : memref<32x768xf32, #tpu.memory_space<vmem>>, vector<1x16xf32>,
      } {sc.loop_unroll_factor = 8 : i64, sc.parallel_access}
    } {sc.loop_unroll_factor = 1 : i64, sc.parallel_access}
    %add3A_1249 = arith.constant 64 : i32
    %add3A_1250 = arith.addi %mul3A_2, %add3A_1249 : i32
    %add3A_1251 = arith.constant 16 : i32
    %add3A_1252 = arith.addi %add3A_1250, %add3A_1251 : i32
    %dma_start3A_1253 = arith.constant 3 : i32
    %dma_start3A_1254 = arith.constant 16 : i32
    %dma_start3A_1255 = arith.constant 0 : i32
    %dma_start3A_1256 = tpu.memref_slice %arg11[%dma_start3A_1254, %dma_start3A_1255] : memref<32x768xf32, #tpu.memory_space<vmem>> -> memref<16x768xf32, #tpu.memory_space<vmem>>
    %dma_start3A_1257 = arith.constant 0 : i32
    %dma_start3A_1258 = tpu.memref_slice %arg5[%dma_start3A_1253, %add3A_1252, %dma_start3A_1257] : memref<4x4096x768xf32, #tpu.memory_space<hbm>> -> memref<1x16x768xf32, #tpu.memory_space<hbm>>
    %dma_start3A_1259 = tpu.memref_squeeze %dma_start3A_1258 : memref<1x16x768xf32, #tpu.memory_space<hbm>> -> memref<16x768xf32, #tpu.memory_space<hbm>>
    %dma_start3A_1260 = arith.constant 0 : i32
    %dma_start3A_1261 = tpu.memref_slice %arg5[%dma_start3A_1253, %add3A_1252, %dma_start3A_1260] : memref<4x4096x768xf32, #tpu.memory_space<hbm>> -> memref<1x16x768xf32, #tpu.memory_space<hbm>>
    %dma_start3A_1262 = tpu.memref_squeeze %dma_start3A_1261 : memref<1x16x768xf32, #tpu.memory_space<hbm>> -> memref<16x768xf32, #tpu.memory_space<hbm>>
    %dma_start3A_1263 = arith.constant 16 : i32
    %dma_start3A_1264 = arith.constant 0 : i32
    %dma_start3A_1265 = tpu.memref_slice %arg11[%dma_start3A_1263, %dma_start3A_1264] : memref<32x768xf32, #tpu.memory_space<vmem>> -> memref<16x768xf32, #tpu.memory_space<vmem>>
    tpu.enqueue_dma source(%dma_start3A_1265 : memref<16x768xf32, #tpu.memory_space<vmem>>) target(%dma_start3A_1262 : memref<16x768xf32, #tpu.memory_space<hbm>>) target_semaphore(%arg27 : memref<!tpu.dma_semaphore, #tpu.memory_space<semaphore_mem>>)
    %add3A_1266 = arith.constant 96 : i32
    %add3A_1267 = arith.addi %mul3A_2, %add3A_1266 : i32
    "tpu.region"() ({
      %run_scoped3A = tpu.sem_alloc : memref<!tpu.dma_semaphore, #tpu.memory_space<semaphore_mem>>
      %dma_start3A_1704 = arith.constant 0 : i32
      %dma_start3A_1705 = tpu.memref_slice %arg4[%add3A_1267, %dma_start3A_1704] : memref<4096x768xf32, #tpu.memory_space<hbm>> -> memref<32x768xf32, #tpu.memory_space<hbm>>
      %dma_start3A_1706 = arith.constant 0 : i32
      %dma_start3A_1707 = tpu.memref_slice %arg4[%add3A_1267, %dma_start3A_1706] : memref<4096x768xf32, #tpu.memory_space<hbm>> -> memref<32x768xf32, #tpu.memory_space<hbm>>
      tpu.enqueue_dma source(%dma_start3A_1707 : memref<32x768xf32, #tpu.memory_space<hbm>>) target(%arg7 : memref<32x768xf32, #tpu.memory_space<vmem>>) target_semaphore(%run_scoped3A : memref<!tpu.dma_semaphore, #tpu.memory_space<semaphore_mem>>)
      %dma_wait3A_1708 = arith.constant 0 : i32
      %dma_wait3A_1709 = tpu.memref_slice %arg4[%add3A_1267, %dma_wait3A_1708] : memref<4096x768xf32, #tpu.memory_space<hbm>> -> memref<32x768xf32, #tpu.memory_space<hbm>>
      %dma_wait3A_1710 = arith.constant 0 : i32
      %dma_wait3A_1711 = tpu.memref_slice %arg4[%add3A_1267, %dma_wait3A_1710] : memref<4096x768xf32, #tpu.memory_space<hbm>> -> memref<32x768xf32, #tpu.memory_space<hbm>>
      tpu.wait_dma2 semaphore(%run_scoped3A : memref<!tpu.dma_semaphore, #tpu.memory_space<semaphore_mem>>) src(%dma_wait3A_1711 : memref<32x768xf32, #tpu.memory_space<hbm>>) dst(%arg7 : memref<32x768xf32, #tpu.memory_space<vmem>>)
      tpu.yield
    }) : () -> ()
    %dma_wait3A_1268 = arith.constant 2 : i32
    %dma_wait3A_1269 = arith.constant 0 : i32
    %dma_wait3A_1270 = arith.constant 0 : i32
    %dma_wait3A_1271 = tpu.memref_slice %arg10[%dma_wait3A_1269, %dma_wait3A_1270] : memref<32x768xf32, #tpu.memory_space<vmem>> -> memref<16x768xf32, #tpu.memory_space<vmem>>
    %dma_wait3A_1272 = arith.constant 0 : i32
    %dma_wait3A_1273 = tpu.memref_slice %arg5[%dma_wait3A_1268, %add3A_1116, %dma_wait3A_1272] : memref<4x4096x768xf32, #tpu.memory_space<hbm>> -> memref<1x16x768xf32, #tpu.memory_space<hbm>>
    %dma_wait3A_1274 = tpu.memref_squeeze %dma_wait3A_1273 : memref<1x16x768xf32, #tpu.memory_space<hbm>> -> memref<16x768xf32, #tpu.memory_space<hbm>>
    %dma_wait3A_1275 = arith.constant 0 : i32
    %dma_wait3A_1276 = tpu.memref_slice %arg5[%dma_wait3A_1268, %add3A_1116, %dma_wait3A_1275] : memref<4x4096x768xf32, #tpu.memory_space<hbm>> -> memref<1x16x768xf32, #tpu.memory_space<hbm>>
    %dma_wait3A_1277 = tpu.memref_squeeze %dma_wait3A_1276 : memref<1x16x768xf32, #tpu.memory_space<hbm>> -> memref<16x768xf32, #tpu.memory_space<hbm>>
    %dma_wait3A_1278 = arith.constant 0 : i32
    %dma_wait3A_1279 = arith.constant 0 : i32
    %dma_wait3A_1280 = tpu.memref_slice %arg10[%dma_wait3A_1278, %dma_wait3A_1279] : memref<32x768xf32, #tpu.memory_space<vmem>> -> memref<16x768xf32, #tpu.memory_space<vmem>>
    tpu.wait_dma2 semaphore(%arg22 : memref<!tpu.dma_semaphore, #tpu.memory_space<semaphore_mem>>) src(%dma_wait3A_1280 : memref<16x768xf32, #tpu.memory_space<vmem>>) dst(%dma_wait3A_1277 : memref<16x768xf32, #tpu.memory_space<hbm>>)
    %dma_wait3A_1281 = arith.constant 2 : i32
    %dma_wait3A_1282 = arith.constant 16 : i32
    %dma_wait3A_1283 = arith.constant 0 : i32
    %dma_wait3A_1284 = tpu.memref_slice %arg10[%dma_wait3A_1282, %dma_wait3A_1283] : memref<32x768xf32, #tpu.memory_space<vmem>> -> memref<16x768xf32, #tpu.memory_space<vmem>>
    %dma_wait3A_1285 = arith.constant 0 : i32
    %dma_wait3A_1286 = tpu.memref_slice %arg5[%dma_wait3A_1281, %add3A_1146, %dma_wait3A_1285] : memref<4x4096x768xf32, #tpu.memory_space<hbm>> -> memref<1x16x768xf32, #tpu.memory_space<hbm>>
    %dma_wait3A_1287 = tpu.memref_squeeze %dma_wait3A_1286 : memref<1x16x768xf32, #tpu.memory_space<hbm>> -> memref<16x768xf32, #tpu.memory_space<hbm>>
    %dma_wait3A_1288 = arith.constant 0 : i32
    %dma_wait3A_1289 = tpu.memref_slice %arg5[%dma_wait3A_1281, %add3A_1146, %dma_wait3A_1288] : memref<4x4096x768xf32, #tpu.memory_space<hbm>> -> memref<1x16x768xf32, #tpu.memory_space<hbm>>
    %dma_wait3A_1290 = tpu.memref_squeeze %dma_wait3A_1289 : memref<1x16x768xf32, #tpu.memory_space<hbm>> -> memref<16x768xf32, #tpu.memory_space<hbm>>
    %dma_wait3A_1291 = arith.constant 16 : i32
    %dma_wait3A_1292 = arith.constant 0 : i32
    %dma_wait3A_1293 = tpu.memref_slice %arg10[%dma_wait3A_1291, %dma_wait3A_1292] : memref<32x768xf32, #tpu.memory_space<vmem>> -> memref<16x768xf32, #tpu.memory_space<vmem>>
    tpu.wait_dma2 semaphore(%arg26 : memref<!tpu.dma_semaphore, #tpu.memory_space<semaphore_mem>>) src(%dma_wait3A_1293 : memref<16x768xf32, #tpu.memory_space<vmem>>) dst(%dma_wait3A_1290 : memref<16x768xf32, #tpu.memory_space<hbm>>)
    %dma_start3A_1294 = arith.constant 2 : i32
    %dma_start3A_1295 = arith.constant 0 : i32
    %dma_start3A_1296 = arith.constant 0 : i32
    %dma_start3A_1297 = tpu.memref_slice %arg10[%dma_start3A_1295, %dma_start3A_1296] : memref<32x768xf32, #tpu.memory_space<vmem>> -> memref<16x768xf32, #tpu.memory_space<vmem>>
    %dma_start3A_1298 = arith.constant 96 : i32
    %dma_start3A_1299 = tpu.memref_slice %arg6[%dma_start3A_1294, %dma_start3A_1298] : memref<4x128xi32, #tpu.memory_space<vmem>> -> memref<1x16xi32, #tpu.memory_space<vmem>>
    %dma_start3A_1300 = tpu.memref_squeeze %dma_start3A_1299 : memref<1x16xi32, #tpu.memory_space<vmem>> -> memref<16xi32, #tpu.memory_space<vmem>>
    %dma_start3A_1301 = arith.constant 0 : i32
    %dma_start3A_1302 = arith.constant 0 : i32
    %dma_start3A_1303 = tpu.memref_slice %arg3[%dma_start3A_1301, %dma_start3A_1302] : memref<100000x768xf32, #tpu.memory_space<hbm>> -> memref<100000x768xf32, #tpu.memory_space<hbm>>
    tpu.enqueue_indirect_dma source(%dma_start3A_1303 : memref<100000x768xf32, #tpu.memory_space<hbm>>) target(%dma_start3A_1297 : memref<16x768xf32, #tpu.memory_space<vmem>>) offsets(%dma_start3A_1300 : memref<16xi32, #tpu.memory_space<vmem>>) semaphore(%arg14 : memref<!tpu.dma_semaphore, #tpu.memory_space<semaphore_mem>>)
    %dma_start3A_1304 = arith.constant 2 : i32
    %dma_start3A_1305 = arith.constant 16 : i32
    %dma_start3A_1306 = arith.constant 0 : i32
    %dma_start3A_1307 = tpu.memref_slice %arg10[%dma_start3A_1305, %dma_start3A_1306] : memref<32x768xf32, #tpu.memory_space<vmem>> -> memref<16x768xf32, #tpu.memory_space<vmem>>
    %dma_start3A_1308 = arith.constant 112 : i32
    %dma_start3A_1309 = tpu.memref_slice %arg6[%dma_start3A_1304, %dma_start3A_1308] : memref<4x128xi32, #tpu.memory_space<vmem>> -> memref<1x16xi32, #tpu.memory_space<vmem>>
    %dma_start3A_1310 = tpu.memref_squeeze %dma_start3A_1309 : memref<1x16xi32, #tpu.memory_space<vmem>> -> memref<16xi32, #tpu.memory_space<vmem>>
    %dma_start3A_1311 = arith.constant 0 : i32
    %dma_start3A_1312 = arith.constant 0 : i32
    %dma_start3A_1313 = tpu.memref_slice %arg3[%dma_start3A_1311, %dma_start3A_1312] : memref<100000x768xf32, #tpu.memory_space<hbm>> -> memref<100000x768xf32, #tpu.memory_space<hbm>>
    tpu.enqueue_indirect_dma source(%dma_start3A_1313 : memref<100000x768xf32, #tpu.memory_space<hbm>>) target(%dma_start3A_1307 : memref<16x768xf32, #tpu.memory_space<vmem>>) offsets(%dma_start3A_1310 : memref<16xi32, #tpu.memory_space<vmem>>) semaphore(%arg18 : memref<!tpu.dma_semaphore, #tpu.memory_space<semaphore_mem>>)
    %dma_wait3A_1314 = arith.constant 0 : i32
    %dma_wait3A_1315 = arith.constant 0 : i32
    %dma_wait3A_1316 = arith.constant 0 : i32
    %dma_wait3A_1317 = tpu.memref_slice %arg8[%dma_wait3A_1315, %dma_wait3A_1316] : memref<32x768xf32, #tpu.memory_space<vmem>> -> memref<16x768xf32, #tpu.memory_space<vmem>>
    %dma_wait3A_1318 = arith.constant 96 : i32
    %dma_wait3A_1319 = tpu.memref_slice %arg6[%dma_wait3A_1314, %dma_wait3A_1318] : memref<4x128xi32, #tpu.memory_space<vmem>> -> memref<1x16xi32, #tpu.memory_space<vmem>>
    %dma_wait3A_1320 = tpu.memref_squeeze %dma_wait3A_1319 : memref<1x16xi32, #tpu.memory_space<vmem>> -> memref<16xi32, #tpu.memory_space<vmem>>
    %dma_wait3A_1321 = arith.constant 0 : i32
    %dma_wait3A_1322 = arith.constant 0 : i32
    %dma_wait3A_1323 = tpu.memref_slice %arg3[%dma_wait3A_1321, %dma_wait3A_1322] : memref<100000x768xf32, #tpu.memory_space<hbm>> -> memref<100000x768xf32, #tpu.memory_space<hbm>>
    tpu.wait_indirect_dma semaphore(%arg12 : memref<!tpu.dma_semaphore, #tpu.memory_space<semaphore_mem>>) src(%dma_wait3A_1323 : memref<100000x768xf32, #tpu.memory_space<hbm>>) dst(%dma_wait3A_1317 : memref<16x768xf32, #tpu.memory_space<vmem>>)
    %parallel_loop3A_1324 = arith.constant 0 : i32
    %parallel_loop3A_1325 = arith.constant 16 : i32
    %parallel_loop3A_1326 = arith.constant 1 : i32
    scf.for %parallel_loop3A_1704 = %parallel_loop3A_1324 to %parallel_loop3A_1325 step %parallel_loop3A_1326  : i32 {
      %parallel_loop3A_1705 = arith.constant 0 : i32
      %parallel_loop3A_1706 = arith.constant 768 : i32
      %parallel_loop3A_1707 = arith.constant 16 : i32
      scf.for %parallel_loop3A_1708 = %parallel_loop3A_1705 to %parallel_loop3A_1706 step %parallel_loop3A_1707  : i32 {
        %parallel_loop3A_1709 = arith.constant 0 : i32
        %parallel_loop3A_1710 = arith.addi %parallel_loop3A_1709, %parallel_loop3A_1704 : i32
        %parallel_loop3A_1711 = arith.index_cast %parallel_loop3A_1710 : i32 to index
        %parallel_loop3A_1712 = arith.index_cast %parallel_loop3A_1708 : i32 to index
        %parallel_loop3A_1713 = tpu.vector_load %arg8[%parallel_loop3A_1711, %parallel_loop3A_1712] {strides = array<i32>} : memref<32x768xf32, #tpu.memory_space<vmem>>, vector<1x16xf32>,
        %parallel_loop3A_1714 = vector.shape_cast %parallel_loop3A_1713 : vector<1x16xf32> to vector<16xf32>
        %parallel_loop3A_1715 = arith.constant 0 : i32
        %parallel_loop3A_1716 = arith.addi %parallel_loop3A_1715, %parallel_loop3A_1704 : i32
        %parallel_loop3A_1717 = arith.index_cast %parallel_loop3A_1716 : i32 to index
        %parallel_loop3A_1718 = arith.index_cast %parallel_loop3A_1708 : i32 to index
        %parallel_loop3A_1719 = tpu.vector_load %arg7[%parallel_loop3A_1717, %parallel_loop3A_1718] {strides = array<i32>} : memref<32x768xf32, #tpu.memory_space<vmem>>, vector<1x16xf32>,
        %parallel_loop3A_1720 = vector.shape_cast %parallel_loop3A_1719 : vector<1x16xf32> to vector<16xf32>
        %parallel_loop3A_1721 = arith.addf %parallel_loop3A_1714, %parallel_loop3A_1720 : vector<16xf32>
        %parallel_loop3A_1722 = arith.constant 0 : i32
        %parallel_loop3A_1723 = arith.addi %parallel_loop3A_1722, %parallel_loop3A_1704 : i32
        %parallel_loop3A_1724 = arith.index_cast %parallel_loop3A_1723 : i32 to index
        %parallel_loop3A_1725 = arith.index_cast %parallel_loop3A_1708 : i32 to index
        %parallel_loop3A_1726 = tpu.vector_load %arg8[%parallel_loop3A_1724, %parallel_loop3A_1725] {strides = array<i32>} : memref<32x768xf32, #tpu.memory_space<vmem>>, vector<1x16xf32>,
        %parallel_loop3A_1727 = vector.shape_cast %parallel_loop3A_1726 : vector<1x16xf32> to vector<16xf32>
        %parallel_loop3A_1728 = vector.shape_cast %parallel_loop3A_1721 : vector<16xf32> to vector<1x16xf32>
        tpu.vector_store %arg8[%parallel_loop3A_1724, %parallel_loop3A_1725], %parallel_loop3A_1728 {strides = array<i32>} : memref<32x768xf32, #tpu.memory_space<vmem>>, vector<1x16xf32>,
      } {sc.loop_unroll_factor = 8 : i64, sc.parallel_access}
    } {sc.loop_unroll_factor = 1 : i64, sc.parallel_access}
    %add3A_1327 = arith.constant 96 : i32
    %add3A_1328 = arith.addi %mul3A_2, %add3A_1327 : i32
    %add3A_1329 = arith.constant 0 : i32
    %add3A_1330 = arith.addi %add3A_1328, %add3A_1329 : i32
    %dma_start3A_1331 = arith.constant 0 : i32
    %dma_start3A_1332 = arith.constant 0 : i32
    %dma_start3A_1333 = arith.constant 0 : i32
    %dma_start3A_1334 = tpu.memref_slice %arg8[%dma_start3A_1332, %dma_start3A_1333] : memref<32x768xf32, #tpu.memory_space<vmem>> -> memref<16x768xf32, #tpu.memory_space<vmem>>
    %dma_start3A_1335 = arith.constant 0 : i32
    %dma_start3A_1336 = tpu.memref_slice %arg5[%dma_start3A_1331, %add3A_1330, %dma_start3A_1335] : memref<4x4096x768xf32, #tpu.memory_space<hbm>> -> memref<1x16x768xf32, #tpu.memory_space<hbm>>
    %dma_start3A_1337 = tpu.memref_squeeze %dma_start3A_1336 : memref<1x16x768xf32, #tpu.memory_space<hbm>> -> memref<16x768xf32, #tpu.memory_space<hbm>>
    %dma_start3A_1338 = arith.constant 0 : i32
    %dma_start3A_1339 = tpu.memref_slice %arg5[%dma_start3A_1331, %add3A_1330, %dma_start3A_1338] : memref<4x4096x768xf32, #tpu.memory_space<hbm>> -> memref<1x16x768xf32, #tpu.memory_space<hbm>>
    %dma_start3A_1340 = tpu.memref_squeeze %dma_start3A_1339 : memref<1x16x768xf32, #tpu.memory_space<hbm>> -> memref<16x768xf32, #tpu.memory_space<hbm>>
    %dma_start3A_1341 = arith.constant 0 : i32
    %dma_start3A_1342 = arith.constant 0 : i32
    %dma_start3A_1343 = tpu.memref_slice %arg8[%dma_start3A_1341, %dma_start3A_1342] : memref<32x768xf32, #tpu.memory_space<vmem>> -> memref<16x768xf32, #tpu.memory_space<vmem>>
    tpu.enqueue_dma source(%dma_start3A_1343 : memref<16x768xf32, #tpu.memory_space<vmem>>) target(%dma_start3A_1340 : memref<16x768xf32, #tpu.memory_space<hbm>>) target_semaphore(%arg20 : memref<!tpu.dma_semaphore, #tpu.memory_space<semaphore_mem>>)
    %dma_wait3A_1344 = arith.constant 0 : i32
    %dma_wait3A_1345 = arith.constant 16 : i32
    %dma_wait3A_1346 = arith.constant 0 : i32
    %dma_wait3A_1347 = tpu.memref_slice %arg8[%dma_wait3A_1345, %dma_wait3A_1346] : memref<32x768xf32, #tpu.memory_space<vmem>> -> memref<16x768xf32, #tpu.memory_space<vmem>>
    %dma_wait3A_1348 = arith.constant 112 : i32
    %dma_wait3A_1349 = tpu.memref_slice %arg6[%dma_wait3A_1344, %dma_wait3A_1348] : memref<4x128xi32, #tpu.memory_space<vmem>> -> memref<1x16xi32, #tpu.memory_space<vmem>>
    %dma_wait3A_1350 = tpu.memref_squeeze %dma_wait3A_1349 : memref<1x16xi32, #tpu.memory_space<vmem>> -> memref<16xi32, #tpu.memory_space<vmem>>
    %dma_wait3A_1351 = arith.constant 0 : i32
    %dma_wait3A_1352 = arith.constant 0 : i32
    %dma_wait3A_1353 = tpu.memref_slice %arg3[%dma_wait3A_1351, %dma_wait3A_1352] : memref<100000x768xf32, #tpu.memory_space<hbm>> -> memref<100000x768xf32, #tpu.memory_space<hbm>>
    tpu.wait_indirect_dma semaphore(%arg16 : memref<!tpu.dma_semaphore, #tpu.memory_space<semaphore_mem>>) src(%dma_wait3A_1353 : memref<100000x768xf32, #tpu.memory_space<hbm>>) dst(%dma_wait3A_1347 : memref<16x768xf32, #tpu.memory_space<vmem>>)
    %parallel_loop3A_1354 = arith.constant 0 : i32
    %parallel_loop3A_1355 = arith.constant 16 : i32
    %parallel_loop3A_1356 = arith.constant 1 : i32
    scf.for %parallel_loop3A_1704 = %parallel_loop3A_1354 to %parallel_loop3A_1355 step %parallel_loop3A_1356  : i32 {
      %parallel_loop3A_1705 = arith.constant 0 : i32
      %parallel_loop3A_1706 = arith.constant 768 : i32
      %parallel_loop3A_1707 = arith.constant 16 : i32
      scf.for %parallel_loop3A_1708 = %parallel_loop3A_1705 to %parallel_loop3A_1706 step %parallel_loop3A_1707  : i32 {
        %parallel_loop3A_1709 = arith.constant 16 : i32
        %parallel_loop3A_1710 = arith.addi %parallel_loop3A_1709, %parallel_loop3A_1704 : i32
        %parallel_loop3A_1711 = arith.index_cast %parallel_loop3A_1710 : i32 to index
        %parallel_loop3A_1712 = arith.index_cast %parallel_loop3A_1708 : i32 to index
        %parallel_loop3A_1713 = tpu.vector_load %arg8[%parallel_loop3A_1711, %parallel_loop3A_1712] {strides = array<i32>} : memref<32x768xf32, #tpu.memory_space<vmem>>, vector<1x16xf32>,
        %parallel_loop3A_1714 = vector.shape_cast %parallel_loop3A_1713 : vector<1x16xf32> to vector<16xf32>
        %parallel_loop3A_1715 = arith.constant 16 : i32
        %parallel_loop3A_1716 = arith.addi %parallel_loop3A_1715, %parallel_loop3A_1704 : i32
        %parallel_loop3A_1717 = arith.index_cast %parallel_loop3A_1716 : i32 to index
        %parallel_loop3A_1718 = arith.index_cast %parallel_loop3A_1708 : i32 to index
        %parallel_loop3A_1719 = tpu.vector_load %arg7[%parallel_loop3A_1717, %parallel_loop3A_1718] {strides = array<i32>} : memref<32x768xf32, #tpu.memory_space<vmem>>, vector<1x16xf32>,
        %parallel_loop3A_1720 = vector.shape_cast %parallel_loop3A_1719 : vector<1x16xf32> to vector<16xf32>
        %parallel_loop3A_1721 = arith.addf %parallel_loop3A_1714, %parallel_loop3A_1720 : vector<16xf32>
        %parallel_loop3A_1722 = arith.constant 16 : i32
        %parallel_loop3A_1723 = arith.addi %parallel_loop3A_1722, %parallel_loop3A_1704 : i32
        %parallel_loop3A_1724 = arith.index_cast %parallel_loop3A_1723 : i32 to index
        %parallel_loop3A_1725 = arith.index_cast %parallel_loop3A_1708 : i32 to index
        %parallel_loop3A_1726 = tpu.vector_load %arg8[%parallel_loop3A_1724, %parallel_loop3A_1725] {strides = array<i32>} : memref<32x768xf32, #tpu.memory_space<vmem>>, vector<1x16xf32>,
        %parallel_loop3A_1727 = vector.shape_cast %parallel_loop3A_1726 : vector<1x16xf32> to vector<16xf32>
        %parallel_loop3A_1728 = vector.shape_cast %parallel_loop3A_1721 : vector<16xf32> to vector<1x16xf32>
        tpu.vector_store %arg8[%parallel_loop3A_1724, %parallel_loop3A_1725], %parallel_loop3A_1728 {strides = array<i32>} : memref<32x768xf32, #tpu.memory_space<vmem>>, vector<1x16xf32>,
      } {sc.loop_unroll_factor = 8 : i64, sc.parallel_access}
    } {sc.loop_unroll_factor = 1 : i64, sc.parallel_access}
    %add3A_1357 = arith.constant 96 : i32
    %add3A_1358 = arith.addi %mul3A_2, %add3A_1357 : i32
    %add3A_1359 = arith.constant 16 : i32
    %add3A_1360 = arith.addi %add3A_1358, %add3A_1359 : i32
    %dma_start3A_1361 = arith.constant 0 : i32
    %dma_start3A_1362 = arith.constant 16 : i32
    %dma_start3A_1363 = arith.constant 0 : i32
    %dma_start3A_1364 = tpu.memref_slice %arg8[%dma_start3A_1362, %dma_start3A_1363] : memref<32x768xf32, #tpu.memory_space<vmem>> -> memref<16x768xf32, #tpu.memory_space<vmem>>
    %dma_start3A_1365 = arith.constant 0 : i32
    %dma_start3A_1366 = tpu.memref_slice %arg5[%dma_start3A_1361, %add3A_1360, %dma_start3A_1365] : memref<4x4096x768xf32, #tpu.memory_space<hbm>> -> memref<1x16x768xf32, #tpu.memory_space<hbm>>
    %dma_start3A_1367 = tpu.memref_squeeze %dma_start3A_1366 : memref<1x16x768xf32, #tpu.memory_space<hbm>> -> memref<16x768xf32, #tpu.memory_space<hbm>>
    %dma_start3A_1368 = arith.constant 0 : i32
    %dma_start3A_1369 = tpu.memref_slice %arg5[%dma_start3A_1361, %add3A_1360, %dma_start3A_1368] : memref<4x4096x768xf32, #tpu.memory_space<hbm>> -> memref<1x16x768xf32, #tpu.memory_space<hbm>>
    %dma_start3A_1370 = tpu.memref_squeeze %dma_start3A_1369 : memref<1x16x768xf32, #tpu.memory_space<hbm>> -> memref<16x768xf32, #tpu.memory_space<hbm>>
    %dma_start3A_1371 = arith.constant 16 : i32
    %dma_start3A_1372 = arith.constant 0 : i32
    %dma_start3A_1373 = tpu.memref_slice %arg8[%dma_start3A_1371, %dma_start3A_1372] : memref<32x768xf32, #tpu.memory_space<vmem>> -> memref<16x768xf32, #tpu.memory_space<vmem>>
    tpu.enqueue_dma source(%dma_start3A_1373 : memref<16x768xf32, #tpu.memory_space<vmem>>) target(%dma_start3A_1370 : memref<16x768xf32, #tpu.memory_space<hbm>>) target_semaphore(%arg24 : memref<!tpu.dma_semaphore, #tpu.memory_space<semaphore_mem>>)
    %dma_wait3A_1374 = arith.constant 3 : i32
    %dma_wait3A_1375 = arith.constant 0 : i32
    %dma_wait3A_1376 = arith.constant 0 : i32
    %dma_wait3A_1377 = tpu.memref_slice %arg11[%dma_wait3A_1375, %dma_wait3A_1376] : memref<32x768xf32, #tpu.memory_space<vmem>> -> memref<16x768xf32, #tpu.memory_space<vmem>>
    %dma_wait3A_1378 = arith.constant 0 : i32
    %dma_wait3A_1379 = tpu.memref_slice %arg5[%dma_wait3A_1374, %add3A_1222, %dma_wait3A_1378] : memref<4x4096x768xf32, #tpu.memory_space<hbm>> -> memref<1x16x768xf32, #tpu.memory_space<hbm>>
    %dma_wait3A_1380 = tpu.memref_squeeze %dma_wait3A_1379 : memref<1x16x768xf32, #tpu.memory_space<hbm>> -> memref<16x768xf32, #tpu.memory_space<hbm>>
    %dma_wait3A_1381 = arith.constant 0 : i32
    %dma_wait3A_1382 = tpu.memref_slice %arg5[%dma_wait3A_1374, %add3A_1222, %dma_wait3A_1381] : memref<4x4096x768xf32, #tpu.memory_space<hbm>> -> memref<1x16x768xf32, #tpu.memory_space<hbm>>
    %dma_wait3A_1383 = tpu.memref_squeeze %dma_wait3A_1382 : memref<1x16x768xf32, #tpu.memory_space<hbm>> -> memref<16x768xf32, #tpu.memory_space<hbm>>
    %dma_wait3A_1384 = arith.constant 0 : i32
    %dma_wait3A_1385 = arith.constant 0 : i32
    %dma_wait3A_1386 = tpu.memref_slice %arg11[%dma_wait3A_1384, %dma_wait3A_1385] : memref<32x768xf32, #tpu.memory_space<vmem>> -> memref<16x768xf32, #tpu.memory_space<vmem>>
    tpu.wait_dma2 semaphore(%arg23 : memref<!tpu.dma_semaphore, #tpu.memory_space<semaphore_mem>>) src(%dma_wait3A_1386 : memref<16x768xf32, #tpu.memory_space<vmem>>) dst(%dma_wait3A_1383 : memref<16x768xf32, #tpu.memory_space<hbm>>)
    %dma_wait3A_1387 = arith.constant 3 : i32
    %dma_wait3A_1388 = arith.constant 16 : i32
    %dma_wait3A_1389 = arith.constant 0 : i32
    %dma_wait3A_1390 = tpu.memref_slice %arg11[%dma_wait3A_1388, %dma_wait3A_1389] : memref<32x768xf32, #tpu.memory_space<vmem>> -> memref<16x768xf32, #tpu.memory_space<vmem>>
    %dma_wait3A_1391 = arith.constant 0 : i32
    %dma_wait3A_1392 = tpu.memref_slice %arg5[%dma_wait3A_1387, %add3A_1252, %dma_wait3A_1391] : memref<4x4096x768xf32, #tpu.memory_space<hbm>> -> memref<1x16x768xf32, #tpu.memory_space<hbm>>
    %dma_wait3A_1393 = tpu.memref_squeeze %dma_wait3A_1392 : memref<1x16x768xf32, #tpu.memory_space<hbm>> -> memref<16x768xf32, #tpu.memory_space<hbm>>
    %dma_wait3A_1394 = arith.constant 0 : i32
    %dma_wait3A_1395 = tpu.memref_slice %arg5[%dma_wait3A_1387, %add3A_1252, %dma_wait3A_1394] : memref<4x4096x768xf32, #tpu.memory_space<hbm>> -> memref<1x16x768xf32, #tpu.memory_space<hbm>>
    %dma_wait3A_1396 = tpu.memref_squeeze %dma_wait3A_1395 : memref<1x16x768xf32, #tpu.memory_space<hbm>> -> memref<16x768xf32, #tpu.memory_space<hbm>>
    %dma_wait3A_1397 = arith.constant 16 : i32
    %dma_wait3A_1398 = arith.constant 0 : i32
    %dma_wait3A_1399 = tpu.memref_slice %arg11[%dma_wait3A_1397, %dma_wait3A_1398] : memref<32x768xf32, #tpu.memory_space<vmem>> -> memref<16x768xf32, #tpu.memory_space<vmem>>
    tpu.wait_dma2 semaphore(%arg27 : memref<!tpu.dma_semaphore, #tpu.memory_space<semaphore_mem>>) src(%dma_wait3A_1399 : memref<16x768xf32, #tpu.memory_space<vmem>>) dst(%dma_wait3A_1396 : memref<16x768xf32, #tpu.memory_space<hbm>>)
    %dma_start3A_1400 = arith.constant 3 : i32
    %dma_start3A_1401 = arith.constant 0 : i32
    %dma_start3A_1402 = arith.constant 0 : i32
    %dma_start3A_1403 = tpu.memref_slice %arg11[%dma_start3A_1401, %dma_start3A_1402] : memref<32x768xf32, #tpu.memory_space<vmem>> -> memref<16x768xf32, #tpu.memory_space<vmem>>
    %dma_start3A_1404 = arith.constant 96 : i32
    %dma_start3A_1405 = tpu.memref_slice %arg6[%dma_start3A_1400, %dma_start3A_1404] : memref<4x128xi32, #tpu.memory_space<vmem>> -> memref<1x16xi32, #tpu.memory_space<vmem>>
    %dma_start3A_1406 = tpu.memref_squeeze %dma_start3A_1405 : memref<1x16xi32, #tpu.memory_space<vmem>> -> memref<16xi32, #tpu.memory_space<vmem>>
    %dma_start3A_1407 = arith.constant 0 : i32
    %dma_start3A_1408 = arith.constant 0 : i32
    %dma_start3A_1409 = tpu.memref_slice %arg3[%dma_start3A_1407, %dma_start3A_1408] : memref<100000x768xf32, #tpu.memory_space<hbm>> -> memref<100000x768xf32, #tpu.memory_space<hbm>>
    tpu.enqueue_indirect_dma source(%dma_start3A_1409 : memref<100000x768xf32, #tpu.memory_space<hbm>>) target(%dma_start3A_1403 : memref<16x768xf32, #tpu.memory_space<vmem>>) offsets(%dma_start3A_1406 : memref<16xi32, #tpu.memory_space<vmem>>) semaphore(%arg15 : memref<!tpu.dma_semaphore, #tpu.memory_space<semaphore_mem>>)
    %dma_start3A_1410 = arith.constant 3 : i32
    %dma_start3A_1411 = arith.constant 16 : i32
    %dma_start3A_1412 = arith.constant 0 : i32
    %dma_start3A_1413 = tpu.memref_slice %arg11[%dma_start3A_1411, %dma_start3A_1412] : memref<32x768xf32, #tpu.memory_space<vmem>> -> memref<16x768xf32, #tpu.memory_space<vmem>>
    %dma_start3A_1414 = arith.constant 112 : i32
    %dma_start3A_1415 = tpu.memref_slice %arg6[%dma_start3A_1410, %dma_start3A_1414] : memref<4x128xi32, #tpu.memory_space<vmem>> -> memref<1x16xi32, #tpu.memory_space<vmem>>
    %dma_start3A_1416 = tpu.memref_squeeze %dma_start3A_1415 : memref<1x16xi32, #tpu.memory_space<vmem>> -> memref<16xi32, #tpu.memory_space<vmem>>
    %dma_start3A_1417 = arith.constant 0 : i32
    %dma_start3A_1418 = arith.constant 0 : i32
    %dma_start3A_1419 = tpu.memref_slice %arg3[%dma_start3A_1417, %dma_start3A_1418] : memref<100000x768xf32, #tpu.memory_space<hbm>> -> memref<100000x768xf32, #tpu.memory_space<hbm>>
    tpu.enqueue_indirect_dma source(%dma_start3A_1419 : memref<100000x768xf32, #tpu.memory_space<hbm>>) target(%dma_start3A_1413 : memref<16x768xf32, #tpu.memory_space<vmem>>) offsets(%dma_start3A_1416 : memref<16xi32, #tpu.memory_space<vmem>>) semaphore(%arg19 : memref<!tpu.dma_semaphore, #tpu.memory_space<semaphore_mem>>)
    %dma_wait3A_1420 = arith.constant 1 : i32
    %dma_wait3A_1421 = arith.constant 0 : i32
    %dma_wait3A_1422 = arith.constant 0 : i32
    %dma_wait3A_1423 = tpu.memref_slice %arg9[%dma_wait3A_1421, %dma_wait3A_1422] : memref<32x768xf32, #tpu.memory_space<vmem>> -> memref<16x768xf32, #tpu.memory_space<vmem>>
    %dma_wait3A_1424 = arith.constant 96 : i32
    %dma_wait3A_1425 = tpu.memref_slice %arg6[%dma_wait3A_1420, %dma_wait3A_1424] : memref<4x128xi32, #tpu.memory_space<vmem>> -> memref<1x16xi32, #tpu.memory_space<vmem>>
    %dma_wait3A_1426 = tpu.memref_squeeze %dma_wait3A_1425 : memref<1x16xi32, #tpu.memory_space<vmem>> -> memref<16xi32, #tpu.memory_space<vmem>>
    %dma_wait3A_1427 = arith.constant 0 : i32
    %dma_wait3A_1428 = arith.constant 0 : i32
    %dma_wait3A_1429 = tpu.memref_slice %arg3[%dma_wait3A_1427, %dma_wait3A_1428] : memref<100000x768xf32, #tpu.memory_space<hbm>> -> memref<100000x768xf32, #tpu.memory_space<hbm>>
    tpu.wait_indirect_dma semaphore(%arg13 : memref<!tpu.dma_semaphore, #tpu.memory_space<semaphore_mem>>) src(%dma_wait3A_1429 : memref<100000x768xf32, #tpu.memory_space<hbm>>) dst(%dma_wait3A_1423 : memref<16x768xf32, #tpu.memory_space<vmem>>)
    %parallel_loop3A_1430 = arith.constant 0 : i32
    %parallel_loop3A_1431 = arith.constant 16 : i32
    %parallel_loop3A_1432 = arith.constant 1 : i32
    scf.for %parallel_loop3A_1704 = %parallel_loop3A_1430 to %parallel_loop3A_1431 step %parallel_loop3A_1432  : i32 {
      %parallel_loop3A_1705 = arith.constant 0 : i32
      %parallel_loop3A_1706 = arith.constant 768 : i32
      %parallel_loop3A_1707 = arith.constant 16 : i32
      scf.for %parallel_loop3A_1708 = %parallel_loop3A_1705 to %parallel_loop3A_1706 step %parallel_loop3A_1707  : i32 {
        %parallel_loop3A_1709 = arith.constant 0 : i32
        %parallel_loop3A_1710 = arith.addi %parallel_loop3A_1709, %parallel_loop3A_1704 : i32
        %parallel_loop3A_1711 = arith.index_cast %parallel_loop3A_1710 : i32 to index
        %parallel_loop3A_1712 = arith.index_cast %parallel_loop3A_1708 : i32 to index
        %parallel_loop3A_1713 = tpu.vector_load %arg9[%parallel_loop3A_1711, %parallel_loop3A_1712] {strides = array<i32>} : memref<32x768xf32, #tpu.memory_space<vmem>>, vector<1x16xf32>,
        %parallel_loop3A_1714 = vector.shape_cast %parallel_loop3A_1713 : vector<1x16xf32> to vector<16xf32>
        %parallel_loop3A_1715 = arith.constant 0 : i32
        %parallel_loop3A_1716 = arith.addi %parallel_loop3A_1715, %parallel_loop3A_1704 : i32
        %parallel_loop3A_1717 = arith.index_cast %parallel_loop3A_1716 : i32 to index
        %parallel_loop3A_1718 = arith.index_cast %parallel_loop3A_1708 : i32 to index
        %parallel_loop3A_1719 = tpu.vector_load %arg7[%parallel_loop3A_1717, %parallel_loop3A_1718] {strides = array<i32>} : memref<32x768xf32, #tpu.memory_space<vmem>>, vector<1x16xf32>,
        %parallel_loop3A_1720 = vector.shape_cast %parallel_loop3A_1719 : vector<1x16xf32> to vector<16xf32>
        %parallel_loop3A_1721 = arith.addf %parallel_loop3A_1714, %parallel_loop3A_1720 : vector<16xf32>
        %parallel_loop3A_1722 = arith.constant 0 : i32
        %parallel_loop3A_1723 = arith.addi %parallel_loop3A_1722, %parallel_loop3A_1704 : i32
        %parallel_loop3A_1724 = arith.index_cast %parallel_loop3A_1723 : i32 to index
        %parallel_loop3A_1725 = arith.index_cast %parallel_loop3A_1708 : i32 to index
        %parallel_loop3A_1726 = tpu.vector_load %arg9[%parallel_loop3A_1724, %parallel_loop3A_1725] {strides = array<i32>} : memref<32x768xf32, #tpu.memory_space<vmem>>, vector<1x16xf32>,
        %parallel_loop3A_1727 = vector.shape_cast %parallel_loop3A_1726 : vector<1x16xf32> to vector<16xf32>
        %parallel_loop3A_1728 = vector.shape_cast %parallel_loop3A_1721 : vector<16xf32> to vector<1x16xf32>
        tpu.vector_store %arg9[%parallel_loop3A_1724, %parallel_loop3A_1725], %parallel_loop3A_1728 {strides = array<i32>} : memref<32x768xf32, #tpu.memory_space<vmem>>, vector<1x16xf32>,
      } {sc.loop_unroll_factor = 8 : i64, sc.parallel_access}
    } {sc.loop_unroll_factor = 1 : i64, sc.parallel_access}
    %add3A_1433 = arith.constant 96 : i32
    %add3A_1434 = arith.addi %mul3A_2, %add3A_1433 : i32
    %add3A_1435 = arith.constant 0 : i32
    %add3A_1436 = arith.addi %add3A_1434, %add3A_1435 : i32
    %dma_start3A_1437 = arith.constant 1 : i32
    %dma_start3A_1438 = arith.constant 0 : i32
    %dma_start3A_1439 = arith.constant 0 : i32
    %dma_start3A_1440 = tpu.memref_slice %arg9[%dma_start3A_1438, %dma_start3A_1439] : memref<32x768xf32, #tpu.memory_space<vmem>> -> memref<16x768xf32, #tpu.memory_space<vmem>>
    %dma_start3A_1441 = arith.constant 0 : i32
    %dma_start3A_1442 = tpu.memref_slice %arg5[%dma_start3A_1437, %add3A_1436, %dma_start3A_1441] : memref<4x4096x768xf32, #tpu.memory_space<hbm>> -> memref<1x16x768xf32, #tpu.memory_space<hbm>>
    %dma_start3A_1443 = tpu.memref_squeeze %dma_start3A_1442 : memref<1x16x768xf32, #tpu.memory_space<hbm>> -> memref<16x768xf32, #tpu.memory_space<hbm>>
    %dma_start3A_1444 = arith.constant 0 : i32
    %dma_start3A_1445 = tpu.memref_slice %arg5[%dma_start3A_1437, %add3A_1436, %dma_start3A_1444] : memref<4x4096x768xf32, #tpu.memory_space<hbm>> -> memref<1x16x768xf32, #tpu.memory_space<hbm>>
    %dma_start3A_1446 = tpu.memref_squeeze %dma_start3A_1445 : memref<1x16x768xf32, #tpu.memory_space<hbm>> -> memref<16x768xf32, #tpu.memory_space<hbm>>
    %dma_start3A_1447 = arith.constant 0 : i32
    %dma_start3A_1448 = arith.constant 0 : i32
    %dma_start3A_1449 = tpu.memref_slice %arg9[%dma_start3A_1447, %dma_start3A_1448] : memref<32x768xf32, #tpu.memory_space<vmem>> -> memref<16x768xf32, #tpu.memory_space<vmem>>
    tpu.enqueue_dma source(%dma_start3A_1449 : memref<16x768xf32, #tpu.memory_space<vmem>>) target(%dma_start3A_1446 : memref<16x768xf32, #tpu.memory_space<hbm>>) target_semaphore(%arg21 : memref<!tpu.dma_semaphore, #tpu.memory_space<semaphore_mem>>)
    %dma_wait3A_1450 = arith.constant 1 : i32
    %dma_wait3A_1451 = arith.constant 16 : i32
    %dma_wait3A_1452 = arith.constant 0 : i32
    %dma_wait3A_1453 = tpu.memref_slice %arg9[%dma_wait3A_1451, %dma_wait3A_1452] : memref<32x768xf32, #tpu.memory_space<vmem>> -> memref<16x768xf32, #tpu.memory_space<vmem>>
    %dma_wait3A_1454 = arith.constant 112 : i32
    %dma_wait3A_1455 = tpu.memref_slice %arg6[%dma_wait3A_1450, %dma_wait3A_1454] : memref<4x128xi32, #tpu.memory_space<vmem>> -> memref<1x16xi32, #tpu.memory_space<vmem>>
    %dma_wait3A_1456 = tpu.memref_squeeze %dma_wait3A_1455 : memref<1x16xi32, #tpu.memory_space<vmem>> -> memref<16xi32, #tpu.memory_space<vmem>>
    %dma_wait3A_1457 = arith.constant 0 : i32
    %dma_wait3A_1458 = arith.constant 0 : i32
    %dma_wait3A_1459 = tpu.memref_slice %arg3[%dma_wait3A_1457, %dma_wait3A_1458] : memref<100000x768xf32, #tpu.memory_space<hbm>> -> memref<100000x768xf32, #tpu.memory_space<hbm>>
    tpu.wait_indirect_dma semaphore(%arg17 : memref<!tpu.dma_semaphore, #tpu.memory_space<semaphore_mem>>) src(%dma_wait3A_1459 : memref<100000x768xf32, #tpu.memory_space<hbm>>) dst(%dma_wait3A_1453 : memref<16x768xf32, #tpu.memory_space<vmem>>)
    %parallel_loop3A_1460 = arith.constant 0 : i32
    %parallel_loop3A_1461 = arith.constant 16 : i32
    %parallel_loop3A_1462 = arith.constant 1 : i32
    scf.for %parallel_loop3A_1704 = %parallel_loop3A_1460 to %parallel_loop3A_1461 step %parallel_loop3A_1462  : i32 {
      %parallel_loop3A_1705 = arith.constant 0 : i32
      %parallel_loop3A_1706 = arith.constant 768 : i32
      %parallel_loop3A_1707 = arith.constant 16 : i32
      scf.for %parallel_loop3A_1708 = %parallel_loop3A_1705 to %parallel_loop3A_1706 step %parallel_loop3A_1707  : i32 {
        %parallel_loop3A_1709 = arith.constant 16 : i32
        %parallel_loop3A_1710 = arith.addi %parallel_loop3A_1709, %parallel_loop3A_1704 : i32
        %parallel_loop3A_1711 = arith.index_cast %parallel_loop3A_1710 : i32 to index
        %parallel_loop3A_1712 = arith.index_cast %parallel_loop3A_1708 : i32 to index
        %parallel_loop3A_1713 = tpu.vector_load %arg9[%parallel_loop3A_1711, %parallel_loop3A_1712] {strides = array<i32>} : memref<32x768xf32, #tpu.memory_space<vmem>>, vector<1x16xf32>,
        %parallel_loop3A_1714 = vector.shape_cast %parallel_loop3A_1713 : vector<1x16xf32> to vector<16xf32>
        %parallel_loop3A_1715 = arith.constant 16 : i32
        %parallel_loop3A_1716 = arith.addi %parallel_loop3A_1715, %parallel_loop3A_1704 : i32
        %parallel_loop3A_1717 = arith.index_cast %parallel_loop3A_1716 : i32 to index
        %parallel_loop3A_1718 = arith.index_cast %parallel_loop3A_1708 : i32 to index
        %parallel_loop3A_1719 = tpu.vector_load %arg7[%parallel_loop3A_1717, %parallel_loop3A_1718] {strides = array<i32>} : memref<32x768xf32, #tpu.memory_space<vmem>>, vector<1x16xf32>,
        %parallel_loop3A_1720 = vector.shape_cast %parallel_loop3A_1719 : vector<1x16xf32> to vector<16xf32>
        %parallel_loop3A_1721 = arith.addf %parallel_loop3A_1714, %parallel_loop3A_1720 : vector<16xf32>
        %parallel_loop3A_1722 = arith.constant 16 : i32
        %parallel_loop3A_1723 = arith.addi %parallel_loop3A_1722, %parallel_loop3A_1704 : i32
        %parallel_loop3A_1724 = arith.index_cast %parallel_loop3A_1723 : i32 to index
        %parallel_loop3A_1725 = arith.index_cast %parallel_loop3A_1708 : i32 to index
        %parallel_loop3A_1726 = tpu.vector_load %arg9[%parallel_loop3A_1724, %parallel_loop3A_1725] {strides = array<i32>} : memref<32x768xf32, #tpu.memory_space<vmem>>, vector<1x16xf32>,
        %parallel_loop3A_1727 = vector.shape_cast %parallel_loop3A_1726 : vector<1x16xf32> to vector<16xf32>
        %parallel_loop3A_1728 = vector.shape_cast %parallel_loop3A_1721 : vector<16xf32> to vector<1x16xf32>
        tpu.vector_store %arg9[%parallel_loop3A_1724, %parallel_loop3A_1725], %parallel_loop3A_1728 {strides = array<i32>} : memref<32x768xf32, #tpu.memory_space<vmem>>, vector<1x16xf32>,
      } {sc.loop_unroll_factor = 8 : i64, sc.parallel_access}
    } {sc.loop_unroll_factor = 1 : i64, sc.parallel_access}
    %add3A_1463 = arith.constant 96 : i32
    %add3A_1464 = arith.addi %mul3A_2, %add3A_1463 : i32
    %add3A_1465 = arith.constant 16 : i32
    %add3A_1466 = arith.addi %add3A_1464, %add3A_1465 : i32
    %dma_start3A_1467 = arith.constant 1 : i32
    %dma_start3A_1468 = arith.constant 16 : i32
    %dma_start3A_1469 = arith.constant 0 : i32
    %dma_start3A_1470 = tpu.memref_slice %arg9[%dma_start3A_1468, %dma_start3A_1469] : memref<32x768xf32, #tpu.memory_space<vmem>> -> memref<16x768xf32, #tpu.memory_space<vmem>>
    %dma_start3A_1471 = arith.constant 0 : i32
    %dma_start3A_1472 = tpu.memref_slice %arg5[%dma_start3A_1467, %add3A_1466, %dma_start3A_1471] : memref<4x4096x768xf32, #tpu.memory_space<hbm>> -> memref<1x16x768xf32, #tpu.memory_space<hbm>>
    %dma_start3A_1473 = tpu.memref_squeeze %dma_start3A_1472 : memref<1x16x768xf32, #tpu.memory_space<hbm>> -> memref<16x768xf32, #tpu.memory_space<hbm>>
    %dma_start3A_1474 = arith.constant 0 : i32
    %dma_start3A_1475 = tpu.memref_slice %arg5[%dma_start3A_1467, %add3A_1466, %dma_start3A_1474] : memref<4x4096x768xf32, #tpu.memory_space<hbm>> -> memref<1x16x768xf32, #tpu.memory_space<hbm>>
    %dma_start3A_1476 = tpu.memref_squeeze %dma_start3A_1475 : memref<1x16x768xf32, #tpu.memory_space<hbm>> -> memref<16x768xf32, #tpu.memory_space<hbm>>
    %dma_start3A_1477 = arith.constant 16 : i32
    %dma_start3A_1478 = arith.constant 0 : i32
    %dma_start3A_1479 = tpu.memref_slice %arg9[%dma_start3A_1477, %dma_start3A_1478] : memref<32x768xf32, #tpu.memory_space<vmem>> -> memref<16x768xf32, #tpu.memory_space<vmem>>
    tpu.enqueue_dma source(%dma_start3A_1479 : memref<16x768xf32, #tpu.memory_space<vmem>>) target(%dma_start3A_1476 : memref<16x768xf32, #tpu.memory_space<hbm>>) target_semaphore(%arg25 : memref<!tpu.dma_semaphore, #tpu.memory_space<semaphore_mem>>)
    %dma_wait3A_1480 = arith.constant 0 : i32
    %dma_wait3A_1481 = arith.constant 0 : i32
    %dma_wait3A_1482 = arith.constant 0 : i32
    %dma_wait3A_1483 = tpu.memref_slice %arg8[%dma_wait3A_1481, %dma_wait3A_1482] : memref<32x768xf32, #tpu.memory_space<vmem>> -> memref<16x768xf32, #tpu.memory_space<vmem>>
    %dma_wait3A_1484 = arith.constant 0 : i32
    %dma_wait3A_1485 = tpu.memref_slice %arg5[%dma_wait3A_1480, %add3A_1330, %dma_wait3A_1484] : memref<4x4096x768xf32, #tpu.memory_space<hbm>> -> memref<1x16x768xf32, #tpu.memory_space<hbm>>
    %dma_wait3A_1486 = tpu.memref_squeeze %dma_wait3A_1485 : memref<1x16x768xf32, #tpu.memory_space<hbm>> -> memref<16x768xf32, #tpu.memory_space<hbm>>
    %dma_wait3A_1487 = arith.constant 0 : i32
    %dma_wait3A_1488 = tpu.memref_slice %arg5[%dma_wait3A_1480, %add3A_1330, %dma_wait3A_1487] : memref<4x4096x768xf32, #tpu.memory_space<hbm>> -> memref<1x16x768xf32, #tpu.memory_space<hbm>>
    %dma_wait3A_1489 = tpu.memref_squeeze %dma_wait3A_1488 : memref<1x16x768xf32, #tpu.memory_space<hbm>> -> memref<16x768xf32, #tpu.memory_space<hbm>>
    %dma_wait3A_1490 = arith.constant 0 : i32
    %dma_wait3A_1491 = arith.constant 0 : i32
    %dma_wait3A_1492 = tpu.memref_slice %arg8[%dma_wait3A_1490, %dma_wait3A_1491] : memref<32x768xf32, #tpu.memory_space<vmem>> -> memref<16x768xf32, #tpu.memory_space<vmem>>
    tpu.wait_dma2 semaphore(%arg20 : memref<!tpu.dma_semaphore, #tpu.memory_space<semaphore_mem>>) src(%dma_wait3A_1492 : memref<16x768xf32, #tpu.memory_space<vmem>>) dst(%dma_wait3A_1489 : memref<16x768xf32, #tpu.memory_space<hbm>>)
    %dma_wait3A_1493 = arith.constant 0 : i32
    %dma_wait3A_1494 = arith.constant 16 : i32
    %dma_wait3A_1495 = arith.constant 0 : i32
    %dma_wait3A_1496 = tpu.memref_slice %arg8[%dma_wait3A_1494, %dma_wait3A_1495] : memref<32x768xf32, #tpu.memory_space<vmem>> -> memref<16x768xf32, #tpu.memory_space<vmem>>
    %dma_wait3A_1497 = arith.constant 0 : i32
    %dma_wait3A_1498 = tpu.memref_slice %arg5[%dma_wait3A_1493, %add3A_1360, %dma_wait3A_1497] : memref<4x4096x768xf32, #tpu.memory_space<hbm>> -> memref<1x16x768xf32, #tpu.memory_space<hbm>>
    %dma_wait3A_1499 = tpu.memref_squeeze %dma_wait3A_1498 : memref<1x16x768xf32, #tpu.memory_space<hbm>> -> memref<16x768xf32, #tpu.memory_space<hbm>>
    %dma_wait3A_1500 = arith.constant 0 : i32
    %dma_wait3A_1501 = tpu.memref_slice %arg5[%dma_wait3A_1493, %add3A_1360, %dma_wait3A_1500] : memref<4x4096x768xf32, #tpu.memory_space<hbm>> -> memref<1x16x768xf32, #tpu.memory_space<hbm>>
    %dma_wait3A_1502 = tpu.memref_squeeze %dma_wait3A_1501 : memref<1x16x768xf32, #tpu.memory_space<hbm>> -> memref<16x768xf32, #tpu.memory_space<hbm>>
    %dma_wait3A_1503 = arith.constant 16 : i32
    %dma_wait3A_1504 = arith.constant 0 : i32
    %dma_wait3A_1505 = tpu.memref_slice %arg8[%dma_wait3A_1503, %dma_wait3A_1504] : memref<32x768xf32, #tpu.memory_space<vmem>> -> memref<16x768xf32, #tpu.memory_space<vmem>>
    tpu.wait_dma2 semaphore(%arg24 : memref<!tpu.dma_semaphore, #tpu.memory_space<semaphore_mem>>) src(%dma_wait3A_1505 : memref<16x768xf32, #tpu.memory_space<vmem>>) dst(%dma_wait3A_1502 : memref<16x768xf32, #tpu.memory_space<hbm>>)
    %dma_wait3A_1506 = arith.constant 2 : i32
    %dma_wait3A_1507 = arith.constant 0 : i32
    %dma_wait3A_1508 = arith.constant 0 : i32
    %dma_wait3A_1509 = tpu.memref_slice %arg10[%dma_wait3A_1507, %dma_wait3A_1508] : memref<32x768xf32, #tpu.memory_space<vmem>> -> memref<16x768xf32, #tpu.memory_space<vmem>>
    %dma_wait3A_1510 = arith.constant 96 : i32
    %dma_wait3A_1511 = tpu.memref_slice %arg6[%dma_wait3A_1506, %dma_wait3A_1510] : memref<4x128xi32, #tpu.memory_space<vmem>> -> memref<1x16xi32, #tpu.memory_space<vmem>>
    %dma_wait3A_1512 = tpu.memref_squeeze %dma_wait3A_1511 : memref<1x16xi32, #tpu.memory_space<vmem>> -> memref<16xi32, #tpu.memory_space<vmem>>
    %dma_wait3A_1513 = arith.constant 0 : i32
    %dma_wait3A_1514 = arith.constant 0 : i32
    %dma_wait3A_1515 = tpu.memref_slice %arg3[%dma_wait3A_1513, %dma_wait3A_1514] : memref<100000x768xf32, #tpu.memory_space<hbm>> -> memref<100000x768xf32, #tpu.memory_space<hbm>>
    tpu.wait_indirect_dma semaphore(%arg14 : memref<!tpu.dma_semaphore, #tpu.memory_space<semaphore_mem>>) src(%dma_wait3A_1515 : memref<100000x768xf32, #tpu.memory_space<hbm>>) dst(%dma_wait3A_1509 : memref<16x768xf32, #tpu.memory_space<vmem>>)
    %parallel_loop3A_1516 = arith.constant 0 : i32
    %parallel_loop3A_1517 = arith.constant 16 : i32
    %parallel_loop3A_1518 = arith.constant 1 : i32
    scf.for %parallel_loop3A_1704 = %parallel_loop3A_1516 to %parallel_loop3A_1517 step %parallel_loop3A_1518  : i32 {
      %parallel_loop3A_1705 = arith.constant 0 : i32
      %parallel_loop3A_1706 = arith.constant 768 : i32
      %parallel_loop3A_1707 = arith.constant 16 : i32
      scf.for %parallel_loop3A_1708 = %parallel_loop3A_1705 to %parallel_loop3A_1706 step %parallel_loop3A_1707  : i32 {
        %parallel_loop3A_1709 = arith.constant 0 : i32
        %parallel_loop3A_1710 = arith.addi %parallel_loop3A_1709, %parallel_loop3A_1704 : i32
        %parallel_loop3A_1711 = arith.index_cast %parallel_loop3A_1710 : i32 to index
        %parallel_loop3A_1712 = arith.index_cast %parallel_loop3A_1708 : i32 to index
        %parallel_loop3A_1713 = tpu.vector_load %arg10[%parallel_loop3A_1711, %parallel_loop3A_1712] {strides = array<i32>} : memref<32x768xf32, #tpu.memory_space<vmem>>, vector<1x16xf32>,
        %parallel_loop3A_1714 = vector.shape_cast %parallel_loop3A_1713 : vector<1x16xf32> to vector<16xf32>
        %parallel_loop3A_1715 = arith.constant 0 : i32
        %parallel_loop3A_1716 = arith.addi %parallel_loop3A_1715, %parallel_loop3A_1704 : i32
        %parallel_loop3A_1717 = arith.index_cast %parallel_loop3A_1716 : i32 to index
        %parallel_loop3A_1718 = arith.index_cast %parallel_loop3A_1708 : i32 to index
        %parallel_loop3A_1719 = tpu.vector_load %arg7[%parallel_loop3A_1717, %parallel_loop3A_1718] {strides = array<i32>} : memref<32x768xf32, #tpu.memory_space<vmem>>, vector<1x16xf32>,
        %parallel_loop3A_1720 = vector.shape_cast %parallel_loop3A_1719 : vector<1x16xf32> to vector<16xf32>
        %parallel_loop3A_1721 = arith.addf %parallel_loop3A_1714, %parallel_loop3A_1720 : vector<16xf32>
        %parallel_loop3A_1722 = arith.constant 0 : i32
        %parallel_loop3A_1723 = arith.addi %parallel_loop3A_1722, %parallel_loop3A_1704 : i32
        %parallel_loop3A_1724 = arith.index_cast %parallel_loop3A_1723 : i32 to index
        %parallel_loop3A_1725 = arith.index_cast %parallel_loop3A_1708 : i32 to index
        %parallel_loop3A_1726 = tpu.vector_load %arg10[%parallel_loop3A_1724, %parallel_loop3A_1725] {strides = array<i32>} : memref<32x768xf32, #tpu.memory_space<vmem>>, vector<1x16xf32>,
        %parallel_loop3A_1727 = vector.shape_cast %parallel_loop3A_1726 : vector<1x16xf32> to vector<16xf32>
        %parallel_loop3A_1728 = vector.shape_cast %parallel_loop3A_1721 : vector<16xf32> to vector<1x16xf32>
        tpu.vector_store %arg10[%parallel_loop3A_1724, %parallel_loop3A_1725], %parallel_loop3A_1728 {strides = array<i32>} : memref<32x768xf32, #tpu.memory_space<vmem>>, vector<1x16xf32>,
      } {sc.loop_unroll_factor = 8 : i64, sc.parallel_access}
    } {sc.loop_unroll_factor = 1 : i64, sc.parallel_access}
    %add3A_1519 = arith.constant 96 : i32
    %add3A_1520 = arith.addi %mul3A_2, %add3A_1519 : i32
    %add3A_1521 = arith.constant 0 : i32
    %add3A_1522 = arith.addi %add3A_1520, %add3A_1521 : i32
    %dma_start3A_1523 = arith.constant 2 : i32
    %dma_start3A_1524 = arith.constant 0 : i32
    %dma_start3A_1525 = arith.constant 0 : i32
    %dma_start3A_1526 = tpu.memref_slice %arg10[%dma_start3A_1524, %dma_start3A_1525] : memref<32x768xf32, #tpu.memory_space<vmem>> -> memref<16x768xf32, #tpu.memory_space<vmem>>
    %dma_start3A_1527 = arith.constant 0 : i32
    %dma_start3A_1528 = tpu.memref_slice %arg5[%dma_start3A_1523, %add3A_1522, %dma_start3A_1527] : memref<4x4096x768xf32, #tpu.memory_space<hbm>> -> memref<1x16x768xf32, #tpu.memory_space<hbm>>
    %dma_start3A_1529 = tpu.memref_squeeze %dma_start3A_1528 : memref<1x16x768xf32, #tpu.memory_space<hbm>> -> memref<16x768xf32, #tpu.memory_space<hbm>>
    %dma_start3A_1530 = arith.constant 0 : i32
    %dma_start3A_1531 = tpu.memref_slice %arg5[%dma_start3A_1523, %add3A_1522, %dma_start3A_1530] : memref<4x4096x768xf32, #tpu.memory_space<hbm>> -> memref<1x16x768xf32, #tpu.memory_space<hbm>>
    %dma_start3A_1532 = tpu.memref_squeeze %dma_start3A_1531 : memref<1x16x768xf32, #tpu.memory_space<hbm>> -> memref<16x768xf32, #tpu.memory_space<hbm>>
    %dma_start3A_1533 = arith.constant 0 : i32
    %dma_start3A_1534 = arith.constant 0 : i32
    %dma_start3A_1535 = tpu.memref_slice %arg10[%dma_start3A_1533, %dma_start3A_1534] : memref<32x768xf32, #tpu.memory_space<vmem>> -> memref<16x768xf32, #tpu.memory_space<vmem>>
    tpu.enqueue_dma source(%dma_start3A_1535 : memref<16x768xf32, #tpu.memory_space<vmem>>) target(%dma_start3A_1532 : memref<16x768xf32, #tpu.memory_space<hbm>>) target_semaphore(%arg22 : memref<!tpu.dma_semaphore, #tpu.memory_space<semaphore_mem>>)
    %dma_wait3A_1536 = arith.constant 2 : i32
    %dma_wait3A_1537 = arith.constant 16 : i32
    %dma_wait3A_1538 = arith.constant 0 : i32
    %dma_wait3A_1539 = tpu.memref_slice %arg10[%dma_wait3A_1537, %dma_wait3A_1538] : memref<32x768xf32, #tpu.memory_space<vmem>> -> memref<16x768xf32, #tpu.memory_space<vmem>>
    %dma_wait3A_1540 = arith.constant 112 : i32
    %dma_wait3A_1541 = tpu.memref_slice %arg6[%dma_wait3A_1536, %dma_wait3A_1540] : memref<4x128xi32, #tpu.memory_space<vmem>> -> memref<1x16xi32, #tpu.memory_space<vmem>>
    %dma_wait3A_1542 = tpu.memref_squeeze %dma_wait3A_1541 : memref<1x16xi32, #tpu.memory_space<vmem>> -> memref<16xi32, #tpu.memory_space<vmem>>
    %dma_wait3A_1543 = arith.constant 0 : i32
    %dma_wait3A_1544 = arith.constant 0 : i32
    %dma_wait3A_1545 = tpu.memref_slice %arg3[%dma_wait3A_1543, %dma_wait3A_1544] : memref<100000x768xf32, #tpu.memory_space<hbm>> -> memref<100000x768xf32, #tpu.memory_space<hbm>>
    tpu.wait_indirect_dma semaphore(%arg18 : memref<!tpu.dma_semaphore, #tpu.memory_space<semaphore_mem>>) src(%dma_wait3A_1545 : memref<100000x768xf32, #tpu.memory_space<hbm>>) dst(%dma_wait3A_1539 : memref<16x768xf32, #tpu.memory_space<vmem>>)
    %parallel_loop3A_1546 = arith.constant 0 : i32
    %parallel_loop3A_1547 = arith.constant 16 : i32
    %parallel_loop3A_1548 = arith.constant 1 : i32
    scf.for %parallel_loop3A_1704 = %parallel_loop3A_1546 to %parallel_loop3A_1547 step %parallel_loop3A_1548  : i32 {
      %parallel_loop3A_1705 = arith.constant 0 : i32
      %parallel_loop3A_1706 = arith.constant 768 : i32
      %parallel_loop3A_1707 = arith.constant 16 : i32
      scf.for %parallel_loop3A_1708 = %parallel_loop3A_1705 to %parallel_loop3A_1706 step %parallel_loop3A_1707  : i32 {
        %parallel_loop3A_1709 = arith.constant 16 : i32
        %parallel_loop3A_1710 = arith.addi %parallel_loop3A_1709, %parallel_loop3A_1704 : i32
        %parallel_loop3A_1711 = arith.index_cast %parallel_loop3A_1710 : i32 to index
        %parallel_loop3A_1712 = arith.index_cast %parallel_loop3A_1708 : i32 to index
        %parallel_loop3A_1713 = tpu.vector_load %arg10[%parallel_loop3A_1711, %parallel_loop3A_1712] {strides = array<i32>} : memref<32x768xf32, #tpu.memory_space<vmem>>, vector<1x16xf32>,
        %parallel_loop3A_1714 = vector.shape_cast %parallel_loop3A_1713 : vector<1x16xf32> to vector<16xf32>
        %parallel_loop3A_1715 = arith.constant 16 : i32
        %parallel_loop3A_1716 = arith.addi %parallel_loop3A_1715, %parallel_loop3A_1704 : i32
        %parallel_loop3A_1717 = arith.index_cast %parallel_loop3A_1716 : i32 to index
        %parallel_loop3A_1718 = arith.index_cast %parallel_loop3A_1708 : i32 to index
        %parallel_loop3A_1719 = tpu.vector_load %arg7[%parallel_loop3A_1717, %parallel_loop3A_1718] {strides = array<i32>} : memref<32x768xf32, #tpu.memory_space<vmem>>, vector<1x16xf32>,
        %parallel_loop3A_1720 = vector.shape_cast %parallel_loop3A_1719 : vector<1x16xf32> to vector<16xf32>
        %parallel_loop3A_1721 = arith.addf %parallel_loop3A_1714, %parallel_loop3A_1720 : vector<16xf32>
        %parallel_loop3A_1722 = arith.constant 16 : i32
        %parallel_loop3A_1723 = arith.addi %parallel_loop3A_1722, %parallel_loop3A_1704 : i32
        %parallel_loop3A_1724 = arith.index_cast %parallel_loop3A_1723 : i32 to index
        %parallel_loop3A_1725 = arith.index_cast %parallel_loop3A_1708 : i32 to index
        %parallel_loop3A_1726 = tpu.vector_load %arg10[%parallel_loop3A_1724, %parallel_loop3A_1725] {strides = array<i32>} : memref<32x768xf32, #tpu.memory_space<vmem>>, vector<1x16xf32>,
        %parallel_loop3A_1727 = vector.shape_cast %parallel_loop3A_1726 : vector<1x16xf32> to vector<16xf32>
        %parallel_loop3A_1728 = vector.shape_cast %parallel_loop3A_1721 : vector<16xf32> to vector<1x16xf32>
        tpu.vector_store %arg10[%parallel_loop3A_1724, %parallel_loop3A_1725], %parallel_loop3A_1728 {strides = array<i32>} : memref<32x768xf32, #tpu.memory_space<vmem>>, vector<1x16xf32>,
      } {sc.loop_unroll_factor = 8 : i64, sc.parallel_access}
    } {sc.loop_unroll_factor = 1 : i64, sc.parallel_access}
    %add3A_1549 = arith.constant 96 : i32
    %add3A_1550 = arith.addi %mul3A_2, %add3A_1549 : i32
    %add3A_1551 = arith.constant 16 : i32
    %add3A_1552 = arith.addi %add3A_1550, %add3A_1551 : i32
    %dma_start3A_1553 = arith.constant 2 : i32
    %dma_start3A_1554 = arith.constant 16 : i32
    %dma_start3A_1555 = arith.constant 0 : i32
    %dma_start3A_1556 = tpu.memref_slice %arg10[%dma_start3A_1554, %dma_start3A_1555] : memref<32x768xf32, #tpu.memory_space<vmem>> -> memref<16x768xf32, #tpu.memory_space<vmem>>
    %dma_start3A_1557 = arith.constant 0 : i32
    %dma_start3A_1558 = tpu.memref_slice %arg5[%dma_start3A_1553, %add3A_1552, %dma_start3A_1557] : memref<4x4096x768xf32, #tpu.memory_space<hbm>> -> memref<1x16x768xf32, #tpu.memory_space<hbm>>
    %dma_start3A_1559 = tpu.memref_squeeze %dma_start3A_1558 : memref<1x16x768xf32, #tpu.memory_space<hbm>> -> memref<16x768xf32, #tpu.memory_space<hbm>>
    %dma_start3A_1560 = arith.constant 0 : i32
    %dma_start3A_1561 = tpu.memref_slice %arg5[%dma_start3A_1553, %add3A_1552, %dma_start3A_1560] : memref<4x4096x768xf32, #tpu.memory_space<hbm>> -> memref<1x16x768xf32, #tpu.memory_space<hbm>>
    %dma_start3A_1562 = tpu.memref_squeeze %dma_start3A_1561 : memref<1x16x768xf32, #tpu.memory_space<hbm>> -> memref<16x768xf32, #tpu.memory_space<hbm>>
    %dma_start3A_1563 = arith.constant 16 : i32
    %dma_start3A_1564 = arith.constant 0 : i32
    %dma_start3A_1565 = tpu.memref_slice %arg10[%dma_start3A_1563, %dma_start3A_1564] : memref<32x768xf32, #tpu.memory_space<vmem>> -> memref<16x768xf32, #tpu.memory_space<vmem>>
    tpu.enqueue_dma source(%dma_start3A_1565 : memref<16x768xf32, #tpu.memory_space<vmem>>) target(%dma_start3A_1562 : memref<16x768xf32, #tpu.memory_space<hbm>>) target_semaphore(%arg26 : memref<!tpu.dma_semaphore, #tpu.memory_space<semaphore_mem>>)
    %dma_wait3A_1566 = arith.constant 1 : i32
    %dma_wait3A_1567 = arith.constant 0 : i32
    %dma_wait3A_1568 = arith.constant 0 : i32
    %dma_wait3A_1569 = tpu.memref_slice %arg9[%dma_wait3A_1567, %dma_wait3A_1568] : memref<32x768xf32, #tpu.memory_space<vmem>> -> memref<16x768xf32, #tpu.memory_space<vmem>>
    %dma_wait3A_1570 = arith.constant 0 : i32
    %dma_wait3A_1571 = tpu.memref_slice %arg5[%dma_wait3A_1566, %add3A_1436, %dma_wait3A_1570] : memref<4x4096x768xf32, #tpu.memory_space<hbm>> -> memref<1x16x768xf32, #tpu.memory_space<hbm>>
    %dma_wait3A_1572 = tpu.memref_squeeze %dma_wait3A_1571 : memref<1x16x768xf32, #tpu.memory_space<hbm>> -> memref<16x768xf32, #tpu.memory_space<hbm>>
    %dma_wait3A_1573 = arith.constant 0 : i32
    %dma_wait3A_1574 = tpu.memref_slice %arg5[%dma_wait3A_1566, %add3A_1436, %dma_wait3A_1573] : memref<4x4096x768xf32, #tpu.memory_space<hbm>> -> memref<1x16x768xf32, #tpu.memory_space<hbm>>
    %dma_wait3A_1575 = tpu.memref_squeeze %dma_wait3A_1574 : memref<1x16x768xf32, #tpu.memory_space<hbm>> -> memref<16x768xf32, #tpu.memory_space<hbm>>
    %dma_wait3A_1576 = arith.constant 0 : i32
    %dma_wait3A_1577 = arith.constant 0 : i32
    %dma_wait3A_1578 = tpu.memref_slice %arg9[%dma_wait3A_1576, %dma_wait3A_1577] : memref<32x768xf32, #tpu.memory_space<vmem>> -> memref<16x768xf32, #tpu.memory_space<vmem>>
    tpu.wait_dma2 semaphore(%arg21 : memref<!tpu.dma_semaphore, #tpu.memory_space<semaphore_mem>>) src(%dma_wait3A_1578 : memref<16x768xf32, #tpu.memory_space<vmem>>) dst(%dma_wait3A_1575 : memref<16x768xf32, #tpu.memory_space<hbm>>)
    %dma_wait3A_1579 = arith.constant 1 : i32
    %dma_wait3A_1580 = arith.constant 16 : i32
    %dma_wait3A_1581 = arith.constant 0 : i32
    %dma_wait3A_1582 = tpu.memref_slice %arg9[%dma_wait3A_1580, %dma_wait3A_1581] : memref<32x768xf32, #tpu.memory_space<vmem>> -> memref<16x768xf32, #tpu.memory_space<vmem>>
    %dma_wait3A_1583 = arith.constant 0 : i32
    %dma_wait3A_1584 = tpu.memref_slice %arg5[%dma_wait3A_1579, %add3A_1466, %dma_wait3A_1583] : memref<4x4096x768xf32, #tpu.memory_space<hbm>> -> memref<1x16x768xf32, #tpu.memory_space<hbm>>
    %dma_wait3A_1585 = tpu.memref_squeeze %dma_wait3A_1584 : memref<1x16x768xf32, #tpu.memory_space<hbm>> -> memref<16x768xf32, #tpu.memory_space<hbm>>
    %dma_wait3A_1586 = arith.constant 0 : i32
    %dma_wait3A_1587 = tpu.memref_slice %arg5[%dma_wait3A_1579, %add3A_1466, %dma_wait3A_1586] : memref<4x4096x768xf32, #tpu.memory_space<hbm>> -> memref<1x16x768xf32, #tpu.memory_space<hbm>>
    %dma_wait3A_1588 = tpu.memref_squeeze %dma_wait3A_1587 : memref<1x16x768xf32, #tpu.memory_space<hbm>> -> memref<16x768xf32, #tpu.memory_space<hbm>>
    %dma_wait3A_1589 = arith.constant 16 : i32
    %dma_wait3A_1590 = arith.constant 0 : i32
    %dma_wait3A_1591 = tpu.memref_slice %arg9[%dma_wait3A_1589, %dma_wait3A_1590] : memref<32x768xf32, #tpu.memory_space<vmem>> -> memref<16x768xf32, #tpu.memory_space<vmem>>
    tpu.wait_dma2 semaphore(%arg25 : memref<!tpu.dma_semaphore, #tpu.memory_space<semaphore_mem>>) src(%dma_wait3A_1591 : memref<16x768xf32, #tpu.memory_space<vmem>>) dst(%dma_wait3A_1588 : memref<16x768xf32, #tpu.memory_space<hbm>>)
    %dma_wait3A_1592 = arith.constant 3 : i32
    %dma_wait3A_1593 = arith.constant 0 : i32
    %dma_wait3A_1594 = arith.constant 0 : i32
    %dma_wait3A_1595 = tpu.memref_slice %arg11[%dma_wait3A_1593, %dma_wait3A_1594] : memref<32x768xf32, #tpu.memory_space<vmem>> -> memref<16x768xf32, #tpu.memory_space<vmem>>
    %dma_wait3A_1596 = arith.constant 96 : i32
    %dma_wait3A_1597 = tpu.memref_slice %arg6[%dma_wait3A_1592, %dma_wait3A_1596] : memref<4x128xi32, #tpu.memory_space<vmem>> -> memref<1x16xi32, #tpu.memory_space<vmem>>
    %dma_wait3A_1598 = tpu.memref_squeeze %dma_wait3A_1597 : memref<1x16xi32, #tpu.memory_space<vmem>> -> memref<16xi32, #tpu.memory_space<vmem>>
    %dma_wait3A_1599 = arith.constant 0 : i32
    %dma_wait3A_1600 = arith.constant 0 : i32
    %dma_wait3A_1601 = tpu.memref_slice %arg3[%dma_wait3A_1599, %dma_wait3A_1600] : memref<100000x768xf32, #tpu.memory_space<hbm>> -> memref<100000x768xf32, #tpu.memory_space<hbm>>
    tpu.wait_indirect_dma semaphore(%arg15 : memref<!tpu.dma_semaphore, #tpu.memory_space<semaphore_mem>>) src(%dma_wait3A_1601 : memref<100000x768xf32, #tpu.memory_space<hbm>>) dst(%dma_wait3A_1595 : memref<16x768xf32, #tpu.memory_space<vmem>>)
    %parallel_loop3A_1602 = arith.constant 0 : i32
    %parallel_loop3A_1603 = arith.constant 16 : i32
    %parallel_loop3A_1604 = arith.constant 1 : i32
    scf.for %parallel_loop3A_1704 = %parallel_loop3A_1602 to %parallel_loop3A_1603 step %parallel_loop3A_1604  : i32 {
      %parallel_loop3A_1705 = arith.constant 0 : i32
      %parallel_loop3A_1706 = arith.constant 768 : i32
      %parallel_loop3A_1707 = arith.constant 16 : i32
      scf.for %parallel_loop3A_1708 = %parallel_loop3A_1705 to %parallel_loop3A_1706 step %parallel_loop3A_1707  : i32 {
        %parallel_loop3A_1709 = arith.constant 0 : i32
        %parallel_loop3A_1710 = arith.addi %parallel_loop3A_1709, %parallel_loop3A_1704 : i32
        %parallel_loop3A_1711 = arith.index_cast %parallel_loop3A_1710 : i32 to index
        %parallel_loop3A_1712 = arith.index_cast %parallel_loop3A_1708 : i32 to index
        %parallel_loop3A_1713 = tpu.vector_load %arg11[%parallel_loop3A_1711, %parallel_loop3A_1712] {strides = array<i32>} : memref<32x768xf32, #tpu.memory_space<vmem>>, vector<1x16xf32>,
        %parallel_loop3A_1714 = vector.shape_cast %parallel_loop3A_1713 : vector<1x16xf32> to vector<16xf32>
        %parallel_loop3A_1715 = arith.constant 0 : i32
        %parallel_loop3A_1716 = arith.addi %parallel_loop3A_1715, %parallel_loop3A_1704 : i32
        %parallel_loop3A_1717 = arith.index_cast %parallel_loop3A_1716 : i32 to index
        %parallel_loop3A_1718 = arith.index_cast %parallel_loop3A_1708 : i32 to index
        %parallel_loop3A_1719 = tpu.vector_load %arg7[%parallel_loop3A_1717, %parallel_loop3A_1718] {strides = array<i32>} : memref<32x768xf32, #tpu.memory_space<vmem>>, vector<1x16xf32>,
        %parallel_loop3A_1720 = vector.shape_cast %parallel_loop3A_1719 : vector<1x16xf32> to vector<16xf32>
        %parallel_loop3A_1721 = arith.addf %parallel_loop3A_1714, %parallel_loop3A_1720 : vector<16xf32>
        %parallel_loop3A_1722 = arith.constant 0 : i32
        %parallel_loop3A_1723 = arith.addi %parallel_loop3A_1722, %parallel_loop3A_1704 : i32
        %parallel_loop3A_1724 = arith.index_cast %parallel_loop3A_1723 : i32 to index
        %parallel_loop3A_1725 = arith.index_cast %parallel_loop3A_1708 : i32 to index
        %parallel_loop3A_1726 = tpu.vector_load %arg11[%parallel_loop3A_1724, %parallel_loop3A_1725] {strides = array<i32>} : memref<32x768xf32, #tpu.memory_space<vmem>>, vector<1x16xf32>,
        %parallel_loop3A_1727 = vector.shape_cast %parallel_loop3A_1726 : vector<1x16xf32> to vector<16xf32>
        %parallel_loop3A_1728 = vector.shape_cast %parallel_loop3A_1721 : vector<16xf32> to vector<1x16xf32>
        tpu.vector_store %arg11[%parallel_loop3A_1724, %parallel_loop3A_1725], %parallel_loop3A_1728 {strides = array<i32>} : memref<32x768xf32, #tpu.memory_space<vmem>>, vector<1x16xf32>,
      } {sc.loop_unroll_factor = 8 : i64, sc.parallel_access}
    } {sc.loop_unroll_factor = 1 : i64, sc.parallel_access}
    %add3A_1605 = arith.constant 96 : i32
    %add3A_1606 = arith.addi %mul3A_2, %add3A_1605 : i32
    %add3A_1607 = arith.constant 0 : i32
    %add3A_1608 = arith.addi %add3A_1606, %add3A_1607 : i32
    %dma_start3A_1609 = arith.constant 3 : i32
    %dma_start3A_1610 = arith.constant 0 : i32
    %dma_start3A_1611 = arith.constant 0 : i32
    %dma_start3A_1612 = tpu.memref_slice %arg11[%dma_start3A_1610, %dma_start3A_1611] : memref<32x768xf32, #tpu.memory_space<vmem>> -> memref<16x768xf32, #tpu.memory_space<vmem>>
    %dma_start3A_1613 = arith.constant 0 : i32
    %dma_start3A_1614 = tpu.memref_slice %arg5[%dma_start3A_1609, %add3A_1608, %dma_start3A_1613] : memref<4x4096x768xf32, #tpu.memory_space<hbm>> -> memref<1x16x768xf32, #tpu.memory_space<hbm>>
    %dma_start3A_1615 = tpu.memref_squeeze %dma_start3A_1614 : memref<1x16x768xf32, #tpu.memory_space<hbm>> -> memref<16x768xf32, #tpu.memory_space<hbm>>
    %dma_start3A_1616 = arith.constant 0 : i32
    %dma_start3A_1617 = tpu.memref_slice %arg5[%dma_start3A_1609, %add3A_1608, %dma_start3A_1616] : memref<4x4096x768xf32, #tpu.memory_space<hbm>> -> memref<1x16x768xf32, #tpu.memory_space<hbm>>
    %dma_start3A_1618 = tpu.memref_squeeze %dma_start3A_1617 : memref<1x16x768xf32, #tpu.memory_space<hbm>> -> memref<16x768xf32, #tpu.memory_space<hbm>>
    %dma_start3A_1619 = arith.constant 0 : i32
    %dma_start3A_1620 = arith.constant 0 : i32
    %dma_start3A_1621 = tpu.memref_slice %arg11[%dma_start3A_1619, %dma_start3A_1620] : memref<32x768xf32, #tpu.memory_space<vmem>> -> memref<16x768xf32, #tpu.memory_space<vmem>>
    tpu.enqueue_dma source(%dma_start3A_1621 : memref<16x768xf32, #tpu.memory_space<vmem>>) target(%dma_start3A_1618 : memref<16x768xf32, #tpu.memory_space<hbm>>) target_semaphore(%arg23 : memref<!tpu.dma_semaphore, #tpu.memory_space<semaphore_mem>>)
    %dma_wait3A_1622 = arith.constant 3 : i32
    %dma_wait3A_1623 = arith.constant 16 : i32
    %dma_wait3A_1624 = arith.constant 0 : i32
    %dma_wait3A_1625 = tpu.memref_slice %arg11[%dma_wait3A_1623, %dma_wait3A_1624] : memref<32x768xf32, #tpu.memory_space<vmem>> -> memref<16x768xf32, #tpu.memory_space<vmem>>
    %dma_wait3A_1626 = arith.constant 112 : i32
    %dma_wait3A_1627 = tpu.memref_slice %arg6[%dma_wait3A_1622, %dma_wait3A_1626] : memref<4x128xi32, #tpu.memory_space<vmem>> -> memref<1x16xi32, #tpu.memory_space<vmem>>
    %dma_wait3A_1628 = tpu.memref_squeeze %dma_wait3A_1627 : memref<1x16xi32, #tpu.memory_space<vmem>> -> memref<16xi32, #tpu.memory_space<vmem>>
    %dma_wait3A_1629 = arith.constant 0 : i32
    %dma_wait3A_1630 = arith.constant 0 : i32
    %dma_wait3A_1631 = tpu.memref_slice %arg3[%dma_wait3A_1629, %dma_wait3A_1630] : memref<100000x768xf32, #tpu.memory_space<hbm>> -> memref<100000x768xf32, #tpu.memory_space<hbm>>
    tpu.wait_indirect_dma semaphore(%arg19 : memref<!tpu.dma_semaphore, #tpu.memory_space<semaphore_mem>>) src(%dma_wait3A_1631 : memref<100000x768xf32, #tpu.memory_space<hbm>>) dst(%dma_wait3A_1625 : memref<16x768xf32, #tpu.memory_space<vmem>>)
    %parallel_loop3A_1632 = arith.constant 0 : i32
    %parallel_loop3A_1633 = arith.constant 16 : i32
    %parallel_loop3A_1634 = arith.constant 1 : i32
    scf.for %parallel_loop3A_1704 = %parallel_loop3A_1632 to %parallel_loop3A_1633 step %parallel_loop3A_1634  : i32 {
      %parallel_loop3A_1705 = arith.constant 0 : i32
      %parallel_loop3A_1706 = arith.constant 768 : i32
      %parallel_loop3A_1707 = arith.constant 16 : i32
      scf.for %parallel_loop3A_1708 = %parallel_loop3A_1705 to %parallel_loop3A_1706 step %parallel_loop3A_1707  : i32 {
        %parallel_loop3A_1709 = arith.constant 16 : i32
        %parallel_loop3A_1710 = arith.addi %parallel_loop3A_1709, %parallel_loop3A_1704 : i32
        %parallel_loop3A_1711 = arith.index_cast %parallel_loop3A_1710 : i32 to index
        %parallel_loop3A_1712 = arith.index_cast %parallel_loop3A_1708 : i32 to index
        %parallel_loop3A_1713 = tpu.vector_load %arg11[%parallel_loop3A_1711, %parallel_loop3A_1712] {strides = array<i32>} : memref<32x768xf32, #tpu.memory_space<vmem>>, vector<1x16xf32>,
        %parallel_loop3A_1714 = vector.shape_cast %parallel_loop3A_1713 : vector<1x16xf32> to vector<16xf32>
        %parallel_loop3A_1715 = arith.constant 16 : i32
        %parallel_loop3A_1716 = arith.addi %parallel_loop3A_1715, %parallel_loop3A_1704 : i32
        %parallel_loop3A_1717 = arith.index_cast %parallel_loop3A_1716 : i32 to index
        %parallel_loop3A_1718 = arith.index_cast %parallel_loop3A_1708 : i32 to index
        %parallel_loop3A_1719 = tpu.vector_load %arg7[%parallel_loop3A_1717, %parallel_loop3A_1718] {strides = array<i32>} : memref<32x768xf32, #tpu.memory_space<vmem>>, vector<1x16xf32>,
        %parallel_loop3A_1720 = vector.shape_cast %parallel_loop3A_1719 : vector<1x16xf32> to vector<16xf32>
        %parallel_loop3A_1721 = arith.addf %parallel_loop3A_1714, %parallel_loop3A_1720 : vector<16xf32>
        %parallel_loop3A_1722 = arith.constant 16 : i32
        %parallel_loop3A_1723 = arith.addi %parallel_loop3A_1722, %parallel_loop3A_1704 : i32
        %parallel_loop3A_1724 = arith.index_cast %parallel_loop3A_1723 : i32 to index
        %parallel_loop3A_1725 = arith.index_cast %parallel_loop3A_1708 : i32 to index
        %parallel_loop3A_1726 = tpu.vector_load %arg11[%parallel_loop3A_1724, %parallel_loop3A_1725] {strides = array<i32>} : memref<32x768xf32, #tpu.memory_space<vmem>>, vector<1x16xf32>,
        %parallel_loop3A_1727 = vector.shape_cast %parallel_loop3A_1726 : vector<1x16xf32> to vector<16xf32>
        %parallel_loop3A_1728 = vector.shape_cast %parallel_loop3A_1721 : vector<16xf32> to vector<1x16xf32>
        tpu.vector_store %arg11[%parallel_loop3A_1724, %parallel_loop3A_1725], %parallel_loop3A_1728 {strides = array<i32>} : memref<32x768xf32, #tpu.memory_space<vmem>>, vector<1x16xf32>,
      } {sc.loop_unroll_factor = 8 : i64, sc.parallel_access}
    } {sc.loop_unroll_factor = 1 : i64, sc.parallel_access}
    %add3A_1635 = arith.constant 96 : i32
    %add3A_1636 = arith.addi %mul3A_2, %add3A_1635 : i32
    %add3A_1637 = arith.constant 16 : i32
    %add3A_1638 = arith.addi %add3A_1636, %add3A_1637 : i32
    %dma_start3A_1639 = arith.constant 3 : i32
    %dma_start3A_1640 = arith.constant 16 : i32
    %dma_start3A_1641 = arith.constant 0 : i32
    %dma_start3A_1642 = tpu.memref_slice %arg11[%dma_start3A_1640, %dma_start3A_1641] : memref<32x768xf32, #tpu.memory_space<vmem>> -> memref<16x768xf32, #tpu.memory_space<vmem>>
    %dma_start3A_1643 = arith.constant 0 : i32
    %dma_start3A_1644 = tpu.memref_slice %arg5[%dma_start3A_1639, %add3A_1638, %dma_start3A_1643] : memref<4x4096x768xf32, #tpu.memory_space<hbm>> -> memref<1x16x768xf32, #tpu.memory_space<hbm>>
    %dma_start3A_1645 = tpu.memref_squeeze %dma_start3A_1644 : memref<1x16x768xf32, #tpu.memory_space<hbm>> -> memref<16x768xf32, #tpu.memory_space<hbm>>
    %dma_start3A_1646 = arith.constant 0 : i32
    %dma_start3A_1647 = tpu.memref_slice %arg5[%dma_start3A_1639, %add3A_1638, %dma_start3A_1646] : memref<4x4096x768xf32, #tpu.memory_space<hbm>> -> memref<1x16x768xf32, #tpu.memory_space<hbm>>
    %dma_start3A_1648 = tpu.memref_squeeze %dma_start3A_1647 : memref<1x16x768xf32, #tpu.memory_space<hbm>> -> memref<16x768xf32, #tpu.memory_space<hbm>>
    %dma_start3A_1649 = arith.constant 16 : i32
    %dma_start3A_1650 = arith.constant 0 : i32
    %dma_start3A_1651 = tpu.memref_slice %arg11[%dma_start3A_1649, %dma_start3A_1650] : memref<32x768xf32, #tpu.memory_space<vmem>> -> memref<16x768xf32, #tpu.memory_space<vmem>>
    tpu.enqueue_dma source(%dma_start3A_1651 : memref<16x768xf32, #tpu.memory_space<vmem>>) target(%dma_start3A_1648 : memref<16x768xf32, #tpu.memory_space<hbm>>) target_semaphore(%arg27 : memref<!tpu.dma_semaphore, #tpu.memory_space<semaphore_mem>>)
    %dma_wait3A_1652 = arith.constant 2 : i32
    %dma_wait3A_1653 = arith.constant 0 : i32
    %dma_wait3A_1654 = arith.constant 0 : i32
    %dma_wait3A_1655 = tpu.memref_slice %arg10[%dma_wait3A_1653, %dma_wait3A_1654] : memref<32x768xf32, #tpu.memory_space<vmem>> -> memref<16x768xf32, #tpu.memory_space<vmem>>
    %dma_wait3A_1656 = arith.constant 0 : i32
    %dma_wait3A_1657 = tpu.memref_slice %arg5[%dma_wait3A_1652, %add3A_1522, %dma_wait3A_1656] : memref<4x4096x768xf32, #tpu.memory_space<hbm>> -> memref<1x16x768xf32, #tpu.memory_space<hbm>>
    %dma_wait3A_1658 = tpu.memref_squeeze %dma_wait3A_1657 : memref<1x16x768xf32, #tpu.memory_space<hbm>> -> memref<16x768xf32, #tpu.memory_space<hbm>>
    %dma_wait3A_1659 = arith.constant 0 : i32
    %dma_wait3A_1660 = tpu.memref_slice %arg5[%dma_wait3A_1652, %add3A_1522, %dma_wait3A_1659] : memref<4x4096x768xf32, #tpu.memory_space<hbm>> -> memref<1x16x768xf32, #tpu.memory_space<hbm>>
    %dma_wait3A_1661 = tpu.memref_squeeze %dma_wait3A_1660 : memref<1x16x768xf32, #tpu.memory_space<hbm>> -> memref<16x768xf32, #tpu.memory_space<hbm>>
    %dma_wait3A_1662 = arith.constant 0 : i32
    %dma_wait3A_1663 = arith.constant 0 : i32
    %dma_wait3A_1664 = tpu.memref_slice %arg10[%dma_wait3A_1662, %dma_wait3A_1663] : memref<32x768xf32, #tpu.memory_space<vmem>> -> memref<16x768xf32, #tpu.memory_space<vmem>>
    tpu.wait_dma2 semaphore(%arg22 : memref<!tpu.dma_semaphore, #tpu.memory_space<semaphore_mem>>) src(%dma_wait3A_1664 : memref<16x768xf32, #tpu.memory_space<vmem>>) dst(%dma_wait3A_1661 : memref<16x768xf32, #tpu.memory_space<hbm>>)
    %dma_wait3A_1665 = arith.constant 2 : i32
    %dma_wait3A_1666 = arith.constant 16 : i32
    %dma_wait3A_1667 = arith.constant 0 : i32
    %dma_wait3A_1668 = tpu.memref_slice %arg10[%dma_wait3A_1666, %dma_wait3A_1667] : memref<32x768xf32, #tpu.memory_space<vmem>> -> memref<16x768xf32, #tpu.memory_space<vmem>>
    %dma_wait3A_1669 = arith.constant 0 : i32
    %dma_wait3A_1670 = tpu.memref_slice %arg5[%dma_wait3A_1665, %add3A_1552, %dma_wait3A_1669] : memref<4x4096x768xf32, #tpu.memory_space<hbm>> -> memref<1x16x768xf32, #tpu.memory_space<hbm>>
    %dma_wait3A_1671 = tpu.memref_squeeze %dma_wait3A_1670 : memref<1x16x768xf32, #tpu.memory_space<hbm>> -> memref<16x768xf32, #tpu.memory_space<hbm>>
    %dma_wait3A_1672 = arith.constant 0 : i32
    %dma_wait3A_1673 = tpu.memref_slice %arg5[%dma_wait3A_1665, %add3A_1552, %dma_wait3A_1672] : memref<4x4096x768xf32, #tpu.memory_space<hbm>> -> memref<1x16x768xf32, #tpu.memory_space<hbm>>
    %dma_wait3A_1674 = tpu.memref_squeeze %dma_wait3A_1673 : memref<1x16x768xf32, #tpu.memory_space<hbm>> -> memref<16x768xf32, #tpu.memory_space<hbm>>
    %dma_wait3A_1675 = arith.constant 16 : i32
    %dma_wait3A_1676 = arith.constant 0 : i32
    %dma_wait3A_1677 = tpu.memref_slice %arg10[%dma_wait3A_1675, %dma_wait3A_1676] : memref<32x768xf32, #tpu.memory_space<vmem>> -> memref<16x768xf32, #tpu.memory_space<vmem>>
    tpu.wait_dma2 semaphore(%arg26 : memref<!tpu.dma_semaphore, #tpu.memory_space<semaphore_mem>>) src(%dma_wait3A_1677 : memref<16x768xf32, #tpu.memory_space<vmem>>) dst(%dma_wait3A_1674 : memref<16x768xf32, #tpu.memory_space<hbm>>)
    %dma_wait3A_1678 = arith.constant 3 : i32
    %dma_wait3A_1679 = arith.constant 0 : i32
    %dma_wait3A_1680 = arith.constant 0 : i32
    %dma_wait3A_1681 = tpu.memref_slice %arg11[%dma_wait3A_1679, %dma_wait3A_1680] : memref<32x768xf32, #tpu.memory_space<vmem>> -> memref<16x768xf32, #tpu.memory_space<vmem>>
    %dma_wait3A_1682 = arith.constant 0 : i32
    %dma_wait3A_1683 = tpu.memref_slice %arg5[%dma_wait3A_1678, %add3A_1608, %dma_wait3A_1682] : memref<4x4096x768xf32, #tpu.memory_space<hbm>> -> memref<1x16x768xf32, #tpu.memory_space<hbm>>
    %dma_wait3A_1684 = tpu.memref_squeeze %dma_wait3A_1683 : memref<1x16x768xf32, #tpu.memory_space<hbm>> -> memref<16x768xf32, #tpu.memory_space<hbm>>
    %dma_wait3A_1685 = arith.constant 0 : i32
    %dma_wait3A_1686 = tpu.memref_slice %arg5[%dma_wait3A_1678, %add3A_1608, %dma_wait3A_1685] : memref<4x4096x768xf32, #tpu.memory_space<hbm>> -> memref<1x16x768xf32, #tpu.memory_space<hbm>>
    %dma_wait3A_1687 = tpu.memref_squeeze %dma_wait3A_1686 : memref<1x16x768xf32, #tpu.memory_space<hbm>> -> memref<16x768xf32, #tpu.memory_space<hbm>>
    %dma_wait3A_1688 = arith.constant 0 : i32
    %dma_wait3A_1689 = arith.constant 0 : i32
    %dma_wait3A_1690 = tpu.memref_slice %arg11[%dma_wait3A_1688, %dma_wait3A_1689] : memref<32x768xf32, #tpu.memory_space<vmem>> -> memref<16x768xf32, #tpu.memory_space<vmem>>
    tpu.wait_dma2 semaphore(%arg23 : memref<!tpu.dma_semaphore, #tpu.memory_space<semaphore_mem>>) src(%dma_wait3A_1690 : memref<16x768xf32, #tpu.memory_space<vmem>>) dst(%dma_wait3A_1687 : memref<16x768xf32, #tpu.memory_space<hbm>>)
    %dma_wait3A_1691 = arith.constant 3 : i32
    %dma_wait3A_1692 = arith.constant 16 : i32
    %dma_wait3A_1693 = arith.constant 0 : i32
    %dma_wait3A_1694 = tpu.memref_slice %arg11[%dma_wait3A_1692, %dma_wait3A_1693] : memref<32x768xf32, #tpu.memory_space<vmem>> -> memref<16x768xf32, #tpu.memory_space<vmem>>
    %dma_wait3A_1695 = arith.constant 0 : i32
    %dma_wait3A_1696 = tpu.memref_slice %arg5[%dma_wait3A_1691, %add3A_1638, %dma_wait3A_1695] : memref<4x4096x768xf32, #tpu.memory_space<hbm>> -> memref<1x16x768xf32, #tpu.memory_space<hbm>>
    %dma_wait3A_1697 = tpu.memref_squeeze %dma_wait3A_1696 : memref<1x16x768xf32, #tpu.memory_space<hbm>> -> memref<16x768xf32, #tpu.memory_space<hbm>>
    %dma_wait3A_1698 = arith.constant 0 : i32
    %dma_wait3A_1699 = tpu.memref_slice %arg5[%dma_wait3A_1691, %add3A_1638, %dma_wait3A_1698] : memref<4x4096x768xf32, #tpu.memory_space<hbm>> -> memref<1x16x768xf32, #tpu.memory_space<hbm>>
    %dma_wait3A_1700 = tpu.memref_squeeze %dma_wait3A_1699 : memref<1x16x768xf32, #tpu.memory_space<hbm>> -> memref<16x768xf32, #tpu.memory_space<hbm>>
    %dma_wait3A_1701 = arith.constant 16 : i32
    %dma_wait3A_1702 = arith.constant 0 : i32
    %dma_wait3A_1703 = tpu.memref_slice %arg11[%dma_wait3A_1701, %dma_wait3A_1702] : memref<32x768xf32, #tpu.memory_space<vmem>> -> memref<16x768xf32, #tpu.memory_space<vmem>>
    tpu.wait_dma2 semaphore(%arg27 : memref<!tpu.dma_semaphore, #tpu.memory_space<semaphore_mem>>) src(%dma_wait3A_1703 : memref<16x768xf32, #tpu.memory_space<vmem>>) dst(%dma_wait3A_1700 : memref<16x768xf32, #tpu.memory_space<hbm>>)
    return
  }
}

</mosaic_0001>

<sc_bundles>
// kernel: kernel.3.cloned.1.call-start
scs
__scs_entry_jumppad:
0x0: {  	(pc) =	sbr.rel $0x88, $3  }
0x1: {  	(tag) =	ssettag $0x0;
	lr =	simm.s32 $0x1  }
0x2: {  	[smem:$0x3F9F] =	sst lr;
	_ =	strace $0xD0000000  }
0x3: {  	_ = 	snop  }
0x4: {  	_ = 	snop  }
0x5: {  	_ = 	snop  }
0x6: {  	_ = 	snop  }
0x7: {  	_ = 	snop  }
__scs_overlays_trampoline_lowered:
0x8: {  	[smem:$0x3FAE] =	sst s0  }
0x9: {  	[smem:$0x3FAF] =	sst s1  }
0xa: {  	[smem:$0x3FB0] =	sst s2  }
0xb: {  	[smem:$0x3FB1] =	sst s3  }
0xc: {  	[smem:$0x3FB2] =	sst s4  }
0xd: {  	[smem:$0x3FB3] =	sst s5  }
0xe: {  	[smem:$0x3FB4] =	sst s6  }
0xf: {  	[smem:$0x3FB5] =	sst s7  }
0x10: {  	[smem:$0x3FB6] =	sst s8  }
0x11: {  	[smem:$0x3FB7] =	sst s9;
	s0 =	simm.s32 @!p0 $0x0  }
0x12: {  	s1 =	sld [smem:$0x3F9D];
	s0 =	simm.s32 @p0 $0x1  }
0x13: {  	[smem:$0x3FB8] =	sst s0;
	s0 =	simm.s32 @!p1 $0x0  }
0x14: {  	s2 =	sld [smem:$0x3F9C];
	s0 =	simm.s32 @p1 $0x1  }
0x15: {  	[smem:$0x3FB9] =	sst s0;
	s0 =	simm.s32 @!p2 $0x0  }
0x16: {  	s3 =	sld [smem:$0x3FDB];
	s0 =	simm.s32 @p2 $0x1  }
0x17: {  	s4 =	simm.s32 $0x1BF5;
	[smem:$0x3FBB] =	sst s0  }
0x18: {  	s0 =	sld [smem:$0x3F9E];
	_ =	swait.ge [sflag:s4], $0x0  }
0x19: {  	s7 =	sld [smem:$0x3F9F]  }
0x1a: {  	s8 =	sadd.s32 $0xFFFFE003, lr  }
0x1b: {  	s9 =	sadd.s32 $0xFFFFFEF7, lr;
	s5 =	simm.s32 $0xFFFFFFFF;
	p2 =	slt.u32 s8, $0xFFFFF086  }
0x1c: {  	p1 =	slt.u32 s9, $0xF7A;
	s5 =	simm.s32 @!p2 $0x0  }
0x1d: {  	s5 =	simm.s32 @p1 $0x1;
	p0 =	seq.s32 s7, s2  }
0x1e: {  	s7 =	smul.u32 @!p0 $0xF7A, s2;
	p2 =	seq.s32 @!p0 s5, $0x0  }
0x1f: {  	s9 =	smul.u32 $0xF7A, s1;
	s8 =	simm.s32 @!p0 $0x1BF5;
	p2 =	por !p2, p0  }
0x20: {  	[sflag:s8] =	ssyncset.s32 @!p0 $0xFFFFF086;
	s6 =	sadd.s32 @!p0 s3, s7;
	s7 =	simm.s32 @!p0 $0x108  }
0x21: {  	s3 =	sadd.s32 s3, s9;
	s6 =	sadd.s32 @!p0 $0x88, s6;
	s7 =	simm.s32 @p2 $0x1082  }
0x22: {  	[simem:s7], [sflag:s8] =	dma.local @!p0 [hbm:s6], $0xF7A  }
0x23: {  	s9 =	sor.u32 $0xD0000000, s2;
	s6 =	simm.s32 $0x108;
	_ =	swait.ge @!p0 [sflag:s8], $0x0  }
0x24: {  	s3 =	sadd.s32 $0x88, s3;
	s6 =	simm.s32 @!p1 $0x1082;
	[sflag:s4] =	ssyncset.s32 $0xFFFFF086  }
0x25: {  	[simem:s6], [sflag:s4] =	dma.local [hbm:s3], $0xF7A  }
0x26: {  	[smem:$0x3F9F] =	sst s1;
	(tag) =	ssettag s2;
	_ =	strace s9  }
0x27: {  	s1 =	sld [smem:$0x3FAF]  }
0x28: {  	s2 =	sld [smem:$0x3FB0]  }
0x29: {  	s4 =	sld [smem:$0x3FB2]  }
0x2a: {  	p0 =	seq.s32 s5, $0x0;
	s5 =	sld [smem:$0x3FB3]  }
0x2b: {  	s6 =	sld [smem:$0x3FB4]  }
0x2c: {  	s7 =	sld [smem:$0x3FB5]  }
0x2d: {  	s3 =	simm.s32 $0x108;
	s8 =	sld [smem:$0x3FB6]  }
0x2e: {  	s3 =	simm.s32 @!p0 $0x1082;
	s9 =	sld [smem:$0x3FB7]  }
0x2f: {  	lr =	sadd.s32 s0, s3;
	s0 =	sld [smem:$0x3FAE]  }
0x30: {  	s3 =	sld [smem:$0x3FB1]  }
0x31: {  	[smem:$0x3FBA] =	sst s10  }
0x32: {  	s10 =	sld [smem:$0x3FB8];
	_ =	sdelay $0x3  }
0x33: {  	p0 =	seq.s32 s10, $0x1;
	s10 =	sld [smem:$0x3FBA];
	_ =	sdelay $0x3  }
0x34: {  	[smem:$0x3FBA] =	sst s10  }
0x35: {  	s10 =	sld [smem:$0x3FB9];
	_ =	sdelay $0x3  }
0x36: {  	p1 =	seq.s32 s10, $0x1;
	s10 =	sld [smem:$0x3FBA];
	_ =	sdelay $0x3  }
0x37: {  	[smem:$0x3FBA] =	sst s10  }
0x38: {  	s10 =	sld [smem:$0x3FBB]  }
0x39: {  	_ = 	snop;
	(pc) =	sbr.ind lr, $3  }
0x3a: {  	_ = 	snop  }
0x3b: {  	_ = 	snop  }
0x3c: {  	p2 =	seq.s32 s10, $0x1;
	s10 =	sld [smem:$0x3FBA]  }
0x3d: {  	_ =	shalt  }
0x3e: {  	_ =	shalt  }
0x3f: {  	_ =	shalt  }
0x40: {  	_ =	shalt  }
0x41: {  	_ =	shalt  }
0x42: {  	_ =	shalt  }
0x43: {  	_ =	shalt  }
0x44: {  	_ =	shalt  }
0x45: {  	_ =	shalt  }
0x46: {  	_ =	shalt  }
0x47: {  	_ =	shalt  }
0x48: {  	_ =	shalt  }
0x49: {  	_ =	shalt  }
0x4a: {  	_ =	shalt  }
0x4b: {  	_ =	shalt  }
0x4c: {  	_ =	shalt  }
0x4d: {  	_ =	shalt  }
0x4e: {  	_ =	shalt  }
0x4f: {  	_ =	shalt  }
0x50: {  	_ =	shalt  }
0x51: {  	_ =	shalt  }
0x52: {  	_ =	shalt  }
0x53: {  	_ =	shalt  }
0x54: {  	_ =	shalt  }
0x55: {  	_ =	shalt  }
0x56: {  	_ =	shalt  }
0x57: {  	_ =	shalt  }
0x58: {  	_ =	shalt  }
0x59: {  	_ =	shalt  }
0x5a: {  	_ =	shalt  }
0x5b: {  	_ =	shalt  }
0x5c: {  	_ =	shalt  }
0x5d: {  	_ =	shalt  }
0x5e: {  	_ =	shalt  }
0x5f: {  	_ =	shalt  }
0x60: {  	_ =	shalt  }
0x61: {  	_ =	shalt  }
0x62: {  	_ =	shalt  }
0x63: {  	_ =	shalt  }
0x64: {  	_ =	shalt  }
0x65: {  	_ =	shalt  }
0x66: {  	_ =	shalt  }
0x67: {  	_ =	shalt  }
0x68: {  	_ =	shalt  }
0x69: {  	_ =	shalt  }
0x6a: {  	_ =	shalt  }
0x6b: {  	_ =	shalt  }
0x6c: {  	_ =	shalt  }
0x6d: {  	_ =	shalt  }
0x6e: {  	_ =	shalt  }
0x6f: {  	_ =	shalt  }
0x70: {  	_ =	shalt  }
0x71: {  	_ =	shalt  }
0x72: {  	_ =	shalt  }
0x73: {  	_ =	shalt  }
0x74: {  	_ =	shalt  }
0x75: {  	_ =	shalt  }
0x76: {  	_ =	shalt  }
0x77: {  	_ =	shalt  }
0x78: {  	_ =	shalt  }
0x79: {  	_ =	shalt  }
0x7a: {  	_ =	shalt  }
0x7b: {  	_ =	shalt  }
0x7c: {  	_ =	shalt  }
0x7d: {  	_ =	shalt  }
0x7e: {  	_ =	shalt  }
0x7f: {  	_ =	shalt  }
0x80: {  	_ =	shalt  }
0x81: {  	_ =	shalt  }
0x82: {  	_ =	shalt  }
0x83: {  	_ =	shalt  }
0x84: {  	_ =	shalt  }
0x85: {  	_ =	shalt  }
0x86: {  	_ =	shalt  }
0x87: {  	_ =	shalt  }
.Lfunc_end0:
.L_simem_size_0:
called_computation_lowered:
.L_overlay_start_0:
0x88: {  	s2 =	sld [smem:$0x3FD9]  }
0x89: {  	s3 =	sld [smem:$0x3FFE];
	_ =	sdelay $0x1  }
0x8a: {  	s1 =	srdreg.scid  }
0x8b: {  	s0 =	sand.u32 $0x1, s1  }
0x8c: {  	s17 =	sshll.u32 s0, $0xA;
	s2 =	sadd.s32 s3, s2  }
0x8d: {  	s2 =	sadd.s32 s2, s17  }
0x8e: {  	[smem:$0x3FC6] =	sst s2  }
0x8f: {  	_ = 	snop  }
0x90: {  	s2 =	sld [smem:$0x3FC9]  }
0x91: {  	s18 =	sld [smem:$0x3FC8]  }
0x92: {  	s4 =	sld [smem:$0x3FD0];
	(tm) =	ssettm $0x1  }
0x93: {  	s5 =	sld [smem:$0x3FFB];
	_ =	sdelay $0x3  }
0x94: {  	_ =	strace s5  }
0x95: {  	s5 =	sld [smem:$0x3FFC];
	_ =	sdelay $0x3  }
0x96: {  	_ =	strace s5  }
0x97: {  	s5 =	sld [smem:$0x3FFD];
	_ =	sdelay $0x3  }
0x98: {  	_ =	strace s5  }
0x99: {  	_ =	strace $0x8FFFFFFF  }
0x9a: {  	s19 =	sld [smem:$0x3FDB];
	_ =	sdelay $0x1  }
0x9b: {  	s6 =	simm.s32 $_scs_section_size  }
0x9c: {  	s7 =	simm.s32 $_size__tile_overlayer_lowered;
	s8 =	simm.s32 $_tile_overlayer_lowered  }
0x9d: {  	s22 =	simm.s32 $0x1BFF;
	s21 =	sshll.u32 s8, $0x1;
	s5 =	sadd.s32 s6, s19  }
0x9e: {  	s9 =	simm.s32 $0x0;
	s20 =	sshll.u32 s7, $0x1;
	s7 =	sadd.s32 s21, s5  }
0x9f: {  	[timem:s9], [sflag:s22] =	dma.local [hbm:s7], s20  }
0xa0: {  	_ =	swait.ge [sflag:s22], s20  }
0xa1: {  	s6 =	ssub.s32 $0x0, s20;
	[sflag:s22] =	ssyncset.done $0x0  }
0xa2: {  	[sflag:s22] =	ssyncadd.s32 s6;
	_ =	sdelay $0x1  }
0xa3: {  	s23 =	simm.s32 $0x1B8B  }
0xa4: {  	_ =	swait.ge [sflag:s23], $0x1  }
0xa5: {  	[sflag:s23] =	ssyncset.done $0x0  }
0xa6: {  	s25 =	simm.s32 $0x1B8E;
	s24 =	sld [smem:$0x3FFE];
	[sflag:s23] =	ssyncadd.s32 $0xFFFFFFFF  }
0xa7: {  	s26 =	simm.s32 $execute0_lowered;
	[smem:$0x3FD2] =	sst s25  }
0xa8: {  	s7 =	sshll.u32 s26, $0x1;
	_ =	strace $0x80000046;
	[dreg:$0x1] =	wrdreg $0xFFFFFFFF  }
0xa9: {  	s28 =	simm.s32 $_size_execute0_lowered;
	s5 =	sadd.s32 s5, s7;
	[dreg:$0x0] =	wrdreg $0x0  }
0xaa: {  	s7 =	sshll.u32 s28, $0x1;
	[dreg:$0x2] =	wrdreg s5  }
0xab: {  	[dreg:$0x3] =	wrdreg s7  }
0xac: {  	[dreg:$0x4] =	wrdreg $0xC0  }
0xad: {  	_ =	task [dreg:s9], $0x5FFFF  }
0xae: {  	[dreg:$0x1] =	wrdreg $0xFFFFFFFF  }
0xaf: {  	[dreg:$0x0] =	wrdreg $0x60  }
0xb0: {  	[dreg:$0x2] =	wrdreg s2  }
0xb1: {  	[dreg:$0x3] =	wrdreg s18  }
0xb2: {  	[dreg:$0x4] =	wrdreg s24  }
0xb3: {  	[dreg:$0x5] =	wrdreg s4  }
0xb4: {  	[dreg:$0x6] =	wrdreg $0x9  }
0xb5: {  	_ =	task.clear_ibuf [dreg:s9], $0x7FFFF;
	_ =	strace $0x90000046  }
0xb6: {  	s29 =	simm.s32 $0x9;
	_ =	strace $0x80000048  }
0xb7: {  	_ =	swait.ge [sflag:s29], $0x1  }
0xb8: {  	[sflag:s29] =	ssyncadd.s32 $0xFFFFFFFF  }
0xb9: {  	_ =	strace $0x90000048  }
0xba: {  	_ =	sfence  }
0xbb: {  	s30 =	sld [smem:$0x0];
	_ =	sdelay $0x2  }
0xbc: {  	s31 =	sshll.u32 s1, $0xD;
	s1 =	sshrl.u32 s1, $0x2  }
0xbd: {  	s3 =	sand.u32 $0x4000, s31;
	s1 =	sadd.s32 s1, s30  }
0xbe: {  	s0 =	sor.u32 s3, s0;
	s1 =	sshll.u32 s1, $0x11  }
0xbf: {  	s0 =	sor.u32 s1, s0  }
0xc0: {  	s0 =	sadd.s32 $0x8F2B, s0  }
0xc1: {  	[sflag:s0] =	ssyncadd.remote.s32 $0x1  }
0xc2: {  	_ =	sfence.sel $0xFFFF  }
0xc3: {  	[dreg:$0x0] =	wrdreg $0xFFFFFFFF;
	(pc) =	sbr.abs _section_cstart, $3  }
0xc4: {  	[dreg:$0x1] =	wrdreg $0xFFFFFFFF  }
0xc5: {  	_ =	task.clear_ibuf [dreg:s9], $0x2FFFF;
	_ =	strace $0x9FFFFFFF  }
0xc6: {  	(tm) =	ssettm $0x7FFFFFFF  }
0xc7: {  	_ =	shalt  }
tec
execute0_lowered:
.L_overlay_start_1:
0x0: {  	(tag) =	ssettag $0x1  }
0x1: {  	s2 =	srdreg.scid  }
0x2: {  	s3 =	stileid.u32;
	s2 =	sand.u32 $0x1, s2  }
0x3: {  	s0 =	rddreg [dreg:$0x0];
	s5 =	sshll.u32 s3, $0x8;
	s6 =	sshll.u32 s2, $0x7  }
0x4: {  	s1 =	rddreg [dreg:$0x1];
	s5 =	sor.u32 s6, s5  }
0x5: {  	s4 =	rddreg [dreg:$0x2];
	s6 =	sshrl.u32 s5, $0x3  }
0x6: {  	s7 =	rddreg [dreg:$0x3];
	s6 =	smul.u32 $0x1800, s6  }
0x7: {  	s3 =	simm.s32 $0x0;
	s4 =	sadd.s32 $0x400, s4;
	s5 =	sshrl.u32 s5, $0x1  }
0x8: {  	[smem:$0x7FF] =	sst s3;
	s0 =	sadd.s32 s0, s5;
	s13 =	sshrl.u32 s6, $0x3  }
0x9: {  	_ =	strace $0x80000047;
	[dreg:$0x5] =	wrdreg s0;
	s14 =	sadd.s32 s4, s13  }
0xa: {  	s9 =	sadd.s32 s7, s13;
	[dreg:$0x6] =	wrdreg s14  }
0xb: {  	s15 =	sadd.s32 $0x600, s9;
	[dreg:$0x7] =	wrdreg s9  }
0xc: {  	s16 =	sadd.s32 $0x60000, s9;
	[dreg:$0x8] =	wrdreg s15  }
0xd: {  	s17 =	sadd.s32 $0x60600, s9;
	[dreg:$0x9] =	wrdreg s16  }
0xe: {  	s18 =	sadd.s32 $0xC0000, s9;
	[dreg:$0xa] =	wrdreg s17  }
0xf: {  	s19 =	sadd.s32 $0xC0600, s9;
	[dreg:$0xb] =	wrdreg s18  }
0x10: {  	s2 =	ssub.s32 $0x2, s2;
	s10 =	sadd.s32 $0x120000, s9;
	[dreg:$0xc] =	wrdreg s19  }
0x11: {  	s20 =	sor.u32 $0xC00, s13;
	s21 =	sadd.s32 $0x120600, s9;
	[dreg:$0xd] =	wrdreg s10  }
0x12: {  	s8 =	sshrl.u32 s2, $0x1;
	s22 =	sadd.s32 s4, s20;
	[dreg:$0xe] =	wrdreg s21  }
0x13: {  	s2 =	ssub.s32 s2, s8;
	s8 =	sadd.s32 s7, s20;
	[dreg:$0xf] =	wrdreg s22  }
0x14: {  	s23 =	sadd.s32 $0x60C00, s9;
	[dreg:$0x10] =	wrdreg s8  }
0x15: {  	s24 =	sadd.s32 $0x1800, s13;
	s25 =	sadd.s32 $0x61200, s9;
	[dreg:$0x11] =	wrdreg s23  }
0x16: {  	s0 =	sadd.s32 $0x2400, s13;
	s26 =	sadd.s32 s4, s24;
	[dreg:$0x12] =	wrdreg s25  }
0x17: {  	s4 =	sadd.s32 s4, s0;
	[dreg:$0x13] =	wrdreg s26  }
0x18: {  	s0 =	sadd.s32 s7, s0;
	[dreg:$0x15] =	wrdreg s4  }
0x19: {  	s11 =	sadd.s32 $0x120C00, s9;
	[dreg:$0x16] =	wrdreg s0  }
0x1a: {  	s12 =	sadd.s32 $0x121200, s9;
	[dreg:$0x1b] =	wrdreg s11  }
0x1b: {  	s13 =	sadd.s32 $0x1E00, s9;
	[dreg:$0x1c] =	wrdreg s12  }
0x1c: {  	s14 =	sadd.s32 $0x61800, s9;
	[dreg:$0x1d] =	wrdreg s13  }
0x1d: {  	s20 =	sadd.s32 $0x2A00, s9;
	[dreg:$0x1e] =	wrdreg s14  }
0x1e: {  	s8 =	sadd.s32 s7, s24;
	[smem:$0x7F7] =	sst s20  }
0x1f: {  	s4 =	sadd.s32 $0xC0C00, s9;
	[dreg:$0x14] =	wrdreg s8  }
0x20: {  	s7 =	smax.u32 s2, $0x1;
	[dreg:$0x17] =	wrdreg s4  }
0x21: {  	s10 =	sadd.s32 $0x1200, s9;
	[dreg:$0x18] =	wrdreg s7  }
0x22: {  	s28 =	simm.s32 $0x6;
	s15 =	sadd.s32 $0x61E00, s9;
	[dreg:$0x1a] =	wrdreg s10  }
0x23: {  	s29 =	simm.s32 $0x9;
	s16 =	sadd.s32 $0xC1800, s9;
	[dreg:$0x1f] =	wrdreg s15  }
0x24: {  	s30 =	simm.s32 $0xD;
	s17 =	sadd.s32 $0xC1E00, s9;
	[smem:$0x7F3] =	sst s16  }
0x25: {  	s31 =	simm.s32 $0x3;
	s18 =	sadd.s32 $0x121800, s9;
	[smem:$0x7F4] =	sst s17  }
0x26: {  	s5 =	sadd.s32 $0x100, s1;
	s19 =	sadd.s32 $0x121E00, s9;
	[smem:$0x7F5] =	sst s18  }
0x27: {  	s6 =	sadd.s32 $0x200, s1;
	s21 =	sadd.s32 $0x62400, s9;
	[smem:$0x7F6] =	sst s19  }
0x28: {  	s22 =	sadd.s32 $0x62A00, s9;
	s23 =	sadd.s32 $0xC2400, s9;
	[smem:$0x7F8] =	sst s21  }
0x29: {  	s24 =	sadd.s32 $0x122400, s9;
	s25 =	sadd.s32 $0xC2A00, s9;
	[smem:$0x7F9] =	sst s22  }
0x2a: {  	s26 =	sadd.s32 $0x122A00, s9;
	s0 =	simm.s32 $0x7;
	[smem:$0x7FA] =	sst s23  }
0x2b: {  	s12 =	simm.s32 $0xE;
	s13 =	simm.s32 $0x4;
	[smem:$0x7FB] =	sst s24  }
0x2c: {  	s14 =	simm.s32 $0x8;
	s20 =	simm.s32 $0xC;
	[smem:$0x7FC] =	sst s25  }
0x2d: {  	s8 =	sadd.s32 $0xC1200, s9;
	[smem:$0x7FD] =	sst s26;
	s18 =	simm.s32 $0x11  }
0x2e: {  	s26 =	simm.s32 $0x15200;
	s4 =	simm.s32 $0x1;
	s7 =	simm.s32 $0x5  }
0x2f: {  	v2 =	vlaneseq.u32;
	s9 =	simm.s32 $0x18200;
	s16 =	simm.s32 $0x1B200;
	s24 =	simm.s32 $0x2  }
0x30: {  	vm0 =	vmmov $0xffff;
	v1 =	vshrl.u32 v2, $0x3;
	s10 =	simm.s32 $0xA;
	s15 =	simm.s32 $0xB;
	s17 =	simm.s32 $0xF  }
0x31: {  	v0 =	vand.u32 $0x7, v2;
	v2 =	vor.u32 $0x8, v2;
	v1 =	vmul.u32 $0x8, v1;
	s21 =	simm.s32 $0x10;
	s22 =	simm.s32 $0x0;
	[dreg:$0x19] =	wrdreg s8  }
.LBB2_1:
0x32: {  	s2 =	rddreg [dreg:$0x5]  }
0x33: {  	[tilespmem:s3], [sflag:$0x11] =	stream.linear.gather [hbm4b:s2+s3], $0x200, $0x38;
	[tilespmem:$0x1E200] =	vst v63  }
0x34: {  	_ =	swait.ge [sflag:s18], $0x200  }
0x35: {  	[sflag:s18] =	ssyncset.done $0x0  }
0x36: {  	[sflag:s18] =	ssyncadd.s32 $0xFFFFFE00  }
0x37: {  	v3 =	vld [tilespmem:$0x0];
	_ =	sdelay $0x4  }
0x38: {  	v4 =	vshrl.u32 v3, $0x3  }
0x39: {  	v4 =	vmul.u32 $0x30, v4  }
0x3a: {  	v3 =	vand.u32 $0x7, v3  }
0x3b: {  	v3 =	vor.u32 v3, v4  }
0x3c: {  	v4 =	vperm.xlane v3, v0;
	_ =	sdelay $0x1  }
0x3d: {  	v4 =	vadd.s32 v1, v4;
	_ =	sdelay $0x3  }
0x3e: {  	s25 =	simm.s32 $0x6200;
	v3 =	vperm.xlane v3, v2  }
0x3f: {  	[tilespmem:s25], [sflag:$0x1] =	stream.indirect_vreg.gather [hbm4b:s1+s3], $0x80, v4, vm0, $0xb8;
	[tilespmem:$0x1E200] =	vst v63  }
0x40: {  	s8 =	simm.s32 $0x6A00;
	v3 =	vadd.s32 v1, v3  }
0x41: {  	[tilespmem:s8], [sflag:$0x1] =	stream.indirect_vreg.gather [hbm4b:s5+s3], $0x80, v4, vm0, $0xb8;
	[tilespmem:$0x1E200] =	vst v63  }
0x42: {  	s11 =	simm.s32 $0x7200  }
0x43: {  	[tilespmem:s11], [sflag:$0x1] =	stream.indirect_vreg.gather [hbm4b:s6+s3], $0x80, v4, vm0, $0xb8;
	[tilespmem:$0x1E200] =	vst v63  }
0x44: {  	s19 =	simm.s32 $0x7A00  }
0x45: {  	[tilespmem:s19], [sflag:$0x1] =	stream.indirect_vreg.gather [hbm4b:s1+s3], $0x80, v3, vm0, $0xb8;
	[tilespmem:$0x1E200] =	vst v63  }
0x46: {  	s23 =	simm.s32 $0x8200  }
0x47: {  	[tilespmem:s23], [sflag:$0x1] =	stream.indirect_vreg.gather [hbm4b:s5+s3], $0x80, v3, vm0, $0xb8;
	[tilespmem:$0x1E200] =	vst v63  }
0x48: {  	s25 =	simm.s32 $0x8A00  }
0x49: {  	[tilespmem:s25], [sflag:$0x1] =	stream.indirect_vreg.gather [hbm4b:s6+s3], $0x80, v3, vm0, $0xb8;
	[tilespmem:$0x1E200] =	vst v63  }
0x4a: {  	v3 =	vld [tilespmem:$0x10];
	_ =	sdelay $0x4  }
0x4b: {  	v59 =	vshrl.u32 v3, $0x3  }
0x4c: {  	v4 =	vmul.u32 $0x30, v59  }
0x4d: {  	v3 =	vand.u32 $0x7, v3  }
0x4e: {  	v3 =	vor.u32 v3, v4  }
0x4f: {  	v4 =	vperm.xlane v3, v0;
	_ =	sdelay $0x1  }
0x50: {  	v4 =	vadd.s32 v1, v4;
	_ =	sdelay $0x3  }
0x51: {  	s8 =	simm.s32 $0x9200;
	v3 =	vperm.xlane v3, v2  }
0x52: {  	[tilespmem:s8], [sflag:$0x5] =	stream.indirect_vreg.gather [hbm4b:s1+s3], $0x80, v4, vm0, $0xb8;
	[tilespmem:$0x1E200] =	vst v63  }
0x53: {  	s11 =	simm.s32 $0x9A00;
	v3 =	vadd.s32 v1, v3  }
0x54: {  	[tilespmem:s11], [sflag:$0x5] =	stream.indirect_vreg.gather [hbm4b:s5+s3], $0x80, v4, vm0, $0xb8;
	[tilespmem:$0x1E200] =	vst v63  }
0x55: {  	s19 =	simm.s32 $0xA200  }
0x56: {  	[tilespmem:s19], [sflag:$0x5] =	stream.indirect_vreg.gather [hbm4b:s6+s3], $0x80, v4, vm0, $0xb8;
	[tilespmem:$0x1E200] =	vst v63  }
0x57: {  	s23 =	simm.s32 $0xAA00  }
0x58: {  	[tilespmem:s23], [sflag:$0x5] =	stream.indirect_vreg.gather [hbm4b:s1+s3], $0x80, v3, vm0, $0xb8;
	[tilespmem:$0x1E200] =	vst v63  }
0x59: {  	s25 =	simm.s32 $0xB200  }
0x5a: {  	[tilespmem:s25], [sflag:$0x5] =	stream.indirect_vreg.gather [hbm4b:s5+s3], $0x80, v3, vm0, $0xb8;
	[tilespmem:$0x1E200] =	vst v63  }
0x5b: {  	s8 =	simm.s32 $0xBA00  }
0x5c: {  	[tilespmem:s8], [sflag:$0x5] =	stream.indirect_vreg.gather [hbm4b:s6+s3], $0x80, v3, vm0, $0xb8;
	[tilespmem:$0x1E200] =	vst v63  }
0x5d: {  	v3 =	vld [tilespmem:$0x80];
	_ =	sdelay $0x4  }
0x5e: {  	v60 =	vshrl.u32 v3, $0x3  }
0x5f: {  	v4 =	vmul.u32 $0x30, v60  }
0x60: {  	v3 =	vand.u32 $0x7, v3  }
0x61: {  	v3 =	vor.u32 v3, v4  }
0x62: {  	v4 =	vperm.xlane v3, v0;
	_ =	sdelay $0x1  }
0x63: {  	v4 =	vadd.s32 v1, v4;
	_ =	sdelay $0x3  }
0x64: {  	s11 =	simm.s32 $0xC200;
	v3 =	vperm.xlane v3, v2  }
0x65: {  	[tilespmem:s11], [sflag:$0x2] =	stream.indirect_vreg.gather [hbm4b:s1+s3], $0x80, v4, vm0, $0xb8;
	[tilespmem:$0x1E200] =	vst v63  }
0x66: {  	s19 =	simm.s32 $0xCA00;
	v3 =	vadd.s32 v1, v3  }
0x67: {  	[tilespmem:s19], [sflag:$0x2] =	stream.indirect_vreg.gather [hbm4b:s5+s3], $0x80, v4, vm0, $0xb8;
	[tilespmem:$0x1E200] =	vst v63  }
0x68: {  	s23 =	simm.s32 $0xD200  }
0x69: {  	[tilespmem:s23], [sflag:$0x2] =	stream.indirect_vreg.gather [hbm4b:s6+s3], $0x80, v4, vm0, $0xb8;
	[tilespmem:$0x1E200] =	vst v63  }
0x6a: {  	s25 =	simm.s32 $0xDA00  }
0x6b: {  	[tilespmem:s25], [sflag:$0x2] =	stream.indirect_vreg.gather [hbm4b:s1+s3], $0x80, v3, vm0, $0xb8;
	[tilespmem:$0x1E200] =	vst v63  }
0x6c: {  	s8 =	simm.s32 $0xE200  }
0x6d: {  	[tilespmem:s8], [sflag:$0x2] =	stream.indirect_vreg.gather [hbm4b:s5+s3], $0x80, v3, vm0, $0xb8;
	[tilespmem:$0x1E200] =	vst v63  }
0x6e: {  	s11 =	simm.s32 $0xEA00  }
0x6f: {  	[tilespmem:s11], [sflag:$0x2] =	stream.indirect_vreg.gather [hbm4b:s6+s3], $0x80, v3, vm0, $0xb8;
	[tilespmem:$0x1E200] =	vst v63  }
0x70: {  	v3 =	vld [tilespmem:$0x90];
	_ =	sdelay $0x4  }
0x71: {  	v61 =	vshrl.u32 v3, $0x3  }
0x72: {  	v4 =	vmul.u32 $0x30, v61  }
0x73: {  	v3 =	vand.u32 $0x7, v3  }
0x74: {  	v3 =	vor.u32 v3, v4  }
0x75: {  	v4 =	vperm.xlane v3, v0;
	_ =	sdelay $0x1  }
0x76: {  	v4 =	vadd.s32 v1, v4;
	_ =	sdelay $0x3  }
0x77: {  	s19 =	simm.s32 $0xF200;
	v3 =	vperm.xlane v3, v2  }
0x78: {  	[tilespmem:s19], [sflag:$0x6] =	stream.indirect_vreg.gather [hbm4b:s1+s3], $0x80, v4, vm0, $0xb8;
	[tilespmem:$0x1E200] =	vst v63  }
0x79: {  	s23 =	simm.s32 $0xFA00;
	v3 =	vadd.s32 v1, v3  }
0x7a: {  	[tilespmem:s23], [sflag:$0x6] =	stream.indirect_vreg.gather [hbm4b:s5+s3], $0x80, v4, vm0, $0xb8;
	[tilespmem:$0x1E200] =	vst v63  }
0x7b: {  	s25 =	simm.s32 $0x10200  }
0x7c: {  	[tilespmem:s25], [sflag:$0x6] =	stream.indirect_vreg.gather [hbm4b:s6+s3], $0x80, v4, vm0, $0xb8;
	[tilespmem:$0x1E200] =	vst v63  }
0x7d: {  	s8 =	simm.s32 $0x10A00  }
0x7e: {  	[tilespmem:s8], [sflag:$0x6] =	stream.indirect_vreg.gather [hbm4b:s1+s3], $0x80, v3, vm0, $0xb8;
	[tilespmem:$0x1E200] =	vst v63  }
0x7f: {  	s11 =	simm.s32 $0x11200  }
0x80: {  	[tilespmem:s11], [sflag:$0x6] =	stream.indirect_vreg.gather [hbm4b:s5+s3], $0x80, v3, vm0, $0xb8;
	[tilespmem:$0x1E200] =	vst v63  }
0x81: {  	s19 =	simm.s32 $0x11A00  }
0x82: {  	[tilespmem:s19], [sflag:$0x6] =	stream.indirect_vreg.gather [hbm4b:s6+s3], $0x80, v3, vm0, $0xb8;
	[tilespmem:$0x1E200] =	vst v63  }
0x83: {  	s23 =	rddreg [dreg:$0x6];
	s8 =	simm.s32 $0x200  }
0x84: {  	[tilespmem:s8], [sflag:$0x11] =	stream.linear.gather [hbm4b:s23+s3], $0x6000, $0x38;
	[tilespmem:$0x1E200] =	vst v63  }
0x85: {  	_ =	swait.ge [sflag:s18], $0x6000  }
0x86: {  	[sflag:s18] =	ssyncset.done $0x0  }
0x87: {  	[sflag:s18] =	ssyncadd.s32 $0xFFFFA000  }
0x88: {  	v3 =	vld [tilespmem:$0x100];
	_ =	sdelay $0x4  }
0x89: {  	v62 =	vshrl.u32 v3, $0x3  }
0x8a: {  	v4 =	vmul.u32 $0x30, v62  }
0x8b: {  	v3 =	vand.u32 $0x7, v3  }
0x8c: {  	v3 =	vor.u32 v3, v4  }
0x8d: {  	v4 =	vperm.xlane v3, v0;
	_ =	sdelay $0x1  }
0x8e: {  	v4 =	vadd.s32 v1, v4;
	_ =	sdelay $0x3  }
0x8f: {  	s25 =	simm.s32 $0x12200;
	v3 =	vperm.xlane v3, v2  }
0x90: {  	[tilespmem:s25], [sflag:$0x3] =	stream.indirect_vreg.gather [hbm4b:s1+s3], $0x80, v4, vm0, $0xb8;
	[tilespmem:$0x1E200] =	vst v63  }
0x91: {  	s8 =	simm.s32 $0x12A00;
	v3 =	vadd.s32 v1, v3  }
0x92: {  	[tilespmem:s8], [sflag:$0x3] =	stream.indirect_vreg.gather [hbm4b:s5+s3], $0x80, v4, vm0, $0xb8;
	[tilespmem:$0x1E200] =	vst v63  }
0x93: {  	s11 =	simm.s32 $0x13200  }
0x94: {  	[tilespmem:s11], [sflag:$0x3] =	stream.indirect_vreg.gather [hbm4b:s6+s3], $0x80, v4, vm0, $0xb8;
	[tilespmem:$0x1E200] =	vst v63  }
0x95: {  	s19 =	simm.s32 $0x13A00  }
0x96: {  	[tilespmem:s19], [sflag:$0x3] =	stream.indirect_vreg.gather [hbm4b:s1+s3], $0x80, v3, vm0, $0xb8;
	[tilespmem:$0x1E200] =	vst v63  }
0x97: {  	s23 =	simm.s32 $0x14200  }
0x98: {  	[tilespmem:s23], [sflag:$0x3] =	stream.indirect_vreg.gather [hbm4b:s5+s3], $0x80, v3, vm0, $0xb8;
	[tilespmem:$0x1E200] =	vst v63  }
0x99: {  	s25 =	simm.s32 $0x14A00  }
0x9a: {  	[tilespmem:s25], [sflag:$0x3] =	stream.indirect_vreg.gather [hbm4b:s6+s3], $0x80, v3, vm0, $0xb8;
	[tilespmem:$0x1E200] =	vst v63  }
0x9b: {  	v3 =	vld [tilespmem:$0x110];
	_ =	sdelay $0x4  }
0x9c: {  	v63 =	vshrl.u32 v3, $0x3  }
0x9d: {  	v4 =	vmul.u32 $0x30, v63  }
0x9e: {  	v3 =	vand.u32 $0x7, v3  }
0x9f: {  	v3 =	vor.u32 v3, v4  }
0xa0: {  	v4 =	vperm.xlane v3, v0;
	_ =	sdelay $0x1  }
0xa1: {  	v4 =	vadd.s32 v1, v4;
	_ =	sdelay $0x3  }
0xa2: {  	v3 =	vperm.xlane v3, v2  }
0xa3: {  	[tilespmem:s26], [sflag:$0x7] =	stream.indirect_vreg.gather [hbm4b:s1+s3], $0x80, v4, vm0, $0xb8;
	[tilespmem:$0x1E200] =	vst v63  }
0xa4: {  	s8 =	simm.s32 $0x15A00;
	v3 =	vadd.s32 v1, v3  }
0xa5: {  	[tilespmem:s8], [sflag:$0x7] =	stream.indirect_vreg.gather [hbm4b:s5+s3], $0x80, v4, vm0, $0xb8;
	[tilespmem:$0x1E200] =	vst v63  }
0xa6: {  	s11 =	simm.s32 $0x16200  }
0xa7: {  	[tilespmem:s11], [sflag:$0x7] =	stream.indirect_vreg.gather [hbm4b:s6+s3], $0x80, v4, vm0, $0xb8;
	[tilespmem:$0x1E200] =	vst v63  }
0xa8: {  	s19 =	simm.s32 $0x16A00  }
0xa9: {  	[tilespmem:s19], [sflag:$0x7] =	stream.indirect_vreg.gather [hbm4b:s1+s3], $0x80, v3, vm0, $0xb8;
	[tilespmem:$0x1E200] =	vst v63  }
0xaa: {  	s23 =	simm.s32 $0x17200  }
0xab: {  	[tilespmem:s23], [sflag:$0x7] =	stream.indirect_vreg.gather [hbm4b:s5+s3], $0x80, v3, vm0, $0xb8;
	[tilespmem:$0x1E200] =	vst v63  }
0xac: {  	s25 =	simm.s32 $0x17A00  }
0xad: {  	[tilespmem:s25], [sflag:$0x7] =	stream.indirect_vreg.gather [hbm4b:s6+s3], $0x80, v3, vm0, $0xb8;
	[tilespmem:$0x1E200] =	vst v63  }
0xae: {  	_ =	swait.ge [sflag:s4], $0x3000  }
0xaf: {  	[sflag:s4] =	ssyncset.done $0x0  }
0xb0: {  	s19 =	simm.s32 $0x0;
	s23 =	simm.s32 $0x0;
	[sflag:s4] =	ssyncadd.s32 $0xFFFFD000  }
.LBB2_2:
0xb1: {  	s2 =	sshrl.u32 s19, $0x3  }
0xb2: {  	s8 =	sand.u32 $0x7, s23;
	s2 =	smul.u32 $0x6000, s2  }
0xb3: {  	s8 =	sshll.u32 s8, $0x9  }
0xb4: {  	s2 =	sor.u32 s8, s2  }
0xb5: {  	s2 =	sshra.s32 s2, $0x2  }
0xb6: {  	s25 =	sadd.s32 $0x6240, s2  }
0xb7: {  	s2 =	sadd.s32 $0x240, s2;
	v4 =	vld [tilespmem:s25+$0x30]  }
0xb8: {  	v5 =	vld [tilespmem:s2+$0x30]  }
0xb9: {  	v3 =	vld [tilespmem:s2+$0xFFFFFFC0]  }
0xba: {  	v6 =	vld [tilespmem:s25+$0xFFFFFFD0]  }
0xbb: {  	v7 =	vld [tilespmem:s2+$0xFFFFFFD0]  }
0xbc: {  	v8 =	vld [tilespmem:s25+$0xFFFFFFE0]  }
0xbd: {  	v9 =	vld [tilespmem:s2+$0xFFFFFFE0]  }
0xbe: {  	v10 =	vld [tilespmem:s25+$0xFFFFFFF0]  }
0xbf: {  	v11 =	vld [tilespmem:s2+$0xFFFFFFF0]  }
0xc0: {  	v12 =	vld [tilespmem:s25+$0x0]  }
0xc1: {  	v13 =	vld [tilespmem:s2+$0x0];
	v5 =	vadd.f32 v5, v4  }
0xc2: {  	v7 =	vadd.f32 v7, v6;
	v4 =	vld [tilespmem:s25+$0x10]  }
0xc3: {  	v8 =	vadd.f32 v9, v8;
	v6 =	vld [tilespmem:s2+$0x10];
	[tilespmem:s25+$0x30] =	vst v5  }
0xc4: {  	v9 =	vadd.f32 v11, v10;
	[tilespmem:s25+$0xFFFFFFD0] =	vst v7;
	v5 =	vld [tilespmem:s25+$0x20]  }
0xc5: {  	[tilespmem:s25+$0xFFFFFFE0] =	vst v8;
	v8 =	vld [tilespmem:s2+$0x20]  }
0xc6: {  	s11 =	simm.s32 $0x0;
	s8 =	sadd.s32 $0x400, s25;
	v7 =	vld [tilespmem:s25+$0xFFFFFFC0];
	[tilespmem:s25+$0xFFFFFFF0] =	vst v9;
	v9 =	vadd.f32 v13, v12  }
.LBB2_3:
0xc7: {  	v10 =	vld [tilespmem:s8+$0x30];
	s2 =	sadd.s32 $0x400, s2  }
0xc8: {  	s11 =	sadd.s32 $0x80, s11;
	v11 =	vld [tilespmem:s2+$0x30];
	[tilespmem:s25+$0x0] =	vst v9;
	v4 =	vadd.f32 v6, v4  }
0xc9: {  	p0 =	slt.u32 s11, $0x280;
	v6 =	vld [tilespmem:s2+$0xFFFFFFC0]  }
0xca: {  	v9 =	vld [tilespmem:s8+$0xFFFFFFD0];
	[tilespmem:s25+$0x10] =	vst v4;
	v4 =	vadd.f32 v8, v5  }
0xcb: {  	v5 =	vld [tilespmem:s2+$0xFFFFFFD0];
	v12 =	vadd.f32 v3, v7  }
0xcc: {  	v7 =	vld [tilespmem:s8+$0xFFFFFFE0];
	[tilespmem:s25+$0x20] =	vst v4  }
0xcd: {  	v4 =	vld [tilespmem:s2+$0xFFFFFFE0];
	v8 =	vadd.f32 v11, v10;
	[tilespmem:s25+$0xFFFFFFC0] =	vst v12;
	s25 =	smov.u32 s8  }
0xce: {  	v10 =	vld [tilespmem:s8+$0xFFFFFFF0];
	v3 =	vmov v6  }
0xcf: {  	v11 =	vld [tilespmem:s2+$0xFFFFFFF0];
	[tilespmem:s8+$0x30] =	vst v8  }
0xd0: {  	v5 =	vadd.f32 v5, v9;
	v9 =	vld [tilespmem:s8+$0x0]  }
0xd1: {  	v12 =	vld [tilespmem:s2+$0x0]  }
.Ltmp0:
0xd2: {  	[tilespmem:s8+$0xFFFFFFD0] =	vst v5;
	v5 =	vadd.f32 v4, v7;
	v4 =	vld [tilespmem:s8+$0x10];
	(pc) =	sbr.rel @p0 .LBB2_3-.Ltmp0, $4  }
0xd3: {  	v6 =	vld [tilespmem:s2+$0x10]  }
0xd4: {  	[tilespmem:s8+$0xFFFFFFE0] =	vst v5;
	v10 =	vadd.f32 v11, v10;
	v5 =	vld [tilespmem:s8+$0x20]  }
0xd5: {  	v8 =	vld [tilespmem:s2+$0x20]  }
0xd6: {  	s8 =	sadd.s32 $0x400, s8;
	v7 =	vld [tilespmem:s25+$0xFFFFFFC0];
	[tilespmem:s25+$0xFFFFFFF0] =	vst v10;
	v9 =	vadd.f32 v12, v9  }
0xd7: {  	s19 =	sadd.s32 $0x1, s19  }
0xd8: {  	p0 =	sne.s32 s19, $0x10  }
.Ltmp1:
0xd9: {  	v4 =	vadd.f32 v6, v4;
	(pc) =	sbr.rel @p0 .LBB2_2-.Ltmp1, $4  }
0xda: {  	[tilespmem:s25+$0x0] =	vst v9;
	v5 =	vadd.f32 v8, v5  }
0xdb: {  	[tilespmem:s25+$0x10] =	vst v4;
	v3 =	vadd.f32 v3, v7  }
0xdc: {  	[tilespmem:s25+$0x20] =	vst v5  }
0xdd: {  	s23 =	sadd.s32 $0x1, s23;
	[tilespmem:s25+$0xFFFFFFC0] =	vst v3  }
0xde: {  	s23 =	simm.s32 $0x0;
	s2 =	rddreg [dreg:$0x7];
	s8 =	simm.s32 $0x6200  }
0xdf: {  	[hbm4b:s2+s23] =	stream.linear.scatter [tilespmem:s8], [sflag:$0x9], $0x3000, $0x38;
	[tilespmem:$0x1E200] =	vst v63  }
0xe0: {  	_ =	swait.ge [sflag:s7], $0x3000  }
0xe1: {  	[sflag:s7] =	ssyncset.done $0x0  }
0xe2: {  	s19 =	simm.s32 $0x0;
	[sflag:s7] =	ssyncadd.s32 $0xFFFFD000  }
.LBB2_6:
0xe3: {  	s2 =	sshrl.u32 s19, $0x3  }
0xe4: {  	s8 =	sand.u32 $0x7, s23;
	s2 =	smul.u32 $0x6000, s2  }
0xe5: {  	s8 =	sshll.u32 s8, $0x9  }
0xe6: {  	s2 =	sor.u32 s8, s2  }
0xe7: {  	s2 =	sshra.s32 s2, $0x2  }
0xe8: {  	s25 =	sadd.s32 $0x9270, s2  }
0xe9: {  	s2 =	sadd.s32 $0x3270, s2;
	v4 =	vld [tilespmem:s25+$0x0]  }
0xea: {  	v5 =	vld [tilespmem:s2+$0x0]  }
0xeb: {  	v3 =	vld [tilespmem:s2+$0xFFFFFF90]  }
0xec: {  	v6 =	vld [tilespmem:s25+$0xFFFFFFA0]  }
0xed: {  	v7 =	vld [tilespmem:s2+$0xFFFFFFA0]  }
0xee: {  	v8 =	vld [tilespmem:s25+$0xFFFFFFB0]  }
0xef: {  	v9 =	vld [tilespmem:s2+$0xFFFFFFB0]  }
0xf0: {  	v10 =	vld [tilespmem:s25+$0xFFFFFFC0]  }
0xf1: {  	v11 =	vld [tilespmem:s2+$0xFFFFFFC0]  }
0xf2: {  	v12 =	vld [tilespmem:s25+$0xFFFFFFD0]  }
0xf3: {  	v13 =	vld [tilespmem:s2+$0xFFFFFFD0];
	v5 =	vadd.f32 v5, v4  }
0xf4: {  	v7 =	vadd.f32 v7, v6;
	v4 =	vld [tilespmem:s25+$0xFFFFFFE0]  }
0xf5: {  	v8 =	vadd.f32 v9, v8;
	v6 =	vld [tilespmem:s2+$0xFFFFFFE0];
	[tilespmem:s25+$0x0] =	vst v5  }
0xf6: {  	v9 =	vadd.f32 v11, v10;
	[tilespmem:s25+$0xFFFFFFA0] =	vst v7;
	v5 =	vld [tilespmem:s25+$0xFFFFFFF0]  }
0xf7: {  	[tilespmem:s25+$0xFFFFFFB0] =	vst v8;
	v8 =	vld [tilespmem:s2+$0xFFFFFFF0]  }
0xf8: {  	s11 =	simm.s32 $0x0;
	s8 =	sadd.s32 $0x400, s25;
	v7 =	vld [tilespmem:s25+$0xFFFFFF90];
	[tilespmem:s25+$0xFFFFFFC0] =	vst v9;
	v9 =	vadd.f32 v13, v12  }
.LBB2_7:
0xf9: {  	v10 =	vld [tilespmem:s8+$0x0];
	s2 =	sadd.s32 $0x400, s2  }
0xfa: {  	s11 =	sadd.s32 $0x80, s11;
	v11 =	vld [tilespmem:s2+$0x0];
	[tilespmem:s25+$0xFFFFFFD0] =	vst v9;
	v4 =	vadd.f32 v6, v4  }
0xfb: {  	p0 =	slt.u32 s11, $0x280;
	v6 =	vld [tilespmem:s2+$0xFFFFFF90]  }
0xfc: {  	v9 =	vld [tilespmem:s8+$0xFFFFFFA0];
	[tilespmem:s25+$0xFFFFFFE0] =	vst v4;
	v4 =	vadd.f32 v8, v5  }
0xfd: {  	v5 =	vld [tilespmem:s2+$0xFFFFFFA0];
	v12 =	vadd.f32 v3, v7  }
0xfe: {  	v7 =	vld [tilespmem:s8+$0xFFFFFFB0];
	[tilespmem:s25+$0xFFFFFFF0] =	vst v4  }
0xff: {  	v4 =	vld [tilespmem:s2+$0xFFFFFFB0];
	v8 =	vadd.f32 v11, v10;
	[tilespmem:s25+$0xFFFFFF90] =	vst v12;
	s25 =	smov.u32 s8  }
0x100: {  	v10 =	vld [tilespmem:s8+$0xFFFFFFC0];
	v3 =	vmov v6  }
0x101: {  	v11 =	vld [tilespmem:s2+$0xFFFFFFC0];
	[tilespmem:s8+$0x0] =	vst v8  }
0x102: {  	v5 =	vadd.f32 v5, v9;
	v9 =	vld [tilespmem:s8+$0xFFFFFFD0]  }
0x103: {  	v12 =	vld [tilespmem:s2+$0xFFFFFFD0]  }
.Ltmp2:
0x104: {  	[tilespmem:s8+$0xFFFFFFA0] =	vst v5;
	v5 =	vadd.f32 v4, v7;
	v4 =	vld [tilespmem:s8+$0xFFFFFFE0];
	(pc) =	sbr.rel @p0 .LBB2_7-.Ltmp2, $4  }
0x105: {  	v6 =	vld [tilespmem:s2+$0xFFFFFFE0]  }
0x106: {  	[tilespmem:s8+$0xFFFFFFB0] =	vst v5;
	v10 =	vadd.f32 v11, v10;
	v5 =	vld [tilespmem:s8+$0xFFFFFFF0]  }
0x107: {  	v8 =	vld [tilespmem:s2+$0xFFFFFFF0]  }
0x108: {  	s8 =	sadd.s32 $0x400, s8;
	v7 =	vld [tilespmem:s25+$0xFFFFFF90];
	[tilespmem:s25+$0xFFFFFFC0] =	vst v10;
	v9 =	vadd.f32 v12, v9  }
0x109: {  	s19 =	sadd.s32 $0x1, s19  }
0x10a: {  	p0 =	sne.s32 s19, $0x10  }
.Ltmp3:
0x10b: {  	v4 =	vadd.f32 v6, v4;
	(pc) =	sbr.rel @p0 .LBB2_6-.Ltmp3, $4  }
0x10c: {  	[tilespmem:s25+$0xFFFFFFD0] =	vst v9;
	v5 =	vadd.f32 v8, v5  }
0x10d: {  	[tilespmem:s25+$0xFFFFFFE0] =	vst v4;
	v3 =	vadd.f32 v3, v7  }
0x10e: {  	[tilespmem:s25+$0xFFFFFFF0] =	vst v5  }
0x10f: {  	s23 =	sadd.s32 $0x1, s23;
	[tilespmem:s25+$0xFFFFFF90] =	vst v3  }
0x110: {  	s23 =	simm.s32 $0x0;
	s2 =	rddreg [dreg:$0x8];
	s8 =	simm.s32 $0x9200  }
0x111: {  	[hbm4b:s2+s23] =	stream.linear.scatter [tilespmem:s8], [sflag:$0xD], $0x3000, $0x38;
	[tilespmem:$0x1E200] =	vst v63  }
0x112: {  	v3 =	vld [tilespmem:$0x180];
	_ =	sdelay $0x4  }
0x113: {  	v4 =	vshrl.u32 v3, $0x3  }
0x114: {  	v4 =	vmul.u32 $0x30, v4  }
0x115: {  	v3 =	vand.u32 $0x7, v3  }
0x116: {  	v3 =	vor.u32 v3, v4  }
0x117: {  	v4 =	vperm.xlane v3, v0;
	_ =	sdelay $0x1  }
0x118: {  	v4 =	vadd.s32 v1, v4;
	_ =	sdelay $0x3  }
0x119: {  	v3 =	vperm.xlane v3, v2  }
0x11a: {  	[tilespmem:s9], [sflag:$0x4] =	stream.indirect_vreg.gather [hbm4b:s1+s23], $0x80, v4, vm0, $0xb8;
	[tilespmem:$0x1E200] =	vst v63  }
0x11b: {  	s19 =	simm.s32 $0x18A00;
	v3 =	vadd.s32 v1, v3  }
0x11c: {  	[tilespmem:s19], [sflag:$0x4] =	stream.indirect_vreg.gather [hbm4b:s5+s23], $0x80, v4, vm0, $0xb8;
	[tilespmem:$0x1E200] =	vst v63  }
0x11d: {  	s25 =	simm.s32 $0x19200  }
0x11e: {  	[tilespmem:s25], [sflag:$0x4] =	stream.indirect_vreg.gather [hbm4b:s6+s23], $0x80, v4, vm0, $0xb8;
	[tilespmem:$0x1E200] =	vst v63  }
0x11f: {  	s8 =	simm.s32 $0x19A00  }
0x120: {  	[tilespmem:s8], [sflag:$0x4] =	stream.indirect_vreg.gather [hbm4b:s1+s23], $0x80, v3, vm0, $0xb8;
	[tilespmem:$0x1E200] =	vst v63  }
0x121: {  	s11 =	simm.s32 $0x1A200  }
0x122: {  	[tilespmem:s11], [sflag:$0x4] =	stream.indirect_vreg.gather [hbm4b:s5+s23], $0x80, v3, vm0, $0xb8;
	[tilespmem:$0x1E200] =	vst v63  }
0x123: {  	s19 =	simm.s32 $0x1AA00  }
0x124: {  	[tilespmem:s19], [sflag:$0x4] =	stream.indirect_vreg.gather [hbm4b:s6+s23], $0x80, v3, vm0, $0xb8;
	[tilespmem:$0x1E200] =	vst v63  }
0x125: {  	v3 =	vld [tilespmem:$0x190];
	_ =	sdelay $0x4  }
0x126: {  	v63 =	vshrl.u32 v3, $0x3  }
0x127: {  	v4 =	vmul.u32 $0x30, v63  }
0x128: {  	v3 =	vand.u32 $0x7, v3  }
0x129: {  	v3 =	vor.u32 v3, v4  }
0x12a: {  	v4 =	vperm.xlane v3, v0;
	_ =	sdelay $0x1  }
0x12b: {  	v4 =	vadd.s32 v1, v4;
	_ =	sdelay $0x3  }
0x12c: {  	v3 =	vperm.xlane v3, v2  }
0x12d: {  	[tilespmem:s16], [sflag:$0x8] =	stream.indirect_vreg.gather [hbm4b:s1+s23], $0x80, v4, vm0, $0xb8;
	[tilespmem:$0x1E200] =	vst v63  }
0x12e: {  	s25 =	simm.s32 $0x1BA00;
	v3 =	vadd.s32 v1, v3  }
0x12f: {  	[tilespmem:s25], [sflag:$0x8] =	stream.indirect_vreg.gather [hbm4b:s5+s23], $0x80, v4, vm0, $0xb8;
	[tilespmem:$0x1E200] =	vst v63  }
0x130: {  	s8 =	simm.s32 $0x1C200  }
0x131: {  	[tilespmem:s8], [sflag:$0x8] =	stream.indirect_vreg.gather [hbm4b:s6+s23], $0x80, v4, vm0, $0xb8;
	[tilespmem:$0x1E200] =	vst v63  }
0x132: {  	s11 =	simm.s32 $0x1CA00  }
0x133: {  	[tilespmem:s11], [sflag:$0x8] =	stream.indirect_vreg.gather [hbm4b:s1+s23], $0x80, v3, vm0, $0xb8;
	[tilespmem:$0x1E200] =	vst v63  }
0x134: {  	s19 =	simm.s32 $0x1D200  }
0x135: {  	[tilespmem:s19], [sflag:$0x8] =	stream.indirect_vreg.gather [hbm4b:s5+s23], $0x80, v3, vm0, $0xb8;
	[tilespmem:$0x1E200] =	vst v63  }
0x136: {  	s25 =	simm.s32 $0x1DA00  }
0x137: {  	[tilespmem:s25], [sflag:$0x8] =	stream.indirect_vreg.gather [hbm4b:s6+s23], $0x80, v3, vm0, $0xb8;
	[tilespmem:$0x1E200] =	vst v63  }
0x138: {  	_ =	swait.ge [sflag:s24], $0x3000  }
0x139: {  	[sflag:s24] =	ssyncset.done $0x0  }
0x13a: {  	s19 =	simm.s32 $0x0;
	[sflag:s24] =	ssyncadd.s32 $0xFFFFD000  }
.LBB2_10:
0x13b: {  	s2 =	sshrl.u32 s19, $0x3  }
0x13c: {  	s8 =	sand.u32 $0x7, s23;
	s2 =	smul.u32 $0x6000, s2  }
0x13d: {  	s8 =	sshll.u32 s8, $0x9  }
0x13e: {  	s2 =	sor.u32 s8, s2  }
0x13f: {  	s2 =	sshra.s32 s2, $0x2  }
0x140: {  	s25 =	sadd.s32 $0xC240, s2  }
0x141: {  	s2 =	sadd.s32 $0x240, s2;
	v4 =	vld [tilespmem:s25+$0x30]  }
0x142: {  	v5 =	vld [tilespmem:s2+$0x30]  }
0x143: {  	v3 =	vld [tilespmem:s2+$0xFFFFFFC0]  }
0x144: {  	v6 =	vld [tilespmem:s25+$0xFFFFFFD0]  }
0x145: {  	v7 =	vld [tilespmem:s2+$0xFFFFFFD0]  }
0x146: {  	v8 =	vld [tilespmem:s25+$0xFFFFFFE0]  }
0x147: {  	v9 =	vld [tilespmem:s2+$0xFFFFFFE0]  }
0x148: {  	v10 =	vld [tilespmem:s25+$0xFFFFFFF0]  }
0x149: {  	v11 =	vld [tilespmem:s2+$0xFFFFFFF0]  }
0x14a: {  	v12 =	vld [tilespmem:s25+$0x0]  }
0x14b: {  	v13 =	vld [tilespmem:s2+$0x0];
	v5 =	vadd.f32 v5, v4  }
0x14c: {  	v7 =	vadd.f32 v7, v6;
	v4 =	vld [tilespmem:s25+$0x10]  }
0x14d: {  	v8 =	vadd.f32 v9, v8;
	v6 =	vld [tilespmem:s2+$0x10];
	[tilespmem:s25+$0x30] =	vst v5  }
0x14e: {  	v9 =	vadd.f32 v11, v10;
	[tilespmem:s25+$0xFFFFFFD0] =	vst v7;
	v5 =	vld [tilespmem:s25+$0x20]  }
0x14f: {  	[tilespmem:s25+$0xFFFFFFE0] =	vst v8;
	v8 =	vld [tilespmem:s2+$0x20]  }
0x150: {  	s11 =	simm.s32 $0x0;
	s8 =	sadd.s32 $0x400, s25;
	v7 =	vld [tilespmem:s25+$0xFFFFFFC0];
	[tilespmem:s25+$0xFFFFFFF0] =	vst v9;
	v9 =	vadd.f32 v13, v12  }
.LBB2_11:
0x151: {  	v10 =	vld [tilespmem:s8+$0x30];
	s2 =	sadd.s32 $0x400, s2  }
0x152: {  	s11 =	sadd.s32 $0x80, s11;
	v11 =	vld [tilespmem:s2+$0x30];
	[tilespmem:s25+$0x0] =	vst v9;
	v4 =	vadd.f32 v6, v4  }
0x153: {  	p0 =	slt.u32 s11, $0x280;
	v6 =	vld [tilespmem:s2+$0xFFFFFFC0]  }
0x154: {  	v9 =	vld [tilespmem:s8+$0xFFFFFFD0];
	[tilespmem:s25+$0x10] =	vst v4;
	v4 =	vadd.f32 v8, v5  }
0x155: {  	v5 =	vld [tilespmem:s2+$0xFFFFFFD0];
	v12 =	vadd.f32 v3, v7  }
0x156: {  	v7 =	vld [tilespmem:s8+$0xFFFFFFE0];
	[tilespmem:s25+$0x20] =	vst v4  }
0x157: {  	v4 =	vld [tilespmem:s2+$0xFFFFFFE0];
	v8 =	vadd.f32 v11, v10;
	[tilespmem:s25+$0xFFFFFFC0] =	vst v12;
	s25 =	smov.u32 s8  }
0x158: {  	v10 =	vld [tilespmem:s8+$0xFFFFFFF0];
	v3 =	vmov v6  }
0x159: {  	v11 =	vld [tilespmem:s2+$0xFFFFFFF0];
	[tilespmem:s8+$0x30] =	vst v8  }
0x15a: {  	v5 =	vadd.f32 v5, v9;
	v9 =	vld [tilespmem:s8+$0x0]  }
0x15b: {  	v12 =	vld [tilespmem:s2+$0x0]  }
.Ltmp4:
0x15c: {  	[tilespmem:s8+$0xFFFFFFD0] =	vst v5;
	v5 =	vadd.f32 v4, v7;
	v4 =	vld [tilespmem:s8+$0x10];
	(pc) =	sbr.rel @p0 .LBB2_11-.Ltmp4, $4  }
0x15d: {  	v6 =	vld [tilespmem:s2+$0x10]  }
0x15e: {  	[tilespmem:s8+$0xFFFFFFE0] =	vst v5;
	v10 =	vadd.f32 v11, v10;
	v5 =	vld [tilespmem:s8+$0x20]  }
0x15f: {  	v8 =	vld [tilespmem:s2+$0x20]  }
0x160: {  	s8 =	sadd.s32 $0x400, s8;
	v7 =	vld [tilespmem:s25+$0xFFFFFFC0];
	[tilespmem:s25+$0xFFFFFFF0] =	vst v10;
	v9 =	vadd.f32 v12, v9  }
0x161: {  	s19 =	sadd.s32 $0x1, s19  }
0x162: {  	p0 =	sne.s32 s19, $0x10  }
.Ltmp5:
0x163: {  	v4 =	vadd.f32 v6, v4;
	(pc) =	sbr.rel @p0 .LBB2_10-.Ltmp5, $4  }
0x164: {  	[tilespmem:s25+$0x0] =	vst v9;
	v5 =	vadd.f32 v8, v5  }
0x165: {  	[tilespmem:s25+$0x10] =	vst v4;
	v3 =	vadd.f32 v3, v7  }
0x166: {  	[tilespmem:s25+$0x20] =	vst v5  }
0x167: {  	s23 =	sadd.s32 $0x1, s23;
	[tilespmem:s25+$0xFFFFFFC0] =	vst v3  }
0x168: {  	s23 =	simm.s32 $0x0;
	s2 =	rddreg [dreg:$0x9];
	s8 =	simm.s32 $0xC200  }
0x169: {  	[hbm4b:s2+s23] =	stream.linear.scatter [tilespmem:s8], [sflag:$0xA], $0x3000, $0x38;
	[tilespmem:$0x1E200] =	vst v63  }
0x16a: {  	_ =	swait.ge [sflag:s28], $0x3000  }
0x16b: {  	[sflag:s28] =	ssyncset.done $0x0  }
0x16c: {  	s19 =	simm.s32 $0x0;
	[sflag:s28] =	ssyncadd.s32 $0xFFFFD000  }
.LBB2_14:
0x16d: {  	s2 =	sshrl.u32 s19, $0x3  }
0x16e: {  	s8 =	sand.u32 $0x7, s23;
	s2 =	smul.u32 $0x6000, s2  }
0x16f: {  	s8 =	sshll.u32 s8, $0x9  }
0x170: {  	s2 =	sor.u32 s8, s2  }
0x171: {  	s2 =	sshra.s32 s2, $0x2  }
0x172: {  	s25 =	sadd.s32 $0xF270, s2  }
0x173: {  	s2 =	sadd.s32 $0x3270, s2;
	v4 =	vld [tilespmem:s25+$0x0]  }
0x174: {  	v5 =	vld [tilespmem:s2+$0x0]  }
0x175: {  	v3 =	vld [tilespmem:s2+$0xFFFFFF90]  }
0x176: {  	v6 =	vld [tilespmem:s25+$0xFFFFFFA0]  }
0x177: {  	v7 =	vld [tilespmem:s2+$0xFFFFFFA0]  }
0x178: {  	v8 =	vld [tilespmem:s25+$0xFFFFFFB0]  }
0x179: {  	v9 =	vld [tilespmem:s2+$0xFFFFFFB0]  }
0x17a: {  	v10 =	vld [tilespmem:s25+$0xFFFFFFC0]  }
0x17b: {  	v11 =	vld [tilespmem:s2+$0xFFFFFFC0]  }
0x17c: {  	v12 =	vld [tilespmem:s25+$0xFFFFFFD0]  }
0x17d: {  	v13 =	vld [tilespmem:s2+$0xFFFFFFD0];
	v5 =	vadd.f32 v5, v4  }
0x17e: {  	v7 =	vadd.f32 v7, v6;
	v4 =	vld [tilespmem:s25+$0xFFFFFFE0]  }
0x17f: {  	v8 =	vadd.f32 v9, v8;
	v6 =	vld [tilespmem:s2+$0xFFFFFFE0];
	[tilespmem:s25+$0x0] =	vst v5  }
0x180: {  	v9 =	vadd.f32 v11, v10;
	[tilespmem:s25+$0xFFFFFFA0] =	vst v7;
	v5 =	vld [tilespmem:s25+$0xFFFFFFF0]  }
0x181: {  	[tilespmem:s25+$0xFFFFFFB0] =	vst v8;
	v8 =	vld [tilespmem:s2+$0xFFFFFFF0]  }
0x182: {  	s11 =	simm.s32 $0x0;
	s8 =	sadd.s32 $0x400, s25;
	v7 =	vld [tilespmem:s25+$0xFFFFFF90];
	[tilespmem:s25+$0xFFFFFFC0] =	vst v9;
	v9 =	vadd.f32 v13, v12  }
.LBB2_15:
0x183: {  	v10 =	vld [tilespmem:s8+$0x0];
	s2 =	sadd.s32 $0x400, s2  }
0x184: {  	s11 =	sadd.s32 $0x80, s11;
	v11 =	vld [tilespmem:s2+$0x0];
	[tilespmem:s25+$0xFFFFFFD0] =	vst v9;
	v4 =	vadd.f32 v6, v4  }
0x185: {  	p0 =	slt.u32 s11, $0x280;
	v6 =	vld [tilespmem:s2+$0xFFFFFF90]  }
0x186: {  	v9 =	vld [tilespmem:s8+$0xFFFFFFA0];
	[tilespmem:s25+$0xFFFFFFE0] =	vst v4;
	v4 =	vadd.f32 v8, v5  }
0x187: {  	v5 =	vld [tilespmem:s2+$0xFFFFFFA0];
	v12 =	vadd.f32 v3, v7  }
0x188: {  	v7 =	vld [tilespmem:s8+$0xFFFFFFB0];
	[tilespmem:s25+$0xFFFFFFF0] =	vst v4  }
0x189: {  	v4 =	vld [tilespmem:s2+$0xFFFFFFB0];
	v8 =	vadd.f32 v11, v10;
	[tilespmem:s25+$0xFFFFFF90] =	vst v12;
	s25 =	smov.u32 s8  }
0x18a: {  	v10 =	vld [tilespmem:s8+$0xFFFFFFC0];
	v3 =	vmov v6  }
0x18b: {  	v11 =	vld [tilespmem:s2+$0xFFFFFFC0];
	[tilespmem:s8+$0x0] =	vst v8  }
0x18c: {  	v5 =	vadd.f32 v5, v9;
	v9 =	vld [tilespmem:s8+$0xFFFFFFD0]  }
0x18d: {  	v12 =	vld [tilespmem:s2+$0xFFFFFFD0]  }
.Ltmp6:
0x18e: {  	[tilespmem:s8+$0xFFFFFFA0] =	vst v5;
	v5 =	vadd.f32 v4, v7;
	v4 =	vld [tilespmem:s8+$0xFFFFFFE0];
	(pc) =	sbr.rel @p0 .LBB2_15-.Ltmp6, $4  }
0x18f: {  	v6 =	vld [tilespmem:s2+$0xFFFFFFE0]  }
0x190: {  	[tilespmem:s8+$0xFFFFFFB0] =	vst v5;
	v10 =	vadd.f32 v11, v10;
	v5 =	vld [tilespmem:s8+$0xFFFFFFF0]  }
0x191: {  	v8 =	vld [tilespmem:s2+$0xFFFFFFF0]  }
0x192: {  	s8 =	sadd.s32 $0x400, s8;
	v7 =	vld [tilespmem:s25+$0xFFFFFF90];
	[tilespmem:s25+$0xFFFFFFC0] =	vst v10;
	v9 =	vadd.f32 v12, v9  }
0x193: {  	s19 =	sadd.s32 $0x1, s19  }
0x194: {  	p0 =	sne.s32 s19, $0x10  }
.Ltmp7:
0x195: {  	v4 =	vadd.f32 v6, v4;
	(pc) =	sbr.rel @p0 .LBB2_14-.Ltmp7, $4  }
0x196: {  	[tilespmem:s25+$0xFFFFFFD0] =	vst v9;
	v5 =	vadd.f32 v8, v5  }
0x197: {  	[tilespmem:s25+$0xFFFFFFE0] =	vst v4;
	v3 =	vadd.f32 v3, v7  }
0x198: {  	[tilespmem:s25+$0xFFFFFFF0] =	vst v5  }
0x199: {  	s23 =	sadd.s32 $0x1, s23;
	[tilespmem:s25+$0xFFFFFF90] =	vst v3  }
0x19a: {  	s23 =	simm.s32 $0x0;
	s2 =	rddreg [dreg:$0xa];
	s8 =	simm.s32 $0xF200  }
0x19b: {  	[hbm4b:s2+s23] =	stream.linear.scatter [tilespmem:s8], [sflag:$0xE], $0x3000, $0x38;
	[tilespmem:$0x1E200] =	vst v63  }
0x19c: {  	_ =	swait.ge [sflag:s29], $0x3000  }
0x19d: {  	[sflag:s29] =	ssyncset.done $0x0  }
0x19e: {  	[sflag:s29] =	ssyncadd.s32 $0xFFFFD000  }
0x19f: {  	_ =	swait.ge [sflag:s30], $0x3000  }
0x1a0: {  	[sflag:s30] =	ssyncset.done $0x0  }
0x1a1: {  	[sflag:s30] =	ssyncadd.s32 $0xFFFFD000  }
0x1a2: {  	v3 =	vld [tilespmem:$0x20];
	_ =	sdelay $0x4  }
0x1a3: {  	v4 =	vshrl.u32 v3, $0x3  }
0x1a4: {  	v4 =	vmul.u32 $0x30, v4  }
0x1a5: {  	v3 =	vand.u32 $0x7, v3  }
0x1a6: {  	v3 =	vor.u32 v3, v4  }
0x1a7: {  	v4 =	vperm.xlane v3, v0;
	_ =	sdelay $0x1  }
0x1a8: {  	v4 =	vadd.s32 v1, v4;
	_ =	sdelay $0x3  }
0x1a9: {  	s8 =	simm.s32 $0x6200;
	v3 =	vperm.xlane v3, v2  }
0x1aa: {  	[tilespmem:s8], [sflag:$0x1] =	stream.indirect_vreg.gather [hbm4b:s1+s23], $0x80, v4, vm0, $0xb8;
	[tilespmem:$0x1E200] =	vst v63  }
0x1ab: {  	s11 =	simm.s32 $0x6A00;
	v3 =	vadd.s32 v1, v3  }
0x1ac: {  	[tilespmem:s11], [sflag:$0x1] =	stream.indirect_vreg.gather [hbm4b:s5+s23], $0x80, v4, vm0, $0xb8;
	[tilespmem:$0x1E200] =	vst v63  }
0x1ad: {  	s19 =	simm.s32 $0x7200  }
0x1ae: {  	[tilespmem:s19], [sflag:$0x1] =	stream.indirect_vreg.gather [hbm4b:s6+s23], $0x80, v4, vm0, $0xb8;
	[tilespmem:$0x1E200] =	vst v63  }
0x1af: {  	s25 =	simm.s32 $0x7A00  }
0x1b0: {  	[tilespmem:s25], [sflag:$0x1] =	stream.indirect_vreg.gather [hbm4b:s1+s23], $0x80, v3, vm0, $0xb8;
	[tilespmem:$0x1E200] =	vst v63  }
0x1b1: {  	s8 =	simm.s32 $0x8200  }
0x1b2: {  	[tilespmem:s8], [sflag:$0x1] =	stream.indirect_vreg.gather [hbm4b:s5+s23], $0x80, v3, vm0, $0xb8;
	[tilespmem:$0x1E200] =	vst v63  }
0x1b3: {  	s11 =	simm.s32 $0x8A00  }
0x1b4: {  	[tilespmem:s11], [sflag:$0x1] =	stream.indirect_vreg.gather [hbm4b:s6+s23], $0x80, v3, vm0, $0xb8;
	[tilespmem:$0x1E200] =	vst v63  }
0x1b5: {  	v3 =	vld [tilespmem:$0x30];
	_ =	sdelay $0x4  }
0x1b6: {  	v63 =	vshrl.u32 v3, $0x3  }
0x1b7: {  	v4 =	vmul.u32 $0x30, v63  }
0x1b8: {  	v3 =	vand.u32 $0x7, v3  }
0x1b9: {  	v3 =	vor.u32 v3, v4  }
0x1ba: {  	v4 =	vperm.xlane v3, v0;
	_ =	sdelay $0x1  }
0x1bb: {  	v4 =	vadd.s32 v1, v4;
	_ =	sdelay $0x3  }
0x1bc: {  	s19 =	simm.s32 $0x9200;
	v3 =	vperm.xlane v3, v2  }
0x1bd: {  	[tilespmem:s19], [sflag:$0x5] =	stream.indirect_vreg.gather [hbm4b:s1+s23], $0x80, v4, vm0, $0xb8;
	[tilespmem:$0x1E200] =	vst v63  }
0x1be: {  	s25 =	simm.s32 $0x9A00;
	v3 =	vadd.s32 v1, v3  }
0x1bf: {  	[tilespmem:s25], [sflag:$0x5] =	stream.indirect_vreg.gather [hbm4b:s5+s23], $0x80, v4, vm0, $0xb8;
	[tilespmem:$0x1E200] =	vst v63  }
0x1c0: {  	s8 =	simm.s32 $0xA200  }
0x1c1: {  	[tilespmem:s8], [sflag:$0x5] =	stream.indirect_vreg.gather [hbm4b:s6+s23], $0x80, v4, vm0, $0xb8;
	[tilespmem:$0x1E200] =	vst v63  }
0x1c2: {  	s11 =	simm.s32 $0xAA00  }
0x1c3: {  	[tilespmem:s11], [sflag:$0x5] =	stream.indirect_vreg.gather [hbm4b:s1+s23], $0x80, v3, vm0, $0xb8;
	[tilespmem:$0x1E200] =	vst v63  }
0x1c4: {  	s19 =	simm.s32 $0xB200  }
0x1c5: {  	[tilespmem:s19], [sflag:$0x5] =	stream.indirect_vreg.gather [hbm4b:s5+s23], $0x80, v3, vm0, $0xb8;
	[tilespmem:$0x1E200] =	vst v63  }
0x1c6: {  	s25 =	simm.s32 $0xBA00  }
0x1c7: {  	[tilespmem:s25], [sflag:$0x5] =	stream.indirect_vreg.gather [hbm4b:s6+s23], $0x80, v3, vm0, $0xb8;
	[tilespmem:$0x1E200] =	vst v63  }
0x1c8: {  	_ =	swait.ge [sflag:s31], $0x3000  }
0x1c9: {  	[sflag:s31] =	ssyncset.done $0x0  }
0x1ca: {  	s19 =	simm.s32 $0x0;
	[sflag:s31] =	ssyncadd.s32 $0xFFFFD000  }
.LBB2_18:
0x1cb: {  	s2 =	sshrl.u32 s19, $0x3  }
0x1cc: {  	s8 =	sand.u32 $0x7, s23;
	s2 =	smul.u32 $0x6000, s2  }
0x1cd: {  	s8 =	sshll.u32 s8, $0x9  }
0x1ce: {  	s2 =	sor.u32 s8, s2  }
0x1cf: {  	s2 =	sshra.s32 s2, $0x2  }
0x1d0: {  	s25 =	sadd.s32 $0x12240, s2  }
0x1d1: {  	s2 =	sadd.s32 $0x240, s2;
	v4 =	vld [tilespmem:s25+$0x30]  }
0x1d2: {  	v5 =	vld [tilespmem:s2+$0x30]  }
0x1d3: {  	v3 =	vld [tilespmem:s2+$0xFFFFFFC0]  }
0x1d4: {  	v6 =	vld [tilespmem:s25+$0xFFFFFFD0]  }
0x1d5: {  	v7 =	vld [tilespmem:s2+$0xFFFFFFD0]  }
0x1d6: {  	v8 =	vld [tilespmem:s25+$0xFFFFFFE0]  }
0x1d7: {  	v9 =	vld [tilespmem:s2+$0xFFFFFFE0]  }
0x1d8: {  	v10 =	vld [tilespmem:s25+$0xFFFFFFF0]  }
0x1d9: {  	v11 =	vld [tilespmem:s2+$0xFFFFFFF0]  }
0x1da: {  	v12 =	vld [tilespmem:s25+$0x0]  }
0x1db: {  	v13 =	vld [tilespmem:s2+$0x0];
	v5 =	vadd.f32 v5, v4  }
0x1dc: {  	v7 =	vadd.f32 v7, v6;
	v4 =	vld [tilespmem:s25+$0x10]  }
0x1dd: {  	v8 =	vadd.f32 v9, v8;
	v6 =	vld [tilespmem:s2+$0x10];
	[tilespmem:s25+$0x30] =	vst v5  }
0x1de: {  	v9 =	vadd.f32 v11, v10;
	[tilespmem:s25+$0xFFFFFFD0] =	vst v7;
	v5 =	vld [tilespmem:s25+$0x20]  }
0x1df: {  	[tilespmem:s25+$0xFFFFFFE0] =	vst v8;
	v8 =	vld [tilespmem:s2+$0x20]  }
0x1e0: {  	s11 =	simm.s32 $0x0;
	s8 =	sadd.s32 $0x400, s25;
	v7 =	vld [tilespmem:s25+$0xFFFFFFC0];
	[tilespmem:s25+$0xFFFFFFF0] =	vst v9;
	v9 =	vadd.f32 v13, v12  }
.LBB2_19:
0x1e1: {  	v10 =	vld [tilespmem:s8+$0x30];
	s2 =	sadd.s32 $0x400, s2  }
0x1e2: {  	s11 =	sadd.s32 $0x80, s11;
	v11 =	vld [tilespmem:s2+$0x30];
	[tilespmem:s25+$0x0] =	vst v9;
	v4 =	vadd.f32 v6, v4  }
0x1e3: {  	p0 =	slt.u32 s11, $0x280;
	v6 =	vld [tilespmem:s2+$0xFFFFFFC0]  }
0x1e4: {  	v9 =	vld [tilespmem:s8+$0xFFFFFFD0];
	[tilespmem:s25+$0x10] =	vst v4;
	v4 =	vadd.f32 v8, v5  }
0x1e5: {  	v5 =	vld [tilespmem:s2+$0xFFFFFFD0];
	v12 =	vadd.f32 v3, v7  }
0x1e6: {  	v7 =	vld [tilespmem:s8+$0xFFFFFFE0];
	[tilespmem:s25+$0x20] =	vst v4  }
0x1e7: {  	v4 =	vld [tilespmem:s2+$0xFFFFFFE0];
	v8 =	vadd.f32 v11, v10;
	[tilespmem:s25+$0xFFFFFFC0] =	vst v12;
	s25 =	smov.u32 s8  }
0x1e8: {  	v10 =	vld [tilespmem:s8+$0xFFFFFFF0];
	v3 =	vmov v6  }
0x1e9: {  	v11 =	vld [tilespmem:s2+$0xFFFFFFF0];
	[tilespmem:s8+$0x30] =	vst v8  }
0x1ea: {  	v5 =	vadd.f32 v5, v9;
	v9 =	vld [tilespmem:s8+$0x0]  }
0x1eb: {  	v12 =	vld [tilespmem:s2+$0x0]  }
.Ltmp8:
0x1ec: {  	[tilespmem:s8+$0xFFFFFFD0] =	vst v5;
	v5 =	vadd.f32 v4, v7;
	v4 =	vld [tilespmem:s8+$0x10];
	(pc) =	sbr.rel @p0 .LBB2_19-.Ltmp8, $4  }
0x1ed: {  	v6 =	vld [tilespmem:s2+$0x10]  }
0x1ee: {  	[tilespmem:s8+$0xFFFFFFE0] =	vst v5;
	v10 =	vadd.f32 v11, v10;
	v5 =	vld [tilespmem:s8+$0x20]  }
0x1ef: {  	v8 =	vld [tilespmem:s2+$0x20]  }
0x1f0: {  	s8 =	sadd.s32 $0x400, s8;
	v7 =	vld [tilespmem:s25+$0xFFFFFFC0];
	[tilespmem:s25+$0xFFFFFFF0] =	vst v10;
	v9 =	vadd.f32 v12, v9  }
0x1f1: {  	s19 =	sadd.s32 $0x1, s19  }
0x1f2: {  	p0 =	sne.s32 s19, $0x10  }
.Ltmp9:
0x1f3: {  	v4 =	vadd.f32 v6, v4;
	(pc) =	sbr.rel @p0 .LBB2_18-.Ltmp9, $4  }
0x1f4: {  	[tilespmem:s25+$0x0] =	vst v9;
	v5 =	vadd.f32 v8, v5  }
0x1f5: {  	[tilespmem:s25+$0x10] =	vst v4;
	v3 =	vadd.f32 v3, v7  }
0x1f6: {  	[tilespmem:s25+$0x20] =	vst v5  }
0x1f7: {  	s23 =	sadd.s32 $0x1, s23;
	[tilespmem:s25+$0xFFFFFFC0] =	vst v3  }
0x1f8: {  	s23 =	simm.s32 $0x0;
	s2 =	rddreg [dreg:$0xb];
	s8 =	simm.s32 $0x12200  }
0x1f9: {  	[hbm4b:s2+s23] =	stream.linear.scatter [tilespmem:s8], [sflag:$0xB], $0x3000, $0x38;
	[tilespmem:$0x1E200] =	vst v63  }
0x1fa: {  	_ =	swait.ge [sflag:s0], $0x3000  }
0x1fb: {  	[sflag:s0] =	ssyncset.done $0x0  }
0x1fc: {  	s19 =	simm.s32 $0x0;
	[sflag:s0] =	ssyncadd.s32 $0xFFFFD000  }
.LBB2_22:
0x1fd: {  	s2 =	sshrl.u32 s19, $0x3  }
0x1fe: {  	s8 =	sand.u32 $0x7, s23;
	s2 =	smul.u32 $0x6000, s2  }
0x1ff: {  	s8 =	sshll.u32 s8, $0x9  }
0x200: {  	s2 =	sor.u32 s8, s2  }
0x201: {  	s2 =	sshra.s32 s2, $0x2  }
0x202: {  	s25 =	sadd.s32 $0x15270, s2  }
0x203: {  	s2 =	sadd.s32 $0x3270, s2;
	v4 =	vld [tilespmem:s25+$0x0]  }
0x204: {  	v5 =	vld [tilespmem:s2+$0x0]  }
0x205: {  	v3 =	vld [tilespmem:s2+$0xFFFFFF90]  }
0x206: {  	v6 =	vld [tilespmem:s25+$0xFFFFFFA0]  }
0x207: {  	v7 =	vld [tilespmem:s2+$0xFFFFFFA0]  }
0x208: {  	v8 =	vld [tilespmem:s25+$0xFFFFFFB0]  }
0x209: {  	v9 =	vld [tilespmem:s2+$0xFFFFFFB0]  }
0x20a: {  	v10 =	vld [tilespmem:s25+$0xFFFFFFC0]  }
0x20b: {  	v11 =	vld [tilespmem:s2+$0xFFFFFFC0]  }
0x20c: {  	v12 =	vld [tilespmem:s25+$0xFFFFFFD0]  }
0x20d: {  	v13 =	vld [tilespmem:s2+$0xFFFFFFD0];
	v5 =	vadd.f32 v5, v4  }
0x20e: {  	v7 =	vadd.f32 v7, v6;
	v4 =	vld [tilespmem:s25+$0xFFFFFFE0]  }
0x20f: {  	v8 =	vadd.f32 v9, v8;
	v6 =	vld [tilespmem:s2+$0xFFFFFFE0];
	[tilespmem:s25+$0x0] =	vst v5  }
0x210: {  	v9 =	vadd.f32 v11, v10;
	[tilespmem:s25+$0xFFFFFFA0] =	vst v7;
	v5 =	vld [tilespmem:s25+$0xFFFFFFF0]  }
0x211: {  	[tilespmem:s25+$0xFFFFFFB0] =	vst v8;
	v8 =	vld [tilespmem:s2+$0xFFFFFFF0]  }
0x212: {  	s11 =	simm.s32 $0x0;
	s8 =	sadd.s32 $0x400, s25;
	v7 =	vld [tilespmem:s25+$0xFFFFFF90];
	[tilespmem:s25+$0xFFFFFFC0] =	vst v9;
	v9 =	vadd.f32 v13, v12  }
.LBB2_23:
0x213: {  	v10 =	vld [tilespmem:s8+$0x0];
	s2 =	sadd.s32 $0x400, s2  }
0x214: {  	s11 =	sadd.s32 $0x80, s11;
	v11 =	vld [tilespmem:s2+$0x0];
	[tilespmem:s25+$0xFFFFFFD0] =	vst v9;
	v4 =	vadd.f32 v6, v4  }
0x215: {  	p0 =	slt.u32 s11, $0x280;
	v6 =	vld [tilespmem:s2+$0xFFFFFF90]  }
0x216: {  	v9 =	vld [tilespmem:s8+$0xFFFFFFA0];
	[tilespmem:s25+$0xFFFFFFE0] =	vst v4;
	v4 =	vadd.f32 v8, v5  }
0x217: {  	v5 =	vld [tilespmem:s2+$0xFFFFFFA0];
	v12 =	vadd.f32 v3, v7  }
0x218: {  	v7 =	vld [tilespmem:s8+$0xFFFFFFB0];
	[tilespmem:s25+$0xFFFFFFF0] =	vst v4  }
0x219: {  	v4 =	vld [tilespmem:s2+$0xFFFFFFB0];
	v8 =	vadd.f32 v11, v10;
	[tilespmem:s25+$0xFFFFFF90] =	vst v12;
	s25 =	smov.u32 s8  }
0x21a: {  	v10 =	vld [tilespmem:s8+$0xFFFFFFC0];
	v3 =	vmov v6  }
0x21b: {  	v11 =	vld [tilespmem:s2+$0xFFFFFFC0];
	[tilespmem:s8+$0x0] =	vst v8  }
0x21c: {  	v5 =	vadd.f32 v5, v9;
	v9 =	vld [tilespmem:s8+$0xFFFFFFD0]  }
0x21d: {  	v12 =	vld [tilespmem:s2+$0xFFFFFFD0]  }
.Ltmp10:
0x21e: {  	[tilespmem:s8+$0xFFFFFFA0] =	vst v5;
	v5 =	vadd.f32 v4, v7;
	v4 =	vld [tilespmem:s8+$0xFFFFFFE0];
	(pc) =	sbr.rel @p0 .LBB2_23-.Ltmp10, $4  }
0x21f: {  	v6 =	vld [tilespmem:s2+$0xFFFFFFE0]  }
0x220: {  	[tilespmem:s8+$0xFFFFFFB0] =	vst v5;
	v10 =	vadd.f32 v11, v10;
	v5 =	vld [tilespmem:s8+$0xFFFFFFF0]  }
0x221: {  	v8 =	vld [tilespmem:s2+$0xFFFFFFF0]  }
0x222: {  	s8 =	sadd.s32 $0x400, s8;
	v7 =	vld [tilespmem:s25+$0xFFFFFF90];
	[tilespmem:s25+$0xFFFFFFC0] =	vst v10;
	v9 =	vadd.f32 v12, v9  }
0x223: {  	s19 =	sadd.s32 $0x1, s19  }
0x224: {  	p0 =	sne.s32 s19, $0x10  }
.Ltmp11:
0x225: {  	v4 =	vadd.f32 v6, v4;
	(pc) =	sbr.rel @p0 .LBB2_22-.Ltmp11, $4  }
0x226: {  	[tilespmem:s25+$0xFFFFFFD0] =	vst v9;
	v5 =	vadd.f32 v8, v5  }
0x227: {  	[tilespmem:s25+$0xFFFFFFE0] =	vst v4;
	v3 =	vadd.f32 v3, v7  }
0x228: {  	[tilespmem:s25+$0xFFFFFFF0] =	vst v5  }
0x229: {  	s23 =	sadd.s32 $0x1, s23;
	[tilespmem:s25+$0xFFFFFF90] =	vst v3  }
0x22a: {  	s23 =	simm.s32 $0x0;
	s2 =	rddreg [dreg:$0xc]  }
0x22b: {  	[hbm4b:s2+s23] =	stream.linear.scatter [tilespmem:s26], [sflag:$0xF], $0x3000, $0x38;
	[tilespmem:$0x1E200] =	vst v63  }
0x22c: {  	_ =	swait.ge [sflag:s10], $0x3000  }
0x22d: {  	[sflag:s10] =	ssyncset.done $0x0  }
0x22e: {  	[sflag:s10] =	ssyncadd.s32 $0xFFFFD000  }
0x22f: {  	_ =	swait.ge [sflag:s12], $0x3000  }
0x230: {  	[sflag:s12] =	ssyncset.done $0x0  }
0x231: {  	[sflag:s12] =	ssyncadd.s32 $0xFFFFD000  }
0x232: {  	v3 =	vld [tilespmem:$0xA0];
	_ =	sdelay $0x4  }
0x233: {  	v4 =	vshrl.u32 v3, $0x3  }
0x234: {  	v4 =	vmul.u32 $0x30, v4  }
0x235: {  	v3 =	vand.u32 $0x7, v3  }
0x236: {  	v3 =	vor.u32 v3, v4  }
0x237: {  	v4 =	vperm.xlane v3, v0;
	_ =	sdelay $0x1  }
0x238: {  	v4 =	vadd.s32 v1, v4;
	_ =	sdelay $0x3  }
0x239: {  	s8 =	simm.s32 $0xC200;
	v3 =	vperm.xlane v3, v2  }
0x23a: {  	[tilespmem:s8], [sflag:$0x2] =	stream.indirect_vreg.gather [hbm4b:s1+s23], $0x80, v4, vm0, $0xb8;
	[tilespmem:$0x1E200] =	vst v63  }
0x23b: {  	s11 =	simm.s32 $0xCA00;
	v3 =	vadd.s32 v1, v3  }
0x23c: {  	[tilespmem:s11], [sflag:$0x2] =	stream.indirect_vreg.gather [hbm4b:s5+s23], $0x80, v4, vm0, $0xb8;
	[tilespmem:$0x1E200] =	vst v63  }
0x23d: {  	s19 =	simm.s32 $0xD200  }
0x23e: {  	[tilespmem:s19], [sflag:$0x2] =	stream.indirect_vreg.gather [hbm4b:s6+s23], $0x80, v4, vm0, $0xb8;
	[tilespmem:$0x1E200] =	vst v63  }
0x23f: {  	s25 =	simm.s32 $0xDA00  }
0x240: {  	[tilespmem:s25], [sflag:$0x2] =	stream.indirect_vreg.gather [hbm4b:s1+s23], $0x80, v3, vm0, $0xb8;
	[tilespmem:$0x1E200] =	vst v63  }
0x241: {  	s8 =	simm.s32 $0xE200  }
0x242: {  	[tilespmem:s8], [sflag:$0x2] =	stream.indirect_vreg.gather [hbm4b:s5+s23], $0x80, v3, vm0, $0xb8;
	[tilespmem:$0x1E200] =	vst v63  }
0x243: {  	s11 =	simm.s32 $0xEA00  }
0x244: {  	[tilespmem:s11], [sflag:$0x2] =	stream.indirect_vreg.gather [hbm4b:s6+s23], $0x80, v3, vm0, $0xb8;
	[tilespmem:$0x1E200] =	vst v63  }
0x245: {  	v3 =	vld [tilespmem:$0xB0];
	_ =	sdelay $0x4  }
0x246: {  	v63 =	vshrl.u32 v3, $0x3  }
0x247: {  	v4 =	vmul.u32 $0x30, v63  }
0x248: {  	v3 =	vand.u32 $0x7, v3  }
0x249: {  	v3 =	vor.u32 v3, v4  }
0x24a: {  	v4 =	vperm.xlane v3, v0;
	_ =	sdelay $0x1  }
0x24b: {  	v4 =	vadd.s32 v1, v4;
	_ =	sdelay $0x3  }
0x24c: {  	s19 =	simm.s32 $0xF200;
	v3 =	vperm.xlane v3, v2  }
0x24d: {  	[tilespmem:s19], [sflag:$0x6] =	stream.indirect_vreg.gather [hbm4b:s1+s23], $0x80, v4, vm0, $0xb8;
	[tilespmem:$0x1E200] =	vst v63  }
0x24e: {  	s25 =	simm.s32 $0xFA00;
	v3 =	vadd.s32 v1, v3  }
0x24f: {  	[tilespmem:s25], [sflag:$0x6] =	stream.indirect_vreg.gather [hbm4b:s5+s23], $0x80, v4, vm0, $0xb8;
	[tilespmem:$0x1E200] =	vst v63  }
0x250: {  	s8 =	simm.s32 $0x10200  }
0x251: {  	[tilespmem:s8], [sflag:$0x6] =	stream.indirect_vreg.gather [hbm4b:s6+s23], $0x80, v4, vm0, $0xb8;
	[tilespmem:$0x1E200] =	vst v63  }
0x252: {  	s11 =	simm.s32 $0x10A00  }
0x253: {  	[tilespmem:s11], [sflag:$0x6] =	stream.indirect_vreg.gather [hbm4b:s1+s23], $0x80, v3, vm0, $0xb8;
	[tilespmem:$0x1E200] =	vst v63  }
0x254: {  	s19 =	simm.s32 $0x11200  }
0x255: {  	[tilespmem:s19], [sflag:$0x6] =	stream.indirect_vreg.gather [hbm4b:s5+s23], $0x80, v3, vm0, $0xb8;
	[tilespmem:$0x1E200] =	vst v63  }
0x256: {  	s25 =	simm.s32 $0x11A00  }
0x257: {  	[tilespmem:s25], [sflag:$0x6] =	stream.indirect_vreg.gather [hbm4b:s6+s23], $0x80, v3, vm0, $0xb8;
	[tilespmem:$0x1E200] =	vst v63  }
0x258: {  	_ =	swait.ge [sflag:s13], $0x3000  }
0x259: {  	[sflag:s13] =	ssyncset.done $0x0  }
0x25a: {  	s19 =	simm.s32 $0x0;
	[sflag:s13] =	ssyncadd.s32 $0xFFFFD000  }
.LBB2_26:
0x25b: {  	s2 =	sshrl.u32 s19, $0x3  }
0x25c: {  	s8 =	sand.u32 $0x7, s23;
	s2 =	smul.u32 $0x6000, s2  }
0x25d: {  	s8 =	sshll.u32 s8, $0x9  }
0x25e: {  	s2 =	sor.u32 s8, s2  }
0x25f: {  	s2 =	sshra.s32 s2, $0x2  }
0x260: {  	s25 =	sadd.s32 $0x18240, s2  }
0x261: {  	s2 =	sadd.s32 $0x240, s2;
	v4 =	vld [tilespmem:s25+$0x30]  }
0x262: {  	v5 =	vld [tilespmem:s2+$0x30]  }
0x263: {  	v3 =	vld [tilespmem:s2+$0xFFFFFFC0]  }
0x264: {  	v6 =	vld [tilespmem:s25+$0xFFFFFFD0]  }
0x265: {  	v7 =	vld [tilespmem:s2+$0xFFFFFFD0]  }
0x266: {  	v8 =	vld [tilespmem:s25+$0xFFFFFFE0]  }
0x267: {  	v9 =	vld [tilespmem:s2+$0xFFFFFFE0]  }
0x268: {  	v10 =	vld [tilespmem:s25+$0xFFFFFFF0]  }
0x269: {  	v11 =	vld [tilespmem:s2+$0xFFFFFFF0]  }
0x26a: {  	v12 =	vld [tilespmem:s25+$0x0]  }
0x26b: {  	v13 =	vld [tilespmem:s2+$0x0];
	v5 =	vadd.f32 v5, v4  }
0x26c: {  	v7 =	vadd.f32 v7, v6;
	v4 =	vld [tilespmem:s25+$0x10]  }
0x26d: {  	v8 =	vadd.f32 v9, v8;
	v6 =	vld [tilespmem:s2+$0x10];
	[tilespmem:s25+$0x30] =	vst v5  }
0x26e: {  	v9 =	vadd.f32 v11, v10;
	[tilespmem:s25+$0xFFFFFFD0] =	vst v7;
	v5 =	vld [tilespmem:s25+$0x20]  }
0x26f: {  	[tilespmem:s25+$0xFFFFFFE0] =	vst v8;
	v8 =	vld [tilespmem:s2+$0x20]  }
0x270: {  	s11 =	simm.s32 $0x0;
	s8 =	sadd.s32 $0x400, s25;
	v7 =	vld [tilespmem:s25+$0xFFFFFFC0];
	[tilespmem:s25+$0xFFFFFFF0] =	vst v9;
	v9 =	vadd.f32 v13, v12  }
.LBB2_27:
0x271: {  	v10 =	vld [tilespmem:s8+$0x30];
	s2 =	sadd.s32 $0x400, s2  }
0x272: {  	s11 =	sadd.s32 $0x80, s11;
	v11 =	vld [tilespmem:s2+$0x30];
	[tilespmem:s25+$0x0] =	vst v9;
	v4 =	vadd.f32 v6, v4  }
0x273: {  	p0 =	slt.u32 s11, $0x280;
	v6 =	vld [tilespmem:s2+$0xFFFFFFC0]  }
0x274: {  	v9 =	vld [tilespmem:s8+$0xFFFFFFD0];
	[tilespmem:s25+$0x10] =	vst v4;
	v4 =	vadd.f32 v8, v5  }
0x275: {  	v5 =	vld [tilespmem:s2+$0xFFFFFFD0];
	v12 =	vadd.f32 v3, v7  }
0x276: {  	v7 =	vld [tilespmem:s8+$0xFFFFFFE0];
	[tilespmem:s25+$0x20] =	vst v4  }
0x277: {  	v4 =	vld [tilespmem:s2+$0xFFFFFFE0];
	v8 =	vadd.f32 v11, v10;
	[tilespmem:s25+$0xFFFFFFC0] =	vst v12;
	s25 =	smov.u32 s8  }
0x278: {  	v10 =	vld [tilespmem:s8+$0xFFFFFFF0];
	v3 =	vmov v6  }
0x279: {  	v11 =	vld [tilespmem:s2+$0xFFFFFFF0];
	[tilespmem:s8+$0x30] =	vst v8  }
0x27a: {  	v5 =	vadd.f32 v5, v9;
	v9 =	vld [tilespmem:s8+$0x0]  }
0x27b: {  	v12 =	vld [tilespmem:s2+$0x0]  }
.Ltmp12:
0x27c: {  	[tilespmem:s8+$0xFFFFFFD0] =	vst v5;
	v5 =	vadd.f32 v4, v7;
	v4 =	vld [tilespmem:s8+$0x10];
	(pc) =	sbr.rel @p0 .LBB2_27-.Ltmp12, $4  }
0x27d: {  	v6 =	vld [tilespmem:s2+$0x10]  }
0x27e: {  	[tilespmem:s8+$0xFFFFFFE0] =	vst v5;
	v10 =	vadd.f32 v11, v10;
	v5 =	vld [tilespmem:s8+$0x20]  }
0x27f: {  	v8 =	vld [tilespmem:s2+$0x20]  }
0x280: {  	s8 =	sadd.s32 $0x400, s8;
	v7 =	vld [tilespmem:s25+$0xFFFFFFC0];
	[tilespmem:s25+$0xFFFFFFF0] =	vst v10;
	v9 =	vadd.f32 v12, v9  }
0x281: {  	s19 =	sadd.s32 $0x1, s19  }
0x282: {  	p0 =	sne.s32 s19, $0x10  }
.Ltmp13:
0x283: {  	v4 =	vadd.f32 v6, v4;
	(pc) =	sbr.rel @p0 .LBB2_26-.Ltmp13, $4  }
0x284: {  	[tilespmem:s25+$0x0] =	vst v9;
	v5 =	vadd.f32 v8, v5  }
0x285: {  	[tilespmem:s25+$0x10] =	vst v4;
	v3 =	vadd.f32 v3, v7  }
0x286: {  	[tilespmem:s25+$0x20] =	vst v5  }
0x287: {  	s23 =	sadd.s32 $0x1, s23;
	[tilespmem:s25+$0xFFFFFFC0] =	vst v3  }
0x288: {  	s23 =	simm.s32 $0x0;
	s2 =	rddreg [dreg:$0xd]  }
0x289: {  	[hbm4b:s2+s23] =	stream.linear.scatter [tilespmem:s9], [sflag:$0xC], $0x3000, $0x38;
	[tilespmem:$0x1E200] =	vst v63  }
0x28a: {  	_ =	swait.ge [sflag:s14], $0x3000  }
0x28b: {  	[sflag:s14] =	ssyncset.done $0x0  }
0x28c: {  	s19 =	simm.s32 $0x0;
	[sflag:s14] =	ssyncadd.s32 $0xFFFFD000  }
.LBB2_30:
0x28d: {  	s2 =	sshrl.u32 s19, $0x3  }
0x28e: {  	s8 =	sand.u32 $0x7, s23;
	s2 =	smul.u32 $0x6000, s2  }
0x28f: {  	s8 =	sshll.u32 s8, $0x9  }
0x290: {  	s2 =	sor.u32 s8, s2  }
0x291: {  	s2 =	sshra.s32 s2, $0x2  }
0x292: {  	s25 =	sadd.s32 $0x1B270, s2  }
0x293: {  	s2 =	sadd.s32 $0x3270, s2;
	v4 =	vld [tilespmem:s25+$0x0]  }
0x294: {  	v5 =	vld [tilespmem:s2+$0x0]  }
0x295: {  	v3 =	vld [tilespmem:s2+$0xFFFFFF90]  }
0x296: {  	v6 =	vld [tilespmem:s25+$0xFFFFFFA0]  }
0x297: {  	v7 =	vld [tilespmem:s2+$0xFFFFFFA0]  }
0x298: {  	v8 =	vld [tilespmem:s25+$0xFFFFFFB0]  }
0x299: {  	v9 =	vld [tilespmem:s2+$0xFFFFFFB0]  }
0x29a: {  	v10 =	vld [tilespmem:s25+$0xFFFFFFC0]  }
0x29b: {  	v11 =	vld [tilespmem:s2+$0xFFFFFFC0]  }
0x29c: {  	v12 =	vld [tilespmem:s25+$0xFFFFFFD0]  }
0x29d: {  	v13 =	vld [tilespmem:s2+$0xFFFFFFD0];
	v5 =	vadd.f32 v5, v4  }
0x29e: {  	v7 =	vadd.f32 v7, v6;
	v4 =	vld [tilespmem:s25+$0xFFFFFFE0]  }
0x29f: {  	v8 =	vadd.f32 v9, v8;
	v6 =	vld [tilespmem:s2+$0xFFFFFFE0];
	[tilespmem:s25+$0x0] =	vst v5  }
0x2a0: {  	v9 =	vadd.f32 v11, v10;
	[tilespmem:s25+$0xFFFFFFA0] =	vst v7;
	v5 =	vld [tilespmem:s25+$0xFFFFFFF0]  }
0x2a1: {  	[tilespmem:s25+$0xFFFFFFB0] =	vst v8;
	v8 =	vld [tilespmem:s2+$0xFFFFFFF0]  }
0x2a2: {  	s11 =	simm.s32 $0x0;
	s8 =	sadd.s32 $0x400, s25;
	v7 =	vld [tilespmem:s25+$0xFFFFFF90];
	[tilespmem:s25+$0xFFFFFFC0] =	vst v9;
	v9 =	vadd.f32 v13, v12  }
.LBB2_31:
0x2a3: {  	v10 =	vld [tilespmem:s8+$0x0];
	s2 =	sadd.s32 $0x400, s2  }
0x2a4: {  	s11 =	sadd.s32 $0x80, s11;
	v11 =	vld [tilespmem:s2+$0x0];
	[tilespmem:s25+$0xFFFFFFD0] =	vst v9;
	v4 =	vadd.f32 v6, v4  }
0x2a5: {  	p0 =	slt.u32 s11, $0x280;
	v6 =	vld [tilespmem:s2+$0xFFFFFF90]  }
0x2a6: {  	v9 =	vld [tilespmem:s8+$0xFFFFFFA0];
	[tilespmem:s25+$0xFFFFFFE0] =	vst v4;
	v4 =	vadd.f32 v8, v5  }
0x2a7: {  	v5 =	vld [tilespmem:s2+$0xFFFFFFA0];
	v12 =	vadd.f32 v3, v7  }
0x2a8: {  	v7 =	vld [tilespmem:s8+$0xFFFFFFB0];
	[tilespmem:s25+$0xFFFFFFF0] =	vst v4  }
0x2a9: {  	v4 =	vld [tilespmem:s2+$0xFFFFFFB0];
	v8 =	vadd.f32 v11, v10;
	[tilespmem:s25+$0xFFFFFF90] =	vst v12;
	s25 =	smov.u32 s8  }
0x2aa: {  	v10 =	vld [tilespmem:s8+$0xFFFFFFC0];
	v3 =	vmov v6  }
0x2ab: {  	v11 =	vld [tilespmem:s2+$0xFFFFFFC0];
	[tilespmem:s8+$0x0] =	vst v8  }
0x2ac: {  	v5 =	vadd.f32 v5, v9;
	v9 =	vld [tilespmem:s8+$0xFFFFFFD0]  }
0x2ad: {  	v12 =	vld [tilespmem:s2+$0xFFFFFFD0]  }
.Ltmp14:
0x2ae: {  	[tilespmem:s8+$0xFFFFFFA0] =	vst v5;
	v5 =	vadd.f32 v4, v7;
	v4 =	vld [tilespmem:s8+$0xFFFFFFE0];
	(pc) =	sbr.rel @p0 .LBB2_31-.Ltmp14, $4  }
0x2af: {  	v6 =	vld [tilespmem:s2+$0xFFFFFFE0]  }
0x2b0: {  	[tilespmem:s8+$0xFFFFFFB0] =	vst v5;
	v10 =	vadd.f32 v11, v10;
	v5 =	vld [tilespmem:s8+$0xFFFFFFF0]  }
0x2b1: {  	v8 =	vld [tilespmem:s2+$0xFFFFFFF0]  }
0x2b2: {  	s8 =	sadd.s32 $0x400, s8;
	v7 =	vld [tilespmem:s25+$0xFFFFFF90];
	[tilespmem:s25+$0xFFFFFFC0] =	vst v10;
	v9 =	vadd.f32 v12, v9  }
0x2b3: {  	s19 =	sadd.s32 $0x1, s19  }
0x2b4: {  	p0 =	sne.s32 s19, $0x10  }
.Ltmp15:
0x2b5: {  	v4 =	vadd.f32 v6, v4;
	(pc) =	sbr.rel @p0 .LBB2_30-.Ltmp15, $4  }
0x2b6: {  	[tilespmem:s25+$0xFFFFFFD0] =	vst v9;
	v5 =	vadd.f32 v8, v5  }
0x2b7: {  	[tilespmem:s25+$0xFFFFFFE0] =	vst v4;
	v3 =	vadd.f32 v3, v7  }
0x2b8: {  	[tilespmem:s25+$0xFFFFFFF0] =	vst v5  }
0x2b9: {  	s23 =	sadd.s32 $0x1, s23;
	[tilespmem:s25+$0xFFFFFF90] =	vst v3  }
0x2ba: {  	s23 =	simm.s32 $0x0;
	s2 =	rddreg [dreg:$0xe]  }
0x2bb: {  	[hbm4b:s2+s23] =	stream.linear.scatter [tilespmem:s16], [sflag:$0x10], $0x3000, $0x38;
	[tilespmem:$0x1E200] =	vst v63  }
0x2bc: {  	s25 =	rddreg [dreg:$0xf];
	s8 =	simm.s32 $0x200  }
0x2bd: {  	[tilespmem:s8], [sflag:$0x11] =	stream.linear.gather [hbm4b:s25+s23], $0x6000, $0x38;
	[tilespmem:$0x1E200] =	vst v63  }
0x2be: {  	_ =	swait.ge [sflag:s18], $0x6000  }
0x2bf: {  	[sflag:s18] =	ssyncset.done $0x0  }
0x2c0: {  	[sflag:s18] =	ssyncadd.s32 $0xFFFFA000  }
0x2c1: {  	_ =	swait.ge [sflag:s15], $0x3000  }
0x2c2: {  	[sflag:s15] =	ssyncset.done $0x0  }
0x2c3: {  	[sflag:s15] =	ssyncadd.s32 $0xFFFFD000  }
0x2c4: {  	_ =	swait.ge [sflag:s17], $0x3000  }
0x2c5: {  	[sflag:s17] =	ssyncset.done $0x0  }
0x2c6: {  	[sflag:s17] =	ssyncadd.s32 $0xFFFFD000  }
0x2c7: {  	v3 =	vld [tilespmem:$0x120];
	_ =	sdelay $0x4  }
0x2c8: {  	v4 =	vshrl.u32 v3, $0x3  }
0x2c9: {  	v4 =	vmul.u32 $0x30, v4  }
0x2ca: {  	v3 =	vand.u32 $0x7, v3  }
0x2cb: {  	v3 =	vor.u32 v3, v4  }
0x2cc: {  	v4 =	vperm.xlane v3, v0;
	_ =	sdelay $0x1  }
0x2cd: {  	v4 =	vadd.s32 v1, v4;
	_ =	sdelay $0x3  }
0x2ce: {  	s11 =	simm.s32 $0x12200;
	v3 =	vperm.xlane v3, v2  }
0x2cf: {  	[tilespmem:s11], [sflag:$0x3] =	stream.indirect_vreg.gather [hbm4b:s1+s23], $0x80, v4, vm0, $0xb8;
	[tilespmem:$0x1E200] =	vst v63  }
0x2d0: {  	s19 =	simm.s32 $0x12A00;
	v3 =	vadd.s32 v1, v3  }
0x2d1: {  	[tilespmem:s19], [sflag:$0x3] =	stream.indirect_vreg.gather [hbm4b:s5+s23], $0x80, v4, vm0, $0xb8;
	[tilespmem:$0x1E200] =	vst v63  }
0x2d2: {  	s25 =	simm.s32 $0x13200  }
0x2d3: {  	[tilespmem:s25], [sflag:$0x3] =	stream.indirect_vreg.gather [hbm4b:s6+s23], $0x80, v4, vm0, $0xb8;
	[tilespmem:$0x1E200] =	vst v63  }
0x2d4: {  	s8 =	simm.s32 $0x13A00  }
0x2d5: {  	[tilespmem:s8], [sflag:$0x3] =	stream.indirect_vreg.gather [hbm4b:s1+s23], $0x80, v3, vm0, $0xb8;
	[tilespmem:$0x1E200] =	vst v63  }
0x2d6: {  	s11 =	simm.s32 $0x14200  }
0x2d7: {  	[tilespmem:s11], [sflag:$0x3] =	stream.indirect_vreg.gather [hbm4b:s5+s23], $0x80, v3, vm0, $0xb8;
	[tilespmem:$0x1E200] =	vst v63  }
0x2d8: {  	s19 =	simm.s32 $0x14A00  }
0x2d9: {  	[tilespmem:s19], [sflag:$0x3] =	stream.indirect_vreg.gather [hbm4b:s6+s23], $0x80, v3, vm0, $0xb8;
	[tilespmem:$0x1E200] =	vst v63  }
0x2da: {  	v3 =	vld [tilespmem:$0x130];
	_ =	sdelay $0x4  }
0x2db: {  	v63 =	vshrl.u32 v3, $0x3  }
0x2dc: {  	v4 =	vmul.u32 $0x30, v63  }
0x2dd: {  	v3 =	vand.u32 $0x7, v3  }
0x2de: {  	v3 =	vor.u32 v3, v4  }
0x2df: {  	v4 =	vperm.xlane v3, v0;
	_ =	sdelay $0x1  }
0x2e0: {  	v4 =	vadd.s32 v1, v4;
	_ =	sdelay $0x3  }
0x2e1: {  	v3 =	vperm.xlane v3, v2  }
0x2e2: {  	[tilespmem:s26], [sflag:$0x7] =	stream.indirect_vreg.gather [hbm4b:s1+s23], $0x80, v4, vm0, $0xb8;
	[tilespmem:$0x1E200] =	vst v63  }
0x2e3: {  	s25 =	simm.s32 $0x15A00;
	v3 =	vadd.s32 v1, v3  }
0x2e4: {  	[tilespmem:s25], [sflag:$0x7] =	stream.indirect_vreg.gather [hbm4b:s5+s23], $0x80, v4, vm0, $0xb8;
	[tilespmem:$0x1E200] =	vst v63  }
0x2e5: {  	s8 =	simm.s32 $0x16200  }
0x2e6: {  	[tilespmem:s8], [sflag:$0x7] =	stream.indirect_vreg.gather [hbm4b:s6+s23], $0x80, v4, vm0, $0xb8;
	[tilespmem:$0x1E200] =	vst v63  }
0x2e7: {  	s11 =	simm.s32 $0x16A00  }
0x2e8: {  	[tilespmem:s11], [sflag:$0x7] =	stream.indirect_vreg.gather [hbm4b:s1+s23], $0x80, v3, vm0, $0xb8;
	[tilespmem:$0x1E200] =	vst v63  }
0x2e9: {  	s19 =	simm.s32 $0x17200  }
0x2ea: {  	[tilespmem:s19], [sflag:$0x7] =	stream.indirect_vreg.gather [hbm4b:s5+s23], $0x80, v3, vm0, $0xb8;
	[tilespmem:$0x1E200] =	vst v63  }
0x2eb: {  	s25 =	simm.s32 $0x17A00  }
0x2ec: {  	[tilespmem:s25], [sflag:$0x7] =	stream.indirect_vreg.gather [hbm4b:s6+s23], $0x80, v3, vm0, $0xb8;
	[tilespmem:$0x1E200] =	vst v63  }
0x2ed: {  	_ =	swait.ge [sflag:s4], $0x3000  }
0x2ee: {  	[sflag:s4] =	ssyncset.done $0x0  }
0x2ef: {  	s19 =	simm.s32 $0x0;
	[sflag:s4] =	ssyncadd.s32 $0xFFFFD000  }
.LBB2_34:
0x2f0: {  	s2 =	sshrl.u32 s19, $0x3  }
0x2f1: {  	s8 =	sand.u32 $0x7, s23;
	s2 =	smul.u32 $0x6000, s2  }
0x2f2: {  	s8 =	sshll.u32 s8, $0x9  }
0x2f3: {  	s2 =	sor.u32 s8, s2  }
0x2f4: {  	s2 =	sshra.s32 s2, $0x2  }
0x2f5: {  	s25 =	sadd.s32 $0x6240, s2  }
0x2f6: {  	s2 =	sadd.s32 $0x240, s2;
	v4 =	vld [tilespmem:s25+$0x30]  }
0x2f7: {  	v5 =	vld [tilespmem:s2+$0x30]  }
0x2f8: {  	v3 =	vld [tilespmem:s2+$0xFFFFFFC0]  }
0x2f9: {  	v6 =	vld [tilespmem:s25+$0xFFFFFFD0]  }
0x2fa: {  	v7 =	vld [tilespmem:s2+$0xFFFFFFD0]  }
0x2fb: {  	v8 =	vld [tilespmem:s25+$0xFFFFFFE0]  }
0x2fc: {  	v9 =	vld [tilespmem:s2+$0xFFFFFFE0]  }
0x2fd: {  	v10 =	vld [tilespmem:s25+$0xFFFFFFF0]  }
0x2fe: {  	v11 =	vld [tilespmem:s2+$0xFFFFFFF0]  }
0x2ff: {  	v12 =	vld [tilespmem:s25+$0x0]  }
0x300: {  	v13 =	vld [tilespmem:s2+$0x0];
	v5 =	vadd.f32 v5, v4  }
0x301: {  	v7 =	vadd.f32 v7, v6;
	v4 =	vld [tilespmem:s25+$0x10]  }
0x302: {  	v8 =	vadd.f32 v9, v8;
	v6 =	vld [tilespmem:s2+$0x10];
	[tilespmem:s25+$0x30] =	vst v5  }
0x303: {  	v9 =	vadd.f32 v11, v10;
	[tilespmem:s25+$0xFFFFFFD0] =	vst v7;
	v5 =	vld [tilespmem:s25+$0x20]  }
0x304: {  	[tilespmem:s25+$0xFFFFFFE0] =	vst v8;
	v8 =	vld [tilespmem:s2+$0x20]  }
0x305: {  	s11 =	simm.s32 $0x0;
	s8 =	sadd.s32 $0x400, s25;
	v7 =	vld [tilespmem:s25+$0xFFFFFFC0];
	[tilespmem:s25+$0xFFFFFFF0] =	vst v9;
	v9 =	vadd.f32 v13, v12  }
.LBB2_35:
0x306: {  	v10 =	vld [tilespmem:s8+$0x30];
	s2 =	sadd.s32 $0x400, s2  }
0x307: {  	s11 =	sadd.s32 $0x80, s11;
	v11 =	vld [tilespmem:s2+$0x30];
	[tilespmem:s25+$0x0] =	vst v9;
	v4 =	vadd.f32 v6, v4  }
0x308: {  	p0 =	slt.u32 s11, $0x280;
	v6 =	vld [tilespmem:s2+$0xFFFFFFC0]  }
0x309: {  	v9 =	vld [tilespmem:s8+$0xFFFFFFD0];
	[tilespmem:s25+$0x10] =	vst v4;
	v4 =	vadd.f32 v8, v5  }
0x30a: {  	v5 =	vld [tilespmem:s2+$0xFFFFFFD0];
	v12 =	vadd.f32 v3, v7  }
0x30b: {  	v7 =	vld [tilespmem:s8+$0xFFFFFFE0];
	[tilespmem:s25+$0x20] =	vst v4  }
0x30c: {  	v4 =	vld [tilespmem:s2+$0xFFFFFFE0];
	v8 =	vadd.f32 v11, v10;
	[tilespmem:s25+$0xFFFFFFC0] =	vst v12;
	s25 =	smov.u32 s8  }
0x30d: {  	v10 =	vld [tilespmem:s8+$0xFFFFFFF0];
	v3 =	vmov v6  }
0x30e: {  	v11 =	vld [tilespmem:s2+$0xFFFFFFF0];
	[tilespmem:s8+$0x30] =	vst v8  }
0x30f: {  	v5 =	vadd.f32 v5, v9;
	v9 =	vld [tilespmem:s8+$0x0]  }
0x310: {  	v12 =	vld [tilespmem:s2+$0x0]  }
.Ltmp16:
0x311: {  	[tilespmem:s8+$0xFFFFFFD0] =	vst v5;
	v5 =	vadd.f32 v4, v7;
	v4 =	vld [tilespmem:s8+$0x10];
	(pc) =	sbr.rel @p0 .LBB2_35-.Ltmp16, $4  }
0x312: {  	v6 =	vld [tilespmem:s2+$0x10]  }
0x313: {  	[tilespmem:s8+$0xFFFFFFE0] =	vst v5;
	v10 =	vadd.f32 v11, v10;
	v5 =	vld [tilespmem:s8+$0x20]  }
0x314: {  	v8 =	vld [tilespmem:s2+$0x20]  }
0x315: {  	s8 =	sadd.s32 $0x400, s8;
	v7 =	vld [tilespmem:s25+$0xFFFFFFC0];
	[tilespmem:s25+$0xFFFFFFF0] =	vst v10;
	v9 =	vadd.f32 v12, v9  }
0x316: {  	s19 =	sadd.s32 $0x1, s19  }
0x317: {  	p0 =	sne.s32 s19, $0x10  }
.Ltmp17:
0x318: {  	v4 =	vadd.f32 v6, v4;
	(pc) =	sbr.rel @p0 .LBB2_34-.Ltmp17, $4  }
0x319: {  	[tilespmem:s25+$0x0] =	vst v9;
	v5 =	vadd.f32 v8, v5  }
0x31a: {  	[tilespmem:s25+$0x10] =	vst v4;
	v3 =	vadd.f32 v3, v7  }
0x31b: {  	[tilespmem:s25+$0x20] =	vst v5  }
0x31c: {  	s23 =	sadd.s32 $0x1, s23;
	[tilespmem:s25+$0xFFFFFFC0] =	vst v3  }
0x31d: {  	s23 =	simm.s32 $0x0;
	s2 =	rddreg [dreg:$0x10];
	s8 =	simm.s32 $0x6200  }
0x31e: {  	[hbm4b:s2+s23] =	stream.linear.scatter [tilespmem:s8], [sflag:$0x9], $0x3000, $0x38;
	[tilespmem:$0x1E200] =	vst v63  }
0x31f: {  	_ =	swait.ge [sflag:s7], $0x3000  }
0x320: {  	[sflag:s7] =	ssyncset.done $0x0  }
0x321: {  	s19 =	simm.s32 $0x0;
	[sflag:s7] =	ssyncadd.s32 $0xFFFFD000  }
.LBB2_38:
0x322: {  	s2 =	sshrl.u32 s19, $0x3  }
0x323: {  	s8 =	sand.u32 $0x7, s23;
	s2 =	smul.u32 $0x6000, s2  }
0x324: {  	s8 =	sshll.u32 s8, $0x9  }
0x325: {  	s2 =	sor.u32 s8, s2  }
0x326: {  	s2 =	sshra.s32 s2, $0x2  }
0x327: {  	s25 =	sadd.s32 $0x9270, s2  }
0x328: {  	s2 =	sadd.s32 $0x3270, s2;
	v4 =	vld [tilespmem:s25+$0x0]  }
0x329: {  	v5 =	vld [tilespmem:s2+$0x0]  }
0x32a: {  	v3 =	vld [tilespmem:s2+$0xFFFFFF90]  }
0x32b: {  	v6 =	vld [tilespmem:s25+$0xFFFFFFA0]  }
0x32c: {  	v7 =	vld [tilespmem:s2+$0xFFFFFFA0]  }
0x32d: {  	v8 =	vld [tilespmem:s25+$0xFFFFFFB0]  }
0x32e: {  	v9 =	vld [tilespmem:s2+$0xFFFFFFB0]  }
0x32f: {  	v10 =	vld [tilespmem:s25+$0xFFFFFFC0]  }
0x330: {  	v11 =	vld [tilespmem:s2+$0xFFFFFFC0]  }
0x331: {  	v12 =	vld [tilespmem:s25+$0xFFFFFFD0]  }
0x332: {  	v13 =	vld [tilespmem:s2+$0xFFFFFFD0];
	v5 =	vadd.f32 v5, v4  }
0x333: {  	v7 =	vadd.f32 v7, v6;
	v4 =	vld [tilespmem:s25+$0xFFFFFFE0]  }
0x334: {  	v8 =	vadd.f32 v9, v8;
	v6 =	vld [tilespmem:s2+$0xFFFFFFE0];
	[tilespmem:s25+$0x0] =	vst v5  }
0x335: {  	v9 =	vadd.f32 v11, v10;
	[tilespmem:s25+$0xFFFFFFA0] =	vst v7;
	v5 =	vld [tilespmem:s25+$0xFFFFFFF0]  }
0x336: {  	[tilespmem:s25+$0xFFFFFFB0] =	vst v8;
	v8 =	vld [tilespmem:s2+$0xFFFFFFF0]  }
0x337: {  	s11 =	simm.s32 $0x0;
	s8 =	sadd.s32 $0x400, s25;
	v7 =	vld [tilespmem:s25+$0xFFFFFF90];
	[tilespmem:s25+$0xFFFFFFC0] =	vst v9;
	v9 =	vadd.f32 v13, v12  }
.LBB2_39:
0x338: {  	v10 =	vld [tilespmem:s8+$0x0];
	s2 =	sadd.s32 $0x400, s2  }
0x339: {  	s11 =	sadd.s32 $0x80, s11;
	v11 =	vld [tilespmem:s2+$0x0];
	[tilespmem:s25+$0xFFFFFFD0] =	vst v9;
	v4 =	vadd.f32 v6, v4  }
0x33a: {  	p0 =	slt.u32 s11, $0x280;
	v6 =	vld [tilespmem:s2+$0xFFFFFF90]  }
0x33b: {  	v9 =	vld [tilespmem:s8+$0xFFFFFFA0];
	[tilespmem:s25+$0xFFFFFFE0] =	vst v4;
	v4 =	vadd.f32 v8, v5  }
0x33c: {  	v5 =	vld [tilespmem:s2+$0xFFFFFFA0];
	v12 =	vadd.f32 v3, v7  }
0x33d: {  	v7 =	vld [tilespmem:s8+$0xFFFFFFB0];
	[tilespmem:s25+$0xFFFFFFF0] =	vst v4  }
0x33e: {  	v4 =	vld [tilespmem:s2+$0xFFFFFFB0];
	v8 =	vadd.f32 v11, v10;
	[tilespmem:s25+$0xFFFFFF90] =	vst v12;
	s25 =	smov.u32 s8  }
0x33f: {  	v10 =	vld [tilespmem:s8+$0xFFFFFFC0];
	v3 =	vmov v6  }
0x340: {  	v11 =	vld [tilespmem:s2+$0xFFFFFFC0];
	[tilespmem:s8+$0x0] =	vst v8  }
0x341: {  	v5 =	vadd.f32 v5, v9;
	v9 =	vld [tilespmem:s8+$0xFFFFFFD0]  }
0x342: {  	v12 =	vld [tilespmem:s2+$0xFFFFFFD0]  }
.Ltmp18:
0x343: {  	[tilespmem:s8+$0xFFFFFFA0] =	vst v5;
	v5 =	vadd.f32 v4, v7;
	v4 =	vld [tilespmem:s8+$0xFFFFFFE0];
	(pc) =	sbr.rel @p0 .LBB2_39-.Ltmp18, $4  }
0x344: {  	v6 =	vld [tilespmem:s2+$0xFFFFFFE0]  }
0x345: {  	[tilespmem:s8+$0xFFFFFFB0] =	vst v5;
	v10 =	vadd.f32 v11, v10;
	v5 =	vld [tilespmem:s8+$0xFFFFFFF0]  }
0x346: {  	v8 =	vld [tilespmem:s2+$0xFFFFFFF0]  }
0x347: {  	s8 =	sadd.s32 $0x400, s8;
	v7 =	vld [tilespmem:s25+$0xFFFFFF90];
	[tilespmem:s25+$0xFFFFFFC0] =	vst v10;
	v9 =	vadd.f32 v12, v9  }
0x348: {  	s19 =	sadd.s32 $0x1, s19  }
0x349: {  	p0 =	sne.s32 s19, $0x10  }
.Ltmp19:
0x34a: {  	v4 =	vadd.f32 v6, v4;
	(pc) =	sbr.rel @p0 .LBB2_38-.Ltmp19, $4  }
0x34b: {  	[tilespmem:s25+$0xFFFFFFD0] =	vst v9;
	v5 =	vadd.f32 v8, v5  }
0x34c: {  	[tilespmem:s25+$0xFFFFFFE0] =	vst v4;
	v3 =	vadd.f32 v3, v7  }
0x34d: {  	[tilespmem:s25+$0xFFFFFFF0] =	vst v5  }
0x34e: {  	s23 =	sadd.s32 $0x1, s23;
	[tilespmem:s25+$0xFFFFFF90] =	vst v3  }
0x34f: {  	s23 =	simm.s32 $0x0;
	s2 =	rddreg [dreg:$0x1a];
	s8 =	simm.s32 $0x9200  }
0x350: {  	[hbm4b:s2+s23] =	stream.linear.scatter [tilespmem:s8], [sflag:$0xD], $0x3000, $0x38;
	[tilespmem:$0x1E200] =	vst v63  }
0x351: {  	_ =	swait.ge [sflag:s20], $0x3000  }
0x352: {  	[sflag:s20] =	ssyncset.done $0x0  }
0x353: {  	[sflag:s20] =	ssyncadd.s32 $0xFFFFD000  }
0x354: {  	_ =	swait.ge [sflag:s21], $0x3000  }
0x355: {  	[sflag:s21] =	ssyncset.done $0x0  }
0x356: {  	[sflag:s21] =	ssyncadd.s32 $0xFFFFD000  }
0x357: {  	v3 =	vld [tilespmem:$0x1A0];
	_ =	sdelay $0x4  }
0x358: {  	v4 =	vshrl.u32 v3, $0x3  }
0x359: {  	v4 =	vmul.u32 $0x30, v4  }
0x35a: {  	v3 =	vand.u32 $0x7, v3  }
0x35b: {  	v3 =	vor.u32 v3, v4  }
0x35c: {  	v4 =	vperm.xlane v3, v0;
	_ =	sdelay $0x1  }
0x35d: {  	v4 =	vadd.s32 v1, v4;
	_ =	sdelay $0x3  }
0x35e: {  	v3 =	vperm.xlane v3, v2  }
0x35f: {  	[tilespmem:s9], [sflag:$0x4] =	stream.indirect_vreg.gather [hbm4b:s1+s23], $0x80, v4, vm0, $0xb8;
	[tilespmem:$0x1E200] =	vst v63  }
0x360: {  	s19 =	simm.s32 $0x18A00;
	v3 =	vadd.s32 v1, v3  }
0x361: {  	[tilespmem:s19], [sflag:$0x4] =	stream.indirect_vreg.gather [hbm4b:s5+s23], $0x80, v4, vm0, $0xb8;
	[tilespmem:$0x1E200] =	vst v63  }
0x362: {  	s25 =	simm.s32 $0x19200  }
0x363: {  	[tilespmem:s25], [sflag:$0x4] =	stream.indirect_vreg.gather [hbm4b:s6+s23], $0x80, v4, vm0, $0xb8;
	[tilespmem:$0x1E200] =	vst v63  }
0x364: {  	s8 =	simm.s32 $0x19A00  }
0x365: {  	[tilespmem:s8], [sflag:$0x4] =	stream.indirect_vreg.gather [hbm4b:s1+s23], $0x80, v3, vm0, $0xb8;
	[tilespmem:$0x1E200] =	vst v63  }
0x366: {  	s11 =	simm.s32 $0x1A200  }
0x367: {  	[tilespmem:s11], [sflag:$0x4] =	stream.indirect_vreg.gather [hbm4b:s5+s23], $0x80, v3, vm0, $0xb8;
	[tilespmem:$0x1E200] =	vst v63  }
0x368: {  	s19 =	simm.s32 $0x1AA00  }
0x369: {  	[tilespmem:s19], [sflag:$0x4] =	stream.indirect_vreg.gather [hbm4b:s6+s23], $0x80, v3, vm0, $0xb8;
	[tilespmem:$0x1E200] =	vst v63  }
0x36a: {  	v3 =	vld [tilespmem:$0x1B0];
	_ =	sdelay $0x4  }
0x36b: {  	v63 =	vshrl.u32 v3, $0x3  }
0x36c: {  	v4 =	vmul.u32 $0x30, v63  }
0x36d: {  	v3 =	vand.u32 $0x7, v3  }
0x36e: {  	v3 =	vor.u32 v3, v4  }
0x36f: {  	v4 =	vperm.xlane v3, v0;
	_ =	sdelay $0x1  }
0x370: {  	v4 =	vadd.s32 v1, v4;
	_ =	sdelay $0x3  }
0x371: {  	v3 =	vperm.xlane v3, v2  }
0x372: {  	[tilespmem:s16], [sflag:$0x8] =	stream.indirect_vreg.gather [hbm4b:s1+s23], $0x80, v4, vm0, $0xb8;
	[tilespmem:$0x1E200] =	vst v63  }
0x373: {  	s25 =	simm.s32 $0x1BA00;
	v3 =	vadd.s32 v1, v3  }
0x374: {  	[tilespmem:s25], [sflag:$0x8] =	stream.indirect_vreg.gather [hbm4b:s5+s23], $0x80, v4, vm0, $0xb8;
	[tilespmem:$0x1E200] =	vst v63  }
0x375: {  	s8 =	simm.s32 $0x1C200  }
0x376: {  	[tilespmem:s8], [sflag:$0x8] =	stream.indirect_vreg.gather [hbm4b:s6+s23], $0x80, v4, vm0, $0xb8;
	[tilespmem:$0x1E200] =	vst v63  }
0x377: {  	s11 =	simm.s32 $0x1CA00  }
0x378: {  	[tilespmem:s11], [sflag:$0x8] =	stream.indirect_vreg.gather [hbm4b:s1+s23], $0x80, v3, vm0, $0xb8;
	[tilespmem:$0x1E200] =	vst v63  }
0x379: {  	s19 =	simm.s32 $0x1D200  }
0x37a: {  	[tilespmem:s19], [sflag:$0x8] =	stream.indirect_vreg.gather [hbm4b:s5+s23], $0x80, v3, vm0, $0xb8;
	[tilespmem:$0x1E200] =	vst v63  }
0x37b: {  	s25 =	simm.s32 $0x1DA00  }
0x37c: {  	[tilespmem:s25], [sflag:$0x8] =	stream.indirect_vreg.gather [hbm4b:s6+s23], $0x80, v3, vm0, $0xb8;
	[tilespmem:$0x1E200] =	vst v63  }
0x37d: {  	_ =	swait.ge [sflag:s24], $0x3000  }
0x37e: {  	[sflag:s24] =	ssyncset.done $0x0  }
0x37f: {  	s19 =	simm.s32 $0x0;
	[sflag:s24] =	ssyncadd.s32 $0xFFFFD000  }
.LBB2_42:
0x380: {  	s2 =	sshrl.u32 s19, $0x3  }
0x381: {  	s8 =	sand.u32 $0x7, s23;
	s2 =	smul.u32 $0x6000, s2  }
0x382: {  	s8 =	sshll.u32 s8, $0x9  }
0x383: {  	s2 =	sor.u32 s8, s2  }
0x384: {  	s2 =	sshra.s32 s2, $0x2  }
0x385: {  	s25 =	sadd.s32 $0xC240, s2  }
0x386: {  	s2 =	sadd.s32 $0x240, s2;
	v4 =	vld [tilespmem:s25+$0x30]  }
0x387: {  	v5 =	vld [tilespmem:s2+$0x30]  }
0x388: {  	v3 =	vld [tilespmem:s2+$0xFFFFFFC0]  }
0x389: {  	v6 =	vld [tilespmem:s25+$0xFFFFFFD0]  }
0x38a: {  	v7 =	vld [tilespmem:s2+$0xFFFFFFD0]  }
0x38b: {  	v8 =	vld [tilespmem:s25+$0xFFFFFFE0]  }
0x38c: {  	v9 =	vld [tilespmem:s2+$0xFFFFFFE0]  }
0x38d: {  	v10 =	vld [tilespmem:s25+$0xFFFFFFF0]  }
0x38e: {  	v11 =	vld [tilespmem:s2+$0xFFFFFFF0]  }
0x38f: {  	v12 =	vld [tilespmem:s25+$0x0]  }
0x390: {  	v13 =	vld [tilespmem:s2+$0x0];
	v5 =	vadd.f32 v5, v4  }
0x391: {  	v7 =	vadd.f32 v7, v6;
	v4 =	vld [tilespmem:s25+$0x10]  }
0x392: {  	v8 =	vadd.f32 v9, v8;
	v6 =	vld [tilespmem:s2+$0x10];
	[tilespmem:s25+$0x30] =	vst v5  }
0x393: {  	v9 =	vadd.f32 v11, v10;
	[tilespmem:s25+$0xFFFFFFD0] =	vst v7;
	v5 =	vld [tilespmem:s25+$0x20]  }
0x394: {  	[tilespmem:s25+$0xFFFFFFE0] =	vst v8;
	v8 =	vld [tilespmem:s2+$0x20]  }
0x395: {  	s11 =	simm.s32 $0x0;
	s8 =	sadd.s32 $0x400, s25;
	v7 =	vld [tilespmem:s25+$0xFFFFFFC0];
	[tilespmem:s25+$0xFFFFFFF0] =	vst v9;
	v9 =	vadd.f32 v13, v12  }
.LBB2_43:
0x396: {  	v10 =	vld [tilespmem:s8+$0x30];
	s2 =	sadd.s32 $0x400, s2  }
0x397: {  	s11 =	sadd.s32 $0x80, s11;
	v11 =	vld [tilespmem:s2+$0x30];
	[tilespmem:s25+$0x0] =	vst v9;
	v4 =	vadd.f32 v6, v4  }
0x398: {  	p0 =	slt.u32 s11, $0x280;
	v6 =	vld [tilespmem:s2+$0xFFFFFFC0]  }
0x399: {  	v9 =	vld [tilespmem:s8+$0xFFFFFFD0];
	[tilespmem:s25+$0x10] =	vst v4;
	v4 =	vadd.f32 v8, v5  }
0x39a: {  	v5 =	vld [tilespmem:s2+$0xFFFFFFD0];
	v12 =	vadd.f32 v3, v7  }
0x39b: {  	v7 =	vld [tilespmem:s8+$0xFFFFFFE0];
	[tilespmem:s25+$0x20] =	vst v4  }
0x39c: {  	v4 =	vld [tilespmem:s2+$0xFFFFFFE0];
	v8 =	vadd.f32 v11, v10;
	[tilespmem:s25+$0xFFFFFFC0] =	vst v12;
	s25 =	smov.u32 s8  }
0x39d: {  	v10 =	vld [tilespmem:s8+$0xFFFFFFF0];
	v3 =	vmov v6  }
0x39e: {  	v11 =	vld [tilespmem:s2+$0xFFFFFFF0];
	[tilespmem:s8+$0x30] =	vst v8  }
0x39f: {  	v5 =	vadd.f32 v5, v9;
	v9 =	vld [tilespmem:s8+$0x0]  }
0x3a0: {  	v12 =	vld [tilespmem:s2+$0x0]  }
.Ltmp20:
0x3a1: {  	[tilespmem:s8+$0xFFFFFFD0] =	vst v5;
	v5 =	vadd.f32 v4, v7;
	v4 =	vld [tilespmem:s8+$0x10];
	(pc) =	sbr.rel @p0 .LBB2_43-.Ltmp20, $4  }
0x3a2: {  	v6 =	vld [tilespmem:s2+$0x10]  }
0x3a3: {  	[tilespmem:s8+$0xFFFFFFE0] =	vst v5;
	v10 =	vadd.f32 v11, v10;
	v5 =	vld [tilespmem:s8+$0x20]  }
0x3a4: {  	v8 =	vld [tilespmem:s2+$0x20]  }
0x3a5: {  	s8 =	sadd.s32 $0x400, s8;
	v7 =	vld [tilespmem:s25+$0xFFFFFFC0];
	[tilespmem:s25+$0xFFFFFFF0] =	vst v10;
	v9 =	vadd.f32 v12, v9  }
0x3a6: {  	s19 =	sadd.s32 $0x1, s19  }
0x3a7: {  	p0 =	sne.s32 s19, $0x10  }
.Ltmp21:
0x3a8: {  	v4 =	vadd.f32 v6, v4;
	(pc) =	sbr.rel @p0 .LBB2_42-.Ltmp21, $4  }
0x3a9: {  	[tilespmem:s25+$0x0] =	vst v9;
	v5 =	vadd.f32 v8, v5  }
0x3aa: {  	[tilespmem:s25+$0x10] =	vst v4;
	v3 =	vadd.f32 v3, v7  }
0x3ab: {  	[tilespmem:s25+$0x20] =	vst v5  }
0x3ac: {  	s23 =	sadd.s32 $0x1, s23;
	[tilespmem:s25+$0xFFFFFFC0] =	vst v3  }
0x3ad: {  	s23 =	simm.s32 $0x0;
	s2 =	rddreg [dreg:$0x11];
	s8 =	simm.s32 $0xC200  }
0x3ae: {  	[hbm4b:s2+s23] =	stream.linear.scatter [tilespmem:s8], [sflag:$0xA], $0x3000, $0x38;
	[tilespmem:$0x1E200] =	vst v63  }
0x3af: {  	_ =	swait.ge [sflag:s28], $0x3000  }
0x3b0: {  	[sflag:s28] =	ssyncset.done $0x0  }
0x3b1: {  	s19 =	simm.s32 $0x0;
	[sflag:s28] =	ssyncadd.s32 $0xFFFFD000  }
.LBB2_46:
0x3b2: {  	s2 =	sshrl.u32 s19, $0x3  }
0x3b3: {  	s8 =	sand.u32 $0x7, s23;
	s2 =	smul.u32 $0x6000, s2  }
0x3b4: {  	s8 =	sshll.u32 s8, $0x9  }
0x3b5: {  	s2 =	sor.u32 s8, s2  }
0x3b6: {  	s2 =	sshra.s32 s2, $0x2  }
0x3b7: {  	s25 =	sadd.s32 $0xF270, s2  }
0x3b8: {  	s2 =	sadd.s32 $0x3270, s2;
	v4 =	vld [tilespmem:s25+$0x0]  }
0x3b9: {  	v5 =	vld [tilespmem:s2+$0x0]  }
0x3ba: {  	v3 =	vld [tilespmem:s2+$0xFFFFFF90]  }
0x3bb: {  	v6 =	vld [tilespmem:s25+$0xFFFFFFA0]  }
0x3bc: {  	v7 =	vld [tilespmem:s2+$0xFFFFFFA0]  }
0x3bd: {  	v8 =	vld [tilespmem:s25+$0xFFFFFFB0]  }
0x3be: {  	v9 =	vld [tilespmem:s2+$0xFFFFFFB0]  }
0x3bf: {  	v10 =	vld [tilespmem:s25+$0xFFFFFFC0]  }
0x3c0: {  	v11 =	vld [tilespmem:s2+$0xFFFFFFC0]  }
0x3c1: {  	v12 =	vld [tilespmem:s25+$0xFFFFFFD0]  }
0x3c2: {  	v13 =	vld [tilespmem:s2+$0xFFFFFFD0];
	v5 =	vadd.f32 v5, v4  }
0x3c3: {  	v7 =	vadd.f32 v7, v6;
	v4 =	vld [tilespmem:s25+$0xFFFFFFE0]  }
0x3c4: {  	v8 =	vadd.f32 v9, v8;
	v6 =	vld [tilespmem:s2+$0xFFFFFFE0];
	[tilespmem:s25+$0x0] =	vst v5  }
0x3c5: {  	v9 =	vadd.f32 v11, v10;
	[tilespmem:s25+$0xFFFFFFA0] =	vst v7;
	v5 =	vld [tilespmem:s25+$0xFFFFFFF0]  }
0x3c6: {  	[tilespmem:s25+$0xFFFFFFB0] =	vst v8;
	v8 =	vld [tilespmem:s2+$0xFFFFFFF0]  }
0x3c7: {  	s11 =	simm.s32 $0x0;
	s8 =	sadd.s32 $0x400, s25;
	v7 =	vld [tilespmem:s25+$0xFFFFFF90];
	[tilespmem:s25+$0xFFFFFFC0] =	vst v9;
	v9 =	vadd.f32 v13, v12  }
.LBB2_47:
0x3c8: {  	v10 =	vld [tilespmem:s8+$0x0];
	s2 =	sadd.s32 $0x400, s2  }
0x3c9: {  	s11 =	sadd.s32 $0x80, s11;
	v11 =	vld [tilespmem:s2+$0x0];
	[tilespmem:s25+$0xFFFFFFD0] =	vst v9;
	v4 =	vadd.f32 v6, v4  }
0x3ca: {  	p0 =	slt.u32 s11, $0x280;
	v6 =	vld [tilespmem:s2+$0xFFFFFF90]  }
0x3cb: {  	v9 =	vld [tilespmem:s8+$0xFFFFFFA0];
	[tilespmem:s25+$0xFFFFFFE0] =	vst v4;
	v4 =	vadd.f32 v8, v5  }
0x3cc: {  	v5 =	vld [tilespmem:s2+$0xFFFFFFA0];
	v12 =	vadd.f32 v3, v7  }
0x3cd: {  	v7 =	vld [tilespmem:s8+$0xFFFFFFB0];
	[tilespmem:s25+$0xFFFFFFF0] =	vst v4  }
0x3ce: {  	v4 =	vld [tilespmem:s2+$0xFFFFFFB0];
	v8 =	vadd.f32 v11, v10;
	[tilespmem:s25+$0xFFFFFF90] =	vst v12;
	s25 =	smov.u32 s8  }
0x3cf: {  	v10 =	vld [tilespmem:s8+$0xFFFFFFC0];
	v3 =	vmov v6  }
0x3d0: {  	v11 =	vld [tilespmem:s2+$0xFFFFFFC0];
	[tilespmem:s8+$0x0] =	vst v8  }
0x3d1: {  	v5 =	vadd.f32 v5, v9;
	v9 =	vld [tilespmem:s8+$0xFFFFFFD0]  }
0x3d2: {  	v12 =	vld [tilespmem:s2+$0xFFFFFFD0]  }
.Ltmp22:
0x3d3: {  	[tilespmem:s8+$0xFFFFFFA0] =	vst v5;
	v5 =	vadd.f32 v4, v7;
	v4 =	vld [tilespmem:s8+$0xFFFFFFE0];
	(pc) =	sbr.rel @p0 .LBB2_47-.Ltmp22, $4  }
0x3d4: {  	v6 =	vld [tilespmem:s2+$0xFFFFFFE0]  }
0x3d5: {  	[tilespmem:s8+$0xFFFFFFB0] =	vst v5;
	v10 =	vadd.f32 v11, v10;
	v5 =	vld [tilespmem:s8+$0xFFFFFFF0]  }
0x3d6: {  	v8 =	vld [tilespmem:s2+$0xFFFFFFF0]  }
0x3d7: {  	s8 =	sadd.s32 $0x400, s8;
	v7 =	vld [tilespmem:s25+$0xFFFFFF90];
	[tilespmem:s25+$0xFFFFFFC0] =	vst v10;
	v9 =	vadd.f32 v12, v9  }
0x3d8: {  	s19 =	sadd.s32 $0x1, s19  }
0x3d9: {  	p0 =	sne.s32 s19, $0x10  }
.Ltmp23:
0x3da: {  	v4 =	vadd.f32 v6, v4;
	(pc) =	sbr.rel @p0 .LBB2_46-.Ltmp23, $4  }
0x3db: {  	[tilespmem:s25+$0xFFFFFFD0] =	vst v9;
	v5 =	vadd.f32 v8, v5  }
0x3dc: {  	[tilespmem:s25+$0xFFFFFFE0] =	vst v4;
	v3 =	vadd.f32 v3, v7  }
0x3dd: {  	[tilespmem:s25+$0xFFFFFFF0] =	vst v5  }
0x3de: {  	s23 =	sadd.s32 $0x1, s23;
	[tilespmem:s25+$0xFFFFFF90] =	vst v3  }
0x3df: {  	s23 =	simm.s32 $0x0;
	s2 =	rddreg [dreg:$0x12];
	s8 =	simm.s32 $0xF200  }
0x3e0: {  	[hbm4b:s2+s23] =	stream.linear.scatter [tilespmem:s8], [sflag:$0xE], $0x3000, $0x38;
	[tilespmem:$0x1E200] =	vst v63  }
0x3e1: {  	_ =	swait.ge [sflag:s29], $0x3000  }
0x3e2: {  	[sflag:s29] =	ssyncset.done $0x0  }
0x3e3: {  	[sflag:s29] =	ssyncadd.s32 $0xFFFFD000  }
0x3e4: {  	_ =	swait.ge [sflag:s30], $0x3000  }
0x3e5: {  	[sflag:s30] =	ssyncset.done $0x0  }
0x3e6: {  	[sflag:s30] =	ssyncadd.s32 $0xFFFFD000  }
0x3e7: {  	v3 =	vld [tilespmem:$0x40];
	_ =	sdelay $0x4  }
0x3e8: {  	v4 =	vshrl.u32 v3, $0x3  }
0x3e9: {  	v4 =	vmul.u32 $0x30, v4  }
0x3ea: {  	v3 =	vand.u32 $0x7, v3  }
0x3eb: {  	v3 =	vor.u32 v3, v4  }
0x3ec: {  	v4 =	vperm.xlane v3, v0;
	_ =	sdelay $0x1  }
0x3ed: {  	v4 =	vadd.s32 v1, v4;
	_ =	sdelay $0x3  }
0x3ee: {  	s8 =	simm.s32 $0x6200;
	v3 =	vperm.xlane v3, v2  }
0x3ef: {  	[tilespmem:s8], [sflag:$0x1] =	stream.indirect_vreg.gather [hbm4b:s1+s23], $0x80, v4, vm0, $0xb8;
	[tilespmem:$0x1E200] =	vst v63  }
0x3f0: {  	s11 =	simm.s32 $0x6A00;
	v3 =	vadd.s32 v1, v3  }
0x3f1: {  	[tilespmem:s11], [sflag:$0x1] =	stream.indirect_vreg.gather [hbm4b:s5+s23], $0x80, v4, vm0, $0xb8;
	[tilespmem:$0x1E200] =	vst v63  }
0x3f2: {  	s19 =	simm.s32 $0x7200  }
0x3f3: {  	[tilespmem:s19], [sflag:$0x1] =	stream.indirect_vreg.gather [hbm4b:s6+s23], $0x80, v4, vm0, $0xb8;
	[tilespmem:$0x1E200] =	vst v63  }
0x3f4: {  	s25 =	simm.s32 $0x7A00  }
0x3f5: {  	[tilespmem:s25], [sflag:$0x1] =	stream.indirect_vreg.gather [hbm4b:s1+s23], $0x80, v3, vm0, $0xb8;
	[tilespmem:$0x1E200] =	vst v63  }
0x3f6: {  	s8 =	simm.s32 $0x8200  }
0x3f7: {  	[tilespmem:s8], [sflag:$0x1] =	stream.indirect_vreg.gather [hbm4b:s5+s23], $0x80, v3, vm0, $0xb8;
	[tilespmem:$0x1E200] =	vst v63  }
0x3f8: {  	s11 =	simm.s32 $0x8A00  }
0x3f9: {  	[tilespmem:s11], [sflag:$0x1] =	stream.indirect_vreg.gather [hbm4b:s6+s23], $0x80, v3, vm0, $0xb8;
	[tilespmem:$0x1E200] =	vst v63  }
0x3fa: {  	v3 =	vld [tilespmem:$0x50];
	_ =	sdelay $0x4  }
0x3fb: {  	v63 =	vshrl.u32 v3, $0x3  }
0x3fc: {  	v4 =	vmul.u32 $0x30, v63  }
0x3fd: {  	v3 =	vand.u32 $0x7, v3  }
0x3fe: {  	v3 =	vor.u32 v3, v4  }
0x3ff: {  	v4 =	vperm.xlane v3, v0;
	_ =	sdelay $0x1  }
0x400: {  	v4 =	vadd.s32 v1, v4;
	_ =	sdelay $0x3  }
0x401: {  	s19 =	simm.s32 $0x9200;
	v3 =	vperm.xlane v3, v2  }
0x402: {  	[tilespmem:s19], [sflag:$0x5] =	stream.indirect_vreg.gather [hbm4b:s1+s23], $0x80, v4, vm0, $0xb8;
	[tilespmem:$0x1E200] =	vst v63  }
0x403: {  	s25 =	simm.s32 $0x9A00;
	v3 =	vadd.s32 v1, v3  }
0x404: {  	[tilespmem:s25], [sflag:$0x5] =	stream.indirect_vreg.gather [hbm4b:s5+s23], $0x80, v4, vm0, $0xb8;
	[tilespmem:$0x1E200] =	vst v63  }
0x405: {  	s8 =	simm.s32 $0xA200  }
0x406: {  	[tilespmem:s8], [sflag:$0x5] =	stream.indirect_vreg.gather [hbm4b:s6+s23], $0x80, v4, vm0, $0xb8;
	[tilespmem:$0x1E200] =	vst v63  }
0x407: {  	s11 =	simm.s32 $0xAA00  }
0x408: {  	[tilespmem:s11], [sflag:$0x5] =	stream.indirect_vreg.gather [hbm4b:s1+s23], $0x80, v3, vm0, $0xb8;
	[tilespmem:$0x1E200] =	vst v63  }
0x409: {  	s19 =	simm.s32 $0xB200  }
0x40a: {  	[tilespmem:s19], [sflag:$0x5] =	stream.indirect_vreg.gather [hbm4b:s5+s23], $0x80, v3, vm0, $0xb8;
	[tilespmem:$0x1E200] =	vst v63  }
0x40b: {  	s25 =	simm.s32 $0xBA00  }
0x40c: {  	[tilespmem:s25], [sflag:$0x5] =	stream.indirect_vreg.gather [hbm4b:s6+s23], $0x80, v3, vm0, $0xb8;
	[tilespmem:$0x1E200] =	vst v63  }
0x40d: {  	_ =	swait.ge [sflag:s31], $0x3000  }
0x40e: {  	[sflag:s31] =	ssyncset.done $0x0  }
0x40f: {  	s19 =	simm.s32 $0x0;
	[sflag:s31] =	ssyncadd.s32 $0xFFFFD000  }
.LBB2_50:
0x410: {  	s2 =	sshrl.u32 s19, $0x3  }
0x411: {  	s8 =	sand.u32 $0x7, s23;
	s2 =	smul.u32 $0x6000, s2  }
0x412: {  	s8 =	sshll.u32 s8, $0x9  }
0x413: {  	s2 =	sor.u32 s8, s2  }
0x414: {  	s2 =	sshra.s32 s2, $0x2  }
0x415: {  	s25 =	sadd.s32 $0x12240, s2  }
0x416: {  	s2 =	sadd.s32 $0x240, s2;
	v4 =	vld [tilespmem:s25+$0x30]  }
0x417: {  	v5 =	vld [tilespmem:s2+$0x30]  }
0x418: {  	v3 =	vld [tilespmem:s2+$0xFFFFFFC0]  }
0x419: {  	v6 =	vld [tilespmem:s25+$0xFFFFFFD0]  }
0x41a: {  	v7 =	vld [tilespmem:s2+$0xFFFFFFD0]  }
0x41b: {  	v8 =	vld [tilespmem:s25+$0xFFFFFFE0]  }
0x41c: {  	v9 =	vld [tilespmem:s2+$0xFFFFFFE0]  }
0x41d: {  	v10 =	vld [tilespmem:s25+$0xFFFFFFF0]  }
0x41e: {  	v11 =	vld [tilespmem:s2+$0xFFFFFFF0]  }
0x41f: {  	v12 =	vld [tilespmem:s25+$0x0]  }
0x420: {  	v13 =	vld [tilespmem:s2+$0x0];
	v5 =	vadd.f32 v5, v4  }
0x421: {  	v7 =	vadd.f32 v7, v6;
	v4 =	vld [tilespmem:s25+$0x10]  }
0x422: {  	v8 =	vadd.f32 v9, v8;
	v6 =	vld [tilespmem:s2+$0x10];
	[tilespmem:s25+$0x30] =	vst v5  }
0x423: {  	v9 =	vadd.f32 v11, v10;
	[tilespmem:s25+$0xFFFFFFD0] =	vst v7;
	v5 =	vld [tilespmem:s25+$0x20]  }
0x424: {  	[tilespmem:s25+$0xFFFFFFE0] =	vst v8;
	v8 =	vld [tilespmem:s2+$0x20]  }
0x425: {  	s11 =	simm.s32 $0x0;
	s8 =	sadd.s32 $0x400, s25;
	v7 =	vld [tilespmem:s25+$0xFFFFFFC0];
	[tilespmem:s25+$0xFFFFFFF0] =	vst v9;
	v9 =	vadd.f32 v13, v12  }
.LBB2_51:
0x426: {  	v10 =	vld [tilespmem:s8+$0x30];
	s2 =	sadd.s32 $0x400, s2  }
0x427: {  	s11 =	sadd.s32 $0x80, s11;
	v11 =	vld [tilespmem:s2+$0x30];
	[tilespmem:s25+$0x0] =	vst v9;
	v4 =	vadd.f32 v6, v4  }
0x428: {  	p0 =	slt.u32 s11, $0x280;
	v6 =	vld [tilespmem:s2+$0xFFFFFFC0]  }
0x429: {  	v9 =	vld [tilespmem:s8+$0xFFFFFFD0];
	[tilespmem:s25+$0x10] =	vst v4;
	v4 =	vadd.f32 v8, v5  }
0x42a: {  	v5 =	vld [tilespmem:s2+$0xFFFFFFD0];
	v12 =	vadd.f32 v3, v7  }
0x42b: {  	v7 =	vld [tilespmem:s8+$0xFFFFFFE0];
	[tilespmem:s25+$0x20] =	vst v4  }
0x42c: {  	v4 =	vld [tilespmem:s2+$0xFFFFFFE0];
	v8 =	vadd.f32 v11, v10;
	[tilespmem:s25+$0xFFFFFFC0] =	vst v12;
	s25 =	smov.u32 s8  }
0x42d: {  	v10 =	vld [tilespmem:s8+$0xFFFFFFF0];
	v3 =	vmov v6  }
0x42e: {  	v11 =	vld [tilespmem:s2+$0xFFFFFFF0];
	[tilespmem:s8+$0x30] =	vst v8  }
0x42f: {  	v5 =	vadd.f32 v5, v9;
	v9 =	vld [tilespmem:s8+$0x0]  }
0x430: {  	v12 =	vld [tilespmem:s2+$0x0]  }
.Ltmp24:
0x431: {  	[tilespmem:s8+$0xFFFFFFD0] =	vst v5;
	v5 =	vadd.f32 v4, v7;
	v4 =	vld [tilespmem:s8+$0x10];
	(pc) =	sbr.rel @p0 .LBB2_51-.Ltmp24, $4  }
0x432: {  	v6 =	vld [tilespmem:s2+$0x10]  }
0x433: {  	[tilespmem:s8+$0xFFFFFFE0] =	vst v5;
	v10 =	vadd.f32 v11, v10;
	v5 =	vld [tilespmem:s8+$0x20]  }
0x434: {  	v8 =	vld [tilespmem:s2+$0x20]  }
0x435: {  	s8 =	sadd.s32 $0x400, s8;
	v7 =	vld [tilespmem:s25+$0xFFFFFFC0];
	[tilespmem:s25+$0xFFFFFFF0] =	vst v10;
	v9 =	vadd.f32 v12, v9  }
0x436: {  	s19 =	sadd.s32 $0x1, s19  }
0x437: {  	p0 =	sne.s32 s19, $0x10  }
.Ltmp25:
0x438: {  	v4 =	vadd.f32 v6, v4;
	(pc) =	sbr.rel @p0 .LBB2_50-.Ltmp25, $4  }
0x439: {  	[tilespmem:s25+$0x0] =	vst v9;
	v5 =	vadd.f32 v8, v5  }
0x43a: {  	[tilespmem:s25+$0x10] =	vst v4;
	v3 =	vadd.f32 v3, v7  }
0x43b: {  	[tilespmem:s25+$0x20] =	vst v5  }
0x43c: {  	s23 =	sadd.s32 $0x1, s23;
	[tilespmem:s25+$0xFFFFFFC0] =	vst v3  }
0x43d: {  	s23 =	simm.s32 $0x0;
	s2 =	rddreg [dreg:$0x17];
	s8 =	simm.s32 $0x12200  }
0x43e: {  	[hbm4b:s2+s23] =	stream.linear.scatter [tilespmem:s8], [sflag:$0xB], $0x3000, $0x38;
	[tilespmem:$0x1E200] =	vst v63  }
0x43f: {  	_ =	swait.ge [sflag:s0], $0x3000  }
0x440: {  	[sflag:s0] =	ssyncset.done $0x0  }
0x441: {  	s19 =	simm.s32 $0x0;
	[sflag:s0] =	ssyncadd.s32 $0xFFFFD000  }
.LBB2_54:
0x442: {  	s2 =	sshrl.u32 s19, $0x3  }
0x443: {  	s8 =	sand.u32 $0x7, s23;
	s2 =	smul.u32 $0x6000, s2  }
0x444: {  	s8 =	sshll.u32 s8, $0x9  }
0x445: {  	s2 =	sor.u32 s8, s2  }
0x446: {  	s2 =	sshra.s32 s2, $0x2  }
0x447: {  	s25 =	sadd.s32 $0x15270, s2  }
0x448: {  	s2 =	sadd.s32 $0x3270, s2;
	v4 =	vld [tilespmem:s25+$0x0]  }
0x449: {  	v5 =	vld [tilespmem:s2+$0x0]  }
0x44a: {  	v3 =	vld [tilespmem:s2+$0xFFFFFF90]  }
0x44b: {  	v6 =	vld [tilespmem:s25+$0xFFFFFFA0]  }
0x44c: {  	v7 =	vld [tilespmem:s2+$0xFFFFFFA0]  }
0x44d: {  	v8 =	vld [tilespmem:s25+$0xFFFFFFB0]  }
0x44e: {  	v9 =	vld [tilespmem:s2+$0xFFFFFFB0]  }
0x44f: {  	v10 =	vld [tilespmem:s25+$0xFFFFFFC0]  }
0x450: {  	v11 =	vld [tilespmem:s2+$0xFFFFFFC0]  }
0x451: {  	v12 =	vld [tilespmem:s25+$0xFFFFFFD0]  }
0x452: {  	v13 =	vld [tilespmem:s2+$0xFFFFFFD0];
	v5 =	vadd.f32 v5, v4  }
0x453: {  	v7 =	vadd.f32 v7, v6;
	v4 =	vld [tilespmem:s25+$0xFFFFFFE0]  }
0x454: {  	v8 =	vadd.f32 v9, v8;
	v6 =	vld [tilespmem:s2+$0xFFFFFFE0];
	[tilespmem:s25+$0x0] =	vst v5  }
0x455: {  	v9 =	vadd.f32 v11, v10;
	[tilespmem:s25+$0xFFFFFFA0] =	vst v7;
	v5 =	vld [tilespmem:s25+$0xFFFFFFF0]  }
0x456: {  	[tilespmem:s25+$0xFFFFFFB0] =	vst v8;
	v8 =	vld [tilespmem:s2+$0xFFFFFFF0]  }
0x457: {  	s11 =	simm.s32 $0x0;
	s8 =	sadd.s32 $0x400, s25;
	v7 =	vld [tilespmem:s25+$0xFFFFFF90];
	[tilespmem:s25+$0xFFFFFFC0] =	vst v9;
	v9 =	vadd.f32 v13, v12  }
.LBB2_55:
0x458: {  	v10 =	vld [tilespmem:s8+$0x0];
	s2 =	sadd.s32 $0x400, s2  }
0x459: {  	s11 =	sadd.s32 $0x80, s11;
	v11 =	vld [tilespmem:s2+$0x0];
	[tilespmem:s25+$0xFFFFFFD0] =	vst v9;
	v4 =	vadd.f32 v6, v4  }
0x45a: {  	p0 =	slt.u32 s11, $0x280;
	v6 =	vld [tilespmem:s2+$0xFFFFFF90]  }
0x45b: {  	v9 =	vld [tilespmem:s8+$0xFFFFFFA0];
	[tilespmem:s25+$0xFFFFFFE0] =	vst v4;
	v4 =	vadd.f32 v8, v5  }
0x45c: {  	v5 =	vld [tilespmem:s2+$0xFFFFFFA0];
	v12 =	vadd.f32 v3, v7  }
0x45d: {  	v7 =	vld [tilespmem:s8+$0xFFFFFFB0];
	[tilespmem:s25+$0xFFFFFFF0] =	vst v4  }
0x45e: {  	v4 =	vld [tilespmem:s2+$0xFFFFFFB0];
	v8 =	vadd.f32 v11, v10;
	[tilespmem:s25+$0xFFFFFF90] =	vst v12;
	s25 =	smov.u32 s8  }
0x45f: {  	v10 =	vld [tilespmem:s8+$0xFFFFFFC0];
	v3 =	vmov v6  }
0x460: {  	v11 =	vld [tilespmem:s2+$0xFFFFFFC0];
	[tilespmem:s8+$0x0] =	vst v8  }
0x461: {  	v5 =	vadd.f32 v5, v9;
	v9 =	vld [tilespmem:s8+$0xFFFFFFD0]  }
0x462: {  	v12 =	vld [tilespmem:s2+$0xFFFFFFD0]  }
.Ltmp26:
0x463: {  	[tilespmem:s8+$0xFFFFFFA0] =	vst v5;
	v5 =	vadd.f32 v4, v7;
	v4 =	vld [tilespmem:s8+$0xFFFFFFE0];
	(pc) =	sbr.rel @p0 .LBB2_55-.Ltmp26, $4  }
0x464: {  	v6 =	vld [tilespmem:s2+$0xFFFFFFE0]  }
0x465: {  	[tilespmem:s8+$0xFFFFFFB0] =	vst v5;
	v10 =	vadd.f32 v11, v10;
	v5 =	vld [tilespmem:s8+$0xFFFFFFF0]  }
0x466: {  	v8 =	vld [tilespmem:s2+$0xFFFFFFF0]  }
0x467: {  	s8 =	sadd.s32 $0x400, s8;
	v7 =	vld [tilespmem:s25+$0xFFFFFF90];
	[tilespmem:s25+$0xFFFFFFC0] =	vst v10;
	v9 =	vadd.f32 v12, v9  }
0x468: {  	s19 =	sadd.s32 $0x1, s19  }
0x469: {  	p0 =	sne.s32 s19, $0x10  }
.Ltmp27:
0x46a: {  	v4 =	vadd.f32 v6, v4;
	(pc) =	sbr.rel @p0 .LBB2_54-.Ltmp27, $4  }
0x46b: {  	[tilespmem:s25+$0xFFFFFFD0] =	vst v9;
	v5 =	vadd.f32 v8, v5  }
0x46c: {  	[tilespmem:s25+$0xFFFFFFE0] =	vst v4;
	v3 =	vadd.f32 v3, v7  }
0x46d: {  	[tilespmem:s25+$0xFFFFFFF0] =	vst v5  }
0x46e: {  	s23 =	sadd.s32 $0x1, s23;
	[tilespmem:s25+$0xFFFFFF90] =	vst v3  }
0x46f: {  	s23 =	simm.s32 $0x0;
	s2 =	rddreg [dreg:$0x19]  }
0x470: {  	[hbm4b:s2+s23] =	stream.linear.scatter [tilespmem:s26], [sflag:$0xF], $0x3000, $0x38;
	[tilespmem:$0x1E200] =	vst v63  }
0x471: {  	_ =	swait.ge [sflag:s10], $0x3000  }
0x472: {  	[sflag:s10] =	ssyncset.done $0x0  }
0x473: {  	[sflag:s10] =	ssyncadd.s32 $0xFFFFD000  }
0x474: {  	_ =	swait.ge [sflag:s12], $0x3000  }
0x475: {  	[sflag:s12] =	ssyncset.done $0x0  }
0x476: {  	[sflag:s12] =	ssyncadd.s32 $0xFFFFD000  }
0x477: {  	v3 =	vld [tilespmem:$0xC0];
	_ =	sdelay $0x4  }
0x478: {  	v4 =	vshrl.u32 v3, $0x3  }
0x479: {  	v4 =	vmul.u32 $0x30, v4  }
0x47a: {  	v3 =	vand.u32 $0x7, v3  }
0x47b: {  	v3 =	vor.u32 v3, v4  }
0x47c: {  	v4 =	vperm.xlane v3, v0;
	_ =	sdelay $0x1  }
0x47d: {  	v4 =	vadd.s32 v1, v4;
	_ =	sdelay $0x3  }
0x47e: {  	s8 =	simm.s32 $0xC200;
	v3 =	vperm.xlane v3, v2  }
0x47f: {  	[tilespmem:s8], [sflag:$0x2] =	stream.indirect_vreg.gather [hbm4b:s1+s23], $0x80, v4, vm0, $0xb8;
	[tilespmem:$0x1E200] =	vst v63  }
0x480: {  	s11 =	simm.s32 $0xCA00;
	v3 =	vadd.s32 v1, v3  }
0x481: {  	[tilespmem:s11], [sflag:$0x2] =	stream.indirect_vreg.gather [hbm4b:s5+s23], $0x80, v4, vm0, $0xb8;
	[tilespmem:$0x1E200] =	vst v63  }
0x482: {  	s19 =	simm.s32 $0xD200  }
0x483: {  	[tilespmem:s19], [sflag:$0x2] =	stream.indirect_vreg.gather [hbm4b:s6+s23], $0x80, v4, vm0, $0xb8;
	[tilespmem:$0x1E200] =	vst v63  }
0x484: {  	s25 =	simm.s32 $0xDA00  }
0x485: {  	[tilespmem:s25], [sflag:$0x2] =	stream.indirect_vreg.gather [hbm4b:s1+s23], $0x80, v3, vm0, $0xb8;
	[tilespmem:$0x1E200] =	vst v63  }
0x486: {  	s8 =	simm.s32 $0xE200  }
0x487: {  	[tilespmem:s8], [sflag:$0x2] =	stream.indirect_vreg.gather [hbm4b:s5+s23], $0x80, v3, vm0, $0xb8;
	[tilespmem:$0x1E200] =	vst v63  }
0x488: {  	s11 =	simm.s32 $0xEA00  }
0x489: {  	[tilespmem:s11], [sflag:$0x2] =	stream.indirect_vreg.gather [hbm4b:s6+s23], $0x80, v3, vm0, $0xb8;
	[tilespmem:$0x1E200] =	vst v63  }
0x48a: {  	v3 =	vld [tilespmem:$0xD0];
	_ =	sdelay $0x4  }
0x48b: {  	v63 =	vshrl.u32 v3, $0x3  }
0x48c: {  	v4 =	vmul.u32 $0x30, v63  }
0x48d: {  	v3 =	vand.u32 $0x7, v3  }
0x48e: {  	v3 =	vor.u32 v3, v4  }
0x48f: {  	v4 =	vperm.xlane v3, v0;
	_ =	sdelay $0x1  }
0x490: {  	v4 =	vadd.s32 v1, v4;
	_ =	sdelay $0x3  }
0x491: {  	s19 =	simm.s32 $0xF200;
	v3 =	vperm.xlane v3, v2  }
0x492: {  	[tilespmem:s19], [sflag:$0x6] =	stream.indirect_vreg.gather [hbm4b:s1+s23], $0x80, v4, vm0, $0xb8;
	[tilespmem:$0x1E200] =	vst v63  }
0x493: {  	s25 =	simm.s32 $0xFA00;
	v3 =	vadd.s32 v1, v3  }
0x494: {  	[tilespmem:s25], [sflag:$0x6] =	stream.indirect_vreg.gather [hbm4b:s5+s23], $0x80, v4, vm0, $0xb8;
	[tilespmem:$0x1E200] =	vst v63  }
0x495: {  	s8 =	simm.s32 $0x10200  }
0x496: {  	[tilespmem:s8], [sflag:$0x6] =	stream.indirect_vreg.gather [hbm4b:s6+s23], $0x80, v4, vm0, $0xb8;
	[tilespmem:$0x1E200] =	vst v63  }
0x497: {  	s11 =	simm.s32 $0x10A00  }
0x498: {  	[tilespmem:s11], [sflag:$0x6] =	stream.indirect_vreg.gather [hbm4b:s1+s23], $0x80, v3, vm0, $0xb8;
	[tilespmem:$0x1E200] =	vst v63  }
0x499: {  	s19 =	simm.s32 $0x11200  }
0x49a: {  	[tilespmem:s19], [sflag:$0x6] =	stream.indirect_vreg.gather [hbm4b:s5+s23], $0x80, v3, vm0, $0xb8;
	[tilespmem:$0x1E200] =	vst v63  }
0x49b: {  	s25 =	simm.s32 $0x11A00  }
0x49c: {  	[tilespmem:s25], [sflag:$0x6] =	stream.indirect_vreg.gather [hbm4b:s6+s23], $0x80, v3, vm0, $0xb8;
	[tilespmem:$0x1E200] =	vst v63  }
0x49d: {  	_ =	swait.ge [sflag:s13], $0x3000  }
0x49e: {  	[sflag:s13] =	ssyncset.done $0x0  }
0x49f: {  	s19 =	simm.s32 $0x0;
	[sflag:s13] =	ssyncadd.s32 $0xFFFFD000  }
.LBB2_58:
0x4a0: {  	s2 =	sshrl.u32 s19, $0x3  }
0x4a1: {  	s8 =	sand.u32 $0x7, s23;
	s2 =	smul.u32 $0x6000, s2  }
0x4a2: {  	s8 =	sshll.u32 s8, $0x9  }
0x4a3: {  	s2 =	sor.u32 s8, s2  }
0x4a4: {  	s2 =	sshra.s32 s2, $0x2  }
0x4a5: {  	s25 =	sadd.s32 $0x18240, s2  }
0x4a6: {  	s2 =	sadd.s32 $0x240, s2;
	v4 =	vld [tilespmem:s25+$0x30]  }
0x4a7: {  	v5 =	vld [tilespmem:s2+$0x30]  }
0x4a8: {  	v3 =	vld [tilespmem:s2+$0xFFFFFFC0]  }
0x4a9: {  	v6 =	vld [tilespmem:s25+$0xFFFFFFD0]  }
0x4aa: {  	v7 =	vld [tilespmem:s2+$0xFFFFFFD0]  }
0x4ab: {  	v8 =	vld [tilespmem:s25+$0xFFFFFFE0]  }
0x4ac: {  	v9 =	vld [tilespmem:s2+$0xFFFFFFE0]  }
0x4ad: {  	v10 =	vld [tilespmem:s25+$0xFFFFFFF0]  }
0x4ae: {  	v11 =	vld [tilespmem:s2+$0xFFFFFFF0]  }
0x4af: {  	v12 =	vld [tilespmem:s25+$0x0]  }
0x4b0: {  	v13 =	vld [tilespmem:s2+$0x0];
	v5 =	vadd.f32 v5, v4  }
0x4b1: {  	v7 =	vadd.f32 v7, v6;
	v4 =	vld [tilespmem:s25+$0x10]  }
0x4b2: {  	v8 =	vadd.f32 v9, v8;
	v6 =	vld [tilespmem:s2+$0x10];
	[tilespmem:s25+$0x30] =	vst v5  }
0x4b3: {  	v9 =	vadd.f32 v11, v10;
	[tilespmem:s25+$0xFFFFFFD0] =	vst v7;
	v5 =	vld [tilespmem:s25+$0x20]  }
0x4b4: {  	[tilespmem:s25+$0xFFFFFFE0] =	vst v8;
	v8 =	vld [tilespmem:s2+$0x20]  }
0x4b5: {  	s11 =	simm.s32 $0x0;
	s8 =	sadd.s32 $0x400, s25;
	v7 =	vld [tilespmem:s25+$0xFFFFFFC0];
	[tilespmem:s25+$0xFFFFFFF0] =	vst v9;
	v9 =	vadd.f32 v13, v12  }
.LBB2_59:
0x4b6: {  	v10 =	vld [tilespmem:s8+$0x30];
	s2 =	sadd.s32 $0x400, s2  }
0x4b7: {  	s11 =	sadd.s32 $0x80, s11;
	v11 =	vld [tilespmem:s2+$0x30];
	[tilespmem:s25+$0x0] =	vst v9;
	v4 =	vadd.f32 v6, v4  }
0x4b8: {  	p0 =	slt.u32 s11, $0x280;
	v6 =	vld [tilespmem:s2+$0xFFFFFFC0]  }
0x4b9: {  	v9 =	vld [tilespmem:s8+$0xFFFFFFD0];
	[tilespmem:s25+$0x10] =	vst v4;
	v4 =	vadd.f32 v8, v5  }
0x4ba: {  	v5 =	vld [tilespmem:s2+$0xFFFFFFD0];
	v12 =	vadd.f32 v3, v7  }
0x4bb: {  	v7 =	vld [tilespmem:s8+$0xFFFFFFE0];
	[tilespmem:s25+$0x20] =	vst v4  }
0x4bc: {  	v4 =	vld [tilespmem:s2+$0xFFFFFFE0];
	v8 =	vadd.f32 v11, v10;
	[tilespmem:s25+$0xFFFFFFC0] =	vst v12;
	s25 =	smov.u32 s8  }
0x4bd: {  	v10 =	vld [tilespmem:s8+$0xFFFFFFF0];
	v3 =	vmov v6  }
0x4be: {  	v11 =	vld [tilespmem:s2+$0xFFFFFFF0];
	[tilespmem:s8+$0x30] =	vst v8  }
0x4bf: {  	v5 =	vadd.f32 v5, v9;
	v9 =	vld [tilespmem:s8+$0x0]  }
0x4c0: {  	v12 =	vld [tilespmem:s2+$0x0]  }
.Ltmp28:
0x4c1: {  	[tilespmem:s8+$0xFFFFFFD0] =	vst v5;
	v5 =	vadd.f32 v4, v7;
	v4 =	vld [tilespmem:s8+$0x10];
	(pc) =	sbr.rel @p0 .LBB2_59-.Ltmp28, $4  }
0x4c2: {  	v6 =	vld [tilespmem:s2+$0x10]  }
0x4c3: {  	[tilespmem:s8+$0xFFFFFFE0] =	vst v5;
	v10 =	vadd.f32 v11, v10;
	v5 =	vld [tilespmem:s8+$0x20]  }
0x4c4: {  	v8 =	vld [tilespmem:s2+$0x20]  }
0x4c5: {  	s8 =	sadd.s32 $0x400, s8;
	v7 =	vld [tilespmem:s25+$0xFFFFFFC0];
	[tilespmem:s25+$0xFFFFFFF0] =	vst v10;
	v9 =	vadd.f32 v12, v9  }
0x4c6: {  	s19 =	sadd.s32 $0x1, s19  }
0x4c7: {  	p0 =	sne.s32 s19, $0x10  }
.Ltmp29:
0x4c8: {  	v4 =	vadd.f32 v6, v4;
	(pc) =	sbr.rel @p0 .LBB2_58-.Ltmp29, $4  }
0x4c9: {  	[tilespmem:s25+$0x0] =	vst v9;
	v5 =	vadd.f32 v8, v5  }
0x4ca: {  	[tilespmem:s25+$0x10] =	vst v4;
	v3 =	vadd.f32 v3, v7  }
0x4cb: {  	[tilespmem:s25+$0x20] =	vst v5  }
0x4cc: {  	s23 =	sadd.s32 $0x1, s23;
	[tilespmem:s25+$0xFFFFFFC0] =	vst v3  }
0x4cd: {  	s23 =	simm.s32 $0x0;
	s2 =	rddreg [dreg:$0x1b]  }
0x4ce: {  	[hbm4b:s2+s23] =	stream.linear.scatter [tilespmem:s9], [sflag:$0xC], $0x3000, $0x38;
	[tilespmem:$0x1E200] =	vst v63  }
0x4cf: {  	_ =	swait.ge [sflag:s14], $0x3000  }
0x4d0: {  	[sflag:s14] =	ssyncset.done $0x0  }
0x4d1: {  	s19 =	simm.s32 $0x0;
	[sflag:s14] =	ssyncadd.s32 $0xFFFFD000  }
.LBB2_62:
0x4d2: {  	s2 =	sshrl.u32 s19, $0x3  }
0x4d3: {  	s8 =	sand.u32 $0x7, s23;
	s2 =	smul.u32 $0x6000, s2  }
0x4d4: {  	s8 =	sshll.u32 s8, $0x9  }
0x4d5: {  	s2 =	sor.u32 s8, s2  }
0x4d6: {  	s2 =	sshra.s32 s2, $0x2  }
0x4d7: {  	s25 =	sadd.s32 $0x1B270, s2  }
0x4d8: {  	s2 =	sadd.s32 $0x3270, s2;
	v4 =	vld [tilespmem:s25+$0x0]  }
0x4d9: {  	v5 =	vld [tilespmem:s2+$0x0]  }
0x4da: {  	v3 =	vld [tilespmem:s2+$0xFFFFFF90]  }
0x4db: {  	v6 =	vld [tilespmem:s25+$0xFFFFFFA0]  }
0x4dc: {  	v7 =	vld [tilespmem:s2+$0xFFFFFFA0]  }
0x4dd: {  	v8 =	vld [tilespmem:s25+$0xFFFFFFB0]  }
0x4de: {  	v9 =	vld [tilespmem:s2+$0xFFFFFFB0]  }
0x4df: {  	v10 =	vld [tilespmem:s25+$0xFFFFFFC0]  }
0x4e0: {  	v11 =	vld [tilespmem:s2+$0xFFFFFFC0]  }
0x4e1: {  	v12 =	vld [tilespmem:s25+$0xFFFFFFD0]  }
0x4e2: {  	v13 =	vld [tilespmem:s2+$0xFFFFFFD0];
	v5 =	vadd.f32 v5, v4  }
0x4e3: {  	v7 =	vadd.f32 v7, v6;
	v4 =	vld [tilespmem:s25+$0xFFFFFFE0]  }
0x4e4: {  	v8 =	vadd.f32 v9, v8;
	v6 =	vld [tilespmem:s2+$0xFFFFFFE0];
	[tilespmem:s25+$0x0] =	vst v5  }
0x4e5: {  	v9 =	vadd.f32 v11, v10;
	[tilespmem:s25+$0xFFFFFFA0] =	vst v7;
	v5 =	vld [tilespmem:s25+$0xFFFFFFF0]  }
0x4e6: {  	[tilespmem:s25+$0xFFFFFFB0] =	vst v8;
	v8 =	vld [tilespmem:s2+$0xFFFFFFF0]  }
0x4e7: {  	s11 =	simm.s32 $0x0;
	s8 =	sadd.s32 $0x400, s25;
	v7 =	vld [tilespmem:s25+$0xFFFFFF90];
	[tilespmem:s25+$0xFFFFFFC0] =	vst v9;
	v9 =	vadd.f32 v13, v12  }
.LBB2_63:
0x4e8: {  	v10 =	vld [tilespmem:s8+$0x0];
	s2 =	sadd.s32 $0x400, s2  }
0x4e9: {  	s11 =	sadd.s32 $0x80, s11;
	v11 =	vld [tilespmem:s2+$0x0];
	[tilespmem:s25+$0xFFFFFFD0] =	vst v9;
	v4 =	vadd.f32 v6, v4  }
0x4ea: {  	p0 =	slt.u32 s11, $0x280;
	v6 =	vld [tilespmem:s2+$0xFFFFFF90]  }
0x4eb: {  	v9 =	vld [tilespmem:s8+$0xFFFFFFA0];
	[tilespmem:s25+$0xFFFFFFE0] =	vst v4;
	v4 =	vadd.f32 v8, v5  }
0x4ec: {  	v5 =	vld [tilespmem:s2+$0xFFFFFFA0];
	v12 =	vadd.f32 v3, v7  }
0x4ed: {  	v7 =	vld [tilespmem:s8+$0xFFFFFFB0];
	[tilespmem:s25+$0xFFFFFFF0] =	vst v4  }
0x4ee: {  	v4 =	vld [tilespmem:s2+$0xFFFFFFB0];
	v8 =	vadd.f32 v11, v10;
	[tilespmem:s25+$0xFFFFFF90] =	vst v12;
	s25 =	smov.u32 s8  }
0x4ef: {  	v10 =	vld [tilespmem:s8+$0xFFFFFFC0];
	v3 =	vmov v6  }
0x4f0: {  	v11 =	vld [tilespmem:s2+$0xFFFFFFC0];
	[tilespmem:s8+$0x0] =	vst v8  }
0x4f1: {  	v5 =	vadd.f32 v5, v9;
	v9 =	vld [tilespmem:s8+$0xFFFFFFD0]  }
0x4f2: {  	v12 =	vld [tilespmem:s2+$0xFFFFFFD0]  }
.Ltmp30:
0x4f3: {  	[tilespmem:s8+$0xFFFFFFA0] =	vst v5;
	v5 =	vadd.f32 v4, v7;
	v4 =	vld [tilespmem:s8+$0xFFFFFFE0];
	(pc) =	sbr.rel @p0 .LBB2_63-.Ltmp30, $4  }
0x4f4: {  	v6 =	vld [tilespmem:s2+$0xFFFFFFE0]  }
0x4f5: {  	[tilespmem:s8+$0xFFFFFFB0] =	vst v5;
	v10 =	vadd.f32 v11, v10;
	v5 =	vld [tilespmem:s8+$0xFFFFFFF0]  }
0x4f6: {  	v8 =	vld [tilespmem:s2+$0xFFFFFFF0]  }
0x4f7: {  	s8 =	sadd.s32 $0x400, s8;
	v7 =	vld [tilespmem:s25+$0xFFFFFF90];
	[tilespmem:s25+$0xFFFFFFC0] =	vst v10;
	v9 =	vadd.f32 v12, v9  }
0x4f8: {  	s19 =	sadd.s32 $0x1, s19  }
0x4f9: {  	p0 =	sne.s32 s19, $0x10  }
.Ltmp31:
0x4fa: {  	v4 =	vadd.f32 v6, v4;
	(pc) =	sbr.rel @p0 .LBB2_62-.Ltmp31, $4  }
0x4fb: {  	[tilespmem:s25+$0xFFFFFFD0] =	vst v9;
	v5 =	vadd.f32 v8, v5  }
0x4fc: {  	[tilespmem:s25+$0xFFFFFFE0] =	vst v4;
	v3 =	vadd.f32 v3, v7  }
0x4fd: {  	[tilespmem:s25+$0xFFFFFFF0] =	vst v5  }
0x4fe: {  	s23 =	sadd.s32 $0x1, s23;
	[tilespmem:s25+$0xFFFFFF90] =	vst v3  }
0x4ff: {  	s23 =	simm.s32 $0x0;
	s2 =	rddreg [dreg:$0x1c]  }
0x500: {  	[hbm4b:s2+s23] =	stream.linear.scatter [tilespmem:s16], [sflag:$0x10], $0x3000, $0x38;
	[tilespmem:$0x1E200] =	vst v63  }
0x501: {  	s25 =	rddreg [dreg:$0x13];
	s8 =	simm.s32 $0x200  }
0x502: {  	[tilespmem:s8], [sflag:$0x11] =	stream.linear.gather [hbm4b:s25+s23], $0x6000, $0x38;
	[tilespmem:$0x1E200] =	vst v63  }
0x503: {  	_ =	swait.ge [sflag:s18], $0x6000  }
0x504: {  	[sflag:s18] =	ssyncset.done $0x0  }
0x505: {  	[sflag:s18] =	ssyncadd.s32 $0xFFFFA000  }
0x506: {  	_ =	swait.ge [sflag:s15], $0x3000  }
0x507: {  	[sflag:s15] =	ssyncset.done $0x0  }
0x508: {  	[sflag:s15] =	ssyncadd.s32 $0xFFFFD000  }
0x509: {  	_ =	swait.ge [sflag:s17], $0x3000  }
0x50a: {  	[sflag:s17] =	ssyncset.done $0x0  }
0x50b: {  	[sflag:s17] =	ssyncadd.s32 $0xFFFFD000  }
0x50c: {  	v3 =	vld [tilespmem:$0x140];
	_ =	sdelay $0x4  }
0x50d: {  	v4 =	vshrl.u32 v3, $0x3  }
0x50e: {  	v4 =	vmul.u32 $0x30, v4  }
0x50f: {  	v3 =	vand.u32 $0x7, v3  }
0x510: {  	v3 =	vor.u32 v3, v4  }
0x511: {  	v4 =	vperm.xlane v3, v0;
	_ =	sdelay $0x1  }
0x512: {  	v4 =	vadd.s32 v1, v4;
	_ =	sdelay $0x3  }
0x513: {  	s11 =	simm.s32 $0x12200;
	v3 =	vperm.xlane v3, v2  }
0x514: {  	[tilespmem:s11], [sflag:$0x3] =	stream.indirect_vreg.gather [hbm4b:s1+s23], $0x80, v4, vm0, $0xb8;
	[tilespmem:$0x1E200] =	vst v63  }
0x515: {  	s19 =	simm.s32 $0x12A00;
	v3 =	vadd.s32 v1, v3  }
0x516: {  	[tilespmem:s19], [sflag:$0x3] =	stream.indirect_vreg.gather [hbm4b:s5+s23], $0x80, v4, vm0, $0xb8;
	[tilespmem:$0x1E200] =	vst v63  }
0x517: {  	s25 =	simm.s32 $0x13200  }
0x518: {  	[tilespmem:s25], [sflag:$0x3] =	stream.indirect_vreg.gather [hbm4b:s6+s23], $0x80, v4, vm0, $0xb8;
	[tilespmem:$0x1E200] =	vst v63  }
0x519: {  	s8 =	simm.s32 $0x13A00  }
0x51a: {  	[tilespmem:s8], [sflag:$0x3] =	stream.indirect_vreg.gather [hbm4b:s1+s23], $0x80, v3, vm0, $0xb8;
	[tilespmem:$0x1E200] =	vst v63  }
0x51b: {  	s11 =	simm.s32 $0x14200  }
0x51c: {  	[tilespmem:s11], [sflag:$0x3] =	stream.indirect_vreg.gather [hbm4b:s5+s23], $0x80, v3, vm0, $0xb8;
	[tilespmem:$0x1E200] =	vst v63  }
0x51d: {  	s19 =	simm.s32 $0x14A00  }
0x51e: {  	[tilespmem:s19], [sflag:$0x3] =	stream.indirect_vreg.gather [hbm4b:s6+s23], $0x80, v3, vm0, $0xb8;
	[tilespmem:$0x1E200] =	vst v63  }
0x51f: {  	v3 =	vld [tilespmem:$0x150];
	_ =	sdelay $0x4  }
0x520: {  	v63 =	vshrl.u32 v3, $0x3  }
0x521: {  	v4 =	vmul.u32 $0x30, v63  }
0x522: {  	v3 =	vand.u32 $0x7, v3  }
0x523: {  	v3 =	vor.u32 v3, v4  }
0x524: {  	v4 =	vperm.xlane v3, v0;
	_ =	sdelay $0x1  }
0x525: {  	v4 =	vadd.s32 v1, v4;
	_ =	sdelay $0x3  }
0x526: {  	v3 =	vperm.xlane v3, v2  }
0x527: {  	[tilespmem:s26], [sflag:$0x7] =	stream.indirect_vreg.gather [hbm4b:s1+s23], $0x80, v4, vm0, $0xb8;
	[tilespmem:$0x1E200] =	vst v63  }
0x528: {  	s25 =	simm.s32 $0x15A00;
	v3 =	vadd.s32 v1, v3  }
0x529: {  	[tilespmem:s25], [sflag:$0x7] =	stream.indirect_vreg.gather [hbm4b:s5+s23], $0x80, v4, vm0, $0xb8;
	[tilespmem:$0x1E200] =	vst v63  }
0x52a: {  	s8 =	simm.s32 $0x16200  }
0x52b: {  	[tilespmem:s8], [sflag:$0x7] =	stream.indirect_vreg.gather [hbm4b:s6+s23], $0x80, v4, vm0, $0xb8;
	[tilespmem:$0x1E200] =	vst v63  }
0x52c: {  	s11 =	simm.s32 $0x16A00  }
0x52d: {  	[tilespmem:s11], [sflag:$0x7] =	stream.indirect_vreg.gather [hbm4b:s1+s23], $0x80, v3, vm0, $0xb8;
	[tilespmem:$0x1E200] =	vst v63  }
0x52e: {  	s19 =	simm.s32 $0x17200  }
0x52f: {  	[tilespmem:s19], [sflag:$0x7] =	stream.indirect_vreg.gather [hbm4b:s5+s23], $0x80, v3, vm0, $0xb8;
	[tilespmem:$0x1E200] =	vst v63  }
0x530: {  	s25 =	simm.s32 $0x17A00  }
0x531: {  	[tilespmem:s25], [sflag:$0x7] =	stream.indirect_vreg.gather [hbm4b:s6+s23], $0x80, v3, vm0, $0xb8;
	[tilespmem:$0x1E200] =	vst v63  }
0x532: {  	_ =	swait.ge [sflag:s4], $0x3000  }
0x533: {  	[sflag:s4] =	ssyncset.done $0x0  }
0x534: {  	s19 =	simm.s32 $0x0;
	[sflag:s4] =	ssyncadd.s32 $0xFFFFD000  }
.LBB2_66:
0x535: {  	s2 =	sshrl.u32 s19, $0x3  }
0x536: {  	s8 =	sand.u32 $0x7, s23;
	s2 =	smul.u32 $0x6000, s2  }
0x537: {  	s8 =	sshll.u32 s8, $0x9  }
0x538: {  	s2 =	sor.u32 s8, s2  }
0x539: {  	s2 =	sshra.s32 s2, $0x2  }
0x53a: {  	s25 =	sadd.s32 $0x6240, s2  }
0x53b: {  	s2 =	sadd.s32 $0x240, s2;
	v4 =	vld [tilespmem:s25+$0x30]  }
0x53c: {  	v5 =	vld [tilespmem:s2+$0x30]  }
0x53d: {  	v3 =	vld [tilespmem:s2+$0xFFFFFFC0]  }
0x53e: {  	v6 =	vld [tilespmem:s25+$0xFFFFFFD0]  }
0x53f: {  	v7 =	vld [tilespmem:s2+$0xFFFFFFD0]  }
0x540: {  	v8 =	vld [tilespmem:s25+$0xFFFFFFE0]  }
0x541: {  	v9 =	vld [tilespmem:s2+$0xFFFFFFE0]  }
0x542: {  	v10 =	vld [tilespmem:s25+$0xFFFFFFF0]  }
0x543: {  	v11 =	vld [tilespmem:s2+$0xFFFFFFF0]  }
0x544: {  	v12 =	vld [tilespmem:s25+$0x0]  }
0x545: {  	v13 =	vld [tilespmem:s2+$0x0];
	v5 =	vadd.f32 v5, v4  }
0x546: {  	v7 =	vadd.f32 v7, v6;
	v4 =	vld [tilespmem:s25+$0x10]  }
0x547: {  	v8 =	vadd.f32 v9, v8;
	v6 =	vld [tilespmem:s2+$0x10];
	[tilespmem:s25+$0x30] =	vst v5  }
0x548: {  	v9 =	vadd.f32 v11, v10;
	[tilespmem:s25+$0xFFFFFFD0] =	vst v7;
	v5 =	vld [tilespmem:s25+$0x20]  }
0x549: {  	[tilespmem:s25+$0xFFFFFFE0] =	vst v8;
	v8 =	vld [tilespmem:s2+$0x20]  }
0x54a: {  	s11 =	simm.s32 $0x0;
	s8 =	sadd.s32 $0x400, s25;
	v7 =	vld [tilespmem:s25+$0xFFFFFFC0];
	[tilespmem:s25+$0xFFFFFFF0] =	vst v9;
	v9 =	vadd.f32 v13, v12  }
.LBB2_67:
0x54b: {  	v10 =	vld [tilespmem:s8+$0x30];
	s2 =	sadd.s32 $0x400, s2  }
0x54c: {  	s11 =	sadd.s32 $0x80, s11;
	v11 =	vld [tilespmem:s2+$0x30];
	[tilespmem:s25+$0x0] =	vst v9;
	v4 =	vadd.f32 v6, v4  }
0x54d: {  	p0 =	slt.u32 s11, $0x280;
	v6 =	vld [tilespmem:s2+$0xFFFFFFC0]  }
0x54e: {  	v9 =	vld [tilespmem:s8+$0xFFFFFFD0];
	[tilespmem:s25+$0x10] =	vst v4;
	v4 =	vadd.f32 v8, v5  }
0x54f: {  	v5 =	vld [tilespmem:s2+$0xFFFFFFD0];
	v12 =	vadd.f32 v3, v7  }
0x550: {  	v7 =	vld [tilespmem:s8+$0xFFFFFFE0];
	[tilespmem:s25+$0x20] =	vst v4  }
0x551: {  	v4 =	vld [tilespmem:s2+$0xFFFFFFE0];
	v8 =	vadd.f32 v11, v10;
	[tilespmem:s25+$0xFFFFFFC0] =	vst v12;
	s25 =	smov.u32 s8  }
0x552: {  	v10 =	vld [tilespmem:s8+$0xFFFFFFF0];
	v3 =	vmov v6  }
0x553: {  	v11 =	vld [tilespmem:s2+$0xFFFFFFF0];
	[tilespmem:s8+$0x30] =	vst v8  }
0x554: {  	v5 =	vadd.f32 v5, v9;
	v9 =	vld [tilespmem:s8+$0x0]  }
0x555: {  	v12 =	vld [tilespmem:s2+$0x0]  }
.Ltmp32:
0x556: {  	[tilespmem:s8+$0xFFFFFFD0] =	vst v5;
	v5 =	vadd.f32 v4, v7;
	v4 =	vld [tilespmem:s8+$0x10];
	(pc) =	sbr.rel @p0 .LBB2_67-.Ltmp32, $4  }
0x557: {  	v6 =	vld [tilespmem:s2+$0x10]  }
0x558: {  	[tilespmem:s8+$0xFFFFFFE0] =	vst v5;
	v10 =	vadd.f32 v11, v10;
	v5 =	vld [tilespmem:s8+$0x20]  }
0x559: {  	v8 =	vld [tilespmem:s2+$0x20]  }
0x55a: {  	s8 =	sadd.s32 $0x400, s8;
	v7 =	vld [tilespmem:s25+$0xFFFFFFC0];
	[tilespmem:s25+$0xFFFFFFF0] =	vst v10;
	v9 =	vadd.f32 v12, v9  }
0x55b: {  	s19 =	sadd.s32 $0x1, s19  }
0x55c: {  	p0 =	sne.s32 s19, $0x10  }
.Ltmp33:
0x55d: {  	v4 =	vadd.f32 v6, v4;
	(pc) =	sbr.rel @p0 .LBB2_66-.Ltmp33, $4  }
0x55e: {  	[tilespmem:s25+$0x0] =	vst v9;
	v5 =	vadd.f32 v8, v5  }
0x55f: {  	[tilespmem:s25+$0x10] =	vst v4;
	v3 =	vadd.f32 v3, v7  }
0x560: {  	[tilespmem:s25+$0x20] =	vst v5  }
0x561: {  	s23 =	sadd.s32 $0x1, s23;
	[tilespmem:s25+$0xFFFFFFC0] =	vst v3  }
0x562: {  	s23 =	simm.s32 $0x0;
	s2 =	rddreg [dreg:$0x14];
	s8 =	simm.s32 $0x6200  }
0x563: {  	[hbm4b:s2+s23] =	stream.linear.scatter [tilespmem:s8], [sflag:$0x9], $0x3000, $0x38;
	[tilespmem:$0x1E200] =	vst v63  }
0x564: {  	_ =	swait.ge [sflag:s7], $0x3000  }
0x565: {  	[sflag:s7] =	ssyncset.done $0x0  }
0x566: {  	s19 =	simm.s32 $0x0;
	[sflag:s7] =	ssyncadd.s32 $0xFFFFD000  }
.LBB2_70:
0x567: {  	s2 =	sshrl.u32 s19, $0x3  }
0x568: {  	s8 =	sand.u32 $0x7, s23;
	s2 =	smul.u32 $0x6000, s2  }
0x569: {  	s8 =	sshll.u32 s8, $0x9  }
0x56a: {  	s2 =	sor.u32 s8, s2  }
0x56b: {  	s2 =	sshra.s32 s2, $0x2  }
0x56c: {  	s25 =	sadd.s32 $0x9270, s2  }
0x56d: {  	s2 =	sadd.s32 $0x3270, s2;
	v4 =	vld [tilespmem:s25+$0x0]  }
0x56e: {  	v5 =	vld [tilespmem:s2+$0x0]  }
0x56f: {  	v3 =	vld [tilespmem:s2+$0xFFFFFF90]  }
0x570: {  	v6 =	vld [tilespmem:s25+$0xFFFFFFA0]  }
0x571: {  	v7 =	vld [tilespmem:s2+$0xFFFFFFA0]  }
0x572: {  	v8 =	vld [tilespmem:s25+$0xFFFFFFB0]  }
0x573: {  	v9 =	vld [tilespmem:s2+$0xFFFFFFB0]  }
0x574: {  	v10 =	vld [tilespmem:s25+$0xFFFFFFC0]  }
0x575: {  	v11 =	vld [tilespmem:s2+$0xFFFFFFC0]  }
0x576: {  	v12 =	vld [tilespmem:s25+$0xFFFFFFD0]  }
0x577: {  	v13 =	vld [tilespmem:s2+$0xFFFFFFD0];
	v5 =	vadd.f32 v5, v4  }
0x578: {  	v7 =	vadd.f32 v7, v6;
	v4 =	vld [tilespmem:s25+$0xFFFFFFE0]  }
0x579: {  	v8 =	vadd.f32 v9, v8;
	v6 =	vld [tilespmem:s2+$0xFFFFFFE0];
	[tilespmem:s25+$0x0] =	vst v5  }
0x57a: {  	v9 =	vadd.f32 v11, v10;
	[tilespmem:s25+$0xFFFFFFA0] =	vst v7;
	v5 =	vld [tilespmem:s25+$0xFFFFFFF0]  }
0x57b: {  	[tilespmem:s25+$0xFFFFFFB0] =	vst v8;
	v8 =	vld [tilespmem:s2+$0xFFFFFFF0]  }
0x57c: {  	s11 =	simm.s32 $0x0;
	s8 =	sadd.s32 $0x400, s25;
	v7 =	vld [tilespmem:s25+$0xFFFFFF90];
	[tilespmem:s25+$0xFFFFFFC0] =	vst v9;
	v9 =	vadd.f32 v13, v12  }
.LBB2_71:
0x57d: {  	v10 =	vld [tilespmem:s8+$0x0];
	s2 =	sadd.s32 $0x400, s2  }
0x57e: {  	s11 =	sadd.s32 $0x80, s11;
	v11 =	vld [tilespmem:s2+$0x0];
	[tilespmem:s25+$0xFFFFFFD0] =	vst v9;
	v4 =	vadd.f32 v6, v4  }
0x57f: {  	p0 =	slt.u32 s11, $0x280;
	v6 =	vld [tilespmem:s2+$0xFFFFFF90]  }
0x580: {  	v9 =	vld [tilespmem:s8+$0xFFFFFFA0];
	[tilespmem:s25+$0xFFFFFFE0] =	vst v4;
	v4 =	vadd.f32 v8, v5  }
0x581: {  	v5 =	vld [tilespmem:s2+$0xFFFFFFA0];
	v12 =	vadd.f32 v3, v7  }
0x582: {  	v7 =	vld [tilespmem:s8+$0xFFFFFFB0];
	[tilespmem:s25+$0xFFFFFFF0] =	vst v4  }
0x583: {  	v4 =	vld [tilespmem:s2+$0xFFFFFFB0];
	v8 =	vadd.f32 v11, v10;
	[tilespmem:s25+$0xFFFFFF90] =	vst v12;
	s25 =	smov.u32 s8  }
0x584: {  	v10 =	vld [tilespmem:s8+$0xFFFFFFC0];
	v3 =	vmov v6  }
0x585: {  	v11 =	vld [tilespmem:s2+$0xFFFFFFC0];
	[tilespmem:s8+$0x0] =	vst v8  }
0x586: {  	v5 =	vadd.f32 v5, v9;
	v9 =	vld [tilespmem:s8+$0xFFFFFFD0]  }
0x587: {  	v12 =	vld [tilespmem:s2+$0xFFFFFFD0]  }
.Ltmp34:
0x588: {  	[tilespmem:s8+$0xFFFFFFA0] =	vst v5;
	v5 =	vadd.f32 v4, v7;
	v4 =	vld [tilespmem:s8+$0xFFFFFFE0];
	(pc) =	sbr.rel @p0 .LBB2_71-.Ltmp34, $4  }
0x589: {  	v6 =	vld [tilespmem:s2+$0xFFFFFFE0]  }
0x58a: {  	[tilespmem:s8+$0xFFFFFFB0] =	vst v5;
	v10 =	vadd.f32 v11, v10;
	v5 =	vld [tilespmem:s8+$0xFFFFFFF0]  }
0x58b: {  	v8 =	vld [tilespmem:s2+$0xFFFFFFF0]  }
0x58c: {  	s8 =	sadd.s32 $0x400, s8;
	v7 =	vld [tilespmem:s25+$0xFFFFFF90];
	[tilespmem:s25+$0xFFFFFFC0] =	vst v10;
	v9 =	vadd.f32 v12, v9  }
0x58d: {  	s19 =	sadd.s32 $0x1, s19  }
0x58e: {  	p0 =	sne.s32 s19, $0x10  }
.Ltmp35:
0x58f: {  	v4 =	vadd.f32 v6, v4;
	(pc) =	sbr.rel @p0 .LBB2_70-.Ltmp35, $4  }
0x590: {  	[tilespmem:s25+$0xFFFFFFD0] =	vst v9;
	v5 =	vadd.f32 v8, v5  }
0x591: {  	[tilespmem:s25+$0xFFFFFFE0] =	vst v4;
	v3 =	vadd.f32 v3, v7  }
0x592: {  	[tilespmem:s25+$0xFFFFFFF0] =	vst v5  }
0x593: {  	s23 =	sadd.s32 $0x1, s23;
	[tilespmem:s25+$0xFFFFFF90] =	vst v3  }
0x594: {  	s23 =	simm.s32 $0x0;
	s2 =	rddreg [dreg:$0x1d];
	s8 =	simm.s32 $0x9200  }
0x595: {  	[hbm4b:s2+s23] =	stream.linear.scatter [tilespmem:s8], [sflag:$0xD], $0x3000, $0x38;
	[tilespmem:$0x1E200] =	vst v63  }
0x596: {  	_ =	swait.ge [sflag:s20], $0x3000  }
0x597: {  	[sflag:s20] =	ssyncset.done $0x0  }
0x598: {  	[sflag:s20] =	ssyncadd.s32 $0xFFFFD000  }
0x599: {  	_ =	swait.ge [sflag:s21], $0x3000  }
0x59a: {  	[sflag:s21] =	ssyncset.done $0x0  }
0x59b: {  	[sflag:s21] =	ssyncadd.s32 $0xFFFFD000  }
0x59c: {  	v3 =	vld [tilespmem:$0x1C0];
	_ =	sdelay $0x4  }
0x59d: {  	v4 =	vshrl.u32 v3, $0x3  }
0x59e: {  	v4 =	vmul.u32 $0x30, v4  }
0x59f: {  	v3 =	vand.u32 $0x7, v3  }
0x5a0: {  	v3 =	vor.u32 v3, v4  }
0x5a1: {  	v4 =	vperm.xlane v3, v0;
	_ =	sdelay $0x1  }
0x5a2: {  	v4 =	vadd.s32 v1, v4;
	_ =	sdelay $0x3  }
0x5a3: {  	v3 =	vperm.xlane v3, v2  }
0x5a4: {  	[tilespmem:s9], [sflag:$0x4] =	stream.indirect_vreg.gather [hbm4b:s1+s23], $0x80, v4, vm0, $0xb8;
	[tilespmem:$0x1E200] =	vst v63  }
0x5a5: {  	s19 =	simm.s32 $0x18A00;
	v3 =	vadd.s32 v1, v3  }
0x5a6: {  	[tilespmem:s19], [sflag:$0x4] =	stream.indirect_vreg.gather [hbm4b:s5+s23], $0x80, v4, vm0, $0xb8;
	[tilespmem:$0x1E200] =	vst v63  }
0x5a7: {  	s25 =	simm.s32 $0x19200  }
0x5a8: {  	[tilespmem:s25], [sflag:$0x4] =	stream.indirect_vreg.gather [hbm4b:s6+s23], $0x80, v4, vm0, $0xb8;
	[tilespmem:$0x1E200] =	vst v63  }
0x5a9: {  	s8 =	simm.s32 $0x19A00  }
0x5aa: {  	[tilespmem:s8], [sflag:$0x4] =	stream.indirect_vreg.gather [hbm4b:s1+s23], $0x80, v3, vm0, $0xb8;
	[tilespmem:$0x1E200] =	vst v63  }
0x5ab: {  	s11 =	simm.s32 $0x1A200  }
0x5ac: {  	[tilespmem:s11], [sflag:$0x4] =	stream.indirect_vreg.gather [hbm4b:s5+s23], $0x80, v3, vm0, $0xb8;
	[tilespmem:$0x1E200] =	vst v63  }
0x5ad: {  	s19 =	simm.s32 $0x1AA00  }
0x5ae: {  	[tilespmem:s19], [sflag:$0x4] =	stream.indirect_vreg.gather [hbm4b:s6+s23], $0x80, v3, vm0, $0xb8;
	[tilespmem:$0x1E200] =	vst v63  }
0x5af: {  	v3 =	vld [tilespmem:$0x1D0];
	_ =	sdelay $0x4  }
0x5b0: {  	v63 =	vshrl.u32 v3, $0x3  }
0x5b1: {  	v4 =	vmul.u32 $0x30, v63  }
0x5b2: {  	v3 =	vand.u32 $0x7, v3  }
0x5b3: {  	v3 =	vor.u32 v3, v4  }
0x5b4: {  	v4 =	vperm.xlane v3, v0;
	_ =	sdelay $0x1  }
0x5b5: {  	v4 =	vadd.s32 v1, v4;
	_ =	sdelay $0x3  }
0x5b6: {  	v3 =	vperm.xlane v3, v2  }
0x5b7: {  	[tilespmem:s16], [sflag:$0x8] =	stream.indirect_vreg.gather [hbm4b:s1+s23], $0x80, v4, vm0, $0xb8;
	[tilespmem:$0x1E200] =	vst v63  }
0x5b8: {  	s25 =	simm.s32 $0x1BA00;
	v3 =	vadd.s32 v1, v3  }
0x5b9: {  	[tilespmem:s25], [sflag:$0x8] =	stream.indirect_vreg.gather [hbm4b:s5+s23], $0x80, v4, vm0, $0xb8;
	[tilespmem:$0x1E200] =	vst v63  }
0x5ba: {  	s8 =	simm.s32 $0x1C200  }
0x5bb: {  	[tilespmem:s8], [sflag:$0x8] =	stream.indirect_vreg.gather [hbm4b:s6+s23], $0x80, v4, vm0, $0xb8;
	[tilespmem:$0x1E200] =	vst v63  }
0x5bc: {  	s11 =	simm.s32 $0x1CA00  }
0x5bd: {  	[tilespmem:s11], [sflag:$0x8] =	stream.indirect_vreg.gather [hbm4b:s1+s23], $0x80, v3, vm0, $0xb8;
	[tilespmem:$0x1E200] =	vst v63  }
0x5be: {  	s19 =	simm.s32 $0x1D200  }
0x5bf: {  	[tilespmem:s19], [sflag:$0x8] =	stream.indirect_vreg.gather [hbm4b:s5+s23], $0x80, v3, vm0, $0xb8;
	[tilespmem:$0x1E200] =	vst v63  }
0x5c0: {  	s25 =	simm.s32 $0x1DA00  }
0x5c1: {  	[tilespmem:s25], [sflag:$0x8] =	stream.indirect_vreg.gather [hbm4b:s6+s23], $0x80, v3, vm0, $0xb8;
	[tilespmem:$0x1E200] =	vst v63  }
0x5c2: {  	_ =	swait.ge [sflag:s24], $0x3000  }
0x5c3: {  	[sflag:s24] =	ssyncset.done $0x0  }
0x5c4: {  	s19 =	simm.s32 $0x0;
	[sflag:s24] =	ssyncadd.s32 $0xFFFFD000  }
.LBB2_74:
0x5c5: {  	s2 =	sshrl.u32 s19, $0x3  }
0x5c6: {  	s8 =	sand.u32 $0x7, s23;
	s2 =	smul.u32 $0x6000, s2  }
0x5c7: {  	s8 =	sshll.u32 s8, $0x9  }
0x5c8: {  	s2 =	sor.u32 s8, s2  }
0x5c9: {  	s2 =	sshra.s32 s2, $0x2  }
0x5ca: {  	s25 =	sadd.s32 $0xC240, s2  }
0x5cb: {  	s2 =	sadd.s32 $0x240, s2;
	v4 =	vld [tilespmem:s25+$0x30]  }
0x5cc: {  	v5 =	vld [tilespmem:s2+$0x30]  }
0x5cd: {  	v3 =	vld [tilespmem:s2+$0xFFFFFFC0]  }
0x5ce: {  	v6 =	vld [tilespmem:s25+$0xFFFFFFD0]  }
0x5cf: {  	v7 =	vld [tilespmem:s2+$0xFFFFFFD0]  }
0x5d0: {  	v8 =	vld [tilespmem:s25+$0xFFFFFFE0]  }
0x5d1: {  	v9 =	vld [tilespmem:s2+$0xFFFFFFE0]  }
0x5d2: {  	v10 =	vld [tilespmem:s25+$0xFFFFFFF0]  }
0x5d3: {  	v11 =	vld [tilespmem:s2+$0xFFFFFFF0]  }
0x5d4: {  	v12 =	vld [tilespmem:s25+$0x0]  }
0x5d5: {  	v13 =	vld [tilespmem:s2+$0x0];
	v5 =	vadd.f32 v5, v4  }
0x5d6: {  	v7 =	vadd.f32 v7, v6;
	v4 =	vld [tilespmem:s25+$0x10]  }
0x5d7: {  	v8 =	vadd.f32 v9, v8;
	v6 =	vld [tilespmem:s2+$0x10];
	[tilespmem:s25+$0x30] =	vst v5  }
0x5d8: {  	v9 =	vadd.f32 v11, v10;
	[tilespmem:s25+$0xFFFFFFD0] =	vst v7;
	v5 =	vld [tilespmem:s25+$0x20]  }
0x5d9: {  	[tilespmem:s25+$0xFFFFFFE0] =	vst v8;
	v8 =	vld [tilespmem:s2+$0x20]  }
0x5da: {  	s11 =	simm.s32 $0x0;
	s8 =	sadd.s32 $0x400, s25;
	v7 =	vld [tilespmem:s25+$0xFFFFFFC0];
	[tilespmem:s25+$0xFFFFFFF0] =	vst v9;
	v9 =	vadd.f32 v13, v12  }
.LBB2_75:
0x5db: {  	v10 =	vld [tilespmem:s8+$0x30];
	s2 =	sadd.s32 $0x400, s2  }
0x5dc: {  	s11 =	sadd.s32 $0x80, s11;
	v11 =	vld [tilespmem:s2+$0x30];
	[tilespmem:s25+$0x0] =	vst v9;
	v4 =	vadd.f32 v6, v4  }
0x5dd: {  	p0 =	slt.u32 s11, $0x280;
	v6 =	vld [tilespmem:s2+$0xFFFFFFC0]  }
0x5de: {  	v9 =	vld [tilespmem:s8+$0xFFFFFFD0];
	[tilespmem:s25+$0x10] =	vst v4;
	v4 =	vadd.f32 v8, v5  }
0x5df: {  	v5 =	vld [tilespmem:s2+$0xFFFFFFD0];
	v12 =	vadd.f32 v3, v7  }
0x5e0: {  	v7 =	vld [tilespmem:s8+$0xFFFFFFE0];
	[tilespmem:s25+$0x20] =	vst v4  }
0x5e1: {  	v4 =	vld [tilespmem:s2+$0xFFFFFFE0];
	v8 =	vadd.f32 v11, v10;
	[tilespmem:s25+$0xFFFFFFC0] =	vst v12;
	s25 =	smov.u32 s8  }
0x5e2: {  	v10 =	vld [tilespmem:s8+$0xFFFFFFF0];
	v3 =	vmov v6  }
0x5e3: {  	v11 =	vld [tilespmem:s2+$0xFFFFFFF0];
	[tilespmem:s8+$0x30] =	vst v8  }
0x5e4: {  	v5 =	vadd.f32 v5, v9;
	v9 =	vld [tilespmem:s8+$0x0]  }
0x5e5: {  	v12 =	vld [tilespmem:s2+$0x0]  }
.Ltmp36:
0x5e6: {  	[tilespmem:s8+$0xFFFFFFD0] =	vst v5;
	v5 =	vadd.f32 v4, v7;
	v4 =	vld [tilespmem:s8+$0x10];
	(pc) =	sbr.rel @p0 .LBB2_75-.Ltmp36, $4  }
0x5e7: {  	v6 =	vld [tilespmem:s2+$0x10]  }
0x5e8: {  	[tilespmem:s8+$0xFFFFFFE0] =	vst v5;
	v10 =	vadd.f32 v11, v10;
	v5 =	vld [tilespmem:s8+$0x20]  }
0x5e9: {  	v8 =	vld [tilespmem:s2+$0x20]  }
0x5ea: {  	s8 =	sadd.s32 $0x400, s8;
	v7 =	vld [tilespmem:s25+$0xFFFFFFC0];
	[tilespmem:s25+$0xFFFFFFF0] =	vst v10;
	v9 =	vadd.f32 v12, v9  }
0x5eb: {  	s19 =	sadd.s32 $0x1, s19  }
0x5ec: {  	p0 =	sne.s32 s19, $0x10  }
.Ltmp37:
0x5ed: {  	v4 =	vadd.f32 v6, v4;
	(pc) =	sbr.rel @p0 .LBB2_74-.Ltmp37, $4  }
0x5ee: {  	[tilespmem:s25+$0x0] =	vst v9;
	v5 =	vadd.f32 v8, v5  }
0x5ef: {  	[tilespmem:s25+$0x10] =	vst v4;
	v3 =	vadd.f32 v3, v7  }
0x5f0: {  	[tilespmem:s25+$0x20] =	vst v5  }
0x5f1: {  	s23 =	sadd.s32 $0x1, s23;
	[tilespmem:s25+$0xFFFFFFC0] =	vst v3  }
0x5f2: {  	s23 =	simm.s32 $0x0;
	s2 =	rddreg [dreg:$0x1e];
	s8 =	simm.s32 $0xC200  }
0x5f3: {  	[hbm4b:s2+s23] =	stream.linear.scatter [tilespmem:s8], [sflag:$0xA], $0x3000, $0x38;
	[tilespmem:$0x1E200] =	vst v63  }
0x5f4: {  	_ =	swait.ge [sflag:s28], $0x3000  }
0x5f5: {  	[sflag:s28] =	ssyncset.done $0x0  }
0x5f6: {  	s19 =	simm.s32 $0x0;
	[sflag:s28] =	ssyncadd.s32 $0xFFFFD000  }
.LBB2_78:
0x5f7: {  	s2 =	sshrl.u32 s19, $0x3  }
0x5f8: {  	s8 =	sand.u32 $0x7, s23;
	s2 =	smul.u32 $0x6000, s2  }
0x5f9: {  	s8 =	sshll.u32 s8, $0x9  }
0x5fa: {  	s2 =	sor.u32 s8, s2  }
0x5fb: {  	s2 =	sshra.s32 s2, $0x2  }
0x5fc: {  	s25 =	sadd.s32 $0xF270, s2  }
0x5fd: {  	s2 =	sadd.s32 $0x3270, s2;
	v4 =	vld [tilespmem:s25+$0x0]  }
0x5fe: {  	v5 =	vld [tilespmem:s2+$0x0]  }
0x5ff: {  	v3 =	vld [tilespmem:s2+$0xFFFFFF90]  }
0x600: {  	v6 =	vld [tilespmem:s25+$0xFFFFFFA0]  }
0x601: {  	v7 =	vld [tilespmem:s2+$0xFFFFFFA0]  }
0x602: {  	v8 =	vld [tilespmem:s25+$0xFFFFFFB0]  }
0x603: {  	v9 =	vld [tilespmem:s2+$0xFFFFFFB0]  }
0x604: {  	v10 =	vld [tilespmem:s25+$0xFFFFFFC0]  }
0x605: {  	v11 =	vld [tilespmem:s2+$0xFFFFFFC0]  }
0x606: {  	v12 =	vld [tilespmem:s25+$0xFFFFFFD0]  }
0x607: {  	v13 =	vld [tilespmem:s2+$0xFFFFFFD0];
	v5 =	vadd.f32 v5, v4  }
0x608: {  	v7 =	vadd.f32 v7, v6;
	v4 =	vld [tilespmem:s25+$0xFFFFFFE0]  }
0x609: {  	v8 =	vadd.f32 v9, v8;
	v6 =	vld [tilespmem:s2+$0xFFFFFFE0];
	[tilespmem:s25+$0x0] =	vst v5  }
0x60a: {  	v9 =	vadd.f32 v11, v10;
	[tilespmem:s25+$0xFFFFFFA0] =	vst v7;
	v5 =	vld [tilespmem:s25+$0xFFFFFFF0]  }
0x60b: {  	[tilespmem:s25+$0xFFFFFFB0] =	vst v8;
	v8 =	vld [tilespmem:s2+$0xFFFFFFF0]  }
0x60c: {  	s11 =	simm.s32 $0x0;
	s8 =	sadd.s32 $0x400, s25;
	v7 =	vld [tilespmem:s25+$0xFFFFFF90];
	[tilespmem:s25+$0xFFFFFFC0] =	vst v9;
	v9 =	vadd.f32 v13, v12  }
.LBB2_79:
0x60d: {  	v10 =	vld [tilespmem:s8+$0x0];
	s2 =	sadd.s32 $0x400, s2  }
0x60e: {  	s11 =	sadd.s32 $0x80, s11;
	v11 =	vld [tilespmem:s2+$0x0];
	[tilespmem:s25+$0xFFFFFFD0] =	vst v9;
	v4 =	vadd.f32 v6, v4  }
0x60f: {  	p0 =	slt.u32 s11, $0x280;
	v6 =	vld [tilespmem:s2+$0xFFFFFF90]  }
0x610: {  	v9 =	vld [tilespmem:s8+$0xFFFFFFA0];
	[tilespmem:s25+$0xFFFFFFE0] =	vst v4;
	v4 =	vadd.f32 v8, v5  }
0x611: {  	v5 =	vld [tilespmem:s2+$0xFFFFFFA0];
	v12 =	vadd.f32 v3, v7  }
0x612: {  	v7 =	vld [tilespmem:s8+$0xFFFFFFB0];
	[tilespmem:s25+$0xFFFFFFF0] =	vst v4  }
0x613: {  	v4 =	vld [tilespmem:s2+$0xFFFFFFB0];
	v8 =	vadd.f32 v11, v10;
	[tilespmem:s25+$0xFFFFFF90] =	vst v12;
	s25 =	smov.u32 s8  }
0x614: {  	v10 =	vld [tilespmem:s8+$0xFFFFFFC0];
	v3 =	vmov v6  }
0x615: {  	v11 =	vld [tilespmem:s2+$0xFFFFFFC0];
	[tilespmem:s8+$0x0] =	vst v8  }
0x616: {  	v5 =	vadd.f32 v5, v9;
	v9 =	vld [tilespmem:s8+$0xFFFFFFD0]  }
0x617: {  	v12 =	vld [tilespmem:s2+$0xFFFFFFD0]  }
.Ltmp38:
0x618: {  	[tilespmem:s8+$0xFFFFFFA0] =	vst v5;
	v5 =	vadd.f32 v4, v7;
	v4 =	vld [tilespmem:s8+$0xFFFFFFE0];
	(pc) =	sbr.rel @p0 .LBB2_79-.Ltmp38, $4  }
0x619: {  	v6 =	vld [tilespmem:s2+$0xFFFFFFE0]  }
0x61a: {  	[tilespmem:s8+$0xFFFFFFB0] =	vst v5;
	v10 =	vadd.f32 v11, v10;
	v5 =	vld [tilespmem:s8+$0xFFFFFFF0]  }
0x61b: {  	v8 =	vld [tilespmem:s2+$0xFFFFFFF0]  }
0x61c: {  	s8 =	sadd.s32 $0x400, s8;
	v7 =	vld [tilespmem:s25+$0xFFFFFF90];
	[tilespmem:s25+$0xFFFFFFC0] =	vst v10;
	v9 =	vadd.f32 v12, v9  }
0x61d: {  	s19 =	sadd.s32 $0x1, s19  }
0x61e: {  	p0 =	sne.s32 s19, $0x10  }
.Ltmp39:
0x61f: {  	v4 =	vadd.f32 v6, v4;
	(pc) =	sbr.rel @p0 .LBB2_78-.Ltmp39, $4  }
0x620: {  	[tilespmem:s25+$0xFFFFFFD0] =	vst v9;
	v5 =	vadd.f32 v8, v5  }
0x621: {  	[tilespmem:s25+$0xFFFFFFE0] =	vst v4;
	v3 =	vadd.f32 v3, v7  }
0x622: {  	[tilespmem:s25+$0xFFFFFFF0] =	vst v5  }
0x623: {  	s23 =	sadd.s32 $0x1, s23;
	[tilespmem:s25+$0xFFFFFF90] =	vst v3  }
0x624: {  	s23 =	simm.s32 $0x0;
	s2 =	rddreg [dreg:$0x1f];
	s8 =	simm.s32 $0xF200  }
0x625: {  	[hbm4b:s2+s23] =	stream.linear.scatter [tilespmem:s8], [sflag:$0xE], $0x3000, $0x38;
	[tilespmem:$0x1E200] =	vst v63  }
0x626: {  	_ =	swait.ge [sflag:s29], $0x3000  }
0x627: {  	[sflag:s29] =	ssyncset.done $0x0  }
0x628: {  	[sflag:s29] =	ssyncadd.s32 $0xFFFFD000  }
0x629: {  	_ =	swait.ge [sflag:s30], $0x3000  }
0x62a: {  	[sflag:s30] =	ssyncset.done $0x0  }
0x62b: {  	[sflag:s30] =	ssyncadd.s32 $0xFFFFD000  }
0x62c: {  	v3 =	vld [tilespmem:$0x60];
	_ =	sdelay $0x4  }
0x62d: {  	v4 =	vshrl.u32 v3, $0x3  }
0x62e: {  	v4 =	vmul.u32 $0x30, v4  }
0x62f: {  	v3 =	vand.u32 $0x7, v3  }
0x630: {  	v3 =	vor.u32 v3, v4  }
0x631: {  	v4 =	vperm.xlane v3, v0;
	_ =	sdelay $0x1  }
0x632: {  	v4 =	vadd.s32 v1, v4;
	_ =	sdelay $0x3  }
0x633: {  	s8 =	simm.s32 $0x6200;
	v3 =	vperm.xlane v3, v2  }
0x634: {  	[tilespmem:s8], [sflag:$0x1] =	stream.indirect_vreg.gather [hbm4b:s1+s23], $0x80, v4, vm0, $0xb8;
	[tilespmem:$0x1E200] =	vst v63  }
0x635: {  	s11 =	simm.s32 $0x6A00;
	v3 =	vadd.s32 v1, v3  }
0x636: {  	[tilespmem:s11], [sflag:$0x1] =	stream.indirect_vreg.gather [hbm4b:s5+s23], $0x80, v4, vm0, $0xb8;
	[tilespmem:$0x1E200] =	vst v63  }
0x637: {  	s19 =	simm.s32 $0x7200  }
0x638: {  	[tilespmem:s19], [sflag:$0x1] =	stream.indirect_vreg.gather [hbm4b:s6+s23], $0x80, v4, vm0, $0xb8;
	[tilespmem:$0x1E200] =	vst v63  }
0x639: {  	s25 =	simm.s32 $0x7A00  }
0x63a: {  	[tilespmem:s25], [sflag:$0x1] =	stream.indirect_vreg.gather [hbm4b:s1+s23], $0x80, v3, vm0, $0xb8;
	[tilespmem:$0x1E200] =	vst v63  }
0x63b: {  	s8 =	simm.s32 $0x8200  }
0x63c: {  	[tilespmem:s8], [sflag:$0x1] =	stream.indirect_vreg.gather [hbm4b:s5+s23], $0x80, v3, vm0, $0xb8;
	[tilespmem:$0x1E200] =	vst v63  }
0x63d: {  	s11 =	simm.s32 $0x8A00  }
0x63e: {  	[tilespmem:s11], [sflag:$0x1] =	stream.indirect_vreg.gather [hbm4b:s6+s23], $0x80, v3, vm0, $0xb8;
	[tilespmem:$0x1E200] =	vst v63  }
0x63f: {  	v3 =	vld [tilespmem:$0x70];
	_ =	sdelay $0x4  }
0x640: {  	v63 =	vshrl.u32 v3, $0x3  }
0x641: {  	v4 =	vmul.u32 $0x30, v63  }
0x642: {  	v3 =	vand.u32 $0x7, v3  }
0x643: {  	v3 =	vor.u32 v3, v4  }
0x644: {  	v4 =	vperm.xlane v3, v0;
	_ =	sdelay $0x1  }
0x645: {  	v4 =	vadd.s32 v1, v4;
	_ =	sdelay $0x3  }
0x646: {  	s19 =	simm.s32 $0x9200;
	v3 =	vperm.xlane v3, v2  }
0x647: {  	[tilespmem:s19], [sflag:$0x5] =	stream.indirect_vreg.gather [hbm4b:s1+s23], $0x80, v4, vm0, $0xb8;
	[tilespmem:$0x1E200] =	vst v63  }
0x648: {  	s25 =	simm.s32 $0x9A00;
	v3 =	vadd.s32 v1, v3  }
0x649: {  	[tilespmem:s25], [sflag:$0x5] =	stream.indirect_vreg.gather [hbm4b:s5+s23], $0x80, v4, vm0, $0xb8;
	[tilespmem:$0x1E200] =	vst v63  }
0x64a: {  	s8 =	simm.s32 $0xA200  }
0x64b: {  	[tilespmem:s8], [sflag:$0x5] =	stream.indirect_vreg.gather [hbm4b:s6+s23], $0x80, v4, vm0, $0xb8;
	[tilespmem:$0x1E200] =	vst v63  }
0x64c: {  	s11 =	simm.s32 $0xAA00  }
0x64d: {  	[tilespmem:s11], [sflag:$0x5] =	stream.indirect_vreg.gather [hbm4b:s1+s23], $0x80, v3, vm0, $0xb8;
	[tilespmem:$0x1E200] =	vst v63  }
0x64e: {  	s19 =	simm.s32 $0xB200  }
0x64f: {  	[tilespmem:s19], [sflag:$0x5] =	stream.indirect_vreg.gather [hbm4b:s5+s23], $0x80, v3, vm0, $0xb8;
	[tilespmem:$0x1E200] =	vst v63  }
0x650: {  	s25 =	simm.s32 $0xBA00  }
0x651: {  	[tilespmem:s25], [sflag:$0x5] =	stream.indirect_vreg.gather [hbm4b:s6+s23], $0x80, v3, vm0, $0xb8;
	[tilespmem:$0x1E200] =	vst v63  }
0x652: {  	_ =	swait.ge [sflag:s31], $0x3000  }
0x653: {  	[sflag:s31] =	ssyncset.done $0x0  }
0x654: {  	s19 =	simm.s32 $0x0;
	[sflag:s31] =	ssyncadd.s32 $0xFFFFD000  }
.LBB2_82:
0x655: {  	s2 =	sshrl.u32 s19, $0x3  }
0x656: {  	s8 =	sand.u32 $0x7, s23;
	s2 =	smul.u32 $0x6000, s2  }
0x657: {  	s8 =	sshll.u32 s8, $0x9  }
0x658: {  	s2 =	sor.u32 s8, s2  }
0x659: {  	s2 =	sshra.s32 s2, $0x2  }
0x65a: {  	s25 =	sadd.s32 $0x12240, s2  }
0x65b: {  	s2 =	sadd.s32 $0x240, s2;
	v4 =	vld [tilespmem:s25+$0x30]  }
0x65c: {  	v5 =	vld [tilespmem:s2+$0x30]  }
0x65d: {  	v3 =	vld [tilespmem:s2+$0xFFFFFFC0]  }
0x65e: {  	v6 =	vld [tilespmem:s25+$0xFFFFFFD0]  }
0x65f: {  	v7 =	vld [tilespmem:s2+$0xFFFFFFD0]  }
0x660: {  	v8 =	vld [tilespmem:s25+$0xFFFFFFE0]  }
0x661: {  	v9 =	vld [tilespmem:s2+$0xFFFFFFE0]  }
0x662: {  	v10 =	vld [tilespmem:s25+$0xFFFFFFF0]  }
0x663: {  	v11 =	vld [tilespmem:s2+$0xFFFFFFF0]  }
0x664: {  	v12 =	vld [tilespmem:s25+$0x0]  }
0x665: {  	v13 =	vld [tilespmem:s2+$0x0];
	v5 =	vadd.f32 v5, v4  }
0x666: {  	v7 =	vadd.f32 v7, v6;
	v4 =	vld [tilespmem:s25+$0x10]  }
0x667: {  	v8 =	vadd.f32 v9, v8;
	v6 =	vld [tilespmem:s2+$0x10];
	[tilespmem:s25+$0x30] =	vst v5  }
0x668: {  	v9 =	vadd.f32 v11, v10;
	[tilespmem:s25+$0xFFFFFFD0] =	vst v7;
	v5 =	vld [tilespmem:s25+$0x20]  }
0x669: {  	[tilespmem:s25+$0xFFFFFFE0] =	vst v8;
	v8 =	vld [tilespmem:s2+$0x20]  }
0x66a: {  	s11 =	simm.s32 $0x0;
	s8 =	sadd.s32 $0x400, s25;
	v7 =	vld [tilespmem:s25+$0xFFFFFFC0];
	[tilespmem:s25+$0xFFFFFFF0] =	vst v9;
	v9 =	vadd.f32 v13, v12  }
.LBB2_83:
0x66b: {  	v10 =	vld [tilespmem:s8+$0x30];
	s2 =	sadd.s32 $0x400, s2  }
0x66c: {  	s11 =	sadd.s32 $0x80, s11;
	v11 =	vld [tilespmem:s2+$0x30];
	[tilespmem:s25+$0x0] =	vst v9;
	v4 =	vadd.f32 v6, v4  }
0x66d: {  	p0 =	slt.u32 s11, $0x280;
	v6 =	vld [tilespmem:s2+$0xFFFFFFC0]  }
0x66e: {  	v9 =	vld [tilespmem:s8+$0xFFFFFFD0];
	[tilespmem:s25+$0x10] =	vst v4;
	v4 =	vadd.f32 v8, v5  }
0x66f: {  	v5 =	vld [tilespmem:s2+$0xFFFFFFD0];
	v12 =	vadd.f32 v3, v7  }
0x670: {  	v7 =	vld [tilespmem:s8+$0xFFFFFFE0];
	[tilespmem:s25+$0x20] =	vst v4  }
0x671: {  	v4 =	vld [tilespmem:s2+$0xFFFFFFE0];
	v8 =	vadd.f32 v11, v10;
	[tilespmem:s25+$0xFFFFFFC0] =	vst v12;
	s25 =	smov.u32 s8  }
0x672: {  	v10 =	vld [tilespmem:s8+$0xFFFFFFF0];
	v3 =	vmov v6  }
0x673: {  	v11 =	vld [tilespmem:s2+$0xFFFFFFF0];
	[tilespmem:s8+$0x30] =	vst v8  }
0x674: {  	v5 =	vadd.f32 v5, v9;
	v9 =	vld [tilespmem:s8+$0x0]  }
0x675: {  	v12 =	vld [tilespmem:s2+$0x0]  }
.Ltmp40:
0x676: {  	[tilespmem:s8+$0xFFFFFFD0] =	vst v5;
	v5 =	vadd.f32 v4, v7;
	v4 =	vld [tilespmem:s8+$0x10];
	(pc) =	sbr.rel @p0 .LBB2_83-.Ltmp40, $4  }
0x677: {  	v6 =	vld [tilespmem:s2+$0x10]  }
0x678: {  	[tilespmem:s8+$0xFFFFFFE0] =	vst v5;
	v10 =	vadd.f32 v11, v10;
	v5 =	vld [tilespmem:s8+$0x20]  }
0x679: {  	v8 =	vld [tilespmem:s2+$0x20]  }
0x67a: {  	s8 =	sadd.s32 $0x400, s8;
	v7 =	vld [tilespmem:s25+$0xFFFFFFC0];
	[tilespmem:s25+$0xFFFFFFF0] =	vst v10;
	v9 =	vadd.f32 v12, v9  }
0x67b: {  	s19 =	sadd.s32 $0x1, s19  }
0x67c: {  	p0 =	sne.s32 s19, $0x10  }
.Ltmp41:
0x67d: {  	v4 =	vadd.f32 v6, v4;
	(pc) =	sbr.rel @p0 .LBB2_82-.Ltmp41, $4  }
0x67e: {  	[tilespmem:s25+$0x0] =	vst v9;
	v5 =	vadd.f32 v8, v5  }
0x67f: {  	[tilespmem:s25+$0x10] =	vst v4;
	v3 =	vadd.f32 v3, v7  }
0x680: {  	[tilespmem:s25+$0x20] =	vst v5  }
0x681: {  	s23 =	sadd.s32 $0x1, s23;
	[tilespmem:s25+$0xFFFFFFC0] =	vst v3  }
0x682: {  	s2 =	sld [smem:$0x7F3];
	_ =	sdelay $0x1  }
0x683: {  	s23 =	simm.s32 $0x0;
	s8 =	simm.s32 $0x12200  }
0x684: {  	[hbm4b:s2+s23] =	stream.linear.scatter [tilespmem:s8], [sflag:$0xB], $0x3000, $0x38;
	[tilespmem:$0x1E200] =	vst v63  }
0x685: {  	_ =	swait.ge [sflag:s0], $0x3000  }
0x686: {  	[sflag:s0] =	ssyncset.done $0x0  }
0x687: {  	s19 =	simm.s32 $0x0;
	[sflag:s0] =	ssyncadd.s32 $0xFFFFD000  }
.LBB2_86:
0x688: {  	s2 =	sshrl.u32 s19, $0x3  }
0x689: {  	s8 =	sand.u32 $0x7, s23;
	s2 =	smul.u32 $0x6000, s2  }
0x68a: {  	s8 =	sshll.u32 s8, $0x9  }
0x68b: {  	s2 =	sor.u32 s8, s2  }
0x68c: {  	s2 =	sshra.s32 s2, $0x2  }
0x68d: {  	s25 =	sadd.s32 $0x15270, s2  }
0x68e: {  	s2 =	sadd.s32 $0x3270, s2;
	v4 =	vld [tilespmem:s25+$0x0]  }
0x68f: {  	v5 =	vld [tilespmem:s2+$0x0]  }
0x690: {  	v3 =	vld [tilespmem:s2+$0xFFFFFF90]  }
0x691: {  	v6 =	vld [tilespmem:s25+$0xFFFFFFA0]  }
0x692: {  	v7 =	vld [tilespmem:s2+$0xFFFFFFA0]  }
0x693: {  	v8 =	vld [tilespmem:s25+$0xFFFFFFB0]  }
0x694: {  	v9 =	vld [tilespmem:s2+$0xFFFFFFB0]  }
0x695: {  	v10 =	vld [tilespmem:s25+$0xFFFFFFC0]  }
0x696: {  	v11 =	vld [tilespmem:s2+$0xFFFFFFC0]  }
0x697: {  	v12 =	vld [tilespmem:s25+$0xFFFFFFD0]  }
0x698: {  	v13 =	vld [tilespmem:s2+$0xFFFFFFD0];
	v5 =	vadd.f32 v5, v4  }
0x699: {  	v7 =	vadd.f32 v7, v6;
	v4 =	vld [tilespmem:s25+$0xFFFFFFE0]  }
0x69a: {  	v8 =	vadd.f32 v9, v8;
	v6 =	vld [tilespmem:s2+$0xFFFFFFE0];
	[tilespmem:s25+$0x0] =	vst v5  }
0x69b: {  	v9 =	vadd.f32 v11, v10;
	[tilespmem:s25+$0xFFFFFFA0] =	vst v7;
	v5 =	vld [tilespmem:s25+$0xFFFFFFF0]  }
0x69c: {  	[tilespmem:s25+$0xFFFFFFB0] =	vst v8;
	v8 =	vld [tilespmem:s2+$0xFFFFFFF0]  }
0x69d: {  	s11 =	simm.s32 $0x0;
	s8 =	sadd.s32 $0x400, s25;
	v7 =	vld [tilespmem:s25+$0xFFFFFF90];
	[tilespmem:s25+$0xFFFFFFC0] =	vst v9;
	v9 =	vadd.f32 v13, v12  }
.LBB2_87:
0x69e: {  	v10 =	vld [tilespmem:s8+$0x0];
	s2 =	sadd.s32 $0x400, s2  }
0x69f: {  	s11 =	sadd.s32 $0x80, s11;
	v11 =	vld [tilespmem:s2+$0x0];
	[tilespmem:s25+$0xFFFFFFD0] =	vst v9;
	v4 =	vadd.f32 v6, v4  }
0x6a0: {  	p0 =	slt.u32 s11, $0x280;
	v6 =	vld [tilespmem:s2+$0xFFFFFF90]  }
0x6a1: {  	v9 =	vld [tilespmem:s8+$0xFFFFFFA0];
	[tilespmem:s25+$0xFFFFFFE0] =	vst v4;
	v4 =	vadd.f32 v8, v5  }
0x6a2: {  	v5 =	vld [tilespmem:s2+$0xFFFFFFA0];
	v12 =	vadd.f32 v3, v7  }
0x6a3: {  	v7 =	vld [tilespmem:s8+$0xFFFFFFB0];
	[tilespmem:s25+$0xFFFFFFF0] =	vst v4  }
0x6a4: {  	v4 =	vld [tilespmem:s2+$0xFFFFFFB0];
	v8 =	vadd.f32 v11, v10;
	[tilespmem:s25+$0xFFFFFF90] =	vst v12;
	s25 =	smov.u32 s8  }
0x6a5: {  	v10 =	vld [tilespmem:s8+$0xFFFFFFC0];
	v3 =	vmov v6  }
0x6a6: {  	v11 =	vld [tilespmem:s2+$0xFFFFFFC0];
	[tilespmem:s8+$0x0] =	vst v8  }
0x6a7: {  	v5 =	vadd.f32 v5, v9;
	v9 =	vld [tilespmem:s8+$0xFFFFFFD0]  }
0x6a8: {  	v12 =	vld [tilespmem:s2+$0xFFFFFFD0]  }
.Ltmp42:
0x6a9: {  	[tilespmem:s8+$0xFFFFFFA0] =	vst v5;
	v5 =	vadd.f32 v4, v7;
	v4 =	vld [tilespmem:s8+$0xFFFFFFE0];
	(pc) =	sbr.rel @p0 .LBB2_87-.Ltmp42, $4  }
0x6aa: {  	v6 =	vld [tilespmem:s2+$0xFFFFFFE0]  }
0x6ab: {  	[tilespmem:s8+$0xFFFFFFB0] =	vst v5;
	v10 =	vadd.f32 v11, v10;
	v5 =	vld [tilespmem:s8+$0xFFFFFFF0]  }
0x6ac: {  	v8 =	vld [tilespmem:s2+$0xFFFFFFF0]  }
0x6ad: {  	s8 =	sadd.s32 $0x400, s8;
	v7 =	vld [tilespmem:s25+$0xFFFFFF90];
	[tilespmem:s25+$0xFFFFFFC0] =	vst v10;
	v9 =	vadd.f32 v12, v9  }
0x6ae: {  	s19 =	sadd.s32 $0x1, s19  }
0x6af: {  	p0 =	sne.s32 s19, $0x10  }
.Ltmp43:
0x6b0: {  	v4 =	vadd.f32 v6, v4;
	(pc) =	sbr.rel @p0 .LBB2_86-.Ltmp43, $4  }
0x6b1: {  	[tilespmem:s25+$0xFFFFFFD0] =	vst v9;
	v5 =	vadd.f32 v8, v5  }
0x6b2: {  	[tilespmem:s25+$0xFFFFFFE0] =	vst v4;
	v3 =	vadd.f32 v3, v7  }
0x6b3: {  	[tilespmem:s25+$0xFFFFFFF0] =	vst v5  }
0x6b4: {  	s23 =	sadd.s32 $0x1, s23;
	[tilespmem:s25+$0xFFFFFF90] =	vst v3  }
0x6b5: {  	s2 =	sld [smem:$0x7F4];
	_ =	sdelay $0x1  }
0x6b6: {  	s23 =	simm.s32 $0x0  }
0x6b7: {  	[hbm4b:s2+s23] =	stream.linear.scatter [tilespmem:s26], [sflag:$0xF], $0x3000, $0x38;
	[tilespmem:$0x1E200] =	vst v63  }
0x6b8: {  	_ =	swait.ge [sflag:s10], $0x3000  }
0x6b9: {  	[sflag:s10] =	ssyncset.done $0x0  }
0x6ba: {  	[sflag:s10] =	ssyncadd.s32 $0xFFFFD000  }
0x6bb: {  	_ =	swait.ge [sflag:s12], $0x3000  }
0x6bc: {  	[sflag:s12] =	ssyncset.done $0x0  }
0x6bd: {  	[sflag:s12] =	ssyncadd.s32 $0xFFFFD000  }
0x6be: {  	v3 =	vld [tilespmem:$0xE0];
	_ =	sdelay $0x4  }
0x6bf: {  	v4 =	vshrl.u32 v3, $0x3  }
0x6c0: {  	v4 =	vmul.u32 $0x30, v4  }
0x6c1: {  	v3 =	vand.u32 $0x7, v3  }
0x6c2: {  	v3 =	vor.u32 v3, v4  }
0x6c3: {  	v4 =	vperm.xlane v3, v0;
	_ =	sdelay $0x1  }
0x6c4: {  	v4 =	vadd.s32 v1, v4;
	_ =	sdelay $0x3  }
0x6c5: {  	s8 =	simm.s32 $0xC200;
	v3 =	vperm.xlane v3, v2  }
0x6c6: {  	[tilespmem:s8], [sflag:$0x2] =	stream.indirect_vreg.gather [hbm4b:s1+s23], $0x80, v4, vm0, $0xb8;
	[tilespmem:$0x1E200] =	vst v63  }
0x6c7: {  	s11 =	simm.s32 $0xCA00;
	v3 =	vadd.s32 v1, v3  }
0x6c8: {  	[tilespmem:s11], [sflag:$0x2] =	stream.indirect_vreg.gather [hbm4b:s5+s23], $0x80, v4, vm0, $0xb8;
	[tilespmem:$0x1E200] =	vst v63  }
0x6c9: {  	s19 =	simm.s32 $0xD200  }
0x6ca: {  	[tilespmem:s19], [sflag:$0x2] =	stream.indirect_vreg.gather [hbm4b:s6+s23], $0x80, v4, vm0, $0xb8;
	[tilespmem:$0x1E200] =	vst v63  }
0x6cb: {  	s25 =	simm.s32 $0xDA00  }
0x6cc: {  	[tilespmem:s25], [sflag:$0x2] =	stream.indirect_vreg.gather [hbm4b:s1+s23], $0x80, v3, vm0, $0xb8;
	[tilespmem:$0x1E200] =	vst v63  }
0x6cd: {  	s8 =	simm.s32 $0xE200  }
0x6ce: {  	[tilespmem:s8], [sflag:$0x2] =	stream.indirect_vreg.gather [hbm4b:s5+s23], $0x80, v3, vm0, $0xb8;
	[tilespmem:$0x1E200] =	vst v63  }
0x6cf: {  	s11 =	simm.s32 $0xEA00  }
0x6d0: {  	[tilespmem:s11], [sflag:$0x2] =	stream.indirect_vreg.gather [hbm4b:s6+s23], $0x80, v3, vm0, $0xb8;
	[tilespmem:$0x1E200] =	vst v63  }
0x6d1: {  	v3 =	vld [tilespmem:$0xF0];
	_ =	sdelay $0x4  }
0x6d2: {  	v63 =	vshrl.u32 v3, $0x3  }
0x6d3: {  	v4 =	vmul.u32 $0x30, v63  }
0x6d4: {  	v3 =	vand.u32 $0x7, v3  }
0x6d5: {  	v3 =	vor.u32 v3, v4  }
0x6d6: {  	v4 =	vperm.xlane v3, v0;
	_ =	sdelay $0x1  }
0x6d7: {  	v4 =	vadd.s32 v1, v4;
	_ =	sdelay $0x3  }
0x6d8: {  	s19 =	simm.s32 $0xF200;
	v3 =	vperm.xlane v3, v2  }
0x6d9: {  	[tilespmem:s19], [sflag:$0x6] =	stream.indirect_vreg.gather [hbm4b:s1+s23], $0x80, v4, vm0, $0xb8;
	[tilespmem:$0x1E200] =	vst v63  }
0x6da: {  	s25 =	simm.s32 $0xFA00;
	v3 =	vadd.s32 v1, v3  }
0x6db: {  	[tilespmem:s25], [sflag:$0x6] =	stream.indirect_vreg.gather [hbm4b:s5+s23], $0x80, v4, vm0, $0xb8;
	[tilespmem:$0x1E200] =	vst v63  }
0x6dc: {  	s8 =	simm.s32 $0x10200  }
0x6dd: {  	[tilespmem:s8], [sflag:$0x6] =	stream.indirect_vreg.gather [hbm4b:s6+s23], $0x80, v4, vm0, $0xb8;
	[tilespmem:$0x1E200] =	vst v63  }
0x6de: {  	s11 =	simm.s32 $0x10A00  }
0x6df: {  	[tilespmem:s11], [sflag:$0x6] =	stream.indirect_vreg.gather [hbm4b:s1+s23], $0x80, v3, vm0, $0xb8;
	[tilespmem:$0x1E200] =	vst v63  }
0x6e0: {  	s19 =	simm.s32 $0x11200  }
0x6e1: {  	[tilespmem:s19], [sflag:$0x6] =	stream.indirect_vreg.gather [hbm4b:s5+s23], $0x80, v3, vm0, $0xb8;
	[tilespmem:$0x1E200] =	vst v63  }
0x6e2: {  	s25 =	simm.s32 $0x11A00  }
0x6e3: {  	[tilespmem:s25], [sflag:$0x6] =	stream.indirect_vreg.gather [hbm4b:s6+s23], $0x80, v3, vm0, $0xb8;
	[tilespmem:$0x1E200] =	vst v63  }
0x6e4: {  	_ =	swait.ge [sflag:s13], $0x3000  }
0x6e5: {  	[sflag:s13] =	ssyncset.done $0x0  }
0x6e6: {  	s19 =	simm.s32 $0x0;
	[sflag:s13] =	ssyncadd.s32 $0xFFFFD000  }
.LBB2_90:
0x6e7: {  	s2 =	sshrl.u32 s19, $0x3  }
0x6e8: {  	s8 =	sand.u32 $0x7, s23;
	s2 =	smul.u32 $0x6000, s2  }
0x6e9: {  	s8 =	sshll.u32 s8, $0x9  }
0x6ea: {  	s2 =	sor.u32 s8, s2  }
0x6eb: {  	s2 =	sshra.s32 s2, $0x2  }
0x6ec: {  	s25 =	sadd.s32 $0x18240, s2  }
0x6ed: {  	s2 =	sadd.s32 $0x240, s2;
	v4 =	vld [tilespmem:s25+$0x30]  }
0x6ee: {  	v5 =	vld [tilespmem:s2+$0x30]  }
0x6ef: {  	v3 =	vld [tilespmem:s2+$0xFFFFFFC0]  }
0x6f0: {  	v6 =	vld [tilespmem:s25+$0xFFFFFFD0]  }
0x6f1: {  	v7 =	vld [tilespmem:s2+$0xFFFFFFD0]  }
0x6f2: {  	v8 =	vld [tilespmem:s25+$0xFFFFFFE0]  }
0x6f3: {  	v9 =	vld [tilespmem:s2+$0xFFFFFFE0]  }
0x6f4: {  	v10 =	vld [tilespmem:s25+$0xFFFFFFF0]  }
0x6f5: {  	v11 =	vld [tilespmem:s2+$0xFFFFFFF0]  }
0x6f6: {  	v12 =	vld [tilespmem:s25+$0x0]  }
0x6f7: {  	v13 =	vld [tilespmem:s2+$0x0];
	v5 =	vadd.f32 v5, v4  }
0x6f8: {  	v7 =	vadd.f32 v7, v6;
	v4 =	vld [tilespmem:s25+$0x10]  }
0x6f9: {  	v8 =	vadd.f32 v9, v8;
	v6 =	vld [tilespmem:s2+$0x10];
	[tilespmem:s25+$0x30] =	vst v5  }
0x6fa: {  	v9 =	vadd.f32 v11, v10;
	[tilespmem:s25+$0xFFFFFFD0] =	vst v7;
	v5 =	vld [tilespmem:s25+$0x20]  }
0x6fb: {  	[tilespmem:s25+$0xFFFFFFE0] =	vst v8;
	v8 =	vld [tilespmem:s2+$0x20]  }
0x6fc: {  	s11 =	simm.s32 $0x0;
	s8 =	sadd.s32 $0x400, s25;
	v7 =	vld [tilespmem:s25+$0xFFFFFFC0];
	[tilespmem:s25+$0xFFFFFFF0] =	vst v9;
	v9 =	vadd.f32 v13, v12  }
.LBB2_91:
0x6fd: {  	v10 =	vld [tilespmem:s8+$0x30];
	s2 =	sadd.s32 $0x400, s2  }
0x6fe: {  	s11 =	sadd.s32 $0x80, s11;
	v11 =	vld [tilespmem:s2+$0x30];
	[tilespmem:s25+$0x0] =	vst v9;
	v4 =	vadd.f32 v6, v4  }
0x6ff: {  	p0 =	slt.u32 s11, $0x280;
	v6 =	vld [tilespmem:s2+$0xFFFFFFC0]  }
0x700: {  	v9 =	vld [tilespmem:s8+$0xFFFFFFD0];
	[tilespmem:s25+$0x10] =	vst v4;
	v4 =	vadd.f32 v8, v5  }
0x701: {  	v5 =	vld [tilespmem:s2+$0xFFFFFFD0];
	v12 =	vadd.f32 v3, v7  }
0x702: {  	v7 =	vld [tilespmem:s8+$0xFFFFFFE0];
	[tilespmem:s25+$0x20] =	vst v4  }
0x703: {  	v4 =	vld [tilespmem:s2+$0xFFFFFFE0];
	v8 =	vadd.f32 v11, v10;
	[tilespmem:s25+$0xFFFFFFC0] =	vst v12;
	s25 =	smov.u32 s8  }
0x704: {  	v10 =	vld [tilespmem:s8+$0xFFFFFFF0];
	v3 =	vmov v6  }
0x705: {  	v11 =	vld [tilespmem:s2+$0xFFFFFFF0];
	[tilespmem:s8+$0x30] =	vst v8  }
0x706: {  	v5 =	vadd.f32 v5, v9;
	v9 =	vld [tilespmem:s8+$0x0]  }
0x707: {  	v12 =	vld [tilespmem:s2+$0x0]  }
.Ltmp44:
0x708: {  	[tilespmem:s8+$0xFFFFFFD0] =	vst v5;
	v5 =	vadd.f32 v4, v7;
	v4 =	vld [tilespmem:s8+$0x10];
	(pc) =	sbr.rel @p0 .LBB2_91-.Ltmp44, $4  }
0x709: {  	v6 =	vld [tilespmem:s2+$0x10]  }
0x70a: {  	[tilespmem:s8+$0xFFFFFFE0] =	vst v5;
	v10 =	vadd.f32 v11, v10;
	v5 =	vld [tilespmem:s8+$0x20]  }
0x70b: {  	v8 =	vld [tilespmem:s2+$0x20]  }
0x70c: {  	s8 =	sadd.s32 $0x400, s8;
	v7 =	vld [tilespmem:s25+$0xFFFFFFC0];
	[tilespmem:s25+$0xFFFFFFF0] =	vst v10;
	v9 =	vadd.f32 v12, v9  }
0x70d: {  	s19 =	sadd.s32 $0x1, s19  }
0x70e: {  	p0 =	sne.s32 s19, $0x10  }
.Ltmp45:
0x70f: {  	v4 =	vadd.f32 v6, v4;
	(pc) =	sbr.rel @p0 .LBB2_90-.Ltmp45, $4  }
0x710: {  	[tilespmem:s25+$0x0] =	vst v9;
	v5 =	vadd.f32 v8, v5  }
0x711: {  	[tilespmem:s25+$0x10] =	vst v4;
	v3 =	vadd.f32 v3, v7  }
0x712: {  	[tilespmem:s25+$0x20] =	vst v5  }
0x713: {  	s23 =	sadd.s32 $0x1, s23;
	[tilespmem:s25+$0xFFFFFFC0] =	vst v3  }
0x714: {  	s2 =	sld [smem:$0x7F5];
	_ =	sdelay $0x1  }
0x715: {  	s23 =	simm.s32 $0x0  }
0x716: {  	[hbm4b:s2+s23] =	stream.linear.scatter [tilespmem:s9], [sflag:$0xC], $0x3000, $0x38;
	[tilespmem:$0x1E200] =	vst v63  }
0x717: {  	_ =	swait.ge [sflag:s14], $0x3000  }
0x718: {  	[sflag:s14] =	ssyncset.done $0x0  }
0x719: {  	s19 =	simm.s32 $0x0;
	[sflag:s14] =	ssyncadd.s32 $0xFFFFD000  }
.LBB2_94:
0x71a: {  	s2 =	sshrl.u32 s19, $0x3  }
0x71b: {  	s8 =	sand.u32 $0x7, s23;
	s2 =	smul.u32 $0x6000, s2  }
0x71c: {  	s8 =	sshll.u32 s8, $0x9  }
0x71d: {  	s2 =	sor.u32 s8, s2  }
0x71e: {  	s2 =	sshra.s32 s2, $0x2  }
0x71f: {  	s25 =	sadd.s32 $0x1B270, s2  }
0x720: {  	s2 =	sadd.s32 $0x3270, s2;
	v4 =	vld [tilespmem:s25+$0x0]  }
0x721: {  	v5 =	vld [tilespmem:s2+$0x0]  }
0x722: {  	v3 =	vld [tilespmem:s2+$0xFFFFFF90]  }
0x723: {  	v6 =	vld [tilespmem:s25+$0xFFFFFFA0]  }
0x724: {  	v7 =	vld [tilespmem:s2+$0xFFFFFFA0]  }
0x725: {  	v8 =	vld [tilespmem:s25+$0xFFFFFFB0]  }
0x726: {  	v9 =	vld [tilespmem:s2+$0xFFFFFFB0]  }
0x727: {  	v10 =	vld [tilespmem:s25+$0xFFFFFFC0]  }
0x728: {  	v11 =	vld [tilespmem:s2+$0xFFFFFFC0]  }
0x729: {  	v12 =	vld [tilespmem:s25+$0xFFFFFFD0]  }
0x72a: {  	v13 =	vld [tilespmem:s2+$0xFFFFFFD0];
	v5 =	vadd.f32 v5, v4  }
0x72b: {  	v7 =	vadd.f32 v7, v6;
	v4 =	vld [tilespmem:s25+$0xFFFFFFE0]  }
0x72c: {  	v8 =	vadd.f32 v9, v8;
	v6 =	vld [tilespmem:s2+$0xFFFFFFE0];
	[tilespmem:s25+$0x0] =	vst v5  }
0x72d: {  	v9 =	vadd.f32 v11, v10;
	[tilespmem:s25+$0xFFFFFFA0] =	vst v7;
	v5 =	vld [tilespmem:s25+$0xFFFFFFF0]  }
0x72e: {  	[tilespmem:s25+$0xFFFFFFB0] =	vst v8;
	v8 =	vld [tilespmem:s2+$0xFFFFFFF0]  }
0x72f: {  	s11 =	simm.s32 $0x0;
	s8 =	sadd.s32 $0x400, s25;
	v7 =	vld [tilespmem:s25+$0xFFFFFF90];
	[tilespmem:s25+$0xFFFFFFC0] =	vst v9;
	v9 =	vadd.f32 v13, v12  }
.LBB2_95:
0x730: {  	v10 =	vld [tilespmem:s8+$0x0];
	s2 =	sadd.s32 $0x400, s2  }
0x731: {  	s11 =	sadd.s32 $0x80, s11;
	v11 =	vld [tilespmem:s2+$0x0];
	[tilespmem:s25+$0xFFFFFFD0] =	vst v9;
	v4 =	vadd.f32 v6, v4  }
0x732: {  	p0 =	slt.u32 s11, $0x280;
	v6 =	vld [tilespmem:s2+$0xFFFFFF90]  }
0x733: {  	v9 =	vld [tilespmem:s8+$0xFFFFFFA0];
	[tilespmem:s25+$0xFFFFFFE0] =	vst v4;
	v4 =	vadd.f32 v8, v5  }
0x734: {  	v5 =	vld [tilespmem:s2+$0xFFFFFFA0];
	v12 =	vadd.f32 v3, v7  }
0x735: {  	v7 =	vld [tilespmem:s8+$0xFFFFFFB0];
	[tilespmem:s25+$0xFFFFFFF0] =	vst v4  }
0x736: {  	v4 =	vld [tilespmem:s2+$0xFFFFFFB0];
	v8 =	vadd.f32 v11, v10;
	[tilespmem:s25+$0xFFFFFF90] =	vst v12;
	s25 =	smov.u32 s8  }
0x737: {  	v10 =	vld [tilespmem:s8+$0xFFFFFFC0];
	v3 =	vmov v6  }
0x738: {  	v11 =	vld [tilespmem:s2+$0xFFFFFFC0];
	[tilespmem:s8+$0x0] =	vst v8  }
0x739: {  	v5 =	vadd.f32 v5, v9;
	v9 =	vld [tilespmem:s8+$0xFFFFFFD0]  }
0x73a: {  	v12 =	vld [tilespmem:s2+$0xFFFFFFD0]  }
.Ltmp46:
0x73b: {  	[tilespmem:s8+$0xFFFFFFA0] =	vst v5;
	v5 =	vadd.f32 v4, v7;
	v4 =	vld [tilespmem:s8+$0xFFFFFFE0];
	(pc) =	sbr.rel @p0 .LBB2_95-.Ltmp46, $4  }
0x73c: {  	v6 =	vld [tilespmem:s2+$0xFFFFFFE0]  }
0x73d: {  	[tilespmem:s8+$0xFFFFFFB0] =	vst v5;
	v10 =	vadd.f32 v11, v10;
	v5 =	vld [tilespmem:s8+$0xFFFFFFF0]  }
0x73e: {  	v8 =	vld [tilespmem:s2+$0xFFFFFFF0]  }
0x73f: {  	s8 =	sadd.s32 $0x400, s8;
	v7 =	vld [tilespmem:s25+$0xFFFFFF90];
	[tilespmem:s25+$0xFFFFFFC0] =	vst v10;
	v9 =	vadd.f32 v12, v9  }
0x740: {  	s19 =	sadd.s32 $0x1, s19  }
0x741: {  	p0 =	sne.s32 s19, $0x10  }
.Ltmp47:
0x742: {  	v4 =	vadd.f32 v6, v4;
	(pc) =	sbr.rel @p0 .LBB2_94-.Ltmp47, $4  }
0x743: {  	[tilespmem:s25+$0xFFFFFFD0] =	vst v9;
	v5 =	vadd.f32 v8, v5  }
0x744: {  	[tilespmem:s25+$0xFFFFFFE0] =	vst v4;
	v3 =	vadd.f32 v3, v7  }
0x745: {  	[tilespmem:s25+$0xFFFFFFF0] =	vst v5  }
0x746: {  	s23 =	sadd.s32 $0x1, s23;
	[tilespmem:s25+$0xFFFFFF90] =	vst v3  }
0x747: {  	s2 =	sld [smem:$0x7F6];
	_ =	sdelay $0x1  }
0x748: {  	s23 =	simm.s32 $0x0  }
0x749: {  	[hbm4b:s2+s23] =	stream.linear.scatter [tilespmem:s16], [sflag:$0x10], $0x3000, $0x38;
	[tilespmem:$0x1E200] =	vst v63  }
0x74a: {  	s25 =	rddreg [dreg:$0x15];
	s8 =	simm.s32 $0x200  }
0x74b: {  	[tilespmem:s8], [sflag:$0x11] =	stream.linear.gather [hbm4b:s25+s23], $0x6000, $0x38;
	[tilespmem:$0x1E200] =	vst v63  }
0x74c: {  	_ =	swait.ge [sflag:s18], $0x6000  }
0x74d: {  	[sflag:s18] =	ssyncset.done $0x0  }
0x74e: {  	[sflag:s18] =	ssyncadd.s32 $0xFFFFA000  }
0x74f: {  	_ =	swait.ge [sflag:s15], $0x3000  }
0x750: {  	[sflag:s15] =	ssyncset.done $0x0  }
0x751: {  	[sflag:s15] =	ssyncadd.s32 $0xFFFFD000  }
0x752: {  	_ =	swait.ge [sflag:s17], $0x3000  }
0x753: {  	[sflag:s17] =	ssyncset.done $0x0  }
0x754: {  	[sflag:s17] =	ssyncadd.s32 $0xFFFFD000  }
0x755: {  	v3 =	vld [tilespmem:$0x160];
	_ =	sdelay $0x4  }
0x756: {  	v4 =	vshrl.u32 v3, $0x3  }
0x757: {  	v4 =	vmul.u32 $0x30, v4  }
0x758: {  	v3 =	vand.u32 $0x7, v3  }
0x759: {  	v3 =	vor.u32 v3, v4  }
0x75a: {  	v4 =	vperm.xlane v3, v0;
	_ =	sdelay $0x1  }
0x75b: {  	v4 =	vadd.s32 v1, v4;
	_ =	sdelay $0x3  }
0x75c: {  	s11 =	simm.s32 $0x12200;
	v3 =	vperm.xlane v3, v2  }
0x75d: {  	[tilespmem:s11], [sflag:$0x3] =	stream.indirect_vreg.gather [hbm4b:s1+s23], $0x80, v4, vm0, $0xb8;
	[tilespmem:$0x1E200] =	vst v63  }
0x75e: {  	s19 =	simm.s32 $0x12A00;
	v3 =	vadd.s32 v1, v3  }
0x75f: {  	[tilespmem:s19], [sflag:$0x3] =	stream.indirect_vreg.gather [hbm4b:s5+s23], $0x80, v4, vm0, $0xb8;
	[tilespmem:$0x1E200] =	vst v63  }
0x760: {  	s25 =	simm.s32 $0x13200  }
0x761: {  	[tilespmem:s25], [sflag:$0x3] =	stream.indirect_vreg.gather [hbm4b:s6+s23], $0x80, v4, vm0, $0xb8;
	[tilespmem:$0x1E200] =	vst v63  }
0x762: {  	s8 =	simm.s32 $0x13A00  }
0x763: {  	[tilespmem:s8], [sflag:$0x3] =	stream.indirect_vreg.gather [hbm4b:s1+s23], $0x80, v3, vm0, $0xb8;
	[tilespmem:$0x1E200] =	vst v63  }
0x764: {  	s11 =	simm.s32 $0x14200  }
0x765: {  	[tilespmem:s11], [sflag:$0x3] =	stream.indirect_vreg.gather [hbm4b:s5+s23], $0x80, v3, vm0, $0xb8;
	[tilespmem:$0x1E200] =	vst v63  }
0x766: {  	s19 =	simm.s32 $0x14A00  }
0x767: {  	[tilespmem:s19], [sflag:$0x3] =	stream.indirect_vreg.gather [hbm4b:s6+s23], $0x80, v3, vm0, $0xb8;
	[tilespmem:$0x1E200] =	vst v63  }
0x768: {  	v3 =	vld [tilespmem:$0x170];
	_ =	sdelay $0x4  }
0x769: {  	v63 =	vshrl.u32 v3, $0x3  }
0x76a: {  	v4 =	vmul.u32 $0x30, v63  }
0x76b: {  	v3 =	vand.u32 $0x7, v3  }
0x76c: {  	v3 =	vor.u32 v3, v4  }
0x76d: {  	v4 =	vperm.xlane v3, v0;
	_ =	sdelay $0x1  }
0x76e: {  	v4 =	vadd.s32 v1, v4;
	_ =	sdelay $0x3  }
0x76f: {  	v3 =	vperm.xlane v3, v2  }
0x770: {  	[tilespmem:s26], [sflag:$0x7] =	stream.indirect_vreg.gather [hbm4b:s1+s23], $0x80, v4, vm0, $0xb8;
	[tilespmem:$0x1E200] =	vst v63  }
0x771: {  	s25 =	simm.s32 $0x15A00;
	v3 =	vadd.s32 v1, v3  }
0x772: {  	[tilespmem:s25], [sflag:$0x7] =	stream.indirect_vreg.gather [hbm4b:s5+s23], $0x80, v4, vm0, $0xb8;
	[tilespmem:$0x1E200] =	vst v63  }
0x773: {  	s8 =	simm.s32 $0x16200  }
0x774: {  	[tilespmem:s8], [sflag:$0x7] =	stream.indirect_vreg.gather [hbm4b:s6+s23], $0x80, v4, vm0, $0xb8;
	[tilespmem:$0x1E200] =	vst v63  }
0x775: {  	s11 =	simm.s32 $0x16A00  }
0x776: {  	[tilespmem:s11], [sflag:$0x7] =	stream.indirect_vreg.gather [hbm4b:s1+s23], $0x80, v3, vm0, $0xb8;
	[tilespmem:$0x1E200] =	vst v63  }
0x777: {  	s19 =	simm.s32 $0x17200  }
0x778: {  	[tilespmem:s19], [sflag:$0x7] =	stream.indirect_vreg.gather [hbm4b:s5+s23], $0x80, v3, vm0, $0xb8;
	[tilespmem:$0x1E200] =	vst v63  }
0x779: {  	s25 =	simm.s32 $0x17A00  }
0x77a: {  	[tilespmem:s25], [sflag:$0x7] =	stream.indirect_vreg.gather [hbm4b:s6+s23], $0x80, v3, vm0, $0xb8;
	[tilespmem:$0x1E200] =	vst v63  }
0x77b: {  	_ =	swait.ge [sflag:s4], $0x3000  }
0x77c: {  	[sflag:s4] =	ssyncset.done $0x0  }
0x77d: {  	s19 =	simm.s32 $0x0;
	[sflag:s4] =	ssyncadd.s32 $0xFFFFD000  }
.LBB2_98:
0x77e: {  	s2 =	sshrl.u32 s19, $0x3  }
0x77f: {  	s8 =	sand.u32 $0x7, s23;
	s2 =	smul.u32 $0x6000, s2  }
0x780: {  	s8 =	sshll.u32 s8, $0x9  }
0x781: {  	s2 =	sor.u32 s8, s2  }
0x782: {  	s2 =	sshra.s32 s2, $0x2  }
0x783: {  	s25 =	sadd.s32 $0x6240, s2  }
0x784: {  	s2 =	sadd.s32 $0x240, s2;
	v4 =	vld [tilespmem:s25+$0x30]  }
0x785: {  	v5 =	vld [tilespmem:s2+$0x30]  }
0x786: {  	v3 =	vld [tilespmem:s2+$0xFFFFFFC0]  }
0x787: {  	v6 =	vld [tilespmem:s25+$0xFFFFFFD0]  }
0x788: {  	v7 =	vld [tilespmem:s2+$0xFFFFFFD0]  }
0x789: {  	v8 =	vld [tilespmem:s25+$0xFFFFFFE0]  }
0x78a: {  	v9 =	vld [tilespmem:s2+$0xFFFFFFE0]  }
0x78b: {  	v10 =	vld [tilespmem:s25+$0xFFFFFFF0]  }
0x78c: {  	v11 =	vld [tilespmem:s2+$0xFFFFFFF0]  }
0x78d: {  	v12 =	vld [tilespmem:s25+$0x0]  }
0x78e: {  	v13 =	vld [tilespmem:s2+$0x0];
	v5 =	vadd.f32 v5, v4  }
0x78f: {  	v7 =	vadd.f32 v7, v6;
	v4 =	vld [tilespmem:s25+$0x10]  }
0x790: {  	v8 =	vadd.f32 v9, v8;
	v6 =	vld [tilespmem:s2+$0x10];
	[tilespmem:s25+$0x30] =	vst v5  }
0x791: {  	v9 =	vadd.f32 v11, v10;
	[tilespmem:s25+$0xFFFFFFD0] =	vst v7;
	v5 =	vld [tilespmem:s25+$0x20]  }
0x792: {  	[tilespmem:s25+$0xFFFFFFE0] =	vst v8;
	v8 =	vld [tilespmem:s2+$0x20]  }
0x793: {  	s11 =	simm.s32 $0x0;
	s8 =	sadd.s32 $0x400, s25;
	v7 =	vld [tilespmem:s25+$0xFFFFFFC0];
	[tilespmem:s25+$0xFFFFFFF0] =	vst v9;
	v9 =	vadd.f32 v13, v12  }
.LBB2_99:
0x794: {  	v10 =	vld [tilespmem:s8+$0x30];
	s2 =	sadd.s32 $0x400, s2  }
0x795: {  	s11 =	sadd.s32 $0x80, s11;
	v11 =	vld [tilespmem:s2+$0x30];
	[tilespmem:s25+$0x0] =	vst v9;
	v4 =	vadd.f32 v6, v4  }
0x796: {  	p0 =	slt.u32 s11, $0x280;
	v6 =	vld [tilespmem:s2+$0xFFFFFFC0]  }
0x797: {  	v9 =	vld [tilespmem:s8+$0xFFFFFFD0];
	[tilespmem:s25+$0x10] =	vst v4;
	v4 =	vadd.f32 v8, v5  }
0x798: {  	v5 =	vld [tilespmem:s2+$0xFFFFFFD0];
	v12 =	vadd.f32 v3, v7  }
0x799: {  	v7 =	vld [tilespmem:s8+$0xFFFFFFE0];
	[tilespmem:s25+$0x20] =	vst v4  }
0x79a: {  	v4 =	vld [tilespmem:s2+$0xFFFFFFE0];
	v8 =	vadd.f32 v11, v10;
	[tilespmem:s25+$0xFFFFFFC0] =	vst v12;
	s25 =	smov.u32 s8  }
0x79b: {  	v10 =	vld [tilespmem:s8+$0xFFFFFFF0];
	v3 =	vmov v6  }
0x79c: {  	v11 =	vld [tilespmem:s2+$0xFFFFFFF0];
	[tilespmem:s8+$0x30] =	vst v8  }
0x79d: {  	v5 =	vadd.f32 v5, v9;
	v9 =	vld [tilespmem:s8+$0x0]  }
0x79e: {  	v12 =	vld [tilespmem:s2+$0x0]  }
.Ltmp48:
0x79f: {  	[tilespmem:s8+$0xFFFFFFD0] =	vst v5;
	v5 =	vadd.f32 v4, v7;
	v4 =	vld [tilespmem:s8+$0x10];
	(pc) =	sbr.rel @p0 .LBB2_99-.Ltmp48, $4  }
0x7a0: {  	v6 =	vld [tilespmem:s2+$0x10]  }
0x7a1: {  	[tilespmem:s8+$0xFFFFFFE0] =	vst v5;
	v10 =	vadd.f32 v11, v10;
	v5 =	vld [tilespmem:s8+$0x20]  }
0x7a2: {  	v8 =	vld [tilespmem:s2+$0x20]  }
0x7a3: {  	s8 =	sadd.s32 $0x400, s8;
	v7 =	vld [tilespmem:s25+$0xFFFFFFC0];
	[tilespmem:s25+$0xFFFFFFF0] =	vst v10;
	v9 =	vadd.f32 v12, v9  }
0x7a4: {  	s19 =	sadd.s32 $0x1, s19  }
0x7a5: {  	p0 =	sne.s32 s19, $0x10  }
.Ltmp49:
0x7a6: {  	v4 =	vadd.f32 v6, v4;
	(pc) =	sbr.rel @p0 .LBB2_98-.Ltmp49, $4  }
0x7a7: {  	[tilespmem:s25+$0x0] =	vst v9;
	v5 =	vadd.f32 v8, v5  }
0x7a8: {  	[tilespmem:s25+$0x10] =	vst v4;
	v3 =	vadd.f32 v3, v7  }
0x7a9: {  	[tilespmem:s25+$0x20] =	vst v5  }
0x7aa: {  	s23 =	sadd.s32 $0x1, s23;
	[tilespmem:s25+$0xFFFFFFC0] =	vst v3  }
0x7ab: {  	s23 =	simm.s32 $0x0;
	s2 =	rddreg [dreg:$0x16];
	s8 =	simm.s32 $0x6200  }
0x7ac: {  	[hbm4b:s2+s23] =	stream.linear.scatter [tilespmem:s8], [sflag:$0x9], $0x3000, $0x38;
	[tilespmem:$0x1E200] =	vst v63  }
0x7ad: {  	_ =	swait.ge [sflag:s7], $0x3000  }
0x7ae: {  	[sflag:s7] =	ssyncset.done $0x0  }
0x7af: {  	s19 =	simm.s32 $0x0;
	[sflag:s7] =	ssyncadd.s32 $0xFFFFD000  }
.LBB2_102:
0x7b0: {  	s2 =	sshrl.u32 s19, $0x3  }
0x7b1: {  	s8 =	sand.u32 $0x7, s23;
	s2 =	smul.u32 $0x6000, s2  }
0x7b2: {  	s8 =	sshll.u32 s8, $0x9  }
0x7b3: {  	s2 =	sor.u32 s8, s2  }
0x7b4: {  	s2 =	sshra.s32 s2, $0x2  }
0x7b5: {  	s25 =	sadd.s32 $0x9270, s2  }
0x7b6: {  	s2 =	sadd.s32 $0x3270, s2;
	v4 =	vld [tilespmem:s25+$0x0]  }
0x7b7: {  	v5 =	vld [tilespmem:s2+$0x0]  }
0x7b8: {  	v3 =	vld [tilespmem:s2+$0xFFFFFF90]  }
0x7b9: {  	v6 =	vld [tilespmem:s25+$0xFFFFFFA0]  }
0x7ba: {  	v7 =	vld [tilespmem:s2+$0xFFFFFFA0]  }
0x7bb: {  	v8 =	vld [tilespmem:s25+$0xFFFFFFB0]  }
0x7bc: {  	v9 =	vld [tilespmem:s2+$0xFFFFFFB0]  }
0x7bd: {  	v10 =	vld [tilespmem:s25+$0xFFFFFFC0]  }
0x7be: {  	v11 =	vld [tilespmem:s2+$0xFFFFFFC0]  }
0x7bf: {  	v12 =	vld [tilespmem:s25+$0xFFFFFFD0]  }
0x7c0: {  	v13 =	vld [tilespmem:s2+$0xFFFFFFD0];
	v5 =	vadd.f32 v5, v4  }
0x7c1: {  	v7 =	vadd.f32 v7, v6;
	v4 =	vld [tilespmem:s25+$0xFFFFFFE0]  }
0x7c2: {  	v8 =	vadd.f32 v9, v8;
	v6 =	vld [tilespmem:s2+$0xFFFFFFE0];
	[tilespmem:s25+$0x0] =	vst v5  }
0x7c3: {  	v9 =	vadd.f32 v11, v10;
	[tilespmem:s25+$0xFFFFFFA0] =	vst v7;
	v5 =	vld [tilespmem:s25+$0xFFFFFFF0]  }
0x7c4: {  	[tilespmem:s25+$0xFFFFFFB0] =	vst v8;
	v8 =	vld [tilespmem:s2+$0xFFFFFFF0]  }
0x7c5: {  	s11 =	simm.s32 $0x0;
	s8 =	sadd.s32 $0x400, s25;
	v7 =	vld [tilespmem:s25+$0xFFFFFF90];
	[tilespmem:s25+$0xFFFFFFC0] =	vst v9;
	v9 =	vadd.f32 v13, v12  }
.LBB2_103:
0x7c6: {  	v10 =	vld [tilespmem:s8+$0x0];
	s2 =	sadd.s32 $0x400, s2  }
0x7c7: {  	s11 =	sadd.s32 $0x80, s11;
	v11 =	vld [tilespmem:s2+$0x0];
	[tilespmem:s25+$0xFFFFFFD0] =	vst v9;
	v4 =	vadd.f32 v6, v4  }
0x7c8: {  	p0 =	slt.u32 s11, $0x280;
	v6 =	vld [tilespmem:s2+$0xFFFFFF90]  }
0x7c9: {  	v9 =	vld [tilespmem:s8+$0xFFFFFFA0];
	[tilespmem:s25+$0xFFFFFFE0] =	vst v4;
	v4 =	vadd.f32 v8, v5  }
0x7ca: {  	v5 =	vld [tilespmem:s2+$0xFFFFFFA0];
	v12 =	vadd.f32 v3, v7  }
0x7cb: {  	v7 =	vld [tilespmem:s8+$0xFFFFFFB0];
	[tilespmem:s25+$0xFFFFFFF0] =	vst v4  }
0x7cc: {  	v4 =	vld [tilespmem:s2+$0xFFFFFFB0];
	v8 =	vadd.f32 v11, v10;
	[tilespmem:s25+$0xFFFFFF90] =	vst v12;
	s25 =	smov.u32 s8  }
0x7cd: {  	v10 =	vld [tilespmem:s8+$0xFFFFFFC0];
	v3 =	vmov v6  }
0x7ce: {  	v11 =	vld [tilespmem:s2+$0xFFFFFFC0];
	[tilespmem:s8+$0x0] =	vst v8  }
0x7cf: {  	v5 =	vadd.f32 v5, v9;
	v9 =	vld [tilespmem:s8+$0xFFFFFFD0]  }
0x7d0: {  	v12 =	vld [tilespmem:s2+$0xFFFFFFD0]  }
.Ltmp50:
0x7d1: {  	[tilespmem:s8+$0xFFFFFFA0] =	vst v5;
	v5 =	vadd.f32 v4, v7;
	v4 =	vld [tilespmem:s8+$0xFFFFFFE0];
	(pc) =	sbr.rel @p0 .LBB2_103-.Ltmp50, $4  }
0x7d2: {  	v6 =	vld [tilespmem:s2+$0xFFFFFFE0]  }
0x7d3: {  	[tilespmem:s8+$0xFFFFFFB0] =	vst v5;
	v10 =	vadd.f32 v11, v10;
	v5 =	vld [tilespmem:s8+$0xFFFFFFF0]  }
0x7d4: {  	v8 =	vld [tilespmem:s2+$0xFFFFFFF0]  }
0x7d5: {  	s8 =	sadd.s32 $0x400, s8;
	v7 =	vld [tilespmem:s25+$0xFFFFFF90];
	[tilespmem:s25+$0xFFFFFFC0] =	vst v10;
	v9 =	vadd.f32 v12, v9  }
0x7d6: {  	s19 =	sadd.s32 $0x1, s19  }
0x7d7: {  	p0 =	sne.s32 s19, $0x10  }
.Ltmp51:
0x7d8: {  	v4 =	vadd.f32 v6, v4;
	(pc) =	sbr.rel @p0 .LBB2_102-.Ltmp51, $4  }
0x7d9: {  	[tilespmem:s25+$0xFFFFFFD0] =	vst v9;
	v5 =	vadd.f32 v8, v5  }
0x7da: {  	[tilespmem:s25+$0xFFFFFFE0] =	vst v4;
	v3 =	vadd.f32 v3, v7  }
0x7db: {  	[tilespmem:s25+$0xFFFFFFF0] =	vst v5  }
0x7dc: {  	s23 =	sadd.s32 $0x1, s23;
	[tilespmem:s25+$0xFFFFFF90] =	vst v3  }
0x7dd: {  	s2 =	sld [smem:$0x7F7];
	_ =	sdelay $0x1  }
0x7de: {  	s23 =	simm.s32 $0x0;
	s8 =	simm.s32 $0x9200  }
0x7df: {  	[hbm4b:s2+s23] =	stream.linear.scatter [tilespmem:s8], [sflag:$0xD], $0x3000, $0x38;
	[tilespmem:$0x1E200] =	vst v63  }
0x7e0: {  	_ =	swait.ge [sflag:s20], $0x3000  }
0x7e1: {  	[sflag:s20] =	ssyncset.done $0x0  }
0x7e2: {  	[sflag:s20] =	ssyncadd.s32 $0xFFFFD000  }
0x7e3: {  	_ =	swait.ge [sflag:s21], $0x3000  }
0x7e4: {  	[sflag:s21] =	ssyncset.done $0x0  }
0x7e5: {  	[sflag:s21] =	ssyncadd.s32 $0xFFFFD000  }
0x7e6: {  	v3 =	vld [tilespmem:$0x1E0];
	_ =	sdelay $0x4  }
0x7e7: {  	v4 =	vshrl.u32 v3, $0x3  }
0x7e8: {  	v4 =	vmul.u32 $0x30, v4  }
0x7e9: {  	v3 =	vand.u32 $0x7, v3  }
0x7ea: {  	v3 =	vor.u32 v3, v4  }
0x7eb: {  	v4 =	vperm.xlane v3, v0;
	_ =	sdelay $0x1  }
0x7ec: {  	v4 =	vadd.s32 v1, v4;
	_ =	sdelay $0x3  }
0x7ed: {  	v3 =	vperm.xlane v3, v2  }
0x7ee: {  	[tilespmem:s9], [sflag:$0x4] =	stream.indirect_vreg.gather [hbm4b:s1+s23], $0x80, v4, vm0, $0xb8;
	[tilespmem:$0x1E200] =	vst v63  }
0x7ef: {  	s19 =	simm.s32 $0x18A00;
	v3 =	vadd.s32 v1, v3  }
0x7f0: {  	[tilespmem:s19], [sflag:$0x4] =	stream.indirect_vreg.gather [hbm4b:s5+s23], $0x80, v4, vm0, $0xb8;
	[tilespmem:$0x1E200] =	vst v63  }
0x7f1: {  	s25 =	simm.s32 $0x19200  }
0x7f2: {  	[tilespmem:s25], [sflag:$0x4] =	stream.indirect_vreg.gather [hbm4b:s6+s23], $0x80, v4, vm0, $0xb8;
	[tilespmem:$0x1E200] =	vst v63  }
0x7f3: {  	s8 =	simm.s32 $0x19A00  }
0x7f4: {  	[tilespmem:s8], [sflag:$0x4] =	stream.indirect_vreg.gather [hbm4b:s1+s23], $0x80, v3, vm0, $0xb8;
	[tilespmem:$0x1E200] =	vst v63  }
0x7f5: {  	s11 =	simm.s32 $0x1A200  }
0x7f6: {  	[tilespmem:s11], [sflag:$0x4] =	stream.indirect_vreg.gather [hbm4b:s5+s23], $0x80, v3, vm0, $0xb8;
	[tilespmem:$0x1E200] =	vst v63  }
0x7f7: {  	s19 =	simm.s32 $0x1AA00  }
0x7f8: {  	[tilespmem:s19], [sflag:$0x4] =	stream.indirect_vreg.gather [hbm4b:s6+s23], $0x80, v3, vm0, $0xb8;
	[tilespmem:$0x1E200] =	vst v63  }
0x7f9: {  	v3 =	vld [tilespmem:$0x1F0];
	_ =	sdelay $0x4  }
0x7fa: {  	v63 =	vshrl.u32 v3, $0x3  }
0x7fb: {  	v4 =	vmul.u32 $0x30, v63  }
0x7fc: {  	v3 =	vand.u32 $0x7, v3  }
0x7fd: {  	v3 =	vor.u32 v3, v4  }
0x7fe: {  	v4 =	vperm.xlane v3, v0;
	_ =	sdelay $0x1  }
0x7ff: {  	v4 =	vadd.s32 v1, v4;
	_ =	sdelay $0x3  }
0x800: {  	v3 =	vperm.xlane v3, v2  }
0x801: {  	[tilespmem:s16], [sflag:$0x8] =	stream.indirect_vreg.gather [hbm4b:s1+s23], $0x80, v4, vm0, $0xb8;
	[tilespmem:$0x1E200] =	vst v63  }
0x802: {  	s25 =	simm.s32 $0x1BA00;
	v3 =	vadd.s32 v1, v3  }
0x803: {  	[tilespmem:s25], [sflag:$0x8] =	stream.indirect_vreg.gather [hbm4b:s5+s23], $0x80, v4, vm0, $0xb8;
	[tilespmem:$0x1E200] =	vst v63  }
0x804: {  	s8 =	simm.s32 $0x1C200  }
0x805: {  	[tilespmem:s8], [sflag:$0x8] =	stream.indirect_vreg.gather [hbm4b:s6+s23], $0x80, v4, vm0, $0xb8;
	[tilespmem:$0x1E200] =	vst v63  }
0x806: {  	s11 =	simm.s32 $0x1CA00  }
0x807: {  	[tilespmem:s11], [sflag:$0x8] =	stream.indirect_vreg.gather [hbm4b:s1+s23], $0x80, v3, vm0, $0xb8;
	[tilespmem:$0x1E200] =	vst v63  }
0x808: {  	s19 =	simm.s32 $0x1D200  }
0x809: {  	[tilespmem:s19], [sflag:$0x8] =	stream.indirect_vreg.gather [hbm4b:s5+s23], $0x80, v3, vm0, $0xb8;
	[tilespmem:$0x1E200] =	vst v63  }
0x80a: {  	s25 =	simm.s32 $0x1DA00  }
0x80b: {  	[tilespmem:s25], [sflag:$0x8] =	stream.indirect_vreg.gather [hbm4b:s6+s23], $0x80, v3, vm0, $0xb8;
	[tilespmem:$0x1E200] =	vst v63  }
0x80c: {  	_ =	swait.ge [sflag:s24], $0x3000  }
0x80d: {  	[sflag:s24] =	ssyncset.done $0x0  }
0x80e: {  	s19 =	simm.s32 $0x0;
	[sflag:s24] =	ssyncadd.s32 $0xFFFFD000  }
.LBB2_106:
0x80f: {  	s2 =	sshrl.u32 s19, $0x3  }
0x810: {  	s8 =	sand.u32 $0x7, s23;
	s2 =	smul.u32 $0x6000, s2  }
0x811: {  	s8 =	sshll.u32 s8, $0x9  }
0x812: {  	s2 =	sor.u32 s8, s2  }
0x813: {  	s2 =	sshra.s32 s2, $0x2  }
0x814: {  	s25 =	sadd.s32 $0xC240, s2  }
0x815: {  	s2 =	sadd.s32 $0x240, s2;
	v4 =	vld [tilespmem:s25+$0x30]  }
0x816: {  	v5 =	vld [tilespmem:s2+$0x30]  }
0x817: {  	v3 =	vld [tilespmem:s2+$0xFFFFFFC0]  }
0x818: {  	v6 =	vld [tilespmem:s25+$0xFFFFFFD0]  }
0x819: {  	v7 =	vld [tilespmem:s2+$0xFFFFFFD0]  }
0x81a: {  	v8 =	vld [tilespmem:s25+$0xFFFFFFE0]  }
0x81b: {  	v9 =	vld [tilespmem:s2+$0xFFFFFFE0]  }
0x81c: {  	v10 =	vld [tilespmem:s25+$0xFFFFFFF0]  }
0x81d: {  	v11 =	vld [tilespmem:s2+$0xFFFFFFF0]  }
0x81e: {  	v12 =	vld [tilespmem:s25+$0x0]  }
0x81f: {  	v13 =	vld [tilespmem:s2+$0x0];
	v5 =	vadd.f32 v5, v4  }
0x820: {  	v7 =	vadd.f32 v7, v6;
	v4 =	vld [tilespmem:s25+$0x10]  }
0x821: {  	v8 =	vadd.f32 v9, v8;
	v6 =	vld [tilespmem:s2+$0x10];
	[tilespmem:s25+$0x30] =	vst v5  }
0x822: {  	v9 =	vadd.f32 v11, v10;
	[tilespmem:s25+$0xFFFFFFD0] =	vst v7;
	v5 =	vld [tilespmem:s25+$0x20]  }
0x823: {  	[tilespmem:s25+$0xFFFFFFE0] =	vst v8;
	v8 =	vld [tilespmem:s2+$0x20]  }
0x824: {  	s11 =	simm.s32 $0x0;
	s8 =	sadd.s32 $0x400, s25;
	v7 =	vld [tilespmem:s25+$0xFFFFFFC0];
	[tilespmem:s25+$0xFFFFFFF0] =	vst v9;
	v9 =	vadd.f32 v13, v12  }
.LBB2_107:
0x825: {  	v10 =	vld [tilespmem:s8+$0x30];
	s2 =	sadd.s32 $0x400, s2  }
0x826: {  	s11 =	sadd.s32 $0x80, s11;
	v11 =	vld [tilespmem:s2+$0x30];
	[tilespmem:s25+$0x0] =	vst v9;
	v4 =	vadd.f32 v6, v4  }
0x827: {  	p0 =	slt.u32 s11, $0x280;
	v6 =	vld [tilespmem:s2+$0xFFFFFFC0]  }
0x828: {  	v9 =	vld [tilespmem:s8+$0xFFFFFFD0];
	[tilespmem:s25+$0x10] =	vst v4;
	v4 =	vadd.f32 v8, v5  }
0x829: {  	v5 =	vld [tilespmem:s2+$0xFFFFFFD0];
	v12 =	vadd.f32 v3, v7  }
0x82a: {  	v7 =	vld [tilespmem:s8+$0xFFFFFFE0];
	[tilespmem:s25+$0x20] =	vst v4  }
0x82b: {  	v4 =	vld [tilespmem:s2+$0xFFFFFFE0];
	v8 =	vadd.f32 v11, v10;
	[tilespmem:s25+$0xFFFFFFC0] =	vst v12;
	s25 =	smov.u32 s8  }
0x82c: {  	v10 =	vld [tilespmem:s8+$0xFFFFFFF0];
	v3 =	vmov v6  }
0x82d: {  	v11 =	vld [tilespmem:s2+$0xFFFFFFF0];
	[tilespmem:s8+$0x30] =	vst v8  }
0x82e: {  	v5 =	vadd.f32 v5, v9;
	v9 =	vld [tilespmem:s8+$0x0]  }
0x82f: {  	v12 =	vld [tilespmem:s2+$0x0]  }
.Ltmp52:
0x830: {  	[tilespmem:s8+$0xFFFFFFD0] =	vst v5;
	v5 =	vadd.f32 v4, v7;
	v4 =	vld [tilespmem:s8+$0x10];
	(pc) =	sbr.rel @p0 .LBB2_107-.Ltmp52, $4  }
0x831: {  	v6 =	vld [tilespmem:s2+$0x10]  }
0x832: {  	[tilespmem:s8+$0xFFFFFFE0] =	vst v5;
	v10 =	vadd.f32 v11, v10;
	v5 =	vld [tilespmem:s8+$0x20]  }
0x833: {  	v8 =	vld [tilespmem:s2+$0x20]  }
0x834: {  	s8 =	sadd.s32 $0x400, s8;
	v7 =	vld [tilespmem:s25+$0xFFFFFFC0];
	[tilespmem:s25+$0xFFFFFFF0] =	vst v10;
	v9 =	vadd.f32 v12, v9  }
0x835: {  	s19 =	sadd.s32 $0x1, s19  }
0x836: {  	p0 =	sne.s32 s19, $0x10  }
.Ltmp53:
0x837: {  	v4 =	vadd.f32 v6, v4;
	(pc) =	sbr.rel @p0 .LBB2_106-.Ltmp53, $4  }
0x838: {  	[tilespmem:s25+$0x0] =	vst v9;
	v5 =	vadd.f32 v8, v5  }
0x839: {  	[tilespmem:s25+$0x10] =	vst v4;
	v3 =	vadd.f32 v3, v7  }
0x83a: {  	[tilespmem:s25+$0x20] =	vst v5  }
0x83b: {  	s23 =	sadd.s32 $0x1, s23;
	[tilespmem:s25+$0xFFFFFFC0] =	vst v3  }
0x83c: {  	s2 =	sld [smem:$0x7F8];
	_ =	sdelay $0x1  }
0x83d: {  	s23 =	simm.s32 $0x0;
	s8 =	simm.s32 $0xC200  }
0x83e: {  	[hbm4b:s2+s23] =	stream.linear.scatter [tilespmem:s8], [sflag:$0xA], $0x3000, $0x38;
	[tilespmem:$0x1E200] =	vst v63  }
0x83f: {  	_ =	swait.ge [sflag:s28], $0x3000  }
0x840: {  	[sflag:s28] =	ssyncset.done $0x0  }
0x841: {  	s19 =	simm.s32 $0x0;
	[sflag:s28] =	ssyncadd.s32 $0xFFFFD000  }
.LBB2_110:
0x842: {  	s2 =	sshrl.u32 s19, $0x3  }
0x843: {  	s8 =	sand.u32 $0x7, s23;
	s2 =	smul.u32 $0x6000, s2  }
0x844: {  	s8 =	sshll.u32 s8, $0x9  }
0x845: {  	s2 =	sor.u32 s8, s2  }
0x846: {  	s2 =	sshra.s32 s2, $0x2  }
0x847: {  	s25 =	sadd.s32 $0xF270, s2  }
0x848: {  	s2 =	sadd.s32 $0x3270, s2;
	v4 =	vld [tilespmem:s25+$0x0]  }
0x849: {  	v5 =	vld [tilespmem:s2+$0x0]  }
0x84a: {  	v3 =	vld [tilespmem:s2+$0xFFFFFF90]  }
0x84b: {  	v6 =	vld [tilespmem:s25+$0xFFFFFFA0]  }
0x84c: {  	v7 =	vld [tilespmem:s2+$0xFFFFFFA0]  }
0x84d: {  	v8 =	vld [tilespmem:s25+$0xFFFFFFB0]  }
0x84e: {  	v9 =	vld [tilespmem:s2+$0xFFFFFFB0]  }
0x84f: {  	v10 =	vld [tilespmem:s25+$0xFFFFFFC0]  }
0x850: {  	v11 =	vld [tilespmem:s2+$0xFFFFFFC0]  }
0x851: {  	v12 =	vld [tilespmem:s25+$0xFFFFFFD0]  }
0x852: {  	v13 =	vld [tilespmem:s2+$0xFFFFFFD0];
	v5 =	vadd.f32 v5, v4  }
0x853: {  	v7 =	vadd.f32 v7, v6;
	v4 =	vld [tilespmem:s25+$0xFFFFFFE0]  }
0x854: {  	v8 =	vadd.f32 v9, v8;
	v6 =	vld [tilespmem:s2+$0xFFFFFFE0];
	[tilespmem:s25+$0x0] =	vst v5  }
0x855: {  	v9 =	vadd.f32 v11, v10;
	[tilespmem:s25+$0xFFFFFFA0] =	vst v7;
	v5 =	vld [tilespmem:s25+$0xFFFFFFF0]  }
0x856: {  	[tilespmem:s25+$0xFFFFFFB0] =	vst v8;
	v8 =	vld [tilespmem:s2+$0xFFFFFFF0]  }
0x857: {  	s11 =	simm.s32 $0x0;
	s8 =	sadd.s32 $0x400, s25;
	v7 =	vld [tilespmem:s25+$0xFFFFFF90];
	[tilespmem:s25+$0xFFFFFFC0] =	vst v9;
	v9 =	vadd.f32 v13, v12  }
.LBB2_111:
0x858: {  	v10 =	vld [tilespmem:s8+$0x0];
	s2 =	sadd.s32 $0x400, s2  }
0x859: {  	s11 =	sadd.s32 $0x80, s11;
	v11 =	vld [tilespmem:s2+$0x0];
	[tilespmem:s25+$0xFFFFFFD0] =	vst v9;
	v4 =	vadd.f32 v6, v4  }
0x85a: {  	p0 =	slt.u32 s11, $0x280;
	v6 =	vld [tilespmem:s2+$0xFFFFFF90]  }
0x85b: {  	v9 =	vld [tilespmem:s8+$0xFFFFFFA0];
	[tilespmem:s25+$0xFFFFFFE0] =	vst v4;
	v4 =	vadd.f32 v8, v5  }
0x85c: {  	v5 =	vld [tilespmem:s2+$0xFFFFFFA0];
	v12 =	vadd.f32 v3, v7  }
0x85d: {  	v7 =	vld [tilespmem:s8+$0xFFFFFFB0];
	[tilespmem:s25+$0xFFFFFFF0] =	vst v4  }
0x85e: {  	v4 =	vld [tilespmem:s2+$0xFFFFFFB0];
	v8 =	vadd.f32 v11, v10;
	[tilespmem:s25+$0xFFFFFF90] =	vst v12;
	s25 =	smov.u32 s8  }
0x85f: {  	v10 =	vld [tilespmem:s8+$0xFFFFFFC0];
	v3 =	vmov v6  }
0x860: {  	v11 =	vld [tilespmem:s2+$0xFFFFFFC0];
	[tilespmem:s8+$0x0] =	vst v8  }
0x861: {  	v5 =	vadd.f32 v5, v9;
	v9 =	vld [tilespmem:s8+$0xFFFFFFD0]  }
0x862: {  	v12 =	vld [tilespmem:s2+$0xFFFFFFD0]  }
.Ltmp54:
0x863: {  	[tilespmem:s8+$0xFFFFFFA0] =	vst v5;
	v5 =	vadd.f32 v4, v7;
	v4 =	vld [tilespmem:s8+$0xFFFFFFE0];
	(pc) =	sbr.rel @p0 .LBB2_111-.Ltmp54, $4  }
0x864: {  	v6 =	vld [tilespmem:s2+$0xFFFFFFE0]  }
0x865: {  	[tilespmem:s8+$0xFFFFFFB0] =	vst v5;
	v10 =	vadd.f32 v11, v10;
	v5 =	vld [tilespmem:s8+$0xFFFFFFF0]  }
0x866: {  	v8 =	vld [tilespmem:s2+$0xFFFFFFF0]  }
0x867: {  	s8 =	sadd.s32 $0x400, s8;
	v7 =	vld [tilespmem:s25+$0xFFFFFF90];
	[tilespmem:s25+$0xFFFFFFC0] =	vst v10;
	v9 =	vadd.f32 v12, v9  }
0x868: {  	s19 =	sadd.s32 $0x1, s19  }
0x869: {  	p0 =	sne.s32 s19, $0x10  }
.Ltmp55:
0x86a: {  	v4 =	vadd.f32 v6, v4;
	(pc) =	sbr.rel @p0 .LBB2_110-.Ltmp55, $4  }
0x86b: {  	[tilespmem:s25+$0xFFFFFFD0] =	vst v9;
	v5 =	vadd.f32 v8, v5  }
0x86c: {  	[tilespmem:s25+$0xFFFFFFE0] =	vst v4;
	v3 =	vadd.f32 v3, v7  }
0x86d: {  	[tilespmem:s25+$0xFFFFFFF0] =	vst v5  }
0x86e: {  	s23 =	sadd.s32 $0x1, s23;
	[tilespmem:s25+$0xFFFFFF90] =	vst v3  }
0x86f: {  	s2 =	sld [smem:$0x7F9];
	_ =	sdelay $0x1  }
0x870: {  	s23 =	simm.s32 $0x0;
	s8 =	simm.s32 $0xF200  }
0x871: {  	[hbm4b:s2+s23] =	stream.linear.scatter [tilespmem:s8], [sflag:$0xE], $0x3000, $0x38;
	[tilespmem:$0x1E200] =	vst v63  }
0x872: {  	_ =	swait.ge [sflag:s29], $0x3000  }
0x873: {  	[sflag:s29] =	ssyncset.done $0x0  }
0x874: {  	[sflag:s29] =	ssyncadd.s32 $0xFFFFD000  }
0x875: {  	_ =	swait.ge [sflag:s30], $0x3000  }
0x876: {  	[sflag:s30] =	ssyncset.done $0x0  }
0x877: {  	[sflag:s30] =	ssyncadd.s32 $0xFFFFD000  }
0x878: {  	_ =	swait.ge [sflag:s31], $0x3000  }
0x879: {  	[sflag:s31] =	ssyncset.done $0x0  }
0x87a: {  	s19 =	simm.s32 $0x0;
	[sflag:s31] =	ssyncadd.s32 $0xFFFFD000  }
.LBB2_114:
0x87b: {  	s2 =	sshrl.u32 s19, $0x3  }
0x87c: {  	s8 =	sand.u32 $0x7, s23;
	s2 =	smul.u32 $0x6000, s2  }
0x87d: {  	s8 =	sshll.u32 s8, $0x9  }
0x87e: {  	s2 =	sor.u32 s8, s2  }
0x87f: {  	s2 =	sshra.s32 s2, $0x2  }
0x880: {  	s25 =	sadd.s32 $0x12240, s2  }
0x881: {  	s2 =	sadd.s32 $0x240, s2;
	v4 =	vld [tilespmem:s25+$0x30]  }
0x882: {  	v5 =	vld [tilespmem:s2+$0x30]  }
0x883: {  	v3 =	vld [tilespmem:s2+$0xFFFFFFC0]  }
0x884: {  	v6 =	vld [tilespmem:s25+$0xFFFFFFD0]  }
0x885: {  	v7 =	vld [tilespmem:s2+$0xFFFFFFD0]  }
0x886: {  	v8 =	vld [tilespmem:s25+$0xFFFFFFE0]  }
0x887: {  	v9 =	vld [tilespmem:s2+$0xFFFFFFE0]  }
0x888: {  	v10 =	vld [tilespmem:s25+$0xFFFFFFF0]  }
0x889: {  	v11 =	vld [tilespmem:s2+$0xFFFFFFF0]  }
0x88a: {  	v12 =	vld [tilespmem:s25+$0x0]  }
0x88b: {  	v13 =	vld [tilespmem:s2+$0x0];
	v5 =	vadd.f32 v5, v4  }
0x88c: {  	v7 =	vadd.f32 v7, v6;
	v4 =	vld [tilespmem:s25+$0x10]  }
0x88d: {  	v8 =	vadd.f32 v9, v8;
	v6 =	vld [tilespmem:s2+$0x10];
	[tilespmem:s25+$0x30] =	vst v5  }
0x88e: {  	v9 =	vadd.f32 v11, v10;
	[tilespmem:s25+$0xFFFFFFD0] =	vst v7;
	v5 =	vld [tilespmem:s25+$0x20]  }
0x88f: {  	[tilespmem:s25+$0xFFFFFFE0] =	vst v8;
	v8 =	vld [tilespmem:s2+$0x20]  }
0x890: {  	s11 =	simm.s32 $0x0;
	s8 =	sadd.s32 $0x400, s25;
	v7 =	vld [tilespmem:s25+$0xFFFFFFC0];
	[tilespmem:s25+$0xFFFFFFF0] =	vst v9;
	v9 =	vadd.f32 v13, v12  }
.LBB2_115:
0x891: {  	v10 =	vld [tilespmem:s8+$0x30];
	s2 =	sadd.s32 $0x400, s2  }
0x892: {  	s11 =	sadd.s32 $0x80, s11;
	v11 =	vld [tilespmem:s2+$0x30];
	[tilespmem:s25+$0x0] =	vst v9;
	v4 =	vadd.f32 v6, v4  }
0x893: {  	p0 =	slt.u32 s11, $0x280;
	v6 =	vld [tilespmem:s2+$0xFFFFFFC0]  }
0x894: {  	v9 =	vld [tilespmem:s8+$0xFFFFFFD0];
	[tilespmem:s25+$0x10] =	vst v4;
	v4 =	vadd.f32 v8, v5  }
0x895: {  	v5 =	vld [tilespmem:s2+$0xFFFFFFD0];
	v12 =	vadd.f32 v3, v7  }
0x896: {  	v7 =	vld [tilespmem:s8+$0xFFFFFFE0];
	[tilespmem:s25+$0x20] =	vst v4  }
0x897: {  	v4 =	vld [tilespmem:s2+$0xFFFFFFE0];
	v8 =	vadd.f32 v11, v10;
	[tilespmem:s25+$0xFFFFFFC0] =	vst v12;
	s25 =	smov.u32 s8  }
0x898: {  	v10 =	vld [tilespmem:s8+$0xFFFFFFF0];
	v3 =	vmov v6  }
0x899: {  	v11 =	vld [tilespmem:s2+$0xFFFFFFF0];
	[tilespmem:s8+$0x30] =	vst v8  }
0x89a: {  	v5 =	vadd.f32 v5, v9;
	v9 =	vld [tilespmem:s8+$0x0]  }
0x89b: {  	v12 =	vld [tilespmem:s2+$0x0]  }
.Ltmp56:
0x89c: {  	[tilespmem:s8+$0xFFFFFFD0] =	vst v5;
	v5 =	vadd.f32 v4, v7;
	v4 =	vld [tilespmem:s8+$0x10];
	(pc) =	sbr.rel @p0 .LBB2_115-.Ltmp56, $4  }
0x89d: {  	v6 =	vld [tilespmem:s2+$0x10]  }
0x89e: {  	[tilespmem:s8+$0xFFFFFFE0] =	vst v5;
	v10 =	vadd.f32 v11, v10;
	v5 =	vld [tilespmem:s8+$0x20]  }
0x89f: {  	v8 =	vld [tilespmem:s2+$0x20]  }
0x8a0: {  	s8 =	sadd.s32 $0x400, s8;
	v7 =	vld [tilespmem:s25+$0xFFFFFFC0];
	[tilespmem:s25+$0xFFFFFFF0] =	vst v10;
	v9 =	vadd.f32 v12, v9  }
0x8a1: {  	s19 =	sadd.s32 $0x1, s19  }
0x8a2: {  	p0 =	sne.s32 s19, $0x10  }
.Ltmp57:
0x8a3: {  	v4 =	vadd.f32 v6, v4;
	(pc) =	sbr.rel @p0 .LBB2_114-.Ltmp57, $4  }
0x8a4: {  	[tilespmem:s25+$0x0] =	vst v9;
	v5 =	vadd.f32 v8, v5  }
0x8a5: {  	[tilespmem:s25+$0x10] =	vst v4;
	v3 =	vadd.f32 v3, v7  }
0x8a6: {  	[tilespmem:s25+$0x20] =	vst v5  }
0x8a7: {  	s23 =	sadd.s32 $0x1, s23;
	[tilespmem:s25+$0xFFFFFFC0] =	vst v3  }
0x8a8: {  	s2 =	sld [smem:$0x7FA];
	_ =	sdelay $0x1  }
0x8a9: {  	s23 =	simm.s32 $0x0;
	s8 =	simm.s32 $0x12200  }
0x8aa: {  	[hbm4b:s2+s23] =	stream.linear.scatter [tilespmem:s8], [sflag:$0xB], $0x3000, $0x38;
	[tilespmem:$0x1E200] =	vst v63  }
0x8ab: {  	_ =	swait.ge [sflag:s0], $0x3000  }
0x8ac: {  	[sflag:s0] =	ssyncset.done $0x0  }
0x8ad: {  	s19 =	simm.s32 $0x0;
	[sflag:s0] =	ssyncadd.s32 $0xFFFFD000  }
.LBB2_118:
0x8ae: {  	s2 =	sshrl.u32 s19, $0x3  }
0x8af: {  	s8 =	sand.u32 $0x7, s23;
	s2 =	smul.u32 $0x6000, s2  }
0x8b0: {  	s8 =	sshll.u32 s8, $0x9  }
0x8b1: {  	s2 =	sor.u32 s8, s2  }
0x8b2: {  	s2 =	sshra.s32 s2, $0x2  }
0x8b3: {  	s25 =	sadd.s32 $0x15270, s2  }
0x8b4: {  	s2 =	sadd.s32 $0x3270, s2;
	v4 =	vld [tilespmem:s25+$0x0]  }
0x8b5: {  	v5 =	vld [tilespmem:s2+$0x0]  }
0x8b6: {  	v3 =	vld [tilespmem:s2+$0xFFFFFF90]  }
0x8b7: {  	v6 =	vld [tilespmem:s25+$0xFFFFFFA0]  }
0x8b8: {  	v7 =	vld [tilespmem:s2+$0xFFFFFFA0]  }
0x8b9: {  	v8 =	vld [tilespmem:s25+$0xFFFFFFB0]  }
0x8ba: {  	v9 =	vld [tilespmem:s2+$0xFFFFFFB0]  }
0x8bb: {  	v10 =	vld [tilespmem:s25+$0xFFFFFFC0]  }
0x8bc: {  	v11 =	vld [tilespmem:s2+$0xFFFFFFC0]  }
0x8bd: {  	v12 =	vld [tilespmem:s25+$0xFFFFFFD0]  }
0x8be: {  	v13 =	vld [tilespmem:s2+$0xFFFFFFD0];
	v5 =	vadd.f32 v5, v4  }
0x8bf: {  	v7 =	vadd.f32 v7, v6;
	v4 =	vld [tilespmem:s25+$0xFFFFFFE0]  }
0x8c0: {  	v8 =	vadd.f32 v9, v8;
	v6 =	vld [tilespmem:s2+$0xFFFFFFE0];
	[tilespmem:s25+$0x0] =	vst v5  }
0x8c1: {  	v9 =	vadd.f32 v11, v10;
	[tilespmem:s25+$0xFFFFFFA0] =	vst v7;
	v5 =	vld [tilespmem:s25+$0xFFFFFFF0]  }
0x8c2: {  	[tilespmem:s25+$0xFFFFFFB0] =	vst v8;
	v8 =	vld [tilespmem:s2+$0xFFFFFFF0]  }
0x8c3: {  	s11 =	simm.s32 $0x0;
	s8 =	sadd.s32 $0x400, s25;
	v7 =	vld [tilespmem:s25+$0xFFFFFF90];
	[tilespmem:s25+$0xFFFFFFC0] =	vst v9;
	v9 =	vadd.f32 v13, v12  }
.LBB2_119:
0x8c4: {  	v10 =	vld [tilespmem:s8+$0x0];
	s2 =	sadd.s32 $0x400, s2  }
0x8c5: {  	s11 =	sadd.s32 $0x80, s11;
	v11 =	vld [tilespmem:s2+$0x0];
	[tilespmem:s25+$0xFFFFFFD0] =	vst v9;
	v4 =	vadd.f32 v6, v4  }
0x8c6: {  	p0 =	slt.u32 s11, $0x280;
	v6 =	vld [tilespmem:s2+$0xFFFFFF90]  }
0x8c7: {  	v9 =	vld [tilespmem:s8+$0xFFFFFFA0];
	[tilespmem:s25+$0xFFFFFFE0] =	vst v4;
	v4 =	vadd.f32 v8, v5  }
0x8c8: {  	v5 =	vld [tilespmem:s2+$0xFFFFFFA0];
	v12 =	vadd.f32 v3, v7  }
0x8c9: {  	v7 =	vld [tilespmem:s8+$0xFFFFFFB0];
	[tilespmem:s25+$0xFFFFFFF0] =	vst v4  }
0x8ca: {  	v4 =	vld [tilespmem:s2+$0xFFFFFFB0];
	v8 =	vadd.f32 v11, v10;
	[tilespmem:s25+$0xFFFFFF90] =	vst v12;
	s25 =	smov.u32 s8  }
0x8cb: {  	v10 =	vld [tilespmem:s8+$0xFFFFFFC0];
	v3 =	vmov v6  }
0x8cc: {  	v11 =	vld [tilespmem:s2+$0xFFFFFFC0];
	[tilespmem:s8+$0x0] =	vst v8  }
0x8cd: {  	v5 =	vadd.f32 v5, v9;
	v9 =	vld [tilespmem:s8+$0xFFFFFFD0]  }
0x8ce: {  	v12 =	vld [tilespmem:s2+$0xFFFFFFD0]  }
.Ltmp58:
0x8cf: {  	[tilespmem:s8+$0xFFFFFFA0] =	vst v5;
	v5 =	vadd.f32 v4, v7;
	v4 =	vld [tilespmem:s8+$0xFFFFFFE0];
	(pc) =	sbr.rel @p0 .LBB2_119-.Ltmp58, $4  }
0x8d0: {  	v6 =	vld [tilespmem:s2+$0xFFFFFFE0]  }
0x8d1: {  	[tilespmem:s8+$0xFFFFFFB0] =	vst v5;
	v10 =	vadd.f32 v11, v10;
	v5 =	vld [tilespmem:s8+$0xFFFFFFF0]  }
0x8d2: {  	v8 =	vld [tilespmem:s2+$0xFFFFFFF0]  }
0x8d3: {  	s8 =	sadd.s32 $0x400, s8;
	v7 =	vld [tilespmem:s25+$0xFFFFFF90];
	[tilespmem:s25+$0xFFFFFFC0] =	vst v10;
	v9 =	vadd.f32 v12, v9  }
0x8d4: {  	s19 =	sadd.s32 $0x1, s19  }
0x8d5: {  	p0 =	sne.s32 s19, $0x10  }
.Ltmp59:
0x8d6: {  	v4 =	vadd.f32 v6, v4;
	(pc) =	sbr.rel @p0 .LBB2_118-.Ltmp59, $4  }
0x8d7: {  	[tilespmem:s25+$0xFFFFFFD0] =	vst v9;
	v5 =	vadd.f32 v8, v5  }
0x8d8: {  	[tilespmem:s25+$0xFFFFFFE0] =	vst v4;
	v3 =	vadd.f32 v3, v7  }
0x8d9: {  	[tilespmem:s25+$0xFFFFFFF0] =	vst v5  }
0x8da: {  	s23 =	sadd.s32 $0x1, s23;
	[tilespmem:s25+$0xFFFFFF90] =	vst v3  }
0x8db: {  	s2 =	sld [smem:$0x7FC];
	_ =	sdelay $0x1  }
0x8dc: {  	s23 =	simm.s32 $0x0  }
0x8dd: {  	[hbm4b:s2+s23] =	stream.linear.scatter [tilespmem:s26], [sflag:$0xF], $0x3000, $0x38;
	[tilespmem:$0x1E200] =	vst v63  }
0x8de: {  	_ =	swait.ge [sflag:s10], $0x3000  }
0x8df: {  	[sflag:s10] =	ssyncset.done $0x0  }
0x8e0: {  	[sflag:s10] =	ssyncadd.s32 $0xFFFFD000  }
0x8e1: {  	_ =	swait.ge [sflag:s12], $0x3000  }
0x8e2: {  	[sflag:s12] =	ssyncset.done $0x0  }
0x8e3: {  	[sflag:s12] =	ssyncadd.s32 $0xFFFFD000  }
0x8e4: {  	_ =	swait.ge [sflag:s13], $0x3000  }
0x8e5: {  	[sflag:s13] =	ssyncset.done $0x0  }
0x8e6: {  	s19 =	simm.s32 $0x0;
	[sflag:s13] =	ssyncadd.s32 $0xFFFFD000  }
.LBB2_122:
0x8e7: {  	s2 =	sshrl.u32 s19, $0x3  }
0x8e8: {  	s8 =	sand.u32 $0x7, s23;
	s2 =	smul.u32 $0x6000, s2  }
0x8e9: {  	s8 =	sshll.u32 s8, $0x9  }
0x8ea: {  	s2 =	sor.u32 s8, s2  }
0x8eb: {  	s2 =	sshra.s32 s2, $0x2  }
0x8ec: {  	s25 =	sadd.s32 $0x18240, s2  }
0x8ed: {  	s2 =	sadd.s32 $0x240, s2;
	v4 =	vld [tilespmem:s25+$0x30]  }
0x8ee: {  	v5 =	vld [tilespmem:s2+$0x30]  }
0x8ef: {  	v3 =	vld [tilespmem:s2+$0xFFFFFFC0]  }
0x8f0: {  	v6 =	vld [tilespmem:s25+$0xFFFFFFD0]  }
0x8f1: {  	v7 =	vld [tilespmem:s2+$0xFFFFFFD0]  }
0x8f2: {  	v8 =	vld [tilespmem:s25+$0xFFFFFFE0]  }
0x8f3: {  	v9 =	vld [tilespmem:s2+$0xFFFFFFE0]  }
0x8f4: {  	v10 =	vld [tilespmem:s25+$0xFFFFFFF0]  }
0x8f5: {  	v11 =	vld [tilespmem:s2+$0xFFFFFFF0]  }
0x8f6: {  	v12 =	vld [tilespmem:s25+$0x0]  }
0x8f7: {  	v13 =	vld [tilespmem:s2+$0x0];
	v5 =	vadd.f32 v5, v4  }
0x8f8: {  	v7 =	vadd.f32 v7, v6;
	v4 =	vld [tilespmem:s25+$0x10]  }
0x8f9: {  	v8 =	vadd.f32 v9, v8;
	v6 =	vld [tilespmem:s2+$0x10];
	[tilespmem:s25+$0x30] =	vst v5  }
0x8fa: {  	v9 =	vadd.f32 v11, v10;
	[tilespmem:s25+$0xFFFFFFD0] =	vst v7;
	v5 =	vld [tilespmem:s25+$0x20]  }
0x8fb: {  	[tilespmem:s25+$0xFFFFFFE0] =	vst v8;
	v8 =	vld [tilespmem:s2+$0x20]  }
0x8fc: {  	s11 =	simm.s32 $0x0;
	s8 =	sadd.s32 $0x400, s25;
	v7 =	vld [tilespmem:s25+$0xFFFFFFC0];
	[tilespmem:s25+$0xFFFFFFF0] =	vst v9;
	v9 =	vadd.f32 v13, v12  }
.LBB2_123:
0x8fd: {  	v10 =	vld [tilespmem:s8+$0x30];
	s2 =	sadd.s32 $0x400, s2  }
0x8fe: {  	s11 =	sadd.s32 $0x80, s11;
	v11 =	vld [tilespmem:s2+$0x30];
	[tilespmem:s25+$0x0] =	vst v9;
	v4 =	vadd.f32 v6, v4  }
0x8ff: {  	p0 =	slt.u32 s11, $0x280;
	v6 =	vld [tilespmem:s2+$0xFFFFFFC0]  }
0x900: {  	v9 =	vld [tilespmem:s8+$0xFFFFFFD0];
	[tilespmem:s25+$0x10] =	vst v4;
	v4 =	vadd.f32 v8, v5  }
0x901: {  	v5 =	vld [tilespmem:s2+$0xFFFFFFD0];
	v12 =	vadd.f32 v3, v7  }
0x902: {  	v7 =	vld [tilespmem:s8+$0xFFFFFFE0];
	[tilespmem:s25+$0x20] =	vst v4  }
0x903: {  	v4 =	vld [tilespmem:s2+$0xFFFFFFE0];
	v8 =	vadd.f32 v11, v10;
	[tilespmem:s25+$0xFFFFFFC0] =	vst v12;
	s25 =	smov.u32 s8  }
0x904: {  	v10 =	vld [tilespmem:s8+$0xFFFFFFF0];
	v3 =	vmov v6  }
0x905: {  	v11 =	vld [tilespmem:s2+$0xFFFFFFF0];
	[tilespmem:s8+$0x30] =	vst v8  }
0x906: {  	v5 =	vadd.f32 v5, v9;
	v9 =	vld [tilespmem:s8+$0x0]  }
0x907: {  	v12 =	vld [tilespmem:s2+$0x0]  }
.Ltmp60:
0x908: {  	[tilespmem:s8+$0xFFFFFFD0] =	vst v5;
	v5 =	vadd.f32 v4, v7;
	v4 =	vld [tilespmem:s8+$0x10];
	(pc) =	sbr.rel @p0 .LBB2_123-.Ltmp60, $4  }
0x909: {  	v6 =	vld [tilespmem:s2+$0x10]  }
0x90a: {  	[tilespmem:s8+$0xFFFFFFE0] =	vst v5;
	v10 =	vadd.f32 v11, v10;
	v5 =	vld [tilespmem:s8+$0x20]  }
0x90b: {  	v8 =	vld [tilespmem:s2+$0x20]  }
0x90c: {  	s8 =	sadd.s32 $0x400, s8;
	v7 =	vld [tilespmem:s25+$0xFFFFFFC0];
	[tilespmem:s25+$0xFFFFFFF0] =	vst v10;
	v9 =	vadd.f32 v12, v9  }
0x90d: {  	s19 =	sadd.s32 $0x1, s19  }
0x90e: {  	p0 =	sne.s32 s19, $0x10  }
.Ltmp61:
0x90f: {  	v4 =	vadd.f32 v6, v4;
	(pc) =	sbr.rel @p0 .LBB2_122-.Ltmp61, $4  }
0x910: {  	[tilespmem:s25+$0x0] =	vst v9;
	v5 =	vadd.f32 v8, v5  }
0x911: {  	[tilespmem:s25+$0x10] =	vst v4;
	v3 =	vadd.f32 v3, v7  }
0x912: {  	[tilespmem:s25+$0x20] =	vst v5  }
0x913: {  	s23 =	sadd.s32 $0x1, s23;
	[tilespmem:s25+$0xFFFFFFC0] =	vst v3  }
0x914: {  	s2 =	sld [smem:$0x7FB];
	_ =	sdelay $0x1  }
0x915: {  	s23 =	simm.s32 $0x0  }
0x916: {  	[hbm4b:s2+s23] =	stream.linear.scatter [tilespmem:s9], [sflag:$0xC], $0x3000, $0x38;
	[tilespmem:$0x1E200] =	vst v63  }
0x917: {  	_ =	swait.ge [sflag:s14], $0x3000  }
0x918: {  	[sflag:s14] =	ssyncset.done $0x0  }
0x919: {  	s19 =	simm.s32 $0x0;
	[sflag:s14] =	ssyncadd.s32 $0xFFFFD000  }
.LBB2_126:
0x91a: {  	s2 =	sshrl.u32 s19, $0x3  }
0x91b: {  	s8 =	sand.u32 $0x7, s23;
	s2 =	smul.u32 $0x6000, s2  }
0x91c: {  	s8 =	sshll.u32 s8, $0x9  }
0x91d: {  	s2 =	sor.u32 s8, s2  }
0x91e: {  	s2 =	sshra.s32 s2, $0x2  }
0x91f: {  	s25 =	sadd.s32 $0x1B270, s2  }
0x920: {  	s2 =	sadd.s32 $0x3270, s2;
	v4 =	vld [tilespmem:s25+$0x0]  }
0x921: {  	v5 =	vld [tilespmem:s2+$0x0]  }
0x922: {  	v3 =	vld [tilespmem:s2+$0xFFFFFF90]  }
0x923: {  	v6 =	vld [tilespmem:s25+$0xFFFFFFA0]  }
0x924: {  	v7 =	vld [tilespmem:s2+$0xFFFFFFA0]  }
0x925: {  	v8 =	vld [tilespmem:s25+$0xFFFFFFB0]  }
0x926: {  	v9 =	vld [tilespmem:s2+$0xFFFFFFB0]  }
0x927: {  	v10 =	vld [tilespmem:s25+$0xFFFFFFC0]  }
0x928: {  	v11 =	vld [tilespmem:s2+$0xFFFFFFC0]  }
0x929: {  	v12 =	vld [tilespmem:s25+$0xFFFFFFD0]  }
0x92a: {  	v13 =	vld [tilespmem:s2+$0xFFFFFFD0];
	v5 =	vadd.f32 v5, v4  }
0x92b: {  	v7 =	vadd.f32 v7, v6;
	v4 =	vld [tilespmem:s25+$0xFFFFFFE0]  }
0x92c: {  	v8 =	vadd.f32 v9, v8;
	v6 =	vld [tilespmem:s2+$0xFFFFFFE0];
	[tilespmem:s25+$0x0] =	vst v5  }
0x92d: {  	v9 =	vadd.f32 v11, v10;
	[tilespmem:s25+$0xFFFFFFA0] =	vst v7;
	v5 =	vld [tilespmem:s25+$0xFFFFFFF0]  }
0x92e: {  	[tilespmem:s25+$0xFFFFFFB0] =	vst v8;
	v8 =	vld [tilespmem:s2+$0xFFFFFFF0]  }
0x92f: {  	s11 =	simm.s32 $0x0;
	s8 =	sadd.s32 $0x400, s25;
	v7 =	vld [tilespmem:s25+$0xFFFFFF90];
	[tilespmem:s25+$0xFFFFFFC0] =	vst v9;
	v9 =	vadd.f32 v13, v12  }
.LBB2_127:
0x930: {  	v10 =	vld [tilespmem:s8+$0x0];
	s2 =	sadd.s32 $0x400, s2  }
0x931: {  	s11 =	sadd.s32 $0x80, s11;
	v11 =	vld [tilespmem:s2+$0x0];
	[tilespmem:s25+$0xFFFFFFD0] =	vst v9;
	v4 =	vadd.f32 v6, v4  }
0x932: {  	p0 =	slt.u32 s11, $0x280;
	v6 =	vld [tilespmem:s2+$0xFFFFFF90]  }
0x933: {  	v9 =	vld [tilespmem:s8+$0xFFFFFFA0];
	[tilespmem:s25+$0xFFFFFFE0] =	vst v4;
	v4 =	vadd.f32 v8, v5  }
0x934: {  	v5 =	vld [tilespmem:s2+$0xFFFFFFA0];
	v12 =	vadd.f32 v3, v7  }
0x935: {  	v7 =	vld [tilespmem:s8+$0xFFFFFFB0];
	[tilespmem:s25+$0xFFFFFFF0] =	vst v4  }
0x936: {  	v4 =	vld [tilespmem:s2+$0xFFFFFFB0];
	v8 =	vadd.f32 v11, v10;
	[tilespmem:s25+$0xFFFFFF90] =	vst v12;
	s25 =	smov.u32 s8  }
0x937: {  	v10 =	vld [tilespmem:s8+$0xFFFFFFC0];
	v3 =	vmov v6  }
0x938: {  	v11 =	vld [tilespmem:s2+$0xFFFFFFC0];
	[tilespmem:s8+$0x0] =	vst v8  }
0x939: {  	v5 =	vadd.f32 v5, v9;
	v9 =	vld [tilespmem:s8+$0xFFFFFFD0]  }
0x93a: {  	v12 =	vld [tilespmem:s2+$0xFFFFFFD0]  }
.Ltmp62:
0x93b: {  	[tilespmem:s8+$0xFFFFFFA0] =	vst v5;
	v5 =	vadd.f32 v4, v7;
	v4 =	vld [tilespmem:s8+$0xFFFFFFE0];
	(pc) =	sbr.rel @p0 .LBB2_127-.Ltmp62, $4  }
0x93c: {  	v6 =	vld [tilespmem:s2+$0xFFFFFFE0]  }
0x93d: {  	[tilespmem:s8+$0xFFFFFFB0] =	vst v5;
	v10 =	vadd.f32 v11, v10;
	v5 =	vld [tilespmem:s8+$0xFFFFFFF0]  }
0x93e: {  	v8 =	vld [tilespmem:s2+$0xFFFFFFF0]  }
0x93f: {  	s8 =	sadd.s32 $0x400, s8;
	v7 =	vld [tilespmem:s25+$0xFFFFFF90];
	[tilespmem:s25+$0xFFFFFFC0] =	vst v10;
	v9 =	vadd.f32 v12, v9  }
0x940: {  	s19 =	sadd.s32 $0x1, s19  }
0x941: {  	p0 =	sne.s32 s19, $0x10  }
.Ltmp63:
0x942: {  	v4 =	vadd.f32 v6, v4;
	(pc) =	sbr.rel @p0 .LBB2_126-.Ltmp63, $4  }
0x943: {  	[tilespmem:s25+$0xFFFFFFD0] =	vst v9;
	v5 =	vadd.f32 v8, v5  }
0x944: {  	[tilespmem:s25+$0xFFFFFFE0] =	vst v4;
	v3 =	vadd.f32 v3, v7  }
0x945: {  	[tilespmem:s25+$0xFFFFFFF0] =	vst v5  }
0x946: {  	s23 =	sadd.s32 $0x1, s23;
	[tilespmem:s25+$0xFFFFFF90] =	vst v3  }
0x947: {  	s2 =	sld [smem:$0x7FD];
	_ =	sdelay $0x2  }
0x948: {  	[hbm4b:s2+s3] =	stream.linear.scatter [tilespmem:s16], [sflag:$0x10], $0x3000, $0x38;
	[tilespmem:$0x1E200] =	vst v63  }
0x949: {  	_ =	swait.ge [sflag:s15], $0x3000  }
0x94a: {  	[sflag:s15] =	ssyncset.done $0x0  }
0x94b: {  	[sflag:s15] =	ssyncadd.s32 $0xFFFFD000  }
0x94c: {  	_ =	swait.ge [sflag:s17], $0x3000  }
0x94d: {  	[sflag:s17] =	ssyncset.done $0x0  }
0x94e: {  	[sflag:s17] =	ssyncadd.s32 $0xFFFFD000  }
0x94f: {  	_ =	swait.ge [sflag:s20], $0x3000  }
0x950: {  	[sflag:s20] =	ssyncset.done $0x0  }
0x951: {  	[sflag:s20] =	ssyncadd.s32 $0xFFFFD000  }
0x952: {  	_ =	swait.ge [sflag:s21], $0x3000  }
0x953: {  	s22 =	sadd.s32 $0x1, s22;
	s25 =	rddreg [dreg:$0x18]  }
0x954: {  	p0 =	sne.s32 s22, s25  }
.Ltmp64:
0x955: {  	_ = 	snop;
	(pc) =	sbr.rel @p0 .LBB2_1-.Ltmp64, $3  }
0x956: {  	_ =	sdelay $0x1  }
0x957: {  	[sflag:s21] =	ssyncset.done $0x0  }
0x958: {  	[sflag:s21] =	ssyncadd.s32 $0xFFFFD000  }
0x959: {  	_ =	sfence.sel $0x180000  }
0x95a: {  	[bflag:$0x0] =	sbarrier.arrive $0xFFFF  }
0x95b: {  	_ =	strace $0x90000047  }
0x95c: {  	s0 =	stileid.u32;
	[bflag:$0x2] =	sbarrier.arrive $0xFFFF  }
0x95d: {  	p0 =	sne.s32 s0, $0x0;
	s0 =	rddreg [dreg:$0x4]  }
0x95e: {  	s0 =	sadd.s32 @!p0 $0x100000, s0  }
0x95f: {  	[sflag:s0] =	ssyncadd.tile.s32 @!p0 $0x1;
	_ =	shalt  }
.Lfunc_end2:
_tile_overlayer_lowered:
.L_overlay_start_2:
0x960: {  	(tag) =	ssettag $0x2  }
0x961: {  	s0 =	rddreg [dreg:$0x0];
	s2 =	stileid.u32  }
0x962: {  	s1 =	rddreg [dreg:$0x1];
	p0 =	sne.s32 s2, $0x0  }
0x963: {  	s3 =	rddreg [dreg:$0x2];
	[bflag:$0x3] =	sbarrier.arrive $0xFFFF;
	s2 =	simm.s32 @!p0 $0x1C11  }
0x964: {  	[timem:s3], [sflag:s2] =	dma.local @!p0 [hbm:s0], s1  }
0x965: {  	s0 =	simm.s32 @!p0 $0x11  }
0x966: {  	_ =	swait.ge @!p0 [sflag:s0], s1  }
0x967: {  	s1 =	ssub.s32 @!p0 $0x0, s1;
	[sflag:s0] =	ssyncset.done @!p0 $0x0  }
0x968: {  	[sflag:s0] =	ssyncadd.s32 @!p0 s1  }
0x969: {  	[bflag:$0x3] =	sbarrier.arrive $0xFFFF  }
0x96a: {  	_ =	shalt  }

</sc_bundles>
